<compile_context>
chip_gen: v7x
topology: tpu7x:2x2x1
jax: 0.10.2.dev20260603
libtpu: 0.0.44.dev20260713+nightly
codegen_flags: <defaults>
</compile_context>

<pallas_src>
import jax
import jax.numpy as jnp
from jax import lax
from jax.experimental import pallas as pl
from jax.experimental.pallas import tpu as pltpu
from jax.experimental.pallas import tpu_sc as plsc

_EPS = 1e-10
_LN2 = 0.6931471805599453

NC = 2
NS = 16
NW = NC * NS
L = 16

ROWS = 4096
COLS = 200
COLS_P = 208
NVR = COLS_P // L
NVS = 16
RPW = ROWS // NW


def _cmpx_desc(ks, vs, i, j):
    if ks[j] is None:
        return
    if ks[i] is None:
        ks[i], ks[j] = ks[j], None
        vs[i], vs[j] = vs[j], None
        return
    c = ks[i] >= ks[j]
    ks[i], ks[j] = jnp.where(c, ks[i], ks[j]), jnp.where(c, ks[j], ks[i])
    vs[i], vs[j] = jnp.where(c, vs[i], vs[j]), jnp.where(c, vs[j], vs[i])


def _bitonic_merge_desc(ks, vs):
    n = len(ks)
    dist = n // 2
    while dist >= 1:
        for blk in range(0, n, 2 * dist):
            for i in range(blk, blk + dist):
                _cmpx_desc(ks, vs, i, i + dist)
        dist //= 2
    for i in range(n):
        if ks[i] is None:
            continue
        ks[i], vs[i] = plsc.sort_key_val(ks[i], vs[i], descending=True)


def _rev(x):
    return None if x is None else lax.rev(x, (0,))


def _merge_desc(ka, va, kb, vb):
    if all(k is None for k in kb):
        return ka + kb, va + vb
    ks = ka + [_rev(k) for k in reversed(kb)]
    vs = va + [_rev(v) for v in reversed(vb)]
    _bitonic_merge_desc(ks, vs)
    return ks, vs


def _sc_body(t_hbm, p_hbm, out_hbm, t_v, p_v, out_v,
             sem_t1, sem_p1, sem_t2, sem_p2):
    wid = lax.axis_index("s") * NC + lax.axis_index("c")
    base = wid * RPW
    half = RPW // 2
    c1 = pltpu.async_copy(t_hbm.at[pl.ds(base, half), :],
                          t_v.at[pl.ds(0, half), :], sem_t1)
    c2 = pltpu.async_copy(p_hbm.at[pl.ds(base, half), :],
                          p_v.at[pl.ds(0, half), :], sem_p1)
    c3 = pltpu.async_copy(t_hbm.at[pl.ds(base + half, half), :],
                          t_v.at[pl.ds(half, half), :], sem_t2)
    c4 = pltpu.async_copy(p_hbm.at[pl.ds(base + half, half), :],
                          p_v.at[pl.ds(half, half), :], sem_p2)

    lane = lax.iota(jnp.int32, L)
    lane0 = jnp.zeros((L,), jnp.int32)
    lane15 = jnp.full((L,), L - 1, jnp.int32)
    real12 = lane >= (NVR * L - COLS)
    zero = jnp.zeros((L,), jnp.float32)

    def one_row(r, carry):
        acc_e, acc_p, prod, acc_m = carry

        t = [t_v[r, pl.ds(i * L, L)] for i in range(NVR - 1)]
        p = [p_v[r, pl.ds(i * L, L)] for i in range(NVR - 1)]
        t.append(t_v[r, pl.ds(COLS - L, L)])
        p.append(p_v[r, pl.ds(COLS - L, L)])

        pm = list(p)
        pm[NVR - 1] = jnp.where(real12, pm[NVR - 1], -1e30)
        mv = pm[0]
        for i in range(1, NVR):
            mv = jnp.maximum(mv, pm[i])
        m = jnp.take_along_axis(plsc.cummax(mv), lane15, axis=0)

        e = [jnp.exp(pi - m) for pi in p]
        e[NVR - 1] = jnp.where(real12, e[NVR - 1], 0.0)

        t[NVR - 1] = jnp.where(real12, t[NVR - 1], -1.0)

        ks, vs = [], []
        for i in range(NVR):
            sk, sv = plsc.sort_key_val(t[i], e[i], descending=True)
            ks.append(sk)
            vs.append(sv)
        for _ in range(NVS - NVR):
            ks.append(None)
            vs.append(None)

        width = 1
        while width < NVS:
            nks, nvs = [], []
            for b in range(0, NVS, 2 * width):
                mk, mvv = _merge_desc(ks[b:b + width], vs[b:b + width],
                                      ks[b + width:b + 2 * width],
                                      vs[b + width:b + 2 * width])
                nks += mk
                nvs += mvv
            ks, vs = nks, nvs
            width *= 2

        suf = [None] * NVR
        run = zero
        for i in range(NVR - 1, -1, -1):
            assert ks[i] is not None
            si = lax.rev(plsc.cumsum(lax.rev(vs[i], (0,))), (0,))
            suf[i] = si + run
            run = run + jnp.take_along_axis(si, lane0, axis=0)

        for i in range(NVR):
            x = suf[i] + _EPS
            if i == NVR - 1:
                x = jnp.where(lane < (L - (NVR * L - COLS)), x, 1.0)
            bits = plsc.bitcast(x, jnp.int32)
            acc_e = acc_e + lax.shift_right_arithmetic(bits, 23) - 127
            mant = plsc.bitcast((bits & 0x007FFFFF) | 0x3F800000, jnp.float32)
            prod = prod * mant
        pbits = plsc.bitcast(prod, jnp.int32)
        acc_e = acc_e + lax.shift_right_arithmetic(pbits, 23) - 127
        prod = plsc.bitcast((pbits & 0x007FFFFF) | 0x3F800000, jnp.float32)

        for i in range(NVR - 1):
            acc_p = acc_p + p[i]
        acc_p = acc_p + jnp.where(real12, p[NVR - 1], 0.0)
        acc_m = acc_m + m

        return acc_e, acc_p, prod, acc_m

    init = (jnp.zeros((L,), jnp.int32), jnp.zeros((L,), jnp.float32),
            jnp.ones((L,), jnp.float32), jnp.zeros((L,), jnp.float32))
    c1.wait()
    c2.wait()
    carry = lax.fori_loop(0, half, one_row, init)
    c3.wait()
    c4.wait()
    acc_e, acc_p, prod, acc_m = lax.fori_loop(half, RPW, one_row, carry)

    big = prod > 1.4142135623730951
    acc_e = acc_e + jnp.where(big, 1, 0)
    mant = jnp.where(big, prod * 0.5, prod)
    s = (mant - 1.0) / (mant + 1.0)
    s2 = s * s
    logm = 2.0 * s * (1.0 + s2 * (1.0 / 3.0 + s2 * (0.2 + s2 * (1.0 / 7.0))))

    vec = (_LN2 * acc_e.astype(jnp.float32) + logm - acc_p
           + (COLS * acc_m) / L)
    out_v[...] = vec
    pltpu.sync_copy(out_v, out_hbm.at[wid])


@jax.jit
def kernel(y_pred, y_true):
    n_rows, n_cols = y_true.shape

    mesh = plsc.VectorSubcoreMesh(core_axis_name="c", subcore_axis_name="s",
                                  num_cores=NC, num_subcores=NS)
    run = pl.kernel(
        _sc_body,
        out_type=jax.ShapeDtypeStruct((NW, L), jnp.float32),
        mesh=mesh,
        compiler_params=pltpu.CompilerParams(needs_layout_passes=False),
        scratch_types=[
            pltpu.VMEM((RPW, COLS), jnp.float32),
            pltpu.VMEM((RPW, COLS), jnp.float32),
            pltpu.VMEM((L,), jnp.float32),
            pltpu.SemaphoreType.DMA,
            pltpu.SemaphoreType.DMA,
            pltpu.SemaphoreType.DMA,
            pltpu.SemaphoreType.DMA,
        ],
    )
    partials = run(y_true, y_pred)
    return (jnp.sum(partials) / n_rows).astype(jnp.float32)

# --- scband reference (transcript-rebuilt; emitter-appended) ---
"""Pipeline reference for scband-list-mle-58978490908998 (READ-ONLY COPY).

The authoritative reference and input builder live on the scoring server;
editing this copy changes nothing except your own understanding.
"""

import jax, jax.numpy as jnp
import numpy as np

DEFAULT_EPS = 1e-10
PADDED_Y_VALUE = -1

def setup_inputs(seed: int = 0) -> dict:
    key = jax.random.key(seed)
    k1, k2 = jax.random.split(key)
    y_pred = jax.random.normal(k1, (4096, 200), dtype=jnp.float32)
    y_true = jax.random.uniform(k2, (4096, 200), dtype=jnp.float32)
    return {"y_pred": y_pred, "y_true": y_true}

def reference(y_pred, y_true):
    # Note: the torch module applies a random permutation before sorting; with
    # continuous-valued y_true (no ties) the permutation has no effect on the
    # result, so we sort directly (stable argsort) for determinism.
    indices = jnp.argsort(-y_true, axis=-1)
    y_true_sorted = jnp.take_along_axis(y_true, indices, axis=-1)
    mask = y_true_sorted == PADDED_Y_VALUE
    preds_sorted_by_true = jnp.take_along_axis(y_pred, indices, axis=1)
    preds_sorted_by_true = jnp.where(mask, -jnp.inf, preds_sorted_by_true)
    max_pred_values = jnp.max(preds_sorted_by_true, axis=1, keepdims=True)
    preds_minus_max = preds_sorted_by_true - max_pred_values
    cumsums = jnp.flip(jnp.cumsum(jnp.flip(jnp.exp(preds_minus_max), axis=1), axis=1), axis=1)
    observation_loss = jnp.log(cumsums + DEFAULT_EPS) - preds_minus_max
    observation_loss = jnp.where(mask, 0.0, observation_loss)
    return jnp.mean(jnp.sum(observation_loss, axis=1))

if __name__ == "__main__":
    import jax
    _d = setup_inputs()
    print(jax.jit(kernel)(*tuple(_d.values())))

</pallas_src>

<mosaic_0001>
#map = affine_map<(d0, d1) -> (0, 0)>
module attributes {stable_mosaic.version = 14 : i64} {
  func.func @_sc_body(%arg0: i32, %arg1: i32, %arg2: memref<4096x200xf32, #tpu.memory_space<hbm>>, %arg3: memref<4096x200xf32, #tpu.memory_space<hbm>>, %arg4: memref<32x16xf32, #tpu.memory_space<hbm>>, %arg5: memref<128x200xf32, #tpu.memory_space<vmem>>, %arg6: memref<128x200xf32, #tpu.memory_space<vmem>>, %arg7: memref<16xf32, #tpu.memory_space<vmem>>, %arg8: memref<!tpu.dma_semaphore, #tpu.memory_space<semaphore_mem>>, %arg9: memref<!tpu.dma_semaphore, #tpu.memory_space<semaphore_mem>>, %arg10: memref<!tpu.dma_semaphore, #tpu.memory_space<semaphore_mem>>, %arg11: memref<!tpu.dma_semaphore, #tpu.memory_space<semaphore_mem>>) attributes {dimension_semantics = [#tpu.dimension_semantics<core_parallel>, #tpu.dimension_semantics<subcore_parallel>], iteration_bounds = array<i64: 2, 16>, scalar_prefetch = 0 : i64, scratch_operands = 7 : i64, tpu.core_type = #tpu.core_type<sc_vector_subcore>, window_params = [{transform_indices = #map}, {transform_indices = #map}, {transform_indices = #map}]} {
    %mul3A = arith.constant 2 : i32
    %mul3A_0 = arith.muli %arg1, %mul3A : i32
    %add3A = arith.addi %mul3A_0, %arg0 : i32
    %mul3A_1 = arith.constant 128 : i32
    %mul3A_2 = arith.muli %add3A, %mul3A_1 : i32
    %dma_start3A = arith.constant 0 : i32
    %dma_start3A_3 = arith.constant 0 : i32
    %dma_start3A_4 = tpu.memref_slice %arg5[%dma_start3A, %dma_start3A_3] : memref<128x200xf32, #tpu.memory_space<vmem>> -> memref<64x200xf32, #tpu.memory_space<vmem>>
    %dma_start3A_5 = arith.constant 0 : i32
    %dma_start3A_6 = tpu.memref_slice %arg2[%mul3A_2, %dma_start3A_5] : memref<4096x200xf32, #tpu.memory_space<hbm>> -> memref<64x200xf32, #tpu.memory_space<hbm>>
    %dma_start3A_7 = arith.constant 0 : i32
    %dma_start3A_8 = arith.constant 0 : i32
    %dma_start3A_9 = tpu.memref_slice %arg5[%dma_start3A_7, %dma_start3A_8] : memref<128x200xf32, #tpu.memory_space<vmem>> -> memref<64x200xf32, #tpu.memory_space<vmem>>
    %dma_start3A_10 = arith.constant 0 : i32
    %dma_start3A_11 = tpu.memref_slice %arg2[%mul3A_2, %dma_start3A_10] : memref<4096x200xf32, #tpu.memory_space<hbm>> -> memref<64x200xf32, #tpu.memory_space<hbm>>
    tpu.enqueue_dma source(%dma_start3A_11 : memref<64x200xf32, #tpu.memory_space<hbm>>) target(%dma_start3A_9 : memref<64x200xf32, #tpu.memory_space<vmem>>) target_semaphore(%arg8 : memref<!tpu.dma_semaphore, #tpu.memory_space<semaphore_mem>>)
    %dma_start3A_12 = arith.constant 0 : i32
    %dma_start3A_13 = arith.constant 0 : i32
    %dma_start3A_14 = tpu.memref_slice %arg6[%dma_start3A_12, %dma_start3A_13] : memref<128x200xf32, #tpu.memory_space<vmem>> -> memref<64x200xf32, #tpu.memory_space<vmem>>
    %dma_start3A_15 = arith.constant 0 : i32
    %dma_start3A_16 = tpu.memref_slice %arg3[%mul3A_2, %dma_start3A_15] : memref<4096x200xf32, #tpu.memory_space<hbm>> -> memref<64x200xf32, #tpu.memory_space<hbm>>
    %dma_start3A_17 = arith.constant 0 : i32
    %dma_start3A_18 = arith.constant 0 : i32
    %dma_start3A_19 = tpu.memref_slice %arg6[%dma_start3A_17, %dma_start3A_18] : memref<128x200xf32, #tpu.memory_space<vmem>> -> memref<64x200xf32, #tpu.memory_space<vmem>>
    %dma_start3A_20 = arith.constant 0 : i32
    %dma_start3A_21 = tpu.memref_slice %arg3[%mul3A_2, %dma_start3A_20] : memref<4096x200xf32, #tpu.memory_space<hbm>> -> memref<64x200xf32, #tpu.memory_space<hbm>>
    tpu.enqueue_dma source(%dma_start3A_21 : memref<64x200xf32, #tpu.memory_space<hbm>>) target(%dma_start3A_19 : memref<64x200xf32, #tpu.memory_space<vmem>>) target_semaphore(%arg9 : memref<!tpu.dma_semaphore, #tpu.memory_space<semaphore_mem>>)
    %add3A_22 = arith.constant 64 : i32
    %add3A_23 = arith.addi %mul3A_2, %add3A_22 : i32
    %dma_start3A_24 = arith.constant 64 : i32
    %dma_start3A_25 = arith.constant 0 : i32
    %dma_start3A_26 = tpu.memref_slice %arg5[%dma_start3A_24, %dma_start3A_25] : memref<128x200xf32, #tpu.memory_space<vmem>> -> memref<64x200xf32, #tpu.memory_space<vmem>>
    %dma_start3A_27 = arith.constant 0 : i32
    %dma_start3A_28 = tpu.memref_slice %arg2[%add3A_23, %dma_start3A_27] : memref<4096x200xf32, #tpu.memory_space<hbm>> -> memref<64x200xf32, #tpu.memory_space<hbm>>
    %dma_start3A_29 = arith.constant 64 : i32
    %dma_start3A_30 = arith.constant 0 : i32
    %dma_start3A_31 = tpu.memref_slice %arg5[%dma_start3A_29, %dma_start3A_30] : memref<128x200xf32, #tpu.memory_space<vmem>> -> memref<64x200xf32, #tpu.memory_space<vmem>>
    %dma_start3A_32 = arith.constant 0 : i32
    %dma_start3A_33 = tpu.memref_slice %arg2[%add3A_23, %dma_start3A_32] : memref<4096x200xf32, #tpu.memory_space<hbm>> -> memref<64x200xf32, #tpu.memory_space<hbm>>
    tpu.enqueue_dma source(%dma_start3A_33 : memref<64x200xf32, #tpu.memory_space<hbm>>) target(%dma_start3A_31 : memref<64x200xf32, #tpu.memory_space<vmem>>) target_semaphore(%arg10 : memref<!tpu.dma_semaphore, #tpu.memory_space<semaphore_mem>>)
    %add3A_34 = arith.constant 64 : i32
    %add3A_35 = arith.addi %mul3A_2, %add3A_34 : i32
    %dma_start3A_36 = arith.constant 64 : i32
    %dma_start3A_37 = arith.constant 0 : i32
    %dma_start3A_38 = tpu.memref_slice %arg6[%dma_start3A_36, %dma_start3A_37] : memref<128x200xf32, #tpu.memory_space<vmem>> -> memref<64x200xf32, #tpu.memory_space<vmem>>
    %dma_start3A_39 = arith.constant 0 : i32
    %dma_start3A_40 = tpu.memref_slice %arg3[%add3A_35, %dma_start3A_39] : memref<4096x200xf32, #tpu.memory_space<hbm>> -> memref<64x200xf32, #tpu.memory_space<hbm>>
    %dma_start3A_41 = arith.constant 64 : i32
    %dma_start3A_42 = arith.constant 0 : i32
    %dma_start3A_43 = tpu.memref_slice %arg6[%dma_start3A_41, %dma_start3A_42] : memref<128x200xf32, #tpu.memory_space<vmem>> -> memref<64x200xf32, #tpu.memory_space<vmem>>
    %dma_start3A_44 = arith.constant 0 : i32
    %dma_start3A_45 = tpu.memref_slice %arg3[%add3A_35, %dma_start3A_44] : memref<4096x200xf32, #tpu.memory_space<hbm>> -> memref<64x200xf32, #tpu.memory_space<hbm>>
    tpu.enqueue_dma source(%dma_start3A_45 : memref<64x200xf32, #tpu.memory_space<hbm>>) target(%dma_start3A_43 : memref<64x200xf32, #tpu.memory_space<vmem>>) target_semaphore(%arg11 : memref<!tpu.dma_semaphore, #tpu.memory_space<semaphore_mem>>)
    %iota3A = tpu.iota {dimensions = array<i32: 0>} : vector<16xi32>
    %broadcast_in_dim3A = arith.constant 0 : i32
    %broadcast_in_dim3A_46 = vector.broadcast %broadcast_in_dim3A : i32 to vector<16xi32>
    %broadcast_in_dim3A_47 = arith.constant 15 : i32
    %broadcast_in_dim3A_48 = vector.broadcast %broadcast_in_dim3A_47 : i32 to vector<16xi32>
    %ge3A = arith.constant 8 : i32
    %ge3A_49 = vector.broadcast %ge3A : i32 to vector<16xi32>
    %ge3A_50 = arith.cmpi sge, %iota3A, %ge3A_49 : vector<16xi32>
    %broadcast_in_dim3A_51 = arith.constant 0.000000e+00 : f32
    %broadcast_in_dim3A_52 = vector.broadcast %broadcast_in_dim3A_51 : f32 to vector<16xf32>
    %broadcast_in_dim3A_53 = arith.constant 0 : i32
    %broadcast_in_dim3A_54 = vector.broadcast %broadcast_in_dim3A_53 : i32 to vector<16xi32>
    %broadcast_in_dim3A_55 = arith.constant 0.000000e+00 : f32
    %broadcast_in_dim3A_56 = vector.broadcast %broadcast_in_dim3A_55 : f32 to vector<16xf32>
    %broadcast_in_dim3A_57 = arith.constant 1.000000e+00 : f32
    %broadcast_in_dim3A_58 = vector.broadcast %broadcast_in_dim3A_57 : f32 to vector<16xf32>
    %broadcast_in_dim3A_59 = arith.constant 0.000000e+00 : f32
    %broadcast_in_dim3A_60 = vector.broadcast %broadcast_in_dim3A_59 : f32 to vector<16xf32>
    %dma_wait3A = arith.constant 0 : i32
    %dma_wait3A_61 = arith.constant 0 : i32
    %dma_wait3A_62 = tpu.memref_slice %arg5[%dma_wait3A, %dma_wait3A_61] : memref<128x200xf32, #tpu.memory_space<vmem>> -> memref<64x200xf32, #tpu.memory_space<vmem>>
    %dma_wait3A_63 = arith.constant 0 : i32
    %dma_wait3A_64 = tpu.memref_slice %arg2[%mul3A_2, %dma_wait3A_63] : memref<4096x200xf32, #tpu.memory_space<hbm>> -> memref<64x200xf32, #tpu.memory_space<hbm>>
    %dma_wait3A_65 = arith.constant 0 : i32
    %dma_wait3A_66 = arith.constant 0 : i32
    %dma_wait3A_67 = tpu.memref_slice %arg5[%dma_wait3A_65, %dma_wait3A_66] : memref<128x200xf32, #tpu.memory_space<vmem>> -> memref<64x200xf32, #tpu.memory_space<vmem>>
    %dma_wait3A_68 = arith.constant 0 : i32
    %dma_wait3A_69 = tpu.memref_slice %arg2[%mul3A_2, %dma_wait3A_68] : memref<4096x200xf32, #tpu.memory_space<hbm>> -> memref<64x200xf32, #tpu.memory_space<hbm>>
    tpu.wait_dma2 semaphore(%arg8 : memref<!tpu.dma_semaphore, #tpu.memory_space<semaphore_mem>>) src(%dma_wait3A_69 : memref<64x200xf32, #tpu.memory_space<hbm>>) dst(%dma_wait3A_67 : memref<64x200xf32, #tpu.memory_space<vmem>>)
    %dma_wait3A_70 = arith.constant 0 : i32
    %dma_wait3A_71 = arith.constant 0 : i32
    %dma_wait3A_72 = tpu.memref_slice %arg6[%dma_wait3A_70, %dma_wait3A_71] : memref<128x200xf32, #tpu.memory_space<vmem>> -> memref<64x200xf32, #tpu.memory_space<vmem>>
    %dma_wait3A_73 = arith.constant 0 : i32
    %dma_wait3A_74 = tpu.memref_slice %arg3[%mul3A_2, %dma_wait3A_73] : memref<4096x200xf32, #tpu.memory_space<hbm>> -> memref<64x200xf32, #tpu.memory_space<hbm>>
    %dma_wait3A_75 = arith.constant 0 : i32
    %dma_wait3A_76 = arith.constant 0 : i32
    %dma_wait3A_77 = tpu.memref_slice %arg6[%dma_wait3A_75, %dma_wait3A_76] : memref<128x200xf32, #tpu.memory_space<vmem>> -> memref<64x200xf32, #tpu.memory_space<vmem>>
    %dma_wait3A_78 = arith.constant 0 : i32
    %dma_wait3A_79 = tpu.memref_slice %arg3[%mul3A_2, %dma_wait3A_78] : memref<4096x200xf32, #tpu.memory_space<hbm>> -> memref<64x200xf32, #tpu.memory_space<hbm>>
    tpu.wait_dma2 semaphore(%arg9 : memref<!tpu.dma_semaphore, #tpu.memory_space<semaphore_mem>>) src(%dma_wait3A_79 : memref<64x200xf32, #tpu.memory_space<hbm>>) dst(%dma_wait3A_77 : memref<64x200xf32, #tpu.memory_space<vmem>>)
    %scan3A = arith.constant 0 : i32
    %scan3A_80 = arith.constant 64 : i32
    %scan3A_81 = arith.addi %scan3A, %scan3A_80 : i32
    %scan3A_82 = arith.constant 1 : i32
    %scan3A_83:4 = scf.for %scan3A_158 = %scan3A to %scan3A_81 step %scan3A_82 iter_args(%scan3A_159 = %broadcast_in_dim3A_54, %scan3A_160 = %broadcast_in_dim3A_56, %scan3A_161 = %broadcast_in_dim3A_58, %scan3A_162 = %broadcast_in_dim3A_60) -> (vector<16xi32>, vector<16xf32>, vector<16xf32>, vector<16xf32>)  : i32 {
      %get3A = arith.index_cast %scan3A_158 : i32 to index
      %get3A_163 = arith.constant 0 : index
      %get3A_164 = tpu.vector_load %arg5[%get3A, %get3A_163] {strides = array<i32>} : memref<128x200xf32, #tpu.memory_space<vmem>>, vector<16xf32>,
      %get3A_165 = arith.index_cast %scan3A_158 : i32 to index
      %get3A_166 = arith.constant 16 : index
      %get3A_167 = tpu.vector_load %arg5[%get3A_165, %get3A_166] {strides = array<i32>} : memref<128x200xf32, #tpu.memory_space<vmem>>, vector<16xf32>,
      %get3A_168 = arith.index_cast %scan3A_158 : i32 to index
      %get3A_169 = arith.constant 32 : index
      %get3A_170 = tpu.vector_load %arg5[%get3A_168, %get3A_169] {strides = array<i32>} : memref<128x200xf32, #tpu.memory_space<vmem>>, vector<16xf32>,
      %get3A_171 = arith.index_cast %scan3A_158 : i32 to index
      %get3A_172 = arith.constant 48 : index
      %get3A_173 = tpu.vector_load %arg5[%get3A_171, %get3A_172] {strides = array<i32>} : memref<128x200xf32, #tpu.memory_space<vmem>>, vector<16xf32>,
      %get3A_174 = arith.index_cast %scan3A_158 : i32 to index
      %get3A_175 = arith.constant 64 : index
      %get3A_176 = tpu.vector_load %arg5[%get3A_174, %get3A_175] {strides = array<i32>} : memref<128x200xf32, #tpu.memory_space<vmem>>, vector<16xf32>,
      %get3A_177 = arith.index_cast %scan3A_158 : i32 to index
      %get3A_178 = arith.constant 80 : index
      %get3A_179 = tpu.vector_load %arg5[%get3A_177, %get3A_178] {strides = array<i32>} : memref<128x200xf32, #tpu.memory_space<vmem>>, vector<16xf32>,
      %get3A_180 = arith.index_cast %scan3A_158 : i32 to index
      %get3A_181 = arith.constant 96 : index
      %get3A_182 = tpu.vector_load %arg5[%get3A_180, %get3A_181] {strides = array<i32>} : memref<128x200xf32, #tpu.memory_space<vmem>>, vector<16xf32>,
      %get3A_183 = arith.index_cast %scan3A_158 : i32 to index
      %get3A_184 = arith.constant 112 : index
      %get3A_185 = tpu.vector_load %arg5[%get3A_183, %get3A_184] {strides = array<i32>} : memref<128x200xf32, #tpu.memory_space<vmem>>, vector<16xf32>,
      %get3A_186 = arith.index_cast %scan3A_158 : i32 to index
      %get3A_187 = arith.constant 128 : index
      %get3A_188 = tpu.vector_load %arg5[%get3A_186, %get3A_187] {strides = array<i32>} : memref<128x200xf32, #tpu.memory_space<vmem>>, vector<16xf32>,
      %get3A_189 = arith.index_cast %scan3A_158 : i32 to index
      %get3A_190 = arith.constant 144 : index
      %get3A_191 = tpu.vector_load %arg5[%get3A_189, %get3A_190] {strides = array<i32>} : memref<128x200xf32, #tpu.memory_space<vmem>>, vector<16xf32>,
      %get3A_192 = arith.index_cast %scan3A_158 : i32 to index
      %get3A_193 = arith.constant 160 : index
      %get3A_194 = tpu.vector_load %arg5[%get3A_192, %get3A_193] {strides = array<i32>} : memref<128x200xf32, #tpu.memory_space<vmem>>, vector<16xf32>,
      %get3A_195 = arith.index_cast %scan3A_158 : i32 to index
      %get3A_196 = arith.constant 176 : index
      %get3A_197 = tpu.vector_load %arg5[%get3A_195, %get3A_196] {strides = array<i32>} : memref<128x200xf32, #tpu.memory_space<vmem>>, vector<16xf32>,
      %get3A_198 = arith.index_cast %scan3A_158 : i32 to index
      %get3A_199 = arith.constant 0 : index
      %get3A_200 = tpu.vector_load %arg6[%get3A_198, %get3A_199] {strides = array<i32>} : memref<128x200xf32, #tpu.memory_space<vmem>>, vector<16xf32>,
      %get3A_201 = arith.index_cast %scan3A_158 : i32 to index
      %get3A_202 = arith.constant 16 : index
      %get3A_203 = tpu.vector_load %arg6[%get3A_201, %get3A_202] {strides = array<i32>} : memref<128x200xf32, #tpu.memory_space<vmem>>, vector<16xf32>,
      %get3A_204 = arith.index_cast %scan3A_158 : i32 to index
      %get3A_205 = arith.constant 32 : index
      %get3A_206 = tpu.vector_load %arg6[%get3A_204, %get3A_205] {strides = array<i32>} : memref<128x200xf32, #tpu.memory_space<vmem>>, vector<16xf32>,
      %get3A_207 = arith.index_cast %scan3A_158 : i32 to index
      %get3A_208 = arith.constant 48 : index
      %get3A_209 = tpu.vector_load %arg6[%get3A_207, %get3A_208] {strides = array<i32>} : memref<128x200xf32, #tpu.memory_space<vmem>>, vector<16xf32>,
      %get3A_210 = arith.index_cast %scan3A_158 : i32 to index
      %get3A_211 = arith.constant 64 : index
      %get3A_212 = tpu.vector_load %arg6[%get3A_210, %get3A_211] {strides = array<i32>} : memref<128x200xf32, #tpu.memory_space<vmem>>, vector<16xf32>,
      %get3A_213 = arith.index_cast %scan3A_158 : i32 to index
      %get3A_214 = arith.constant 80 : index
      %get3A_215 = tpu.vector_load %arg6[%get3A_213, %get3A_214] {strides = array<i32>} : memref<128x200xf32, #tpu.memory_space<vmem>>, vector<16xf32>,
      %get3A_216 = arith.index_cast %scan3A_158 : i32 to index
      %get3A_217 = arith.constant 96 : index
      %get3A_218 = tpu.vector_load %arg6[%get3A_216, %get3A_217] {strides = array<i32>} : memref<128x200xf32, #tpu.memory_space<vmem>>, vector<16xf32>,
      %get3A_219 = arith.index_cast %scan3A_158 : i32 to index
      %get3A_220 = arith.constant 112 : index
      %get3A_221 = tpu.vector_load %arg6[%get3A_219, %get3A_220] {strides = array<i32>} : memref<128x200xf32, #tpu.memory_space<vmem>>, vector<16xf32>,
      %get3A_222 = arith.index_cast %scan3A_158 : i32 to index
      %get3A_223 = arith.constant 128 : index
      %get3A_224 = tpu.vector_load %arg6[%get3A_222, %get3A_223] {strides = array<i32>} : memref<128x200xf32, #tpu.memory_space<vmem>>, vector<16xf32>,
      %get3A_225 = arith.index_cast %scan3A_158 : i32 to index
      %get3A_226 = arith.constant 144 : index
      %get3A_227 = tpu.vector_load %arg6[%get3A_225, %get3A_226] {strides = array<i32>} : memref<128x200xf32, #tpu.memory_space<vmem>>, vector<16xf32>,
      %get3A_228 = arith.index_cast %scan3A_158 : i32 to index
      %get3A_229 = arith.constant 160 : index
      %get3A_230 = tpu.vector_load %arg6[%get3A_228, %get3A_229] {strides = array<i32>} : memref<128x200xf32, #tpu.memory_space<vmem>>, vector<16xf32>,
      %get3A_231 = arith.index_cast %scan3A_158 : i32 to index
      %get3A_232 = arith.constant 176 : index
      %get3A_233 = tpu.vector_load %arg6[%get3A_231, %get3A_232] {strides = array<i32>} : memref<128x200xf32, #tpu.memory_space<vmem>>, vector<16xf32>,
      %get3A_234 = arith.index_cast %scan3A_158 : i32 to index
      %get3A_235 = arith.constant 184 : index
      %get3A_236 = tpu.vector_load %arg5[%get3A_234, %get3A_235] {strides = array<i32>} : memref<128x200xf32, #tpu.memory_space<vmem>>, vector<16xf32>,
      %get3A_237 = arith.index_cast %scan3A_158 : i32 to index
      %get3A_238 = arith.constant 184 : index
      %get3A_239 = tpu.vector_load %arg6[%get3A_237, %get3A_238] {strides = array<i32>} : memref<128x200xf32, #tpu.memory_space<vmem>>, vector<16xf32>,
      %jit3A_240 = arith.constant -1.000000e+30 : f32
      %broadcast_in_dim3A_241 = vector.broadcast %jit3A_240 : f32 to vector<16xf32>
      %select_n3A_242 = arith.select %ge3A_50, %get3A_239, %broadcast_in_dim3A_241 : vector<16xi1>, vector<16xf32>
      %max3A = arith.maximumf %get3A_200, %get3A_203 : vector<16xf32>
      %max3A_243 = arith.maximumf %max3A, %get3A_206 : vector<16xf32>
      %max3A_244 = arith.maximumf %max3A_243, %get3A_209 : vector<16xf32>
      %max3A_245 = arith.maximumf %max3A_244, %get3A_212 : vector<16xf32>
      %max3A_246 = arith.maximumf %max3A_245, %get3A_215 : vector<16xf32>
      %max3A_247 = arith.maximumf %max3A_246, %get3A_218 : vector<16xf32>
      %max3A_248 = arith.maximumf %max3A_247, %get3A_221 : vector<16xf32>
      %max3A_249 = arith.maximumf %max3A_248, %get3A_224 : vector<16xf32>
      %max3A_250 = arith.maximumf %max3A_249, %get3A_227 : vector<16xf32>
      %max3A_251 = arith.maximumf %max3A_250, %get3A_230 : vector<16xf32>
      %max3A_252 = arith.maximumf %max3A_251, %get3A_233 : vector<16xf32>
      %max3A_253 = arith.maximumf %max3A_252, %select_n3A_242 : vector<16xf32>
      %broadcast_in_dim3A_254 = arith.constant true
      %broadcast_in_dim3A_255 = vector.broadcast %broadcast_in_dim3A_254 : i1 to vector<16xi1>
      %masked_cummax3A = tpu.scan <max>, %max3A_253 masked %broadcast_in_dim3A_255 : vector<16xf32>, vector<16xi1> -> vector<16xf32>
      %lt3A = arith.constant 0 : i32
      %lt3A_256 = vector.broadcast %lt3A : i32 to vector<16xi32>
      %lt3A_257 = arith.cmpi slt, %broadcast_in_dim3A_48, %lt3A_256 : vector<16xi32>
      %add3A_258 = arith.constant 16 : i32
      %add3A_259 = vector.broadcast %add3A_258 : i32 to vector<16xi32>
      %add3A_260 = arith.addi %broadcast_in_dim3A_48, %add3A_259 : vector<16xi32>
      %select_n3A_261 = arith.select %lt3A_257, %add3A_260, %broadcast_in_dim3A_48 : vector<16xi1>, vector<16xi32>
      %reshape3A = vector.shape_cast %select_n3A_261 : vector<16xi32> to vector<16x1xi32>
      %gather3A = vector.shape_cast %reshape3A : vector<16x1xi32> to vector<16xi32>
      %gather3A_262 = tpu.dynamic_gather %masked_cummax3A[%gather3A] in [0] : vector<16xf32>, vector<16xi32> -> vector<16xf32>
      %sub3A_263 = arith.subf %get3A_200, %gather3A_262 : vector<16xf32>
      %exp3A = math.exp %sub3A_263 : vector<16xf32>
      %sub3A_264 = arith.subf %get3A_203, %gather3A_262 : vector<16xf32>
      %exp3A_265 = math.exp %sub3A_264 : vector<16xf32>
      %sub3A_266 = arith.subf %get3A_206, %gather3A_262 : vector<16xf32>
      %exp3A_267 = math.exp %sub3A_266 : vector<16xf32>
      %sub3A_268 = arith.subf %get3A_209, %gather3A_262 : vector<16xf32>
      %exp3A_269 = math.exp %sub3A_268 : vector<16xf32>
      %sub3A_270 = arith.subf %get3A_212, %gather3A_262 : vector<16xf32>
      %exp3A_271 = math.exp %sub3A_270 : vector<16xf32>
      %sub3A_272 = arith.subf %get3A_215, %gather3A_262 : vector<16xf32>
      %exp3A_273 = math.exp %sub3A_272 : vector<16xf32>
      %sub3A_274 = arith.subf %get3A_218, %gather3A_262 : vector<16xf32>
      %exp3A_275 = math.exp %sub3A_274 : vector<16xf32>
      %sub3A_276 = arith.subf %get3A_221, %gather3A_262 : vector<16xf32>
      %exp3A_277 = math.exp %sub3A_276 : vector<16xf32>
      %sub3A_278 = arith.subf %get3A_224, %gather3A_262 : vector<16xf32>
      %exp3A_279 = math.exp %sub3A_278 : vector<16xf32>
      %sub3A_280 = arith.subf %get3A_227, %gather3A_262 : vector<16xf32>
      %exp3A_281 = math.exp %sub3A_280 : vector<16xf32>
      %sub3A_282 = arith.subf %get3A_230, %gather3A_262 : vector<16xf32>
      %exp3A_283 = math.exp %sub3A_282 : vector<16xf32>
      %sub3A_284 = arith.subf %get3A_233, %gather3A_262 : vector<16xf32>
      %exp3A_285 = math.exp %sub3A_284 : vector<16xf32>
      %sub3A_286 = arith.subf %get3A_239, %gather3A_262 : vector<16xf32>
      %exp3A_287 = math.exp %sub3A_286 : vector<16xf32>
      %jit3A_288 = arith.constant 0.000000e+00 : f32
      %broadcast_in_dim3A_289 = vector.broadcast %jit3A_288 : f32 to vector<16xf32>
      %select_n3A_290 = arith.select %ge3A_50, %exp3A_287, %broadcast_in_dim3A_289 : vector<16xi1>, vector<16xf32>
      %jit3A_291 = arith.constant -1.000000e+00 : f32
      %broadcast_in_dim3A_292 = vector.broadcast %jit3A_291 : f32 to vector<16xf32>
      %select_n3A_293 = arith.select %ge3A_50, %get3A_236, %broadcast_in_dim3A_292 : vector<16xi1>, vector<16xf32>
      %masked_sort3A = arith.constant dense<true> : vector<16xi1>
      %masked_sort3A_294, %masked_sort3A_295, %masked_sort3A_296 = tpu.sort %get3A_164, %exp3A masked %masked_sort3A {descending = true} : (vector<16xf32>, vector<16xf32>, vector<16xi1>) -> (vector<16xi1>, vector<16xf32>, vector<16xf32>)
      %masked_sort3A_297 = arith.constant dense<true> : vector<16xi1>
      %masked_sort3A_298, %masked_sort3A_299, %masked_sort3A_300 = tpu.sort %get3A_167, %exp3A_265 masked %masked_sort3A_297 {descending = true} : (vector<16xf32>, vector<16xf32>, vector<16xi1>) -> (vector<16xi1>, vector<16xf32>, vector<16xf32>)
      %masked_sort3A_301 = arith.constant dense<true> : vector<16xi1>
      %masked_sort3A_302, %masked_sort3A_303, %masked_sort3A_304 = tpu.sort %get3A_170, %exp3A_267 masked %masked_sort3A_301 {descending = true} : (vector<16xf32>, vector<16xf32>, vector<16xi1>) -> (vector<16xi1>, vector<16xf32>, vector<16xf32>)
      %masked_sort3A_305 = arith.constant dense<true> : vector<16xi1>
      %masked_sort3A_306, %masked_sort3A_307, %masked_sort3A_308 = tpu.sort %get3A_173, %exp3A_269 masked %masked_sort3A_305 {descending = true} : (vector<16xf32>, vector<16xf32>, vector<16xi1>) -> (vector<16xi1>, vector<16xf32>, vector<16xf32>)
      %masked_sort3A_309 = arith.constant dense<true> : vector<16xi1>
      %masked_sort3A_310, %masked_sort3A_311, %masked_sort3A_312 = tpu.sort %get3A_176, %exp3A_271 masked %masked_sort3A_309 {descending = true} : (vector<16xf32>, vector<16xf32>, vector<16xi1>) -> (vector<16xi1>, vector<16xf32>, vector<16xf32>)
      %masked_sort3A_313 = arith.constant dense<true> : vector<16xi1>
      %masked_sort3A_314, %masked_sort3A_315, %masked_sort3A_316 = tpu.sort %get3A_179, %exp3A_273 masked %masked_sort3A_313 {descending = true} : (vector<16xf32>, vector<16xf32>, vector<16xi1>) -> (vector<16xi1>, vector<16xf32>, vector<16xf32>)
      %masked_sort3A_317 = arith.constant dense<true> : vector<16xi1>
      %masked_sort3A_318, %masked_sort3A_319, %masked_sort3A_320 = tpu.sort %get3A_182, %exp3A_275 masked %masked_sort3A_317 {descending = true} : (vector<16xf32>, vector<16xf32>, vector<16xi1>) -> (vector<16xi1>, vector<16xf32>, vector<16xf32>)
      %masked_sort3A_321 = arith.constant dense<true> : vector<16xi1>
      %masked_sort3A_322, %masked_sort3A_323, %masked_sort3A_324 = tpu.sort %get3A_185, %exp3A_277 masked %masked_sort3A_321 {descending = true} : (vector<16xf32>, vector<16xf32>, vector<16xi1>) -> (vector<16xi1>, vector<16xf32>, vector<16xf32>)
      %masked_sort3A_325 = arith.constant dense<true> : vector<16xi1>
      %masked_sort3A_326, %masked_sort3A_327, %masked_sort3A_328 = tpu.sort %get3A_188, %exp3A_279 masked %masked_sort3A_325 {descending = true} : (vector<16xf32>, vector<16xf32>, vector<16xi1>) -> (vector<16xi1>, vector<16xf32>, vector<16xf32>)
      %masked_sort3A_329 = arith.constant dense<true> : vector<16xi1>
      %masked_sort3A_330, %masked_sort3A_331, %masked_sort3A_332 = tpu.sort %get3A_191, %exp3A_281 masked %masked_sort3A_329 {descending = true} : (vector<16xf32>, vector<16xf32>, vector<16xi1>) -> (vector<16xi1>, vector<16xf32>, vector<16xf32>)
      %masked_sort3A_333 = arith.constant dense<true> : vector<16xi1>
      %masked_sort3A_334, %masked_sort3A_335, %masked_sort3A_336 = tpu.sort %get3A_194, %exp3A_283 masked %masked_sort3A_333 {descending = true} : (vector<16xf32>, vector<16xf32>, vector<16xi1>) -> (vector<16xi1>, vector<16xf32>, vector<16xf32>)
      %masked_sort3A_337 = arith.constant dense<true> : vector<16xi1>
      %masked_sort3A_338, %masked_sort3A_339, %masked_sort3A_340 = tpu.sort %get3A_197, %exp3A_285 masked %masked_sort3A_337 {descending = true} : (vector<16xf32>, vector<16xf32>, vector<16xi1>) -> (vector<16xi1>, vector<16xf32>, vector<16xf32>)
      %masked_sort3A_341 = arith.constant dense<true> : vector<16xi1>
      %masked_sort3A_342, %masked_sort3A_343, %masked_sort3A_344 = tpu.sort %select_n3A_293, %select_n3A_290 masked %masked_sort3A_341 {descending = true} : (vector<16xf32>, vector<16xf32>, vector<16xi1>) -> (vector<16xi1>, vector<16xf32>, vector<16xf32>)
      %rev3A = arith.constant 15 : i32
      %rev3A_345 = vector.broadcast %rev3A : i32 to vector<16xi32>
      %rev3A_346 = tpu.iota {dimensions = array<i32: 0>} : vector<16xi32>
      %rev3A_347 = arith.subi %rev3A_345, %rev3A_346 : vector<16xi32>
      %rev3A_348 = tpu.dynamic_gather %masked_sort3A_299[%rev3A_347] in [0] : vector<16xf32>, vector<16xi32> -> vector<16xf32>
      %rev3A_349 = arith.constant 15 : i32
      %rev3A_350 = vector.broadcast %rev3A_349 : i32 to vector<16xi32>
      %rev3A_351 = tpu.iota {dimensions = array<i32: 0>} : vector<16xi32>
      %rev3A_352 = arith.subi %rev3A_350, %rev3A_351 : vector<16xi32>
      %rev3A_353 = tpu.dynamic_gather %masked_sort3A_300[%rev3A_352] in [0] : vector<16xf32>, vector<16xi32> -> vector<16xf32>
      %ge3A_354 = arith.cmpf oge, %masked_sort3A_295, %rev3A_348 : vector<16xf32>
      %select_n3A_355 = arith.select %ge3A_354, %masked_sort3A_295, %rev3A_348 : vector<16xi1>, vector<16xf32>
      %select_n3A_356 = arith.select %ge3A_354, %rev3A_348, %masked_sort3A_295 : vector<16xi1>, vector<16xf32>
      %select_n3A_357 = arith.select %ge3A_354, %masked_sort3A_296, %rev3A_353 : vector<16xi1>, vector<16xf32>
      %select_n3A_358 = arith.select %ge3A_354, %rev3A_353, %masked_sort3A_296 : vector<16xi1>, vector<16xf32>
      %masked_sort3A_359 = arith.constant dense<true> : vector<16xi1>
      %masked_sort3A_360, %masked_sort3A_361, %masked_sort3A_362 = tpu.sort %select_n3A_355, %select_n3A_357 masked %masked_sort3A_359 {descending = true} : (vector<16xf32>, vector<16xf32>, vector<16xi1>) -> (vector<16xi1>, vector<16xf32>, vector<16xf32>)
      %masked_sort3A_363 = arith.constant dense<true> : vector<16xi1>
      %masked_sort3A_364, %masked_sort3A_365, %masked_sort3A_366 = tpu.sort %select_n3A_356, %select_n3A_358 masked %masked_sort3A_363 {descending = true} : (vector<16xf32>, vector<16xf32>, vector<16xi1>) -> (vector<16xi1>, vector<16xf32>, vector<16xf32>)
      %rev3A_367 = arith.constant 15 : i32
      %rev3A_368 = vector.broadcast %rev3A_367 : i32 to vector<16xi32>
      %rev3A_369 = tpu.iota {dimensions = array<i32: 0>} : vector<16xi32>
      %rev3A_370 = arith.subi %rev3A_368, %rev3A_369 : vector<16xi32>
      %rev3A_371 = tpu.dynamic_gather %masked_sort3A_307[%rev3A_370] in [0] : vector<16xf32>, vector<16xi32> -> vector<16xf32>
      %rev3A_372 = arith.constant 15 : i32
      %rev3A_373 = vector.broadcast %rev3A_372 : i32 to vector<16xi32>
      %rev3A_374 = tpu.iota {dimensions = array<i32: 0>} : vector<16xi32>
      %rev3A_375 = arith.subi %rev3A_373, %rev3A_374 : vector<16xi32>
      %rev3A_376 = tpu.dynamic_gather %masked_sort3A_308[%rev3A_375] in [0] : vector<16xf32>, vector<16xi32> -> vector<16xf32>
      %ge3A_377 = arith.cmpf oge, %masked_sort3A_303, %rev3A_371 : vector<16xf32>
      %select_n3A_378 = arith.select %ge3A_377, %masked_sort3A_303, %rev3A_371 : vector<16xi1>, vector<16xf32>
      %select_n3A_379 = arith.select %ge3A_377, %rev3A_371, %masked_sort3A_303 : vector<16xi1>, vector<16xf32>
      %select_n3A_380 = arith.select %ge3A_377, %masked_sort3A_304, %rev3A_376 : vector<16xi1>, vector<16xf32>
      %select_n3A_381 = arith.select %ge3A_377, %rev3A_376, %masked_sort3A_304 : vector<16xi1>, vector<16xf32>
      %masked_sort3A_382 = arith.constant dense<true> : vector<16xi1>
      %masked_sort3A_383, %masked_sort3A_384, %masked_sort3A_385 = tpu.sort %select_n3A_378, %select_n3A_380 masked %masked_sort3A_382 {descending = true} : (vector<16xf32>, vector<16xf32>, vector<16xi1>) -> (vector<16xi1>, vector<16xf32>, vector<16xf32>)
      %masked_sort3A_386 = arith.constant dense<true> : vector<16xi1>
      %masked_sort3A_387, %masked_sort3A_388, %masked_sort3A_389 = tpu.sort %select_n3A_379, %select_n3A_381 masked %masked_sort3A_386 {descending = true} : (vector<16xf32>, vector<16xf32>, vector<16xi1>) -> (vector<16xi1>, vector<16xf32>, vector<16xf32>)
      %rev3A_390 = arith.constant 15 : i32
      %rev3A_391 = vector.broadcast %rev3A_390 : i32 to vector<16xi32>
      %rev3A_392 = tpu.iota {dimensions = array<i32: 0>} : vector<16xi32>
      %rev3A_393 = arith.subi %rev3A_391, %rev3A_392 : vector<16xi32>
      %rev3A_394 = tpu.dynamic_gather %masked_sort3A_315[%rev3A_393] in [0] : vector<16xf32>, vector<16xi32> -> vector<16xf32>
      %rev3A_395 = arith.constant 15 : i32
      %rev3A_396 = vector.broadcast %rev3A_395 : i32 to vector<16xi32>
      %rev3A_397 = tpu.iota {dimensions = array<i32: 0>} : vector<16xi32>
      %rev3A_398 = arith.subi %rev3A_396, %rev3A_397 : vector<16xi32>
      %rev3A_399 = tpu.dynamic_gather %masked_sort3A_316[%rev3A_398] in [0] : vector<16xf32>, vector<16xi32> -> vector<16xf32>
      %ge3A_400 = arith.cmpf oge, %masked_sort3A_311, %rev3A_394 : vector<16xf32>
      %select_n3A_401 = arith.select %ge3A_400, %masked_sort3A_311, %rev3A_394 : vector<16xi1>, vector<16xf32>
      %select_n3A_402 = arith.select %ge3A_400, %rev3A_394, %masked_sort3A_311 : vector<16xi1>, vector<16xf32>
      %select_n3A_403 = arith.select %ge3A_400, %masked_sort3A_312, %rev3A_399 : vector<16xi1>, vector<16xf32>
      %select_n3A_404 = arith.select %ge3A_400, %rev3A_399, %masked_sort3A_312 : vector<16xi1>, vector<16xf32>
      %masked_sort3A_405 = arith.constant dense<true> : vector<16xi1>
      %masked_sort3A_406, %masked_sort3A_407, %masked_sort3A_408 = tpu.sort %select_n3A_401, %select_n3A_403 masked %masked_sort3A_405 {descending = true} : (vector<16xf32>, vector<16xf32>, vector<16xi1>) -> (vector<16xi1>, vector<16xf32>, vector<16xf32>)
      %masked_sort3A_409 = arith.constant dense<true> : vector<16xi1>
      %masked_sort3A_410, %masked_sort3A_411, %masked_sort3A_412 = tpu.sort %select_n3A_402, %select_n3A_404 masked %masked_sort3A_409 {descending = true} : (vector<16xf32>, vector<16xf32>, vector<16xi1>) -> (vector<16xi1>, vector<16xf32>, vector<16xf32>)
      %rev3A_413 = arith.constant 15 : i32
      %rev3A_414 = vector.broadcast %rev3A_413 : i32 to vector<16xi32>
      %rev3A_415 = tpu.iota {dimensions = array<i32: 0>} : vector<16xi32>
      %rev3A_416 = arith.subi %rev3A_414, %rev3A_415 : vector<16xi32>
      %rev3A_417 = tpu.dynamic_gather %masked_sort3A_323[%rev3A_416] in [0] : vector<16xf32>, vector<16xi32> -> vector<16xf32>
      %rev3A_418 = arith.constant 15 : i32
      %rev3A_419 = vector.broadcast %rev3A_418 : i32 to vector<16xi32>
      %rev3A_420 = tpu.iota {dimensions = array<i32: 0>} : vector<16xi32>
      %rev3A_421 = arith.subi %rev3A_419, %rev3A_420 : vector<16xi32>
      %rev3A_422 = tpu.dynamic_gather %masked_sort3A_324[%rev3A_421] in [0] : vector<16xf32>, vector<16xi32> -> vector<16xf32>
      %ge3A_423 = arith.cmpf oge, %masked_sort3A_319, %rev3A_417 : vector<16xf32>
      %select_n3A_424 = arith.select %ge3A_423, %masked_sort3A_319, %rev3A_417 : vector<16xi1>, vector<16xf32>
      %select_n3A_425 = arith.select %ge3A_423, %rev3A_417, %masked_sort3A_319 : vector<16xi1>, vector<16xf32>
      %select_n3A_426 = arith.select %ge3A_423, %masked_sort3A_320, %rev3A_422 : vector<16xi1>, vector<16xf32>
      %select_n3A_427 = arith.select %ge3A_423, %rev3A_422, %masked_sort3A_320 : vector<16xi1>, vector<16xf32>
      %masked_sort3A_428 = arith.constant dense<true> : vector<16xi1>
      %masked_sort3A_429, %masked_sort3A_430, %masked_sort3A_431 = tpu.sort %select_n3A_424, %select_n3A_426 masked %masked_sort3A_428 {descending = true} : (vector<16xf32>, vector<16xf32>, vector<16xi1>) -> (vector<16xi1>, vector<16xf32>, vector<16xf32>)
      %masked_sort3A_432 = arith.constant dense<true> : vector<16xi1>
      %masked_sort3A_433, %masked_sort3A_434, %masked_sort3A_435 = tpu.sort %select_n3A_425, %select_n3A_427 masked %masked_sort3A_432 {descending = true} : (vector<16xf32>, vector<16xf32>, vector<16xi1>) -> (vector<16xi1>, vector<16xf32>, vector<16xf32>)
      %rev3A_436 = arith.constant 15 : i32
      %rev3A_437 = vector.broadcast %rev3A_436 : i32 to vector<16xi32>
      %rev3A_438 = tpu.iota {dimensions = array<i32: 0>} : vector<16xi32>
      %rev3A_439 = arith.subi %rev3A_437, %rev3A_438 : vector<16xi32>
      %rev3A_440 = tpu.dynamic_gather %masked_sort3A_331[%rev3A_439] in [0] : vector<16xf32>, vector<16xi32> -> vector<16xf32>
      %rev3A_441 = arith.constant 15 : i32
      %rev3A_442 = vector.broadcast %rev3A_441 : i32 to vector<16xi32>
      %rev3A_443 = tpu.iota {dimensions = array<i32: 0>} : vector<16xi32>
      %rev3A_444 = arith.subi %rev3A_442, %rev3A_443 : vector<16xi32>
      %rev3A_445 = tpu.dynamic_gather %masked_sort3A_332[%rev3A_444] in [0] : vector<16xf32>, vector<16xi32> -> vector<16xf32>
      %ge3A_446 = arith.cmpf oge, %masked_sort3A_327, %rev3A_440 : vector<16xf32>
      %select_n3A_447 = arith.select %ge3A_446, %masked_sort3A_327, %rev3A_440 : vector<16xi1>, vector<16xf32>
      %select_n3A_448 = arith.select %ge3A_446, %rev3A_440, %masked_sort3A_327 : vector<16xi1>, vector<16xf32>
      %select_n3A_449 = arith.select %ge3A_446, %masked_sort3A_328, %rev3A_445 : vector<16xi1>, vector<16xf32>
      %select_n3A_450 = arith.select %ge3A_446, %rev3A_445, %masked_sort3A_328 : vector<16xi1>, vector<16xf32>
      %masked_sort3A_451 = arith.constant dense<true> : vector<16xi1>
      %masked_sort3A_452, %masked_sort3A_453, %masked_sort3A_454 = tpu.sort %select_n3A_447, %select_n3A_449 masked %masked_sort3A_451 {descending = true} : (vector<16xf32>, vector<16xf32>, vector<16xi1>) -> (vector<16xi1>, vector<16xf32>, vector<16xf32>)
      %masked_sort3A_455 = arith.constant dense<true> : vector<16xi1>
      %masked_sort3A_456, %masked_sort3A_457, %masked_sort3A_458 = tpu.sort %select_n3A_448, %select_n3A_450 masked %masked_sort3A_455 {descending = true} : (vector<16xf32>, vector<16xf32>, vector<16xi1>) -> (vector<16xi1>, vector<16xf32>, vector<16xf32>)
      %rev3A_459 = arith.constant 15 : i32
      %rev3A_460 = vector.broadcast %rev3A_459 : i32 to vector<16xi32>
      %rev3A_461 = tpu.iota {dimensions = array<i32: 0>} : vector<16xi32>
      %rev3A_462 = arith.subi %rev3A_460, %rev3A_461 : vector<16xi32>
      %rev3A_463 = tpu.dynamic_gather %masked_sort3A_339[%rev3A_462] in [0] : vector<16xf32>, vector<16xi32> -> vector<16xf32>
      %rev3A_464 = arith.constant 15 : i32
      %rev3A_465 = vector.broadcast %rev3A_464 : i32 to vector<16xi32>
      %rev3A_466 = tpu.iota {dimensions = array<i32: 0>} : vector<16xi32>
      %rev3A_467 = arith.subi %rev3A_465, %rev3A_466 : vector<16xi32>
      %rev3A_468 = tpu.dynamic_gather %masked_sort3A_340[%rev3A_467] in [0] : vector<16xf32>, vector<16xi32> -> vector<16xf32>
      %ge3A_469 = arith.cmpf oge, %masked_sort3A_335, %rev3A_463 : vector<16xf32>
      %select_n3A_470 = arith.select %ge3A_469, %masked_sort3A_335, %rev3A_463 : vector<16xi1>, vector<16xf32>
      %select_n3A_471 = arith.select %ge3A_469, %rev3A_463, %masked_sort3A_335 : vector<16xi1>, vector<16xf32>
      %select_n3A_472 = arith.select %ge3A_469, %masked_sort3A_336, %rev3A_468 : vector<16xi1>, vector<16xf32>
      %select_n3A_473 = arith.select %ge3A_469, %rev3A_468, %masked_sort3A_336 : vector<16xi1>, vector<16xf32>
      %masked_sort3A_474 = arith.constant dense<true> : vector<16xi1>
      %masked_sort3A_475, %masked_sort3A_476, %masked_sort3A_477 = tpu.sort %select_n3A_470, %select_n3A_472 masked %masked_sort3A_474 {descending = true} : (vector<16xf32>, vector<16xf32>, vector<16xi1>) -> (vector<16xi1>, vector<16xf32>, vector<16xf32>)
      %masked_sort3A_478 = arith.constant dense<true> : vector<16xi1>
      %masked_sort3A_479, %masked_sort3A_480, %masked_sort3A_481 = tpu.sort %select_n3A_471, %select_n3A_473 masked %masked_sort3A_478 {descending = true} : (vector<16xf32>, vector<16xf32>, vector<16xi1>) -> (vector<16xi1>, vector<16xf32>, vector<16xf32>)
      %rev3A_482 = arith.constant 15 : i32
      %rev3A_483 = vector.broadcast %rev3A_482 : i32 to vector<16xi32>
      %rev3A_484 = tpu.iota {dimensions = array<i32: 0>} : vector<16xi32>
      %rev3A_485 = arith.subi %rev3A_483, %rev3A_484 : vector<16xi32>
      %rev3A_486 = tpu.dynamic_gather %masked_sort3A_388[%rev3A_485] in [0] : vector<16xf32>, vector<16xi32> -> vector<16xf32>
      %rev3A_487 = arith.constant 15 : i32
      %rev3A_488 = vector.broadcast %rev3A_487 : i32 to vector<16xi32>
      %rev3A_489 = tpu.iota {dimensions = array<i32: 0>} : vector<16xi32>
      %rev3A_490 = arith.subi %rev3A_488, %rev3A_489 : vector<16xi32>
      %rev3A_491 = tpu.dynamic_gather %masked_sort3A_384[%rev3A_490] in [0] : vector<16xf32>, vector<16xi32> -> vector<16xf32>
      %rev3A_492 = arith.constant 15 : i32
      %rev3A_493 = vector.broadcast %rev3A_492 : i32 to vector<16xi32>
      %rev3A_494 = tpu.iota {dimensions = array<i32: 0>} : vector<16xi32>
      %rev3A_495 = arith.subi %rev3A_493, %rev3A_494 : vector<16xi32>
      %rev3A_496 = tpu.dynamic_gather %masked_sort3A_389[%rev3A_495] in [0] : vector<16xf32>, vector<16xi32> -> vector<16xf32>
      %rev3A_497 = arith.constant 15 : i32
      %rev3A_498 = vector.broadcast %rev3A_497 : i32 to vector<16xi32>
      %rev3A_499 = tpu.iota {dimensions = array<i32: 0>} : vector<16xi32>
      %rev3A_500 = arith.subi %rev3A_498, %rev3A_499 : vector<16xi32>
      %rev3A_501 = tpu.dynamic_gather %masked_sort3A_385[%rev3A_500] in [0] : vector<16xf32>, vector<16xi32> -> vector<16xf32>
      %ge3A_502 = arith.cmpf oge, %masked_sort3A_361, %rev3A_486 : vector<16xf32>
      %select_n3A_503 = arith.select %ge3A_502, %masked_sort3A_361, %rev3A_486 : vector<16xi1>, vector<16xf32>
      %select_n3A_504 = arith.select %ge3A_502, %rev3A_486, %masked_sort3A_361 : vector<16xi1>, vector<16xf32>
      %select_n3A_505 = arith.select %ge3A_502, %masked_sort3A_362, %rev3A_496 : vector<16xi1>, vector<16xf32>
      %select_n3A_506 = arith.select %ge3A_502, %rev3A_496, %masked_sort3A_362 : vector<16xi1>, vector<16xf32>
      %ge3A_507 = arith.cmpf oge, %masked_sort3A_365, %rev3A_491 : vector<16xf32>
      %select_n3A_508 = arith.select %ge3A_507, %masked_sort3A_365, %rev3A_491 : vector<16xi1>, vector<16xf32>
      %select_n3A_509 = arith.select %ge3A_507, %rev3A_491, %masked_sort3A_365 : vector<16xi1>, vector<16xf32>
      %select_n3A_510 = arith.select %ge3A_507, %masked_sort3A_366, %rev3A_501 : vector<16xi1>, vector<16xf32>
      %select_n3A_511 = arith.select %ge3A_507, %rev3A_501, %masked_sort3A_366 : vector<16xi1>, vector<16xf32>
      %ge3A_512 = arith.cmpf oge, %select_n3A_503, %select_n3A_508 : vector<16xf32>
      %select_n3A_513 = arith.select %ge3A_512, %select_n3A_503, %select_n3A_508 : vector<16xi1>, vector<16xf32>
      %select_n3A_514 = arith.select %ge3A_512, %select_n3A_508, %select_n3A_503 : vector<16xi1>, vector<16xf32>
      %select_n3A_515 = arith.select %ge3A_512, %select_n3A_505, %select_n3A_510 : vector<16xi1>, vector<16xf32>
      %select_n3A_516 = arith.select %ge3A_512, %select_n3A_510, %select_n3A_505 : vector<16xi1>, vector<16xf32>
      %ge3A_517 = arith.cmpf oge, %select_n3A_504, %select_n3A_509 : vector<16xf32>
      %select_n3A_518 = arith.select %ge3A_517, %select_n3A_504, %select_n3A_509 : vector<16xi1>, vector<16xf32>
      %select_n3A_519 = arith.select %ge3A_517, %select_n3A_509, %select_n3A_504 : vector<16xi1>, vector<16xf32>
      %select_n3A_520 = arith.select %ge3A_517, %select_n3A_506, %select_n3A_511 : vector<16xi1>, vector<16xf32>
      %select_n3A_521 = arith.select %ge3A_517, %select_n3A_511, %select_n3A_506 : vector<16xi1>, vector<16xf32>
      %masked_sort3A_522 = arith.constant dense<true> : vector<16xi1>
      %masked_sort3A_523, %masked_sort3A_524, %masked_sort3A_525 = tpu.sort %select_n3A_513, %select_n3A_515 masked %masked_sort3A_522 {descending = true} : (vector<16xf32>, vector<16xf32>, vector<16xi1>) -> (vector<16xi1>, vector<16xf32>, vector<16xf32>)
      %masked_sort3A_526 = arith.constant dense<true> : vector<16xi1>
      %masked_sort3A_527, %masked_sort3A_528, %masked_sort3A_529 = tpu.sort %select_n3A_514, %select_n3A_516 masked %masked_sort3A_526 {descending = true} : (vector<16xf32>, vector<16xf32>, vector<16xi1>) -> (vector<16xi1>, vector<16xf32>, vector<16xf32>)
      %masked_sort3A_530 = arith.constant dense<true> : vector<16xi1>
      %masked_sort3A_531, %masked_sort3A_532, %masked_sort3A_533 = tpu.sort %select_n3A_518, %select_n3A_520 masked %masked_sort3A_530 {descending = true} : (vector<16xf32>, vector<16xf32>, vector<16xi1>) -> (vector<16xi1>, vector<16xf32>, vector<16xf32>)
      %masked_sort3A_534 = arith.constant dense<true> : vector<16xi1>
      %masked_sort3A_535, %masked_sort3A_536, %masked_sort3A_537 = tpu.sort %select_n3A_519, %select_n3A_521 masked %masked_sort3A_534 {descending = true} : (vector<16xf32>, vector<16xf32>, vector<16xi1>) -> (vector<16xi1>, vector<16xf32>, vector<16xf32>)
      %rev3A_538 = arith.constant 15 : i32
      %rev3A_539 = vector.broadcast %rev3A_538 : i32 to vector<16xi32>
      %rev3A_540 = tpu.iota {dimensions = array<i32: 0>} : vector<16xi32>
      %rev3A_541 = arith.subi %rev3A_539, %rev3A_540 : vector<16xi32>
      %rev3A_542 = tpu.dynamic_gather %masked_sort3A_434[%rev3A_541] in [0] : vector<16xf32>, vector<16xi32> -> vector<16xf32>
      %rev3A_543 = arith.constant 15 : i32
      %rev3A_544 = vector.broadcast %rev3A_543 : i32 to vector<16xi32>
      %rev3A_545 = tpu.iota {dimensions = array<i32: 0>} : vector<16xi32>
      %rev3A_546 = arith.subi %rev3A_544, %rev3A_545 : vector<16xi32>
      %rev3A_547 = tpu.dynamic_gather %masked_sort3A_430[%rev3A_546] in [0] : vector<16xf32>, vector<16xi32> -> vector<16xf32>
      %rev3A_548 = arith.constant 15 : i32
      %rev3A_549 = vector.broadcast %rev3A_548 : i32 to vector<16xi32>
      %rev3A_550 = tpu.iota {dimensions = array<i32: 0>} : vector<16xi32>
      %rev3A_551 = arith.subi %rev3A_549, %rev3A_550 : vector<16xi32>
      %rev3A_552 = tpu.dynamic_gather %masked_sort3A_435[%rev3A_551] in [0] : vector<16xf32>, vector<16xi32> -> vector<16xf32>
      %rev3A_553 = arith.constant 15 : i32
      %rev3A_554 = vector.broadcast %rev3A_553 : i32 to vector<16xi32>
      %rev3A_555 = tpu.iota {dimensions = array<i32: 0>} : vector<16xi32>
      %rev3A_556 = arith.subi %rev3A_554, %rev3A_555 : vector<16xi32>
      %rev3A_557 = tpu.dynamic_gather %masked_sort3A_431[%rev3A_556] in [0] : vector<16xf32>, vector<16xi32> -> vector<16xf32>
      %ge3A_558 = arith.cmpf oge, %masked_sort3A_407, %rev3A_542 : vector<16xf32>
      %select_n3A_559 = arith.select %ge3A_558, %masked_sort3A_407, %rev3A_542 : vector<16xi1>, vector<16xf32>
      %select_n3A_560 = arith.select %ge3A_558, %rev3A_542, %masked_sort3A_407 : vector<16xi1>, vector<16xf32>
      %select_n3A_561 = arith.select %ge3A_558, %masked_sort3A_408, %rev3A_552 : vector<16xi1>, vector<16xf32>
      %select_n3A_562 = arith.select %ge3A_558, %rev3A_552, %masked_sort3A_408 : vector<16xi1>, vector<16xf32>
      %ge3A_563 = arith.cmpf oge, %masked_sort3A_411, %rev3A_547 : vector<16xf32>
      %select_n3A_564 = arith.select %ge3A_563, %masked_sort3A_411, %rev3A_547 : vector<16xi1>, vector<16xf32>
      %select_n3A_565 = arith.select %ge3A_563, %rev3A_547, %masked_sort3A_411 : vector<16xi1>, vector<16xf32>
      %select_n3A_566 = arith.select %ge3A_563, %masked_sort3A_412, %rev3A_557 : vector<16xi1>, vector<16xf32>
      %select_n3A_567 = arith.select %ge3A_563, %rev3A_557, %masked_sort3A_412 : vector<16xi1>, vector<16xf32>
      %ge3A_568 = arith.cmpf oge, %select_n3A_559, %select_n3A_564 : vector<16xf32>
      %select_n3A_569 = arith.select %ge3A_568, %select_n3A_559, %select_n3A_564 : vector<16xi1>, vector<16xf32>
      %select_n3A_570 = arith.select %ge3A_568, %select_n3A_564, %select_n3A_559 : vector<16xi1>, vector<16xf32>
      %select_n3A_571 = arith.select %ge3A_568, %select_n3A_561, %select_n3A_566 : vector<16xi1>, vector<16xf32>
      %select_n3A_572 = arith.select %ge3A_568, %select_n3A_566, %select_n3A_561 : vector<16xi1>, vector<16xf32>
      %ge3A_573 = arith.cmpf oge, %select_n3A_560, %select_n3A_565 : vector<16xf32>
      %select_n3A_574 = arith.select %ge3A_573, %select_n3A_560, %select_n3A_565 : vector<16xi1>, vector<16xf32>
      %select_n3A_575 = arith.select %ge3A_573, %select_n3A_565, %select_n3A_560 : vector<16xi1>, vector<16xf32>
      %select_n3A_576 = arith.select %ge3A_573, %select_n3A_562, %select_n3A_567 : vector<16xi1>, vector<16xf32>
      %select_n3A_577 = arith.select %ge3A_573, %select_n3A_567, %select_n3A_562 : vector<16xi1>, vector<16xf32>
      %masked_sort3A_578 = arith.constant dense<true> : vector<16xi1>
      %masked_sort3A_579, %masked_sort3A_580, %masked_sort3A_581 = tpu.sort %select_n3A_569, %select_n3A_571 masked %masked_sort3A_578 {descending = true} : (vector<16xf32>, vector<16xf32>, vector<16xi1>) -> (vector<16xi1>, vector<16xf32>, vector<16xf32>)
      %masked_sort3A_582 = arith.constant dense<true> : vector<16xi1>
      %masked_sort3A_583, %masked_sort3A_584, %masked_sort3A_585 = tpu.sort %select_n3A_570, %select_n3A_572 masked %masked_sort3A_582 {descending = true} : (vector<16xf32>, vector<16xf32>, vector<16xi1>) -> (vector<16xi1>, vector<16xf32>, vector<16xf32>)
      %masked_sort3A_586 = arith.constant dense<true> : vector<16xi1>
      %masked_sort3A_587, %masked_sort3A_588, %masked_sort3A_589 = tpu.sort %select_n3A_574, %select_n3A_576 masked %masked_sort3A_586 {descending = true} : (vector<16xf32>, vector<16xf32>, vector<16xi1>) -> (vector<16xi1>, vector<16xf32>, vector<16xf32>)
      %masked_sort3A_590 = arith.constant dense<true> : vector<16xi1>
      %masked_sort3A_591, %masked_sort3A_592, %masked_sort3A_593 = tpu.sort %select_n3A_575, %select_n3A_577 masked %masked_sort3A_590 {descending = true} : (vector<16xf32>, vector<16xf32>, vector<16xi1>) -> (vector<16xi1>, vector<16xf32>, vector<16xf32>)
      %rev3A_594 = arith.constant 15 : i32
      %rev3A_595 = vector.broadcast %rev3A_594 : i32 to vector<16xi32>
      %rev3A_596 = tpu.iota {dimensions = array<i32: 0>} : vector<16xi32>
      %rev3A_597 = arith.subi %rev3A_595, %rev3A_596 : vector<16xi32>
      %rev3A_598 = tpu.dynamic_gather %masked_sort3A_480[%rev3A_597] in [0] : vector<16xf32>, vector<16xi32> -> vector<16xf32>
      %rev3A_599 = arith.constant 15 : i32
      %rev3A_600 = vector.broadcast %rev3A_599 : i32 to vector<16xi32>
      %rev3A_601 = tpu.iota {dimensions = array<i32: 0>} : vector<16xi32>
      %rev3A_602 = arith.subi %rev3A_600, %rev3A_601 : vector<16xi32>
      %rev3A_603 = tpu.dynamic_gather %masked_sort3A_476[%rev3A_602] in [0] : vector<16xf32>, vector<16xi32> -> vector<16xf32>
      %rev3A_604 = arith.constant 15 : i32
      %rev3A_605 = vector.broadcast %rev3A_604 : i32 to vector<16xi32>
      %rev3A_606 = tpu.iota {dimensions = array<i32: 0>} : vector<16xi32>
      %rev3A_607 = arith.subi %rev3A_605, %rev3A_606 : vector<16xi32>
      %rev3A_608 = tpu.dynamic_gather %masked_sort3A_481[%rev3A_607] in [0] : vector<16xf32>, vector<16xi32> -> vector<16xf32>
      %rev3A_609 = arith.constant 15 : i32
      %rev3A_610 = vector.broadcast %rev3A_609 : i32 to vector<16xi32>
      %rev3A_611 = tpu.iota {dimensions = array<i32: 0>} : vector<16xi32>
      %rev3A_612 = arith.subi %rev3A_610, %rev3A_611 : vector<16xi32>
      %rev3A_613 = tpu.dynamic_gather %masked_sort3A_477[%rev3A_612] in [0] : vector<16xf32>, vector<16xi32> -> vector<16xf32>
      %ge3A_614 = arith.cmpf oge, %masked_sort3A_453, %rev3A_598 : vector<16xf32>
      %select_n3A_615 = arith.select %ge3A_614, %masked_sort3A_453, %rev3A_598 : vector<16xi1>, vector<16xf32>
      %select_n3A_616 = arith.select %ge3A_614, %rev3A_598, %masked_sort3A_453 : vector<16xi1>, vector<16xf32>
      %select_n3A_617 = arith.select %ge3A_614, %masked_sort3A_454, %rev3A_608 : vector<16xi1>, vector<16xf32>
      %select_n3A_618 = arith.select %ge3A_614, %rev3A_608, %masked_sort3A_454 : vector<16xi1>, vector<16xf32>
      %ge3A_619 = arith.cmpf oge, %masked_sort3A_457, %rev3A_603 : vector<16xf32>
      %select_n3A_620 = arith.select %ge3A_619, %masked_sort3A_457, %rev3A_603 : vector<16xi1>, vector<16xf32>
      %select_n3A_621 = arith.select %ge3A_619, %rev3A_603, %masked_sort3A_457 : vector<16xi1>, vector<16xf32>
      %select_n3A_622 = arith.select %ge3A_619, %masked_sort3A_458, %rev3A_613 : vector<16xi1>, vector<16xf32>
      %select_n3A_623 = arith.select %ge3A_619, %rev3A_613, %masked_sort3A_458 : vector<16xi1>, vector<16xf32>
      %ge3A_624 = arith.cmpf oge, %select_n3A_615, %select_n3A_620 : vector<16xf32>
      %select_n3A_625 = arith.select %ge3A_624, %select_n3A_615, %select_n3A_620 : vector<16xi1>, vector<16xf32>
      %select_n3A_626 = arith.select %ge3A_624, %select_n3A_620, %select_n3A_615 : vector<16xi1>, vector<16xf32>
      %select_n3A_627 = arith.select %ge3A_624, %select_n3A_617, %select_n3A_622 : vector<16xi1>, vector<16xf32>
      %select_n3A_628 = arith.select %ge3A_624, %select_n3A_622, %select_n3A_617 : vector<16xi1>, vector<16xf32>
      %ge3A_629 = arith.cmpf oge, %select_n3A_616, %select_n3A_621 : vector<16xf32>
      %select_n3A_630 = arith.select %ge3A_629, %select_n3A_616, %select_n3A_621 : vector<16xi1>, vector<16xf32>
      %select_n3A_631 = arith.select %ge3A_629, %select_n3A_621, %select_n3A_616 : vector<16xi1>, vector<16xf32>
      %select_n3A_632 = arith.select %ge3A_629, %select_n3A_618, %select_n3A_623 : vector<16xi1>, vector<16xf32>
      %select_n3A_633 = arith.select %ge3A_629, %select_n3A_623, %select_n3A_618 : vector<16xi1>, vector<16xf32>
      %masked_sort3A_634 = arith.constant dense<true> : vector<16xi1>
      %masked_sort3A_635, %masked_sort3A_636, %masked_sort3A_637 = tpu.sort %select_n3A_625, %select_n3A_627 masked %masked_sort3A_634 {descending = true} : (vector<16xf32>, vector<16xf32>, vector<16xi1>) -> (vector<16xi1>, vector<16xf32>, vector<16xf32>)
      %masked_sort3A_638 = arith.constant dense<true> : vector<16xi1>
      %masked_sort3A_639, %masked_sort3A_640, %masked_sort3A_641 = tpu.sort %select_n3A_626, %select_n3A_628 masked %masked_sort3A_638 {descending = true} : (vector<16xf32>, vector<16xf32>, vector<16xi1>) -> (vector<16xi1>, vector<16xf32>, vector<16xf32>)
      %masked_sort3A_642 = arith.constant dense<true> : vector<16xi1>
      %masked_sort3A_643, %masked_sort3A_644, %masked_sort3A_645 = tpu.sort %select_n3A_630, %select_n3A_632 masked %masked_sort3A_642 {descending = true} : (vector<16xf32>, vector<16xf32>, vector<16xi1>) -> (vector<16xi1>, vector<16xf32>, vector<16xf32>)
      %masked_sort3A_646 = arith.constant dense<true> : vector<16xi1>
      %masked_sort3A_647, %masked_sort3A_648, %masked_sort3A_649 = tpu.sort %select_n3A_631, %select_n3A_633 masked %masked_sort3A_646 {descending = true} : (vector<16xf32>, vector<16xf32>, vector<16xi1>) -> (vector<16xi1>, vector<16xf32>, vector<16xf32>)
      %rev3A_650 = arith.constant 15 : i32
      %rev3A_651 = vector.broadcast %rev3A_650 : i32 to vector<16xi32>
      %rev3A_652 = tpu.iota {dimensions = array<i32: 0>} : vector<16xi32>
      %rev3A_653 = arith.subi %rev3A_651, %rev3A_652 : vector<16xi32>
      %rev3A_654 = tpu.dynamic_gather %masked_sort3A_592[%rev3A_653] in [0] : vector<16xf32>, vector<16xi32> -> vector<16xf32>
      %rev3A_655 = arith.constant 15 : i32
      %rev3A_656 = vector.broadcast %rev3A_655 : i32 to vector<16xi32>
      %rev3A_657 = tpu.iota {dimensions = array<i32: 0>} : vector<16xi32>
      %rev3A_658 = arith.subi %rev3A_656, %rev3A_657 : vector<16xi32>
      %rev3A_659 = tpu.dynamic_gather %masked_sort3A_588[%rev3A_658] in [0] : vector<16xf32>, vector<16xi32> -> vector<16xf32>
      %rev3A_660 = arith.constant 15 : i32
      %rev3A_661 = vector.broadcast %rev3A_660 : i32 to vector<16xi32>
      %rev3A_662 = tpu.iota {dimensions = array<i32: 0>} : vector<16xi32>
      %rev3A_663 = arith.subi %rev3A_661, %rev3A_662 : vector<16xi32>
      %rev3A_664 = tpu.dynamic_gather %masked_sort3A_584[%rev3A_663] in [0] : vector<16xf32>, vector<16xi32> -> vector<16xf32>
      %rev3A_665 = arith.constant 15 : i32
      %rev3A_666 = vector.broadcast %rev3A_665 : i32 to vector<16xi32>
      %rev3A_667 = tpu.iota {dimensions = array<i32: 0>} : vector<16xi32>
      %rev3A_668 = arith.subi %rev3A_666, %rev3A_667 : vector<16xi32>
      %rev3A_669 = tpu.dynamic_gather %masked_sort3A_580[%rev3A_668] in [0] : vector<16xf32>, vector<16xi32> -> vector<16xf32>
      %rev3A_670 = arith.constant 15 : i32
      %rev3A_671 = vector.broadcast %rev3A_670 : i32 to vector<16xi32>
      %rev3A_672 = tpu.iota {dimensions = array<i32: 0>} : vector<16xi32>
      %rev3A_673 = arith.subi %rev3A_671, %rev3A_672 : vector<16xi32>
      %rev3A_674 = tpu.dynamic_gather %masked_sort3A_593[%rev3A_673] in [0] : vector<16xf32>, vector<16xi32> -> vector<16xf32>
      %rev3A_675 = arith.constant 15 : i32
      %rev3A_676 = vector.broadcast %rev3A_675 : i32 to vector<16xi32>
      %rev3A_677 = tpu.iota {dimensions = array<i32: 0>} : vector<16xi32>
      %rev3A_678 = arith.subi %rev3A_676, %rev3A_677 : vector<16xi32>
      %rev3A_679 = tpu.dynamic_gather %masked_sort3A_589[%rev3A_678] in [0] : vector<16xf32>, vector<16xi32> -> vector<16xf32>
      %rev3A_680 = arith.constant 15 : i32
      %rev3A_681 = vector.broadcast %rev3A_680 : i32 to vector<16xi32>
      %rev3A_682 = tpu.iota {dimensions = array<i32: 0>} : vector<16xi32>
      %rev3A_683 = arith.subi %rev3A_681, %rev3A_682 : vector<16xi32>
      %rev3A_684 = tpu.dynamic_gather %masked_sort3A_585[%rev3A_683] in [0] : vector<16xf32>, vector<16xi32> -> vector<16xf32>
      %rev3A_685 = arith.constant 15 : i32
      %rev3A_686 = vector.broadcast %rev3A_685 : i32 to vector<16xi32>
      %rev3A_687 = tpu.iota {dimensions = array<i32: 0>} : vector<16xi32>
      %rev3A_688 = arith.subi %rev3A_686, %rev3A_687 : vector<16xi32>
      %rev3A_689 = tpu.dynamic_gather %masked_sort3A_581[%rev3A_688] in [0] : vector<16xf32>, vector<16xi32> -> vector<16xf32>
      %ge3A_690 = arith.cmpf oge, %masked_sort3A_524, %rev3A_654 : vector<16xf32>
      %select_n3A_691 = arith.select %ge3A_690, %masked_sort3A_524, %rev3A_654 : vector<16xi1>, vector<16xf32>
      %select_n3A_692 = arith.select %ge3A_690, %rev3A_654, %masked_sort3A_524 : vector<16xi1>, vector<16xf32>
      %select_n3A_693 = arith.select %ge3A_690, %masked_sort3A_525, %rev3A_674 : vector<16xi1>, vector<16xf32>
      %select_n3A_694 = arith.select %ge3A_690, %rev3A_674, %masked_sort3A_525 : vector<16xi1>, vector<16xf32>
      %ge3A_695 = arith.cmpf oge, %masked_sort3A_528, %rev3A_659 : vector<16xf32>
      %select_n3A_696 = arith.select %ge3A_695, %masked_sort3A_528, %rev3A_659 : vector<16xi1>, vector<16xf32>
      %select_n3A_697 = arith.select %ge3A_695, %rev3A_659, %masked_sort3A_528 : vector<16xi1>, vector<16xf32>
      %select_n3A_698 = arith.select %ge3A_695, %masked_sort3A_529, %rev3A_679 : vector<16xi1>, vector<16xf32>
      %select_n3A_699 = arith.select %ge3A_695, %rev3A_679, %masked_sort3A_529 : vector<16xi1>, vector<16xf32>
      %ge3A_700 = arith.cmpf oge, %masked_sort3A_532, %rev3A_664 : vector<16xf32>
      %select_n3A_701 = arith.select %ge3A_700, %masked_sort3A_532, %rev3A_664 : vector<16xi1>, vector<16xf32>
      %select_n3A_702 = arith.select %ge3A_700, %rev3A_664, %masked_sort3A_532 : vector<16xi1>, vector<16xf32>
      %select_n3A_703 = arith.select %ge3A_700, %masked_sort3A_533, %rev3A_684 : vector<16xi1>, vector<16xf32>
      %select_n3A_704 = arith.select %ge3A_700, %rev3A_684, %masked_sort3A_533 : vector<16xi1>, vector<16xf32>
      %ge3A_705 = arith.cmpf oge, %masked_sort3A_536, %rev3A_669 : vector<16xf32>
      %select_n3A_706 = arith.select %ge3A_705, %masked_sort3A_536, %rev3A_669 : vector<16xi1>, vector<16xf32>
      %select_n3A_707 = arith.select %ge3A_705, %rev3A_669, %masked_sort3A_536 : vector<16xi1>, vector<16xf32>
      %select_n3A_708 = arith.select %ge3A_705, %masked_sort3A_537, %rev3A_689 : vector<16xi1>, vector<16xf32>
      %select_n3A_709 = arith.select %ge3A_705, %rev3A_689, %masked_sort3A_537 : vector<16xi1>, vector<16xf32>
      %ge3A_710 = arith.cmpf oge, %select_n3A_691, %select_n3A_701 : vector<16xf32>
      %select_n3A_711 = arith.select %ge3A_710, %select_n3A_691, %select_n3A_701 : vector<16xi1>, vector<16xf32>
      %select_n3A_712 = arith.select %ge3A_710, %select_n3A_701, %select_n3A_691 : vector<16xi1>, vector<16xf32>
      %select_n3A_713 = arith.select %ge3A_710, %select_n3A_693, %select_n3A_703 : vector<16xi1>, vector<16xf32>
      %select_n3A_714 = arith.select %ge3A_710, %select_n3A_703, %select_n3A_693 : vector<16xi1>, vector<16xf32>
      %ge3A_715 = arith.cmpf oge, %select_n3A_696, %select_n3A_706 : vector<16xf32>
      %select_n3A_716 = arith.select %ge3A_715, %select_n3A_696, %select_n3A_706 : vector<16xi1>, vector<16xf32>
      %select_n3A_717 = arith.select %ge3A_715, %select_n3A_706, %select_n3A_696 : vector<16xi1>, vector<16xf32>
      %select_n3A_718 = arith.select %ge3A_715, %select_n3A_698, %select_n3A_708 : vector<16xi1>, vector<16xf32>
      %select_n3A_719 = arith.select %ge3A_715, %select_n3A_708, %select_n3A_698 : vector<16xi1>, vector<16xf32>
      %ge3A_720 = arith.cmpf oge, %select_n3A_692, %select_n3A_702 : vector<16xf32>
      %select_n3A_721 = arith.select %ge3A_720, %select_n3A_692, %select_n3A_702 : vector<16xi1>, vector<16xf32>
      %select_n3A_722 = arith.select %ge3A_720, %select_n3A_702, %select_n3A_692 : vector<16xi1>, vector<16xf32>
      %select_n3A_723 = arith.select %ge3A_720, %select_n3A_694, %select_n3A_704 : vector<16xi1>, vector<16xf32>
      %select_n3A_724 = arith.select %ge3A_720, %select_n3A_704, %select_n3A_694 : vector<16xi1>, vector<16xf32>
      %ge3A_725 = arith.cmpf oge, %select_n3A_697, %select_n3A_707 : vector<16xf32>
      %select_n3A_726 = arith.select %ge3A_725, %select_n3A_697, %select_n3A_707 : vector<16xi1>, vector<16xf32>
      %select_n3A_727 = arith.select %ge3A_725, %select_n3A_707, %select_n3A_697 : vector<16xi1>, vector<16xf32>
      %select_n3A_728 = arith.select %ge3A_725, %select_n3A_699, %select_n3A_709 : vector<16xi1>, vector<16xf32>
      %select_n3A_729 = arith.select %ge3A_725, %select_n3A_709, %select_n3A_699 : vector<16xi1>, vector<16xf32>
      %ge3A_730 = arith.cmpf oge, %select_n3A_711, %select_n3A_716 : vector<16xf32>
      %select_n3A_731 = arith.select %ge3A_730, %select_n3A_711, %select_n3A_716 : vector<16xi1>, vector<16xf32>
      %select_n3A_732 = arith.select %ge3A_730, %select_n3A_716, %select_n3A_711 : vector<16xi1>, vector<16xf32>
      %select_n3A_733 = arith.select %ge3A_730, %select_n3A_713, %select_n3A_718 : vector<16xi1>, vector<16xf32>
      %select_n3A_734 = arith.select %ge3A_730, %select_n3A_718, %select_n3A_713 : vector<16xi1>, vector<16xf32>
      %ge3A_735 = arith.cmpf oge, %select_n3A_712, %select_n3A_717 : vector<16xf32>
      %select_n3A_736 = arith.select %ge3A_735, %select_n3A_712, %select_n3A_717 : vector<16xi1>, vector<16xf32>
      %select_n3A_737 = arith.select %ge3A_735, %select_n3A_717, %select_n3A_712 : vector<16xi1>, vector<16xf32>
      %select_n3A_738 = arith.select %ge3A_735, %select_n3A_714, %select_n3A_719 : vector<16xi1>, vector<16xf32>
      %select_n3A_739 = arith.select %ge3A_735, %select_n3A_719, %select_n3A_714 : vector<16xi1>, vector<16xf32>
      %ge3A_740 = arith.cmpf oge, %select_n3A_721, %select_n3A_726 : vector<16xf32>
      %select_n3A_741 = arith.select %ge3A_740, %select_n3A_721, %select_n3A_726 : vector<16xi1>, vector<16xf32>
      %select_n3A_742 = arith.select %ge3A_740, %select_n3A_726, %select_n3A_721 : vector<16xi1>, vector<16xf32>
      %select_n3A_743 = arith.select %ge3A_740, %select_n3A_723, %select_n3A_728 : vector<16xi1>, vector<16xf32>
      %select_n3A_744 = arith.select %ge3A_740, %select_n3A_728, %select_n3A_723 : vector<16xi1>, vector<16xf32>
      %ge3A_745 = arith.cmpf oge, %select_n3A_722, %select_n3A_727 : vector<16xf32>
      %select_n3A_746 = arith.select %ge3A_745, %select_n3A_722, %select_n3A_727 : vector<16xi1>, vector<16xf32>
      %select_n3A_747 = arith.select %ge3A_745, %select_n3A_727, %select_n3A_722 : vector<16xi1>, vector<16xf32>
      %select_n3A_748 = arith.select %ge3A_745, %select_n3A_724, %select_n3A_729 : vector<16xi1>, vector<16xf32>
      %select_n3A_749 = arith.select %ge3A_745, %select_n3A_729, %select_n3A_724 : vector<16xi1>, vector<16xf32>
      %masked_sort3A_750 = arith.constant dense<true> : vector<16xi1>
      %masked_sort3A_751, %masked_sort3A_752, %masked_sort3A_753 = tpu.sort %select_n3A_731, %select_n3A_733 masked %masked_sort3A_750 {descending = true} : (vector<16xf32>, vector<16xf32>, vector<16xi1>) -> (vector<16xi1>, vector<16xf32>, vector<16xf32>)
      %masked_sort3A_754 = arith.constant dense<true> : vector<16xi1>
      %masked_sort3A_755, %masked_sort3A_756, %masked_sort3A_757 = tpu.sort %select_n3A_732, %select_n3A_734 masked %masked_sort3A_754 {descending = true} : (vector<16xf32>, vector<16xf32>, vector<16xi1>) -> (vector<16xi1>, vector<16xf32>, vector<16xf32>)
      %masked_sort3A_758 = arith.constant dense<true> : vector<16xi1>
      %masked_sort3A_759, %masked_sort3A_760, %masked_sort3A_761 = tpu.sort %select_n3A_736, %select_n3A_738 masked %masked_sort3A_758 {descending = true} : (vector<16xf32>, vector<16xf32>, vector<16xi1>) -> (vector<16xi1>, vector<16xf32>, vector<16xf32>)
      %masked_sort3A_762 = arith.constant dense<true> : vector<16xi1>
      %masked_sort3A_763, %masked_sort3A_764, %masked_sort3A_765 = tpu.sort %select_n3A_737, %select_n3A_739 masked %masked_sort3A_762 {descending = true} : (vector<16xf32>, vector<16xf32>, vector<16xi1>) -> (vector<16xi1>, vector<16xf32>, vector<16xf32>)
      %masked_sort3A_766 = arith.constant dense<true> : vector<16xi1>
      %masked_sort3A_767, %masked_sort3A_768, %masked_sort3A_769 = tpu.sort %select_n3A_741, %select_n3A_743 masked %masked_sort3A_766 {descending = true} : (vector<16xf32>, vector<16xf32>, vector<16xi1>) -> (vector<16xi1>, vector<16xf32>, vector<16xf32>)
      %masked_sort3A_770 = arith.constant dense<true> : vector<16xi1>
      %masked_sort3A_771, %masked_sort3A_772, %masked_sort3A_773 = tpu.sort %select_n3A_742, %select_n3A_744 masked %masked_sort3A_770 {descending = true} : (vector<16xf32>, vector<16xf32>, vector<16xi1>) -> (vector<16xi1>, vector<16xf32>, vector<16xf32>)
      %masked_sort3A_774 = arith.constant dense<true> : vector<16xi1>
      %masked_sort3A_775, %masked_sort3A_776, %masked_sort3A_777 = tpu.sort %select_n3A_746, %select_n3A_748 masked %masked_sort3A_774 {descending = true} : (vector<16xf32>, vector<16xf32>, vector<16xi1>) -> (vector<16xi1>, vector<16xf32>, vector<16xf32>)
      %masked_sort3A_778 = arith.constant dense<true> : vector<16xi1>
      %masked_sort3A_779, %masked_sort3A_780, %masked_sort3A_781 = tpu.sort %select_n3A_747, %select_n3A_749 masked %masked_sort3A_778 {descending = true} : (vector<16xf32>, vector<16xf32>, vector<16xi1>) -> (vector<16xi1>, vector<16xf32>, vector<16xf32>)
      %rev3A_782 = arith.constant 15 : i32
      %rev3A_783 = vector.broadcast %rev3A_782 : i32 to vector<16xi32>
      %rev3A_784 = tpu.iota {dimensions = array<i32: 0>} : vector<16xi32>
      %rev3A_785 = arith.subi %rev3A_783, %rev3A_784 : vector<16xi32>
      %rev3A_786 = tpu.dynamic_gather %masked_sort3A_343[%rev3A_785] in [0] : vector<16xf32>, vector<16xi32> -> vector<16xf32>
      %rev3A_787 = arith.constant 15 : i32
      %rev3A_788 = vector.broadcast %rev3A_787 : i32 to vector<16xi32>
      %rev3A_789 = tpu.iota {dimensions = array<i32: 0>} : vector<16xi32>
      %rev3A_790 = arith.subi %rev3A_788, %rev3A_789 : vector<16xi32>
      %rev3A_791 = tpu.dynamic_gather %masked_sort3A_344[%rev3A_790] in [0] : vector<16xf32>, vector<16xi32> -> vector<16xf32>
      %ge3A_792 = arith.cmpf oge, %masked_sort3A_648, %rev3A_786 : vector<16xf32>
      %select_n3A_793 = arith.select %ge3A_792, %masked_sort3A_648, %rev3A_786 : vector<16xi1>, vector<16xf32>
      %select_n3A_794 = arith.select %ge3A_792, %rev3A_786, %masked_sort3A_648 : vector<16xi1>, vector<16xf32>
      %select_n3A_795 = arith.select %ge3A_792, %masked_sort3A_649, %rev3A_791 : vector<16xi1>, vector<16xf32>
      %select_n3A_796 = arith.select %ge3A_792, %rev3A_791, %masked_sort3A_649 : vector<16xi1>, vector<16xf32>
      %ge3A_797 = arith.cmpf oge, %masked_sort3A_636, %masked_sort3A_644 : vector<16xf32>
      %select_n3A_798 = arith.select %ge3A_797, %masked_sort3A_636, %masked_sort3A_644 : vector<16xi1>, vector<16xf32>
      %select_n3A_799 = arith.select %ge3A_797, %masked_sort3A_644, %masked_sort3A_636 : vector<16xi1>, vector<16xf32>
      %select_n3A_800 = arith.select %ge3A_797, %masked_sort3A_637, %masked_sort3A_645 : vector<16xi1>, vector<16xf32>
      %select_n3A_801 = arith.select %ge3A_797, %masked_sort3A_645, %masked_sort3A_637 : vector<16xi1>, vector<16xf32>
      %ge3A_802 = arith.cmpf oge, %masked_sort3A_640, %select_n3A_793 : vector<16xf32>
      %select_n3A_803 = arith.select %ge3A_802, %masked_sort3A_640, %select_n3A_793 : vector<16xi1>, vector<16xf32>
      %select_n3A_804 = arith.select %ge3A_802, %select_n3A_793, %masked_sort3A_640 : vector<16xi1>, vector<16xf32>
      %select_n3A_805 = arith.select %ge3A_802, %masked_sort3A_641, %select_n3A_795 : vector<16xi1>, vector<16xf32>
      %select_n3A_806 = arith.select %ge3A_802, %select_n3A_795, %masked_sort3A_641 : vector<16xi1>, vector<16xf32>
      %ge3A_807 = arith.cmpf oge, %select_n3A_798, %select_n3A_803 : vector<16xf32>
      %select_n3A_808 = arith.select %ge3A_807, %select_n3A_798, %select_n3A_803 : vector<16xi1>, vector<16xf32>
      %select_n3A_809 = arith.select %ge3A_807, %select_n3A_803, %select_n3A_798 : vector<16xi1>, vector<16xf32>
      %select_n3A_810 = arith.select %ge3A_807, %select_n3A_800, %select_n3A_805 : vector<16xi1>, vector<16xf32>
      %select_n3A_811 = arith.select %ge3A_807, %select_n3A_805, %select_n3A_800 : vector<16xi1>, vector<16xf32>
      %ge3A_812 = arith.cmpf oge, %select_n3A_799, %select_n3A_804 : vector<16xf32>
      %select_n3A_813 = arith.select %ge3A_812, %select_n3A_799, %select_n3A_804 : vector<16xi1>, vector<16xf32>
      %select_n3A_814 = arith.select %ge3A_812, %select_n3A_804, %select_n3A_799 : vector<16xi1>, vector<16xf32>
      %select_n3A_815 = arith.select %ge3A_812, %select_n3A_801, %select_n3A_806 : vector<16xi1>, vector<16xf32>
      %select_n3A_816 = arith.select %ge3A_812, %select_n3A_806, %select_n3A_801 : vector<16xi1>, vector<16xf32>
      %masked_sort3A_817 = arith.constant dense<true> : vector<16xi1>
      %masked_sort3A_818, %masked_sort3A_819, %masked_sort3A_820 = tpu.sort %select_n3A_808, %select_n3A_810 masked %masked_sort3A_817 {descending = true} : (vector<16xf32>, vector<16xf32>, vector<16xi1>) -> (vector<16xi1>, vector<16xf32>, vector<16xf32>)
      %masked_sort3A_821 = arith.constant dense<true> : vector<16xi1>
      %masked_sort3A_822, %masked_sort3A_823, %masked_sort3A_824 = tpu.sort %select_n3A_809, %select_n3A_811 masked %masked_sort3A_821 {descending = true} : (vector<16xf32>, vector<16xf32>, vector<16xi1>) -> (vector<16xi1>, vector<16xf32>, vector<16xf32>)
      %masked_sort3A_825 = arith.constant dense<true> : vector<16xi1>
      %masked_sort3A_826, %masked_sort3A_827, %masked_sort3A_828 = tpu.sort %select_n3A_813, %select_n3A_815 masked %masked_sort3A_825 {descending = true} : (vector<16xf32>, vector<16xf32>, vector<16xi1>) -> (vector<16xi1>, vector<16xf32>, vector<16xf32>)
      %masked_sort3A_829 = arith.constant dense<true> : vector<16xi1>
      %masked_sort3A_830, %masked_sort3A_831, %masked_sort3A_832 = tpu.sort %select_n3A_814, %select_n3A_816 masked %masked_sort3A_829 {descending = true} : (vector<16xf32>, vector<16xf32>, vector<16xi1>) -> (vector<16xi1>, vector<16xf32>, vector<16xf32>)
      %masked_sort3A_833 = arith.constant dense<true> : vector<16xi1>
      %masked_sort3A_834, %masked_sort3A_835, %masked_sort3A_836 = tpu.sort %select_n3A_794, %select_n3A_796 masked %masked_sort3A_833 {descending = true} : (vector<16xf32>, vector<16xf32>, vector<16xi1>) -> (vector<16xi1>, vector<16xf32>, vector<16xf32>)
      %rev3A_837 = arith.constant 15 : i32
      %rev3A_838 = vector.broadcast %rev3A_837 : i32 to vector<16xi32>
      %rev3A_839 = tpu.iota {dimensions = array<i32: 0>} : vector<16xi32>
      %rev3A_840 = arith.subi %rev3A_838, %rev3A_839 : vector<16xi32>
      %rev3A_841 = tpu.dynamic_gather %masked_sort3A_835[%rev3A_840] in [0] : vector<16xf32>, vector<16xi32> -> vector<16xf32>
      %rev3A_842 = arith.constant 15 : i32
      %rev3A_843 = vector.broadcast %rev3A_842 : i32 to vector<16xi32>
      %rev3A_844 = tpu.iota {dimensions = array<i32: 0>} : vector<16xi32>
      %rev3A_845 = arith.subi %rev3A_843, %rev3A_844 : vector<16xi32>
      %rev3A_846 = tpu.dynamic_gather %masked_sort3A_831[%rev3A_845] in [0] : vector<16xf32>, vector<16xi32> -> vector<16xf32>
      %rev3A_847 = arith.constant 15 : i32
      %rev3A_848 = vector.broadcast %rev3A_847 : i32 to vector<16xi32>
      %rev3A_849 = tpu.iota {dimensions = array<i32: 0>} : vector<16xi32>
      %rev3A_850 = arith.subi %rev3A_848, %rev3A_849 : vector<16xi32>
      %rev3A_851 = tpu.dynamic_gather %masked_sort3A_827[%rev3A_850] in [0] : vector<16xf32>, vector<16xi32> -> vector<16xf32>
      %rev3A_852 = arith.constant 15 : i32
      %rev3A_853 = vector.broadcast %rev3A_852 : i32 to vector<16xi32>
      %rev3A_854 = tpu.iota {dimensions = array<i32: 0>} : vector<16xi32>
      %rev3A_855 = arith.subi %rev3A_853, %rev3A_854 : vector<16xi32>
      %rev3A_856 = tpu.dynamic_gather %masked_sort3A_823[%rev3A_855] in [0] : vector<16xf32>, vector<16xi32> -> vector<16xf32>
      %rev3A_857 = arith.constant 15 : i32
      %rev3A_858 = vector.broadcast %rev3A_857 : i32 to vector<16xi32>
      %rev3A_859 = tpu.iota {dimensions = array<i32: 0>} : vector<16xi32>
      %rev3A_860 = arith.subi %rev3A_858, %rev3A_859 : vector<16xi32>
      %rev3A_861 = tpu.dynamic_gather %masked_sort3A_819[%rev3A_860] in [0] : vector<16xf32>, vector<16xi32> -> vector<16xf32>
      %rev3A_862 = arith.constant 15 : i32
      %rev3A_863 = vector.broadcast %rev3A_862 : i32 to vector<16xi32>
      %rev3A_864 = tpu.iota {dimensions = array<i32: 0>} : vector<16xi32>
      %rev3A_865 = arith.subi %rev3A_863, %rev3A_864 : vector<16xi32>
      %rev3A_866 = tpu.dynamic_gather %masked_sort3A_836[%rev3A_865] in [0] : vector<16xf32>, vector<16xi32> -> vector<16xf32>
      %rev3A_867 = arith.constant 15 : i32
      %rev3A_868 = vector.broadcast %rev3A_867 : i32 to vector<16xi32>
      %rev3A_869 = tpu.iota {dimensions = array<i32: 0>} : vector<16xi32>
      %rev3A_870 = arith.subi %rev3A_868, %rev3A_869 : vector<16xi32>
      %rev3A_871 = tpu.dynamic_gather %masked_sort3A_832[%rev3A_870] in [0] : vector<16xf32>, vector<16xi32> -> vector<16xf32>
      %rev3A_872 = arith.constant 15 : i32
      %rev3A_873 = vector.broadcast %rev3A_872 : i32 to vector<16xi32>
      %rev3A_874 = tpu.iota {dimensions = array<i32: 0>} : vector<16xi32>
      %rev3A_875 = arith.subi %rev3A_873, %rev3A_874 : vector<16xi32>
      %rev3A_876 = tpu.dynamic_gather %masked_sort3A_828[%rev3A_875] in [0] : vector<16xf32>, vector<16xi32> -> vector<16xf32>
      %rev3A_877 = arith.constant 15 : i32
      %rev3A_878 = vector.broadcast %rev3A_877 : i32 to vector<16xi32>
      %rev3A_879 = tpu.iota {dimensions = array<i32: 0>} : vector<16xi32>
      %rev3A_880 = arith.subi %rev3A_878, %rev3A_879 : vector<16xi32>
      %rev3A_881 = tpu.dynamic_gather %masked_sort3A_824[%rev3A_880] in [0] : vector<16xf32>, vector<16xi32> -> vector<16xf32>
      %rev3A_882 = arith.constant 15 : i32
      %rev3A_883 = vector.broadcast %rev3A_882 : i32 to vector<16xi32>
      %rev3A_884 = tpu.iota {dimensions = array<i32: 0>} : vector<16xi32>
      %rev3A_885 = arith.subi %rev3A_883, %rev3A_884 : vector<16xi32>
      %rev3A_886 = tpu.dynamic_gather %masked_sort3A_820[%rev3A_885] in [0] : vector<16xf32>, vector<16xi32> -> vector<16xf32>
      %ge3A_887 = arith.cmpf oge, %masked_sort3A_764, %rev3A_841 : vector<16xf32>
      %select_n3A_888 = arith.select %ge3A_887, %masked_sort3A_764, %rev3A_841 : vector<16xi1>, vector<16xf32>
      %select_n3A_889 = arith.select %ge3A_887, %rev3A_841, %masked_sort3A_764 : vector<16xi1>, vector<16xf32>
      %select_n3A_890 = arith.select %ge3A_887, %masked_sort3A_765, %rev3A_866 : vector<16xi1>, vector<16xf32>
      %select_n3A_891 = arith.select %ge3A_887, %rev3A_866, %masked_sort3A_765 : vector<16xi1>, vector<16xf32>
      %ge3A_892 = arith.cmpf oge, %masked_sort3A_768, %rev3A_846 : vector<16xf32>
      %select_n3A_893 = arith.select %ge3A_892, %masked_sort3A_768, %rev3A_846 : vector<16xi1>, vector<16xf32>
      %select_n3A_894 = arith.select %ge3A_892, %rev3A_846, %masked_sort3A_768 : vector<16xi1>, vector<16xf32>
      %select_n3A_895 = arith.select %ge3A_892, %masked_sort3A_769, %rev3A_871 : vector<16xi1>, vector<16xf32>
      %select_n3A_896 = arith.select %ge3A_892, %rev3A_871, %masked_sort3A_769 : vector<16xi1>, vector<16xf32>
      %ge3A_897 = arith.cmpf oge, %masked_sort3A_772, %rev3A_851 : vector<16xf32>
      %select_n3A_898 = arith.select %ge3A_897, %masked_sort3A_772, %rev3A_851 : vector<16xi1>, vector<16xf32>
      %select_n3A_899 = arith.select %ge3A_897, %rev3A_851, %masked_sort3A_772 : vector<16xi1>, vector<16xf32>
      %select_n3A_900 = arith.select %ge3A_897, %masked_sort3A_773, %rev3A_876 : vector<16xi1>, vector<16xf32>
      %select_n3A_901 = arith.select %ge3A_897, %rev3A_876, %masked_sort3A_773 : vector<16xi1>, vector<16xf32>
      %ge3A_902 = arith.cmpf oge, %masked_sort3A_776, %rev3A_856 : vector<16xf32>
      %select_n3A_903 = arith.select %ge3A_902, %masked_sort3A_776, %rev3A_856 : vector<16xi1>, vector<16xf32>
      %select_n3A_904 = arith.select %ge3A_902, %rev3A_856, %masked_sort3A_776 : vector<16xi1>, vector<16xf32>
      %select_n3A_905 = arith.select %ge3A_902, %masked_sort3A_777, %rev3A_881 : vector<16xi1>, vector<16xf32>
      %select_n3A_906 = arith.select %ge3A_902, %rev3A_881, %masked_sort3A_777 : vector<16xi1>, vector<16xf32>
      %ge3A_907 = arith.cmpf oge, %masked_sort3A_780, %rev3A_861 : vector<16xf32>
      %select_n3A_908 = arith.select %ge3A_907, %masked_sort3A_780, %rev3A_861 : vector<16xi1>, vector<16xf32>
      %select_n3A_909 = arith.select %ge3A_907, %rev3A_861, %masked_sort3A_780 : vector<16xi1>, vector<16xf32>
      %select_n3A_910 = arith.select %ge3A_907, %masked_sort3A_781, %rev3A_886 : vector<16xi1>, vector<16xf32>
      %select_n3A_911 = arith.select %ge3A_907, %rev3A_886, %masked_sort3A_781 : vector<16xi1>, vector<16xf32>
      %ge3A_912 = arith.cmpf oge, %masked_sort3A_752, %select_n3A_893 : vector<16xf32>
      %select_n3A_913 = arith.select %ge3A_912, %masked_sort3A_752, %select_n3A_893 : vector<16xi1>, vector<16xf32>
      %select_n3A_914 = arith.select %ge3A_912, %select_n3A_893, %masked_sort3A_752 : vector<16xi1>, vector<16xf32>
      %select_n3A_915 = arith.select %ge3A_912, %masked_sort3A_753, %select_n3A_895 : vector<16xi1>, vector<16xf32>
      %select_n3A_916 = arith.select %ge3A_912, %select_n3A_895, %masked_sort3A_753 : vector<16xi1>, vector<16xf32>
      %ge3A_917 = arith.cmpf oge, %masked_sort3A_756, %select_n3A_898 : vector<16xf32>
      %select_n3A_918 = arith.select %ge3A_917, %masked_sort3A_756, %select_n3A_898 : vector<16xi1>, vector<16xf32>
      %select_n3A_919 = arith.select %ge3A_917, %select_n3A_898, %masked_sort3A_756 : vector<16xi1>, vector<16xf32>
      %select_n3A_920 = arith.select %ge3A_917, %masked_sort3A_757, %select_n3A_900 : vector<16xi1>, vector<16xf32>
      %select_n3A_921 = arith.select %ge3A_917, %select_n3A_900, %masked_sort3A_757 : vector<16xi1>, vector<16xf32>
      %ge3A_922 = arith.cmpf oge, %masked_sort3A_760, %select_n3A_903 : vector<16xf32>
      %select_n3A_923 = arith.select %ge3A_922, %masked_sort3A_760, %select_n3A_903 : vector<16xi1>, vector<16xf32>
      %select_n3A_924 = arith.select %ge3A_922, %select_n3A_903, %masked_sort3A_760 : vector<16xi1>, vector<16xf32>
      %select_n3A_925 = arith.select %ge3A_922, %masked_sort3A_761, %select_n3A_905 : vector<16xi1>, vector<16xf32>
      %select_n3A_926 = arith.select %ge3A_922, %select_n3A_905, %masked_sort3A_761 : vector<16xi1>, vector<16xf32>
      %ge3A_927 = arith.cmpf oge, %select_n3A_888, %select_n3A_908 : vector<16xf32>
      %select_n3A_928 = arith.select %ge3A_927, %select_n3A_888, %select_n3A_908 : vector<16xi1>, vector<16xf32>
      %select_n3A_929 = arith.select %ge3A_927, %select_n3A_908, %select_n3A_888 : vector<16xi1>, vector<16xf32>
      %select_n3A_930 = arith.select %ge3A_927, %select_n3A_890, %select_n3A_910 : vector<16xi1>, vector<16xf32>
      %select_n3A_931 = arith.select %ge3A_927, %select_n3A_910, %select_n3A_890 : vector<16xi1>, vector<16xf32>
      %ge3A_932 = arith.cmpf oge, %select_n3A_889, %select_n3A_909 : vector<16xf32>
      %select_n3A_933 = arith.select %ge3A_932, %select_n3A_889, %select_n3A_909 : vector<16xi1>, vector<16xf32>
      %select_n3A_934 = arith.select %ge3A_932, %select_n3A_909, %select_n3A_889 : vector<16xi1>, vector<16xf32>
      %select_n3A_935 = arith.select %ge3A_932, %select_n3A_891, %select_n3A_911 : vector<16xi1>, vector<16xf32>
      %select_n3A_936 = arith.select %ge3A_932, %select_n3A_911, %select_n3A_891 : vector<16xi1>, vector<16xf32>
      %ge3A_937 = arith.cmpf oge, %select_n3A_913, %select_n3A_923 : vector<16xf32>
      %select_n3A_938 = arith.select %ge3A_937, %select_n3A_913, %select_n3A_923 : vector<16xi1>, vector<16xf32>
      %select_n3A_939 = arith.select %ge3A_937, %select_n3A_923, %select_n3A_913 : vector<16xi1>, vector<16xf32>
      %select_n3A_940 = arith.select %ge3A_937, %select_n3A_915, %select_n3A_925 : vector<16xi1>, vector<16xf32>
      %select_n3A_941 = arith.select %ge3A_937, %select_n3A_925, %select_n3A_915 : vector<16xi1>, vector<16xf32>
      %ge3A_942 = arith.cmpf oge, %select_n3A_918, %select_n3A_928 : vector<16xf32>
      %select_n3A_943 = arith.select %ge3A_942, %select_n3A_918, %select_n3A_928 : vector<16xi1>, vector<16xf32>
      %select_n3A_944 = arith.select %ge3A_942, %select_n3A_928, %select_n3A_918 : vector<16xi1>, vector<16xf32>
      %select_n3A_945 = arith.select %ge3A_942, %select_n3A_920, %select_n3A_930 : vector<16xi1>, vector<16xf32>
      %select_n3A_946 = arith.select %ge3A_942, %select_n3A_930, %select_n3A_920 : vector<16xi1>, vector<16xf32>
      %ge3A_947 = arith.cmpf oge, %select_n3A_914, %select_n3A_924 : vector<16xf32>
      %select_n3A_948 = arith.select %ge3A_947, %select_n3A_914, %select_n3A_924 : vector<16xi1>, vector<16xf32>
      %select_n3A_949 = arith.select %ge3A_947, %select_n3A_924, %select_n3A_914 : vector<16xi1>, vector<16xf32>
      %select_n3A_950 = arith.select %ge3A_947, %select_n3A_916, %select_n3A_926 : vector<16xi1>, vector<16xf32>
      %select_n3A_951 = arith.select %ge3A_947, %select_n3A_926, %select_n3A_916 : vector<16xi1>, vector<16xf32>
      %ge3A_952 = arith.cmpf oge, %select_n3A_919, %select_n3A_929 : vector<16xf32>
      %select_n3A_953 = arith.select %ge3A_952, %select_n3A_919, %select_n3A_929 : vector<16xi1>, vector<16xf32>
      %select_n3A_954 = arith.select %ge3A_952, %select_n3A_929, %select_n3A_919 : vector<16xi1>, vector<16xf32>
      %select_n3A_955 = arith.select %ge3A_952, %select_n3A_921, %select_n3A_931 : vector<16xi1>, vector<16xf32>
      %select_n3A_956 = arith.select %ge3A_952, %select_n3A_931, %select_n3A_921 : vector<16xi1>, vector<16xf32>
      %ge3A_957 = arith.cmpf oge, %select_n3A_894, %select_n3A_904 : vector<16xf32>
      %select_n3A_958 = arith.select %ge3A_957, %select_n3A_894, %select_n3A_904 : vector<16xi1>, vector<16xf32>
      %select_n3A_959 = arith.select %ge3A_957, %select_n3A_904, %select_n3A_894 : vector<16xi1>, vector<16xf32>
      %select_n3A_960 = arith.select %ge3A_957, %select_n3A_896, %select_n3A_906 : vector<16xi1>, vector<16xf32>
      %select_n3A_961 = arith.select %ge3A_957, %select_n3A_906, %select_n3A_896 : vector<16xi1>, vector<16xf32>
      %ge3A_962 = arith.cmpf oge, %select_n3A_899, %select_n3A_933 : vector<16xf32>
      %select_n3A_963 = arith.select %ge3A_962, %select_n3A_899, %select_n3A_933 : vector<16xi1>, vector<16xf32>
      %select_n3A_964 = arith.select %ge3A_962, %select_n3A_933, %select_n3A_899 : vector<16xi1>, vector<16xf32>
      %select_n3A_965 = arith.select %ge3A_962, %select_n3A_901, %select_n3A_935 : vector<16xi1>, vector<16xf32>
      %select_n3A_966 = arith.select %ge3A_962, %select_n3A_935, %select_n3A_901 : vector<16xi1>, vector<16xf32>
      %ge3A_967 = arith.cmpf oge, %select_n3A_938, %select_n3A_943 : vector<16xf32>
      %select_n3A_968 = arith.select %ge3A_967, %select_n3A_938, %select_n3A_943 : vector<16xi1>, vector<16xf32>
      %select_n3A_969 = arith.select %ge3A_967, %select_n3A_943, %select_n3A_938 : vector<16xi1>, vector<16xf32>
      %select_n3A_970 = arith.select %ge3A_967, %select_n3A_940, %select_n3A_945 : vector<16xi1>, vector<16xf32>
      %select_n3A_971 = arith.select %ge3A_967, %select_n3A_945, %select_n3A_940 : vector<16xi1>, vector<16xf32>
      %ge3A_972 = arith.cmpf oge, %select_n3A_939, %select_n3A_944 : vector<16xf32>
      %select_n3A_973 = arith.select %ge3A_972, %select_n3A_939, %select_n3A_944 : vector<16xi1>, vector<16xf32>
      %select_n3A_974 = arith.select %ge3A_972, %select_n3A_944, %select_n3A_939 : vector<16xi1>, vector<16xf32>
      %select_n3A_975 = arith.select %ge3A_972, %select_n3A_941, %select_n3A_946 : vector<16xi1>, vector<16xf32>
      %select_n3A_976 = arith.select %ge3A_972, %select_n3A_946, %select_n3A_941 : vector<16xi1>, vector<16xf32>
      %ge3A_977 = arith.cmpf oge, %select_n3A_948, %select_n3A_953 : vector<16xf32>
      %select_n3A_978 = arith.select %ge3A_977, %select_n3A_948, %select_n3A_953 : vector<16xi1>, vector<16xf32>
      %select_n3A_979 = arith.select %ge3A_977, %select_n3A_953, %select_n3A_948 : vector<16xi1>, vector<16xf32>
      %select_n3A_980 = arith.select %ge3A_977, %select_n3A_950, %select_n3A_955 : vector<16xi1>, vector<16xf32>
      %select_n3A_981 = arith.select %ge3A_977, %select_n3A_955, %select_n3A_950 : vector<16xi1>, vector<16xf32>
      %ge3A_982 = arith.cmpf oge, %select_n3A_949, %select_n3A_954 : vector<16xf32>
      %select_n3A_983 = arith.select %ge3A_982, %select_n3A_949, %select_n3A_954 : vector<16xi1>, vector<16xf32>
      %select_n3A_984 = arith.select %ge3A_982, %select_n3A_954, %select_n3A_949 : vector<16xi1>, vector<16xf32>
      %select_n3A_985 = arith.select %ge3A_982, %select_n3A_951, %select_n3A_956 : vector<16xi1>, vector<16xf32>
      %select_n3A_986 = arith.select %ge3A_982, %select_n3A_956, %select_n3A_951 : vector<16xi1>, vector<16xf32>
      %ge3A_987 = arith.cmpf oge, %select_n3A_958, %select_n3A_963 : vector<16xf32>
      %select_n3A_988 = arith.select %ge3A_987, %select_n3A_958, %select_n3A_963 : vector<16xi1>, vector<16xf32>
      %select_n3A_989 = arith.select %ge3A_987, %select_n3A_963, %select_n3A_958 : vector<16xi1>, vector<16xf32>
      %select_n3A_990 = arith.select %ge3A_987, %select_n3A_960, %select_n3A_965 : vector<16xi1>, vector<16xf32>
      %select_n3A_991 = arith.select %ge3A_987, %select_n3A_965, %select_n3A_960 : vector<16xi1>, vector<16xf32>
      %ge3A_992 = arith.cmpf oge, %select_n3A_959, %select_n3A_964 : vector<16xf32>
      %select_n3A_993 = arith.select %ge3A_992, %select_n3A_959, %select_n3A_964 : vector<16xi1>, vector<16xf32>
      %select_n3A_994 = arith.select %ge3A_992, %select_n3A_964, %select_n3A_959 : vector<16xi1>, vector<16xf32>
      %select_n3A_995 = arith.select %ge3A_992, %select_n3A_961, %select_n3A_966 : vector<16xi1>, vector<16xf32>
      %select_n3A_996 = arith.select %ge3A_992, %select_n3A_966, %select_n3A_961 : vector<16xi1>, vector<16xf32>
      %masked_sort3A_997 = arith.constant dense<true> : vector<16xi1>
      %masked_sort3A_998, %masked_sort3A_999, %masked_sort3A_1000 = tpu.sort %select_n3A_968, %select_n3A_970 masked %masked_sort3A_997 {descending = true} : (vector<16xf32>, vector<16xf32>, vector<16xi1>) -> (vector<16xi1>, vector<16xf32>, vector<16xf32>)
      %masked_sort3A_1001 = arith.constant dense<true> : vector<16xi1>
      %masked_sort3A_1002, %masked_sort3A_1003, %masked_sort3A_1004 = tpu.sort %select_n3A_969, %select_n3A_971 masked %masked_sort3A_1001 {descending = true} : (vector<16xf32>, vector<16xf32>, vector<16xi1>) -> (vector<16xi1>, vector<16xf32>, vector<16xf32>)
      %masked_sort3A_1005 = arith.constant dense<true> : vector<16xi1>
      %masked_sort3A_1006, %masked_sort3A_1007, %masked_sort3A_1008 = tpu.sort %select_n3A_973, %select_n3A_975 masked %masked_sort3A_1005 {descending = true} : (vector<16xf32>, vector<16xf32>, vector<16xi1>) -> (vector<16xi1>, vector<16xf32>, vector<16xf32>)
      %masked_sort3A_1009 = arith.constant dense<true> : vector<16xi1>
      %masked_sort3A_1010, %masked_sort3A_1011, %masked_sort3A_1012 = tpu.sort %select_n3A_974, %select_n3A_976 masked %masked_sort3A_1009 {descending = true} : (vector<16xf32>, vector<16xf32>, vector<16xi1>) -> (vector<16xi1>, vector<16xf32>, vector<16xf32>)
      %masked_sort3A_1013 = arith.constant dense<true> : vector<16xi1>
      %masked_sort3A_1014, %masked_sort3A_1015, %masked_sort3A_1016 = tpu.sort %select_n3A_978, %select_n3A_980 masked %masked_sort3A_1013 {descending = true} : (vector<16xf32>, vector<16xf32>, vector<16xi1>) -> (vector<16xi1>, vector<16xf32>, vector<16xf32>)
      %masked_sort3A_1017 = arith.constant dense<true> : vector<16xi1>
      %masked_sort3A_1018, %masked_sort3A_1019, %masked_sort3A_1020 = tpu.sort %select_n3A_979, %select_n3A_981 masked %masked_sort3A_1017 {descending = true} : (vector<16xf32>, vector<16xf32>, vector<16xi1>) -> (vector<16xi1>, vector<16xf32>, vector<16xf32>)
      %masked_sort3A_1021 = arith.constant dense<true> : vector<16xi1>
      %masked_sort3A_1022, %masked_sort3A_1023, %masked_sort3A_1024 = tpu.sort %select_n3A_983, %select_n3A_985 masked %masked_sort3A_1021 {descending = true} : (vector<16xf32>, vector<16xf32>, vector<16xi1>) -> (vector<16xi1>, vector<16xf32>, vector<16xf32>)
      %masked_sort3A_1025 = arith.constant dense<true> : vector<16xi1>
      %masked_sort3A_1026, %masked_sort3A_1027, %masked_sort3A_1028 = tpu.sort %select_n3A_984, %select_n3A_986 masked %masked_sort3A_1025 {descending = true} : (vector<16xf32>, vector<16xf32>, vector<16xi1>) -> (vector<16xi1>, vector<16xf32>, vector<16xf32>)
      %masked_sort3A_1029 = arith.constant dense<true> : vector<16xi1>
      %masked_sort3A_1030, %masked_sort3A_1031, %masked_sort3A_1032 = tpu.sort %select_n3A_988, %select_n3A_990 masked %masked_sort3A_1029 {descending = true} : (vector<16xf32>, vector<16xf32>, vector<16xi1>) -> (vector<16xi1>, vector<16xf32>, vector<16xf32>)
      %masked_sort3A_1033 = arith.constant dense<true> : vector<16xi1>
      %masked_sort3A_1034, %masked_sort3A_1035, %masked_sort3A_1036 = tpu.sort %select_n3A_989, %select_n3A_991 masked %masked_sort3A_1033 {descending = true} : (vector<16xf32>, vector<16xf32>, vector<16xi1>) -> (vector<16xi1>, vector<16xf32>, vector<16xf32>)
      %masked_sort3A_1037 = arith.constant dense<true> : vector<16xi1>
      %masked_sort3A_1038, %masked_sort3A_1039, %masked_sort3A_1040 = tpu.sort %select_n3A_993, %select_n3A_995 masked %masked_sort3A_1037 {descending = true} : (vector<16xf32>, vector<16xf32>, vector<16xi1>) -> (vector<16xi1>, vector<16xf32>, vector<16xf32>)
      %masked_sort3A_1041 = arith.constant dense<true> : vector<16xi1>
      %masked_sort3A_1042, %masked_sort3A_1043, %masked_sort3A_1044 = tpu.sort %select_n3A_994, %select_n3A_996 masked %masked_sort3A_1041 {descending = true} : (vector<16xf32>, vector<16xf32>, vector<16xi1>) -> (vector<16xi1>, vector<16xf32>, vector<16xf32>)
      %masked_sort3A_1045 = arith.constant dense<true> : vector<16xi1>
      %masked_sort3A_1046, %masked_sort3A_1047, %masked_sort3A_1048 = tpu.sort %select_n3A_934, %select_n3A_936 masked %masked_sort3A_1045 {descending = true} : (vector<16xf32>, vector<16xf32>, vector<16xi1>) -> (vector<16xi1>, vector<16xf32>, vector<16xf32>)
      %rev3A_1049 = arith.constant 15 : i32
      %rev3A_1050 = vector.broadcast %rev3A_1049 : i32 to vector<16xi32>
      %rev3A_1051 = tpu.iota {dimensions = array<i32: 0>} : vector<16xi32>
      %rev3A_1052 = arith.subi %rev3A_1050, %rev3A_1051 : vector<16xi32>
      %rev3A_1053 = tpu.dynamic_gather %masked_sort3A_1048[%rev3A_1052] in [0] : vector<16xf32>, vector<16xi32> -> vector<16xf32>
      %broadcast_in_dim3A_1054 = arith.constant true
      %broadcast_in_dim3A_1055 = vector.broadcast %broadcast_in_dim3A_1054 : i1 to vector<16xi1>
      %masked_cumsum3A = tpu.scan <sum>, %rev3A_1053 masked %broadcast_in_dim3A_1055 : vector<16xf32>, vector<16xi1> -> vector<16xf32>
      %rev3A_1056 = arith.constant 15 : i32
      %rev3A_1057 = vector.broadcast %rev3A_1056 : i32 to vector<16xi32>
      %rev3A_1058 = tpu.iota {dimensions = array<i32: 0>} : vector<16xi32>
      %rev3A_1059 = arith.subi %rev3A_1057, %rev3A_1058 : vector<16xi32>
      %rev3A_1060 = tpu.dynamic_gather %masked_cumsum3A[%rev3A_1059] in [0] : vector<16xf32>, vector<16xi32> -> vector<16xf32>
      %add3A_1061 = arith.addf %rev3A_1060, %broadcast_in_dim3A_52 : vector<16xf32>
      %lt3A_1062 = arith.constant 0 : i32
      %lt3A_1063 = vector.broadcast %lt3A_1062 : i32 to vector<16xi32>
      %lt3A_1064 = arith.cmpi slt, %broadcast_in_dim3A_46, %lt3A_1063 : vector<16xi32>
      %add3A_1065 = arith.constant 16 : i32
      %add3A_1066 = vector.broadcast %add3A_1065 : i32 to vector<16xi32>
      %add3A_1067 = arith.addi %broadcast_in_dim3A_46, %add3A_1066 : vector<16xi32>
      %select_n3A_1068 = arith.select %lt3A_1064, %add3A_1067, %broadcast_in_dim3A_46 : vector<16xi1>, vector<16xi32>
      %reshape3A_1069 = vector.shape_cast %select_n3A_1068 : vector<16xi32> to vector<16x1xi32>
      %gather3A_1070 = vector.shape_cast %reshape3A_1069 : vector<16x1xi32> to vector<16xi32>
      %gather3A_1071 = tpu.dynamic_gather %rev3A_1060[%gather3A_1070] in [0] : vector<16xf32>, vector<16xi32> -> vector<16xf32>
      %add3A_1072 = arith.addf %broadcast_in_dim3A_52, %gather3A_1071 : vector<16xf32>
      %rev3A_1073 = arith.constant 15 : i32
      %rev3A_1074 = vector.broadcast %rev3A_1073 : i32 to vector<16xi32>
      %rev3A_1075 = tpu.iota {dimensions = array<i32: 0>} : vector<16xi32>
      %rev3A_1076 = arith.subi %rev3A_1074, %rev3A_1075 : vector<16xi32>
      %rev3A_1077 = tpu.dynamic_gather %masked_sort3A_1044[%rev3A_1076] in [0] : vector<16xf32>, vector<16xi32> -> vector<16xf32>
      %broadcast_in_dim3A_1078 = arith.constant true
      %broadcast_in_dim3A_1079 = vector.broadcast %broadcast_in_dim3A_1078 : i1 to vector<16xi1>
      %masked_cumsum3A_1080 = tpu.scan <sum>, %rev3A_1077 masked %broadcast_in_dim3A_1079 : vector<16xf32>, vector<16xi1> -> vector<16xf32>
      %rev3A_1081 = arith.constant 15 : i32
      %rev3A_1082 = vector.broadcast %rev3A_1081 : i32 to vector<16xi32>
      %rev3A_1083 = tpu.iota {dimensions = array<i32: 0>} : vector<16xi32>
      %rev3A_1084 = arith.subi %rev3A_1082, %rev3A_1083 : vector<16xi32>
      %rev3A_1085 = tpu.dynamic_gather %masked_cumsum3A_1080[%rev3A_1084] in [0] : vector<16xf32>, vector<16xi32> -> vector<16xf32>
      %add3A_1086 = arith.addf %rev3A_1085, %add3A_1072 : vector<16xf32>
      %lt3A_1087 = arith.constant 0 : i32
      %lt3A_1088 = vector.broadcast %lt3A_1087 : i32 to vector<16xi32>
      %lt3A_1089 = arith.cmpi slt, %broadcast_in_dim3A_46, %lt3A_1088 : vector<16xi32>
      %add3A_1090 = arith.constant 16 : i32
      %add3A_1091 = vector.broadcast %add3A_1090 : i32 to vector<16xi32>
      %add3A_1092 = arith.addi %broadcast_in_dim3A_46, %add3A_1091 : vector<16xi32>
      %select_n3A_1093 = arith.select %lt3A_1089, %add3A_1092, %broadcast_in_dim3A_46 : vector<16xi1>, vector<16xi32>
      %reshape3A_1094 = vector.shape_cast %select_n3A_1093 : vector<16xi32> to vector<16x1xi32>
      %gather3A_1095 = vector.shape_cast %reshape3A_1094 : vector<16x1xi32> to vector<16xi32>
      %gather3A_1096 = tpu.dynamic_gather %rev3A_1085[%gather3A_1095] in [0] : vector<16xf32>, vector<16xi32> -> vector<16xf32>
      %add3A_1097 = arith.addf %add3A_1072, %gather3A_1096 : vector<16xf32>
      %rev3A_1098 = arith.constant 15 : i32
      %rev3A_1099 = vector.broadcast %rev3A_1098 : i32 to vector<16xi32>
      %rev3A_1100 = tpu.iota {dimensions = array<i32: 0>} : vector<16xi32>
      %rev3A_1101 = arith.subi %rev3A_1099, %rev3A_1100 : vector<16xi32>
      %rev3A_1102 = tpu.dynamic_gather %masked_sort3A_1040[%rev3A_1101] in [0] : vector<16xf32>, vector<16xi32> -> vector<16xf32>
      %broadcast_in_dim3A_1103 = arith.constant true
      %broadcast_in_dim3A_1104 = vector.broadcast %broadcast_in_dim3A_1103 : i1 to vector<16xi1>
      %masked_cumsum3A_1105 = tpu.scan <sum>, %rev3A_1102 masked %broadcast_in_dim3A_1104 : vector<16xf32>, vector<16xi1> -> vector<16xf32>
      %rev3A_1106 = arith.constant 15 : i32
      %rev3A_1107 = vector.broadcast %rev3A_1106 : i32 to vector<16xi32>
      %rev3A_1108 = tpu.iota {dimensions = array<i32: 0>} : vector<16xi32>
      %rev3A_1109 = arith.subi %rev3A_1107, %rev3A_1108 : vector<16xi32>
      %rev3A_1110 = tpu.dynamic_gather %masked_cumsum3A_1105[%rev3A_1109] in [0] : vector<16xf32>, vector<16xi32> -> vector<16xf32>
      %add3A_1111 = arith.addf %rev3A_1110, %add3A_1097 : vector<16xf32>
      %lt3A_1112 = arith.constant 0 : i32
      %lt3A_1113 = vector.broadcast %lt3A_1112 : i32 to vector<16xi32>
      %lt3A_1114 = arith.cmpi slt, %broadcast_in_dim3A_46, %lt3A_1113 : vector<16xi32>
      %add3A_1115 = arith.constant 16 : i32
      %add3A_1116 = vector.broadcast %add3A_1115 : i32 to vector<16xi32>
      %add3A_1117 = arith.addi %broadcast_in_dim3A_46, %add3A_1116 : vector<16xi32>
      %select_n3A_1118 = arith.select %lt3A_1114, %add3A_1117, %broadcast_in_dim3A_46 : vector<16xi1>, vector<16xi32>
      %reshape3A_1119 = vector.shape_cast %select_n3A_1118 : vector<16xi32> to vector<16x1xi32>
      %gather3A_1120 = vector.shape_cast %reshape3A_1119 : vector<16x1xi32> to vector<16xi32>
      %gather3A_1121 = tpu.dynamic_gather %rev3A_1110[%gather3A_1120] in [0] : vector<16xf32>, vector<16xi32> -> vector<16xf32>
      %add3A_1122 = arith.addf %add3A_1097, %gather3A_1121 : vector<16xf32>
      %rev3A_1123 = arith.constant 15 : i32
      %rev3A_1124 = vector.broadcast %rev3A_1123 : i32 to vector<16xi32>
      %rev3A_1125 = tpu.iota {dimensions = array<i32: 0>} : vector<16xi32>
      %rev3A_1126 = arith.subi %rev3A_1124, %rev3A_1125 : vector<16xi32>
      %rev3A_1127 = tpu.dynamic_gather %masked_sort3A_1036[%rev3A_1126] in [0] : vector<16xf32>, vector<16xi32> -> vector<16xf32>
      %broadcast_in_dim3A_1128 = arith.constant true
      %broadcast_in_dim3A_1129 = vector.broadcast %broadcast_in_dim3A_1128 : i1 to vector<16xi1>
      %masked_cumsum3A_1130 = tpu.scan <sum>, %rev3A_1127 masked %broadcast_in_dim3A_1129 : vector<16xf32>, vector<16xi1> -> vector<16xf32>
      %rev3A_1131 = arith.constant 15 : i32
      %rev3A_1132 = vector.broadcast %rev3A_1131 : i32 to vector<16xi32>
      %rev3A_1133 = tpu.iota {dimensions = array<i32: 0>} : vector<16xi32>
      %rev3A_1134 = arith.subi %rev3A_1132, %rev3A_1133 : vector<16xi32>
      %rev3A_1135 = tpu.dynamic_gather %masked_cumsum3A_1130[%rev3A_1134] in [0] : vector<16xf32>, vector<16xi32> -> vector<16xf32>
      %add3A_1136 = arith.addf %rev3A_1135, %add3A_1122 : vector<16xf32>
      %lt3A_1137 = arith.constant 0 : i32
      %lt3A_1138 = vector.broadcast %lt3A_1137 : i32 to vector<16xi32>
      %lt3A_1139 = arith.cmpi slt, %broadcast_in_dim3A_46, %lt3A_1138 : vector<16xi32>
      %add3A_1140 = arith.constant 16 : i32
      %add3A_1141 = vector.broadcast %add3A_1140 : i32 to vector<16xi32>
      %add3A_1142 = arith.addi %broadcast_in_dim3A_46, %add3A_1141 : vector<16xi32>
      %select_n3A_1143 = arith.select %lt3A_1139, %add3A_1142, %broadcast_in_dim3A_46 : vector<16xi1>, vector<16xi32>
      %reshape3A_1144 = vector.shape_cast %select_n3A_1143 : vector<16xi32> to vector<16x1xi32>
      %gather3A_1145 = vector.shape_cast %reshape3A_1144 : vector<16x1xi32> to vector<16xi32>
      %gather3A_1146 = tpu.dynamic_gather %rev3A_1135[%gather3A_1145] in [0] : vector<16xf32>, vector<16xi32> -> vector<16xf32>
      %add3A_1147 = arith.addf %add3A_1122, %gather3A_1146 : vector<16xf32>
      %rev3A_1148 = arith.constant 15 : i32
      %rev3A_1149 = vector.broadcast %rev3A_1148 : i32 to vector<16xi32>
      %rev3A_1150 = tpu.iota {dimensions = array<i32: 0>} : vector<16xi32>
      %rev3A_1151 = arith.subi %rev3A_1149, %rev3A_1150 : vector<16xi32>
      %rev3A_1152 = tpu.dynamic_gather %masked_sort3A_1032[%rev3A_1151] in [0] : vector<16xf32>, vector<16xi32> -> vector<16xf32>
      %broadcast_in_dim3A_1153 = arith.constant true
      %broadcast_in_dim3A_1154 = vector.broadcast %broadcast_in_dim3A_1153 : i1 to vector<16xi1>
      %masked_cumsum3A_1155 = tpu.scan <sum>, %rev3A_1152 masked %broadcast_in_dim3A_1154 : vector<16xf32>, vector<16xi1> -> vector<16xf32>
      %rev3A_1156 = arith.constant 15 : i32
      %rev3A_1157 = vector.broadcast %rev3A_1156 : i32 to vector<16xi32>
      %rev3A_1158 = tpu.iota {dimensions = array<i32: 0>} : vector<16xi32>
      %rev3A_1159 = arith.subi %rev3A_1157, %rev3A_1158 : vector<16xi32>
      %rev3A_1160 = tpu.dynamic_gather %masked_cumsum3A_1155[%rev3A_1159] in [0] : vector<16xf32>, vector<16xi32> -> vector<16xf32>
      %add3A_1161 = arith.addf %rev3A_1160, %add3A_1147 : vector<16xf32>
      %lt3A_1162 = arith.constant 0 : i32
      %lt3A_1163 = vector.broadcast %lt3A_1162 : i32 to vector<16xi32>
      %lt3A_1164 = arith.cmpi slt, %broadcast_in_dim3A_46, %lt3A_1163 : vector<16xi32>
      %add3A_1165 = arith.constant 16 : i32
      %add3A_1166 = vector.broadcast %add3A_1165 : i32 to vector<16xi32>
      %add3A_1167 = arith.addi %broadcast_in_dim3A_46, %add3A_1166 : vector<16xi32>
      %select_n3A_1168 = arith.select %lt3A_1164, %add3A_1167, %broadcast_in_dim3A_46 : vector<16xi1>, vector<16xi32>
      %reshape3A_1169 = vector.shape_cast %select_n3A_1168 : vector<16xi32> to vector<16x1xi32>
      %gather3A_1170 = vector.shape_cast %reshape3A_1169 : vector<16x1xi32> to vector<16xi32>
      %gather3A_1171 = tpu.dynamic_gather %rev3A_1160[%gather3A_1170] in [0] : vector<16xf32>, vector<16xi32> -> vector<16xf32>
      %add3A_1172 = arith.addf %add3A_1147, %gather3A_1171 : vector<16xf32>
      %rev3A_1173 = arith.constant 15 : i32
      %rev3A_1174 = vector.broadcast %rev3A_1173 : i32 to vector<16xi32>
      %rev3A_1175 = tpu.iota {dimensions = array<i32: 0>} : vector<16xi32>
      %rev3A_1176 = arith.subi %rev3A_1174, %rev3A_1175 : vector<16xi32>
      %rev3A_1177 = tpu.dynamic_gather %masked_sort3A_1028[%rev3A_1176] in [0] : vector<16xf32>, vector<16xi32> -> vector<16xf32>
      %broadcast_in_dim3A_1178 = arith.constant true
      %broadcast_in_dim3A_1179 = vector.broadcast %broadcast_in_dim3A_1178 : i1 to vector<16xi1>
      %masked_cumsum3A_1180 = tpu.scan <sum>, %rev3A_1177 masked %broadcast_in_dim3A_1179 : vector<16xf32>, vector<16xi1> -> vector<16xf32>
      %rev3A_1181 = arith.constant 15 : i32
      %rev3A_1182 = vector.broadcast %rev3A_1181 : i32 to vector<16xi32>
      %rev3A_1183 = tpu.iota {dimensions = array<i32: 0>} : vector<16xi32>
      %rev3A_1184 = arith.subi %rev3A_1182, %rev3A_1183 : vector<16xi32>
      %rev3A_1185 = tpu.dynamic_gather %masked_cumsum3A_1180[%rev3A_1184] in [0] : vector<16xf32>, vector<16xi32> -> vector<16xf32>
      %add3A_1186 = arith.addf %rev3A_1185, %add3A_1172 : vector<16xf32>
      %lt3A_1187 = arith.constant 0 : i32
      %lt3A_1188 = vector.broadcast %lt3A_1187 : i32 to vector<16xi32>
      %lt3A_1189 = arith.cmpi slt, %broadcast_in_dim3A_46, %lt3A_1188 : vector<16xi32>
      %add3A_1190 = arith.constant 16 : i32
      %add3A_1191 = vector.broadcast %add3A_1190 : i32 to vector<16xi32>
      %add3A_1192 = arith.addi %broadcast_in_dim3A_46, %add3A_1191 : vector<16xi32>
      %select_n3A_1193 = arith.select %lt3A_1189, %add3A_1192, %broadcast_in_dim3A_46 : vector<16xi1>, vector<16xi32>
      %reshape3A_1194 = vector.shape_cast %select_n3A_1193 : vector<16xi32> to vector<16x1xi32>
      %gather3A_1195 = vector.shape_cast %reshape3A_1194 : vector<16x1xi32> to vector<16xi32>
      %gather3A_1196 = tpu.dynamic_gather %rev3A_1185[%gather3A_1195] in [0] : vector<16xf32>, vector<16xi32> -> vector<16xf32>
      %add3A_1197 = arith.addf %add3A_1172, %gather3A_1196 : vector<16xf32>
      %rev3A_1198 = arith.constant 15 : i32
      %rev3A_1199 = vector.broadcast %rev3A_1198 : i32 to vector<16xi32>
      %rev3A_1200 = tpu.iota {dimensions = array<i32: 0>} : vector<16xi32>
      %rev3A_1201 = arith.subi %rev3A_1199, %rev3A_1200 : vector<16xi32>
      %rev3A_1202 = tpu.dynamic_gather %masked_sort3A_1024[%rev3A_1201] in [0] : vector<16xf32>, vector<16xi32> -> vector<16xf32>
      %broadcast_in_dim3A_1203 = arith.constant true
      %broadcast_in_dim3A_1204 = vector.broadcast %broadcast_in_dim3A_1203 : i1 to vector<16xi1>
      %masked_cumsum3A_1205 = tpu.scan <sum>, %rev3A_1202 masked %broadcast_in_dim3A_1204 : vector<16xf32>, vector<16xi1> -> vector<16xf32>
      %rev3A_1206 = arith.constant 15 : i32
      %rev3A_1207 = vector.broadcast %rev3A_1206 : i32 to vector<16xi32>
      %rev3A_1208 = tpu.iota {dimensions = array<i32: 0>} : vector<16xi32>
      %rev3A_1209 = arith.subi %rev3A_1207, %rev3A_1208 : vector<16xi32>
      %rev3A_1210 = tpu.dynamic_gather %masked_cumsum3A_1205[%rev3A_1209] in [0] : vector<16xf32>, vector<16xi32> -> vector<16xf32>
      %add3A_1211 = arith.addf %rev3A_1210, %add3A_1197 : vector<16xf32>
      %lt3A_1212 = arith.constant 0 : i32
      %lt3A_1213 = vector.broadcast %lt3A_1212 : i32 to vector<16xi32>
      %lt3A_1214 = arith.cmpi slt, %broadcast_in_dim3A_46, %lt3A_1213 : vector<16xi32>
      %add3A_1215 = arith.constant 16 : i32
      %add3A_1216 = vector.broadcast %add3A_1215 : i32 to vector<16xi32>
      %add3A_1217 = arith.addi %broadcast_in_dim3A_46, %add3A_1216 : vector<16xi32>
      %select_n3A_1218 = arith.select %lt3A_1214, %add3A_1217, %broadcast_in_dim3A_46 : vector<16xi1>, vector<16xi32>
      %reshape3A_1219 = vector.shape_cast %select_n3A_1218 : vector<16xi32> to vector<16x1xi32>
      %gather3A_1220 = vector.shape_cast %reshape3A_1219 : vector<16x1xi32> to vector<16xi32>
      %gather3A_1221 = tpu.dynamic_gather %rev3A_1210[%gather3A_1220] in [0] : vector<16xf32>, vector<16xi32> -> vector<16xf32>
      %add3A_1222 = arith.addf %add3A_1197, %gather3A_1221 : vector<16xf32>
      %rev3A_1223 = arith.constant 15 : i32
      %rev3A_1224 = vector.broadcast %rev3A_1223 : i32 to vector<16xi32>
      %rev3A_1225 = tpu.iota {dimensions = array<i32: 0>} : vector<16xi32>
      %rev3A_1226 = arith.subi %rev3A_1224, %rev3A_1225 : vector<16xi32>
      %rev3A_1227 = tpu.dynamic_gather %masked_sort3A_1020[%rev3A_1226] in [0] : vector<16xf32>, vector<16xi32> -> vector<16xf32>
      %broadcast_in_dim3A_1228 = arith.constant true
      %broadcast_in_dim3A_1229 = vector.broadcast %broadcast_in_dim3A_1228 : i1 to vector<16xi1>
      %masked_cumsum3A_1230 = tpu.scan <sum>, %rev3A_1227 masked %broadcast_in_dim3A_1229 : vector<16xf32>, vector<16xi1> -> vector<16xf32>
      %rev3A_1231 = arith.constant 15 : i32
      %rev3A_1232 = vector.broadcast %rev3A_1231 : i32 to vector<16xi32>
      %rev3A_1233 = tpu.iota {dimensions = array<i32: 0>} : vector<16xi32>
      %rev3A_1234 = arith.subi %rev3A_1232, %rev3A_1233 : vector<16xi32>
      %rev3A_1235 = tpu.dynamic_gather %masked_cumsum3A_1230[%rev3A_1234] in [0] : vector<16xf32>, vector<16xi32> -> vector<16xf32>
      %add3A_1236 = arith.addf %rev3A_1235, %add3A_1222 : vector<16xf32>
      %lt3A_1237 = arith.constant 0 : i32
      %lt3A_1238 = vector.broadcast %lt3A_1237 : i32 to vector<16xi32>
      %lt3A_1239 = arith.cmpi slt, %broadcast_in_dim3A_46, %lt3A_1238 : vector<16xi32>
      %add3A_1240 = arith.constant 16 : i32
      %add3A_1241 = vector.broadcast %add3A_1240 : i32 to vector<16xi32>
      %add3A_1242 = arith.addi %broadcast_in_dim3A_46, %add3A_1241 : vector<16xi32>
      %select_n3A_1243 = arith.select %lt3A_1239, %add3A_1242, %broadcast_in_dim3A_46 : vector<16xi1>, vector<16xi32>
      %reshape3A_1244 = vector.shape_cast %select_n3A_1243 : vector<16xi32> to vector<16x1xi32>
      %gather3A_1245 = vector.shape_cast %reshape3A_1244 : vector<16x1xi32> to vector<16xi32>
      %gather3A_1246 = tpu.dynamic_gather %rev3A_1235[%gather3A_1245] in [0] : vector<16xf32>, vector<16xi32> -> vector<16xf32>
      %add3A_1247 = arith.addf %add3A_1222, %gather3A_1246 : vector<16xf32>
      %rev3A_1248 = arith.constant 15 : i32
      %rev3A_1249 = vector.broadcast %rev3A_1248 : i32 to vector<16xi32>
      %rev3A_1250 = tpu.iota {dimensions = array<i32: 0>} : vector<16xi32>
      %rev3A_1251 = arith.subi %rev3A_1249, %rev3A_1250 : vector<16xi32>
      %rev3A_1252 = tpu.dynamic_gather %masked_sort3A_1016[%rev3A_1251] in [0] : vector<16xf32>, vector<16xi32> -> vector<16xf32>
      %broadcast_in_dim3A_1253 = arith.constant true
      %broadcast_in_dim3A_1254 = vector.broadcast %broadcast_in_dim3A_1253 : i1 to vector<16xi1>
      %masked_cumsum3A_1255 = tpu.scan <sum>, %rev3A_1252 masked %broadcast_in_dim3A_1254 : vector<16xf32>, vector<16xi1> -> vector<16xf32>
      %rev3A_1256 = arith.constant 15 : i32
      %rev3A_1257 = vector.broadcast %rev3A_1256 : i32 to vector<16xi32>
      %rev3A_1258 = tpu.iota {dimensions = array<i32: 0>} : vector<16xi32>
      %rev3A_1259 = arith.subi %rev3A_1257, %rev3A_1258 : vector<16xi32>
      %rev3A_1260 = tpu.dynamic_gather %masked_cumsum3A_1255[%rev3A_1259] in [0] : vector<16xf32>, vector<16xi32> -> vector<16xf32>
      %add3A_1261 = arith.addf %rev3A_1260, %add3A_1247 : vector<16xf32>
      %lt3A_1262 = arith.constant 0 : i32
      %lt3A_1263 = vector.broadcast %lt3A_1262 : i32 to vector<16xi32>
      %lt3A_1264 = arith.cmpi slt, %broadcast_in_dim3A_46, %lt3A_1263 : vector<16xi32>
      %add3A_1265 = arith.constant 16 : i32
      %add3A_1266 = vector.broadcast %add3A_1265 : i32 to vector<16xi32>
      %add3A_1267 = arith.addi %broadcast_in_dim3A_46, %add3A_1266 : vector<16xi32>
      %select_n3A_1268 = arith.select %lt3A_1264, %add3A_1267, %broadcast_in_dim3A_46 : vector<16xi1>, vector<16xi32>
      %reshape3A_1269 = vector.shape_cast %select_n3A_1268 : vector<16xi32> to vector<16x1xi32>
      %gather3A_1270 = vector.shape_cast %reshape3A_1269 : vector<16x1xi32> to vector<16xi32>
      %gather3A_1271 = tpu.dynamic_gather %rev3A_1260[%gather3A_1270] in [0] : vector<16xf32>, vector<16xi32> -> vector<16xf32>
      %add3A_1272 = arith.addf %add3A_1247, %gather3A_1271 : vector<16xf32>
      %rev3A_1273 = arith.constant 15 : i32
      %rev3A_1274 = vector.broadcast %rev3A_1273 : i32 to vector<16xi32>
      %rev3A_1275 = tpu.iota {dimensions = array<i32: 0>} : vector<16xi32>
      %rev3A_1276 = arith.subi %rev3A_1274, %rev3A_1275 : vector<16xi32>
      %rev3A_1277 = tpu.dynamic_gather %masked_sort3A_1012[%rev3A_1276] in [0] : vector<16xf32>, vector<16xi32> -> vector<16xf32>
      %broadcast_in_dim3A_1278 = arith.constant true
      %broadcast_in_dim3A_1279 = vector.broadcast %broadcast_in_dim3A_1278 : i1 to vector<16xi1>
      %masked_cumsum3A_1280 = tpu.scan <sum>, %rev3A_1277 masked %broadcast_in_dim3A_1279 : vector<16xf32>, vector<16xi1> -> vector<16xf32>
      %rev3A_1281 = arith.constant 15 : i32
      %rev3A_1282 = vector.broadcast %rev3A_1281 : i32 to vector<16xi32>
      %rev3A_1283 = tpu.iota {dimensions = array<i32: 0>} : vector<16xi32>
      %rev3A_1284 = arith.subi %rev3A_1282, %rev3A_1283 : vector<16xi32>
      %rev3A_1285 = tpu.dynamic_gather %masked_cumsum3A_1280[%rev3A_1284] in [0] : vector<16xf32>, vector<16xi32> -> vector<16xf32>
      %add3A_1286 = arith.addf %rev3A_1285, %add3A_1272 : vector<16xf32>
      %lt3A_1287 = arith.constant 0 : i32
      %lt3A_1288 = vector.broadcast %lt3A_1287 : i32 to vector<16xi32>
      %lt3A_1289 = arith.cmpi slt, %broadcast_in_dim3A_46, %lt3A_1288 : vector<16xi32>
      %add3A_1290 = arith.constant 16 : i32
      %add3A_1291 = vector.broadcast %add3A_1290 : i32 to vector<16xi32>
      %add3A_1292 = arith.addi %broadcast_in_dim3A_46, %add3A_1291 : vector<16xi32>
      %select_n3A_1293 = arith.select %lt3A_1289, %add3A_1292, %broadcast_in_dim3A_46 : vector<16xi1>, vector<16xi32>
      %reshape3A_1294 = vector.shape_cast %select_n3A_1293 : vector<16xi32> to vector<16x1xi32>
      %gather3A_1295 = vector.shape_cast %reshape3A_1294 : vector<16x1xi32> to vector<16xi32>
      %gather3A_1296 = tpu.dynamic_gather %rev3A_1285[%gather3A_1295] in [0] : vector<16xf32>, vector<16xi32> -> vector<16xf32>
      %add3A_1297 = arith.addf %add3A_1272, %gather3A_1296 : vector<16xf32>
      %rev3A_1298 = arith.constant 15 : i32
      %rev3A_1299 = vector.broadcast %rev3A_1298 : i32 to vector<16xi32>
      %rev3A_1300 = tpu.iota {dimensions = array<i32: 0>} : vector<16xi32>
      %rev3A_1301 = arith.subi %rev3A_1299, %rev3A_1300 : vector<16xi32>
      %rev3A_1302 = tpu.dynamic_gather %masked_sort3A_1008[%rev3A_1301] in [0] : vector<16xf32>, vector<16xi32> -> vector<16xf32>
      %broadcast_in_dim3A_1303 = arith.constant true
      %broadcast_in_dim3A_1304 = vector.broadcast %broadcast_in_dim3A_1303 : i1 to vector<16xi1>
      %masked_cumsum3A_1305 = tpu.scan <sum>, %rev3A_1302 masked %broadcast_in_dim3A_1304 : vector<16xf32>, vector<16xi1> -> vector<16xf32>
      %rev3A_1306 = arith.constant 15 : i32
      %rev3A_1307 = vector.broadcast %rev3A_1306 : i32 to vector<16xi32>
      %rev3A_1308 = tpu.iota {dimensions = array<i32: 0>} : vector<16xi32>
      %rev3A_1309 = arith.subi %rev3A_1307, %rev3A_1308 : vector<16xi32>
      %rev3A_1310 = tpu.dynamic_gather %masked_cumsum3A_1305[%rev3A_1309] in [0] : vector<16xf32>, vector<16xi32> -> vector<16xf32>
      %add3A_1311 = arith.addf %rev3A_1310, %add3A_1297 : vector<16xf32>
      %lt3A_1312 = arith.constant 0 : i32
      %lt3A_1313 = vector.broadcast %lt3A_1312 : i32 to vector<16xi32>
      %lt3A_1314 = arith.cmpi slt, %broadcast_in_dim3A_46, %lt3A_1313 : vector<16xi32>
      %add3A_1315 = arith.constant 16 : i32
      %add3A_1316 = vector.broadcast %add3A_1315 : i32 to vector<16xi32>
      %add3A_1317 = arith.addi %broadcast_in_dim3A_46, %add3A_1316 : vector<16xi32>
      %select_n3A_1318 = arith.select %lt3A_1314, %add3A_1317, %broadcast_in_dim3A_46 : vector<16xi1>, vector<16xi32>
      %reshape3A_1319 = vector.shape_cast %select_n3A_1318 : vector<16xi32> to vector<16x1xi32>
      %gather3A_1320 = vector.shape_cast %reshape3A_1319 : vector<16x1xi32> to vector<16xi32>
      %gather3A_1321 = tpu.dynamic_gather %rev3A_1310[%gather3A_1320] in [0] : vector<16xf32>, vector<16xi32> -> vector<16xf32>
      %add3A_1322 = arith.addf %add3A_1297, %gather3A_1321 : vector<16xf32>
      %rev3A_1323 = arith.constant 15 : i32
      %rev3A_1324 = vector.broadcast %rev3A_1323 : i32 to vector<16xi32>
      %rev3A_1325 = tpu.iota {dimensions = array<i32: 0>} : vector<16xi32>
      %rev3A_1326 = arith.subi %rev3A_1324, %rev3A_1325 : vector<16xi32>
      %rev3A_1327 = tpu.dynamic_gather %masked_sort3A_1004[%rev3A_1326] in [0] : vector<16xf32>, vector<16xi32> -> vector<16xf32>
      %broadcast_in_dim3A_1328 = arith.constant true
      %broadcast_in_dim3A_1329 = vector.broadcast %broadcast_in_dim3A_1328 : i1 to vector<16xi1>
      %masked_cumsum3A_1330 = tpu.scan <sum>, %rev3A_1327 masked %broadcast_in_dim3A_1329 : vector<16xf32>, vector<16xi1> -> vector<16xf32>
      %rev3A_1331 = arith.constant 15 : i32
      %rev3A_1332 = vector.broadcast %rev3A_1331 : i32 to vector<16xi32>
      %rev3A_1333 = tpu.iota {dimensions = array<i32: 0>} : vector<16xi32>
      %rev3A_1334 = arith.subi %rev3A_1332, %rev3A_1333 : vector<16xi32>
      %rev3A_1335 = tpu.dynamic_gather %masked_cumsum3A_1330[%rev3A_1334] in [0] : vector<16xf32>, vector<16xi32> -> vector<16xf32>
      %add3A_1336 = arith.addf %rev3A_1335, %add3A_1322 : vector<16xf32>
      %lt3A_1337 = arith.constant 0 : i32
      %lt3A_1338 = vector.broadcast %lt3A_1337 : i32 to vector<16xi32>
      %lt3A_1339 = arith.cmpi slt, %broadcast_in_dim3A_46, %lt3A_1338 : vector<16xi32>
      %add3A_1340 = arith.constant 16 : i32
      %add3A_1341 = vector.broadcast %add3A_1340 : i32 to vector<16xi32>
      %add3A_1342 = arith.addi %broadcast_in_dim3A_46, %add3A_1341 : vector<16xi32>
      %select_n3A_1343 = arith.select %lt3A_1339, %add3A_1342, %broadcast_in_dim3A_46 : vector<16xi1>, vector<16xi32>
      %reshape3A_1344 = vector.shape_cast %select_n3A_1343 : vector<16xi32> to vector<16x1xi32>
      %gather3A_1345 = vector.shape_cast %reshape3A_1344 : vector<16x1xi32> to vector<16xi32>
      %gather3A_1346 = tpu.dynamic_gather %rev3A_1335[%gather3A_1345] in [0] : vector<16xf32>, vector<16xi32> -> vector<16xf32>
      %add3A_1347 = arith.addf %add3A_1322, %gather3A_1346 : vector<16xf32>
      %rev3A_1348 = arith.constant 15 : i32
      %rev3A_1349 = vector.broadcast %rev3A_1348 : i32 to vector<16xi32>
      %rev3A_1350 = tpu.iota {dimensions = array<i32: 0>} : vector<16xi32>
      %rev3A_1351 = arith.subi %rev3A_1349, %rev3A_1350 : vector<16xi32>
      %rev3A_1352 = tpu.dynamic_gather %masked_sort3A_1000[%rev3A_1351] in [0] : vector<16xf32>, vector<16xi32> -> vector<16xf32>
      %broadcast_in_dim3A_1353 = arith.constant true
      %broadcast_in_dim3A_1354 = vector.broadcast %broadcast_in_dim3A_1353 : i1 to vector<16xi1>
      %masked_cumsum3A_1355 = tpu.scan <sum>, %rev3A_1352 masked %broadcast_in_dim3A_1354 : vector<16xf32>, vector<16xi1> -> vector<16xf32>
      %rev3A_1356 = arith.constant 15 : i32
      %rev3A_1357 = vector.broadcast %rev3A_1356 : i32 to vector<16xi32>
      %rev3A_1358 = tpu.iota {dimensions = array<i32: 0>} : vector<16xi32>
      %rev3A_1359 = arith.subi %rev3A_1357, %rev3A_1358 : vector<16xi32>
      %rev3A_1360 = tpu.dynamic_gather %masked_cumsum3A_1355[%rev3A_1359] in [0] : vector<16xf32>, vector<16xi32> -> vector<16xf32>
      %add3A_1361 = arith.addf %rev3A_1360, %add3A_1347 : vector<16xf32>
      %lt3A_1362 = arith.constant 0 : i32
      %lt3A_1363 = vector.broadcast %lt3A_1362 : i32 to vector<16xi32>
      %lt3A_1364 = arith.cmpi slt, %broadcast_in_dim3A_46, %lt3A_1363 : vector<16xi32>
      %add3A_1365 = arith.constant 16 : i32
      %add3A_1366 = vector.broadcast %add3A_1365 : i32 to vector<16xi32>
      %add3A_1367 = arith.addi %broadcast_in_dim3A_46, %add3A_1366 : vector<16xi32>
      %select_n3A_1368 = arith.select %lt3A_1364, %add3A_1367, %broadcast_in_dim3A_46 : vector<16xi1>, vector<16xi32>
      %reshape3A_1369 = vector.shape_cast %select_n3A_1368 : vector<16xi32> to vector<16x1xi32>
      %gather3A_1370 = vector.shape_cast %reshape3A_1369 : vector<16x1xi32> to vector<16xi32>
      %gather3A_1371 = tpu.dynamic_gather %rev3A_1360[%gather3A_1370] in [0] : vector<16xf32>, vector<16xi32> -> vector<16xf32>
      %add3A_1372 = arith.addf %add3A_1347, %gather3A_1371 : vector<16xf32>
      %add3A_1373 = arith.constant 1.000000e-10 : f32
      %add3A_1374 = vector.broadcast %add3A_1373 : f32 to vector<16xf32>
      %add3A_1375 = arith.addf %add3A_1361, %add3A_1374 : vector<16xf32>
      %bitcast3A = vector.bitcast %add3A_1375 : vector<16xf32> to vector<16xi32>
      %shift_right_arithmetic3A = arith.constant 23 : i32
      %shift_right_arithmetic3A_1376 = vector.broadcast %shift_right_arithmetic3A : i32 to vector<16xi32>
      %shift_right_arithmetic3A_1377 = arith.shrsi %bitcast3A, %shift_right_arithmetic3A_1376 : vector<16xi32>
      %add3A_1378 = arith.addi %scan3A_159, %shift_right_arithmetic3A_1377 : vector<16xi32>
      %sub3A_1379 = arith.constant 127 : i32
      %sub3A_1380 = vector.broadcast %sub3A_1379 : i32 to vector<16xi32>
      %sub3A_1381 = arith.subi %add3A_1378, %sub3A_1380 : vector<16xi32>
      %and3A = arith.constant 8388607 : i32
      %and3A_1382 = vector.broadcast %and3A : i32 to vector<16xi32>
      %and3A_1383 = arith.andi %bitcast3A, %and3A_1382 : vector<16xi32>
      %or3A = arith.constant 1065353216 : i32
      %or3A_1384 = vector.broadcast %or3A : i32 to vector<16xi32>
      %or3A_1385 = arith.ori %and3A_1383, %or3A_1384 : vector<16xi32>
      %bitcast3A_1386 = vector.bitcast %or3A_1385 : vector<16xi32> to vector<16xf32>
      %mul3A_1387 = arith.mulf %scan3A_161, %bitcast3A_1386 : vector<16xf32>
      %add3A_1388 = arith.constant 1.000000e-10 : f32
      %add3A_1389 = vector.broadcast %add3A_1388 : f32 to vector<16xf32>
      %add3A_1390 = arith.addf %add3A_1336, %add3A_1389 : vector<16xf32>
      %bitcast3A_1391 = vector.bitcast %add3A_1390 : vector<16xf32> to vector<16xi32>
      %shift_right_arithmetic3A_1392 = arith.constant 23 : i32
      %shift_right_arithmetic3A_1393 = vector.broadcast %shift_right_arithmetic3A_1392 : i32 to vector<16xi32>
      %shift_right_arithmetic3A_1394 = arith.shrsi %bitcast3A_1391, %shift_right_arithmetic3A_1393 : vector<16xi32>
      %add3A_1395 = arith.addi %sub3A_1381, %shift_right_arithmetic3A_1394 : vector<16xi32>
      %sub3A_1396 = arith.constant 127 : i32
      %sub3A_1397 = vector.broadcast %sub3A_1396 : i32 to vector<16xi32>
      %sub3A_1398 = arith.subi %add3A_1395, %sub3A_1397 : vector<16xi32>
      %and3A_1399 = arith.constant 8388607 : i32
      %and3A_1400 = vector.broadcast %and3A_1399 : i32 to vector<16xi32>
      %and3A_1401 = arith.andi %bitcast3A_1391, %and3A_1400 : vector<16xi32>
      %or3A_1402 = arith.constant 1065353216 : i32
      %or3A_1403 = vector.broadcast %or3A_1402 : i32 to vector<16xi32>
      %or3A_1404 = arith.ori %and3A_1401, %or3A_1403 : vector<16xi32>
      %bitcast3A_1405 = vector.bitcast %or3A_1404 : vector<16xi32> to vector<16xf32>
      %mul3A_1406 = arith.mulf %mul3A_1387, %bitcast3A_1405 : vector<16xf32>
      %add3A_1407 = arith.constant 1.000000e-10 : f32
      %add3A_1408 = vector.broadcast %add3A_1407 : f32 to vector<16xf32>
      %add3A_1409 = arith.addf %add3A_1311, %add3A_1408 : vector<16xf32>
      %bitcast3A_1410 = vector.bitcast %add3A_1409 : vector<16xf32> to vector<16xi32>
      %shift_right_arithmetic3A_1411 = arith.constant 23 : i32
      %shift_right_arithmetic3A_1412 = vector.broadcast %shift_right_arithmetic3A_1411 : i32 to vector<16xi32>
      %shift_right_arithmetic3A_1413 = arith.shrsi %bitcast3A_1410, %shift_right_arithmetic3A_1412 : vector<16xi32>
      %add3A_1414 = arith.addi %sub3A_1398, %shift_right_arithmetic3A_1413 : vector<16xi32>
      %sub3A_1415 = arith.constant 127 : i32
      %sub3A_1416 = vector.broadcast %sub3A_1415 : i32 to vector<16xi32>
      %sub3A_1417 = arith.subi %add3A_1414, %sub3A_1416 : vector<16xi32>
      %and3A_1418 = arith.constant 8388607 : i32
      %and3A_1419 = vector.broadcast %and3A_1418 : i32 to vector<16xi32>
      %and3A_1420 = arith.andi %bitcast3A_1410, %and3A_1419 : vector<16xi32>
      %or3A_1421 = arith.constant 1065353216 : i32
      %or3A_1422 = vector.broadcast %or3A_1421 : i32 to vector<16xi32>
      %or3A_1423 = arith.ori %and3A_1420, %or3A_1422 : vector<16xi32>
      %bitcast3A_1424 = vector.bitcast %or3A_1423 : vector<16xi32> to vector<16xf32>
      %mul3A_1425 = arith.mulf %mul3A_1406, %bitcast3A_1424 : vector<16xf32>
      %add3A_1426 = arith.constant 1.000000e-10 : f32
      %add3A_1427 = vector.broadcast %add3A_1426 : f32 to vector<16xf32>
      %add3A_1428 = arith.addf %add3A_1286, %add3A_1427 : vector<16xf32>
      %bitcast3A_1429 = vector.bitcast %add3A_1428 : vector<16xf32> to vector<16xi32>
      %shift_right_arithmetic3A_1430 = arith.constant 23 : i32
      %shift_right_arithmetic3A_1431 = vector.broadcast %shift_right_arithmetic3A_1430 : i32 to vector<16xi32>
      %shift_right_arithmetic3A_1432 = arith.shrsi %bitcast3A_1429, %shift_right_arithmetic3A_1431 : vector<16xi32>
      %add3A_1433 = arith.addi %sub3A_1417, %shift_right_arithmetic3A_1432 : vector<16xi32>
      %sub3A_1434 = arith.constant 127 : i32
      %sub3A_1435 = vector.broadcast %sub3A_1434 : i32 to vector<16xi32>
      %sub3A_1436 = arith.subi %add3A_1433, %sub3A_1435 : vector<16xi32>
      %and3A_1437 = arith.constant 8388607 : i32
      %and3A_1438 = vector.broadcast %and3A_1437 : i32 to vector<16xi32>
      %and3A_1439 = arith.andi %bitcast3A_1429, %and3A_1438 : vector<16xi32>
      %or3A_1440 = arith.constant 1065353216 : i32
      %or3A_1441 = vector.broadcast %or3A_1440 : i32 to vector<16xi32>
      %or3A_1442 = arith.ori %and3A_1439, %or3A_1441 : vector<16xi32>
      %bitcast3A_1443 = vector.bitcast %or3A_1442 : vector<16xi32> to vector<16xf32>
      %mul3A_1444 = arith.mulf %mul3A_1425, %bitcast3A_1443 : vector<16xf32>
      %add3A_1445 = arith.constant 1.000000e-10 : f32
      %add3A_1446 = vector.broadcast %add3A_1445 : f32 to vector<16xf32>
      %add3A_1447 = arith.addf %add3A_1261, %add3A_1446 : vector<16xf32>
      %bitcast3A_1448 = vector.bitcast %add3A_1447 : vector<16xf32> to vector<16xi32>
      %shift_right_arithmetic3A_1449 = arith.constant 23 : i32
      %shift_right_arithmetic3A_1450 = vector.broadcast %shift_right_arithmetic3A_1449 : i32 to vector<16xi32>
      %shift_right_arithmetic3A_1451 = arith.shrsi %bitcast3A_1448, %shift_right_arithmetic3A_1450 : vector<16xi32>
      %add3A_1452 = arith.addi %sub3A_1436, %shift_right_arithmetic3A_1451 : vector<16xi32>
      %sub3A_1453 = arith.constant 127 : i32
      %sub3A_1454 = vector.broadcast %sub3A_1453 : i32 to vector<16xi32>
      %sub3A_1455 = arith.subi %add3A_1452, %sub3A_1454 : vector<16xi32>
      %and3A_1456 = arith.constant 8388607 : i32
      %and3A_1457 = vector.broadcast %and3A_1456 : i32 to vector<16xi32>
      %and3A_1458 = arith.andi %bitcast3A_1448, %and3A_1457 : vector<16xi32>
      %or3A_1459 = arith.constant 1065353216 : i32
      %or3A_1460 = vector.broadcast %or3A_1459 : i32 to vector<16xi32>
      %or3A_1461 = arith.ori %and3A_1458, %or3A_1460 : vector<16xi32>
      %bitcast3A_1462 = vector.bitcast %or3A_1461 : vector<16xi32> to vector<16xf32>
      %mul3A_1463 = arith.mulf %mul3A_1444, %bitcast3A_1462 : vector<16xf32>
      %add3A_1464 = arith.constant 1.000000e-10 : f32
      %add3A_1465 = vector.broadcast %add3A_1464 : f32 to vector<16xf32>
      %add3A_1466 = arith.addf %add3A_1236, %add3A_1465 : vector<16xf32>
      %bitcast3A_1467 = vector.bitcast %add3A_1466 : vector<16xf32> to vector<16xi32>
      %shift_right_arithmetic3A_1468 = arith.constant 23 : i32
      %shift_right_arithmetic3A_1469 = vector.broadcast %shift_right_arithmetic3A_1468 : i32 to vector<16xi32>
      %shift_right_arithmetic3A_1470 = arith.shrsi %bitcast3A_1467, %shift_right_arithmetic3A_1469 : vector<16xi32>
      %add3A_1471 = arith.addi %sub3A_1455, %shift_right_arithmetic3A_1470 : vector<16xi32>
      %sub3A_1472 = arith.constant 127 : i32
      %sub3A_1473 = vector.broadcast %sub3A_1472 : i32 to vector<16xi32>
      %sub3A_1474 = arith.subi %add3A_1471, %sub3A_1473 : vector<16xi32>
      %and3A_1475 = arith.constant 8388607 : i32
      %and3A_1476 = vector.broadcast %and3A_1475 : i32 to vector<16xi32>
      %and3A_1477 = arith.andi %bitcast3A_1467, %and3A_1476 : vector<16xi32>
      %or3A_1478 = arith.constant 1065353216 : i32
      %or3A_1479 = vector.broadcast %or3A_1478 : i32 to vector<16xi32>
      %or3A_1480 = arith.ori %and3A_1477, %or3A_1479 : vector<16xi32>
      %bitcast3A_1481 = vector.bitcast %or3A_1480 : vector<16xi32> to vector<16xf32>
      %mul3A_1482 = arith.mulf %mul3A_1463, %bitcast3A_1481 : vector<16xf32>
      %add3A_1483 = arith.constant 1.000000e-10 : f32
      %add3A_1484 = vector.broadcast %add3A_1483 : f32 to vector<16xf32>
      %add3A_1485 = arith.addf %add3A_1211, %add3A_1484 : vector<16xf32>
      %bitcast3A_1486 = vector.bitcast %add3A_1485 : vector<16xf32> to vector<16xi32>
      %shift_right_arithmetic3A_1487 = arith.constant 23 : i32
      %shift_right_arithmetic3A_1488 = vector.broadcast %shift_right_arithmetic3A_1487 : i32 to vector<16xi32>
      %shift_right_arithmetic3A_1489 = arith.shrsi %bitcast3A_1486, %shift_right_arithmetic3A_1488 : vector<16xi32>
      %add3A_1490 = arith.addi %sub3A_1474, %shift_right_arithmetic3A_1489 : vector<16xi32>
      %sub3A_1491 = arith.constant 127 : i32
      %sub3A_1492 = vector.broadcast %sub3A_1491 : i32 to vector<16xi32>
      %sub3A_1493 = arith.subi %add3A_1490, %sub3A_1492 : vector<16xi32>
      %and3A_1494 = arith.constant 8388607 : i32
      %and3A_1495 = vector.broadcast %and3A_1494 : i32 to vector<16xi32>
      %and3A_1496 = arith.andi %bitcast3A_1486, %and3A_1495 : vector<16xi32>
      %or3A_1497 = arith.constant 1065353216 : i32
      %or3A_1498 = vector.broadcast %or3A_1497 : i32 to vector<16xi32>
      %or3A_1499 = arith.ori %and3A_1496, %or3A_1498 : vector<16xi32>
      %bitcast3A_1500 = vector.bitcast %or3A_1499 : vector<16xi32> to vector<16xf32>
      %mul3A_1501 = arith.mulf %mul3A_1482, %bitcast3A_1500 : vector<16xf32>
      %add3A_1502 = arith.constant 1.000000e-10 : f32
      %add3A_1503 = vector.broadcast %add3A_1502 : f32 to vector<16xf32>
      %add3A_1504 = arith.addf %add3A_1186, %add3A_1503 : vector<16xf32>
      %bitcast3A_1505 = vector.bitcast %add3A_1504 : vector<16xf32> to vector<16xi32>
      %shift_right_arithmetic3A_1506 = arith.constant 23 : i32
      %shift_right_arithmetic3A_1507 = vector.broadcast %shift_right_arithmetic3A_1506 : i32 to vector<16xi32>
      %shift_right_arithmetic3A_1508 = arith.shrsi %bitcast3A_1505, %shift_right_arithmetic3A_1507 : vector<16xi32>
      %add3A_1509 = arith.addi %sub3A_1493, %shift_right_arithmetic3A_1508 : vector<16xi32>
      %sub3A_1510 = arith.constant 127 : i32
      %sub3A_1511 = vector.broadcast %sub3A_1510 : i32 to vector<16xi32>
      %sub3A_1512 = arith.subi %add3A_1509, %sub3A_1511 : vector<16xi32>
      %and3A_1513 = arith.constant 8388607 : i32
      %and3A_1514 = vector.broadcast %and3A_1513 : i32 to vector<16xi32>
      %and3A_1515 = arith.andi %bitcast3A_1505, %and3A_1514 : vector<16xi32>
      %or3A_1516 = arith.constant 1065353216 : i32
      %or3A_1517 = vector.broadcast %or3A_1516 : i32 to vector<16xi32>
      %or3A_1518 = arith.ori %and3A_1515, %or3A_1517 : vector<16xi32>
      %bitcast3A_1519 = vector.bitcast %or3A_1518 : vector<16xi32> to vector<16xf32>
      %mul3A_1520 = arith.mulf %mul3A_1501, %bitcast3A_1519 : vector<16xf32>
      %add3A_1521 = arith.constant 1.000000e-10 : f32
      %add3A_1522 = vector.broadcast %add3A_1521 : f32 to vector<16xf32>
      %add3A_1523 = arith.addf %add3A_1161, %add3A_1522 : vector<16xf32>
      %bitcast3A_1524 = vector.bitcast %add3A_1523 : vector<16xf32> to vector<16xi32>
      %shift_right_arithmetic3A_1525 = arith.constant 23 : i32
      %shift_right_arithmetic3A_1526 = vector.broadcast %shift_right_arithmetic3A_1525 : i32 to vector<16xi32>
      %shift_right_arithmetic3A_1527 = arith.shrsi %bitcast3A_1524, %shift_right_arithmetic3A_1526 : vector<16xi32>
      %add3A_1528 = arith.addi %sub3A_1512, %shift_right_arithmetic3A_1527 : vector<16xi32>
      %sub3A_1529 = arith.constant 127 : i32
      %sub3A_1530 = vector.broadcast %sub3A_1529 : i32 to vector<16xi32>
      %sub3A_1531 = arith.subi %add3A_1528, %sub3A_1530 : vector<16xi32>
      %and3A_1532 = arith.constant 8388607 : i32
      %and3A_1533 = vector.broadcast %and3A_1532 : i32 to vector<16xi32>
      %and3A_1534 = arith.andi %bitcast3A_1524, %and3A_1533 : vector<16xi32>
      %or3A_1535 = arith.constant 1065353216 : i32
      %or3A_1536 = vector.broadcast %or3A_1535 : i32 to vector<16xi32>
      %or3A_1537 = arith.ori %and3A_1534, %or3A_1536 : vector<16xi32>
      %bitcast3A_1538 = vector.bitcast %or3A_1537 : vector<16xi32> to vector<16xf32>
      %mul3A_1539 = arith.mulf %mul3A_1520, %bitcast3A_1538 : vector<16xf32>
      %add3A_1540 = arith.constant 1.000000e-10 : f32
      %add3A_1541 = vector.broadcast %add3A_1540 : f32 to vector<16xf32>
      %add3A_1542 = arith.addf %add3A_1136, %add3A_1541 : vector<16xf32>
      %bitcast3A_1543 = vector.bitcast %add3A_1542 : vector<16xf32> to vector<16xi32>
      %shift_right_arithmetic3A_1544 = arith.constant 23 : i32
      %shift_right_arithmetic3A_1545 = vector.broadcast %shift_right_arithmetic3A_1544 : i32 to vector<16xi32>
      %shift_right_arithmetic3A_1546 = arith.shrsi %bitcast3A_1543, %shift_right_arithmetic3A_1545 : vector<16xi32>
      %add3A_1547 = arith.addi %sub3A_1531, %shift_right_arithmetic3A_1546 : vector<16xi32>
      %sub3A_1548 = arith.constant 127 : i32
      %sub3A_1549 = vector.broadcast %sub3A_1548 : i32 to vector<16xi32>
      %sub3A_1550 = arith.subi %add3A_1547, %sub3A_1549 : vector<16xi32>
      %and3A_1551 = arith.constant 8388607 : i32
      %and3A_1552 = vector.broadcast %and3A_1551 : i32 to vector<16xi32>
      %and3A_1553 = arith.andi %bitcast3A_1543, %and3A_1552 : vector<16xi32>
      %or3A_1554 = arith.constant 1065353216 : i32
      %or3A_1555 = vector.broadcast %or3A_1554 : i32 to vector<16xi32>
      %or3A_1556 = arith.ori %and3A_1553, %or3A_1555 : vector<16xi32>
      %bitcast3A_1557 = vector.bitcast %or3A_1556 : vector<16xi32> to vector<16xf32>
      %mul3A_1558 = arith.mulf %mul3A_1539, %bitcast3A_1557 : vector<16xf32>
      %add3A_1559 = arith.constant 1.000000e-10 : f32
      %add3A_1560 = vector.broadcast %add3A_1559 : f32 to vector<16xf32>
      %add3A_1561 = arith.addf %add3A_1111, %add3A_1560 : vector<16xf32>
      %bitcast3A_1562 = vector.bitcast %add3A_1561 : vector<16xf32> to vector<16xi32>
      %shift_right_arithmetic3A_1563 = arith.constant 23 : i32
      %shift_right_arithmetic3A_1564 = vector.broadcast %shift_right_arithmetic3A_1563 : i32 to vector<16xi32>
      %shift_right_arithmetic3A_1565 = arith.shrsi %bitcast3A_1562, %shift_right_arithmetic3A_1564 : vector<16xi32>
      %add3A_1566 = arith.addi %sub3A_1550, %shift_right_arithmetic3A_1565 : vector<16xi32>
      %sub3A_1567 = arith.constant 127 : i32
      %sub3A_1568 = vector.broadcast %sub3A_1567 : i32 to vector<16xi32>
      %sub3A_1569 = arith.subi %add3A_1566, %sub3A_1568 : vector<16xi32>
      %and3A_1570 = arith.constant 8388607 : i32
      %and3A_1571 = vector.broadcast %and3A_1570 : i32 to vector<16xi32>
      %and3A_1572 = arith.andi %bitcast3A_1562, %and3A_1571 : vector<16xi32>
      %or3A_1573 = arith.constant 1065353216 : i32
      %or3A_1574 = vector.broadcast %or3A_1573 : i32 to vector<16xi32>
      %or3A_1575 = arith.ori %and3A_1572, %or3A_1574 : vector<16xi32>
      %bitcast3A_1576 = vector.bitcast %or3A_1575 : vector<16xi32> to vector<16xf32>
      %mul3A_1577 = arith.mulf %mul3A_1558, %bitcast3A_1576 : vector<16xf32>
      %add3A_1578 = arith.constant 1.000000e-10 : f32
      %add3A_1579 = vector.broadcast %add3A_1578 : f32 to vector<16xf32>
      %add3A_1580 = arith.addf %add3A_1086, %add3A_1579 : vector<16xf32>
      %bitcast3A_1581 = vector.bitcast %add3A_1580 : vector<16xf32> to vector<16xi32>
      %shift_right_arithmetic3A_1582 = arith.constant 23 : i32
      %shift_right_arithmetic3A_1583 = vector.broadcast %shift_right_arithmetic3A_1582 : i32 to vector<16xi32>
      %shift_right_arithmetic3A_1584 = arith.shrsi %bitcast3A_1581, %shift_right_arithmetic3A_1583 : vector<16xi32>
      %add3A_1585 = arith.addi %sub3A_1569, %shift_right_arithmetic3A_1584 : vector<16xi32>
      %sub3A_1586 = arith.constant 127 : i32
      %sub3A_1587 = vector.broadcast %sub3A_1586 : i32 to vector<16xi32>
      %sub3A_1588 = arith.subi %add3A_1585, %sub3A_1587 : vector<16xi32>
      %and3A_1589 = arith.constant 8388607 : i32
      %and3A_1590 = vector.broadcast %and3A_1589 : i32 to vector<16xi32>
      %and3A_1591 = arith.andi %bitcast3A_1581, %and3A_1590 : vector<16xi32>
      %or3A_1592 = arith.constant 1065353216 : i32
      %or3A_1593 = vector.broadcast %or3A_1592 : i32 to vector<16xi32>
      %or3A_1594 = arith.ori %and3A_1591, %or3A_1593 : vector<16xi32>
      %bitcast3A_1595 = vector.bitcast %or3A_1594 : vector<16xi32> to vector<16xf32>
      %mul3A_1596 = arith.mulf %mul3A_1577, %bitcast3A_1595 : vector<16xf32>
      %add3A_1597 = arith.constant 1.000000e-10 : f32
      %add3A_1598 = vector.broadcast %add3A_1597 : f32 to vector<16xf32>
      %add3A_1599 = arith.addf %add3A_1061, %add3A_1598 : vector<16xf32>
      %lt3A_1600 = arith.constant 8 : i32
      %lt3A_1601 = vector.broadcast %lt3A_1600 : i32 to vector<16xi32>
      %lt3A_1602 = arith.cmpi slt, %iota3A, %lt3A_1601 : vector<16xi32>
      %jit3A_1603 = arith.constant 1.000000e+00 : f32
      %broadcast_in_dim3A_1604 = vector.broadcast %jit3A_1603 : f32 to vector<16xf32>
      %select_n3A_1605 = arith.select %lt3A_1602, %add3A_1599, %broadcast_in_dim3A_1604 : vector<16xi1>, vector<16xf32>
      %bitcast3A_1606 = vector.bitcast %select_n3A_1605 : vector<16xf32> to vector<16xi32>
      %shift_right_arithmetic3A_1607 = arith.constant 23 : i32
      %shift_right_arithmetic3A_1608 = vector.broadcast %shift_right_arithmetic3A_1607 : i32 to vector<16xi32>
      %shift_right_arithmetic3A_1609 = arith.shrsi %bitcast3A_1606, %shift_right_arithmetic3A_1608 : vector<16xi32>
      %add3A_1610 = arith.addi %sub3A_1588, %shift_right_arithmetic3A_1609 : vector<16xi32>
      %sub3A_1611 = arith.constant 127 : i32
      %sub3A_1612 = vector.broadcast %sub3A_1611 : i32 to vector<16xi32>
      %sub3A_1613 = arith.subi %add3A_1610, %sub3A_1612 : vector<16xi32>
      %and3A_1614 = arith.constant 8388607 : i32
      %and3A_1615 = vector.broadcast %and3A_1614 : i32 to vector<16xi32>
      %and3A_1616 = arith.andi %bitcast3A_1606, %and3A_1615 : vector<16xi32>
      %or3A_1617 = arith.constant 1065353216 : i32
      %or3A_1618 = vector.broadcast %or3A_1617 : i32 to vector<16xi32>
      %or3A_1619 = arith.ori %and3A_1616, %or3A_1618 : vector<16xi32>
      %bitcast3A_1620 = vector.bitcast %or3A_1619 : vector<16xi32> to vector<16xf32>
      %mul3A_1621 = arith.mulf %mul3A_1596, %bitcast3A_1620 : vector<16xf32>
      %bitcast3A_1622 = vector.bitcast %mul3A_1621 : vector<16xf32> to vector<16xi32>
      %shift_right_arithmetic3A_1623 = arith.constant 23 : i32
      %shift_right_arithmetic3A_1624 = vector.broadcast %shift_right_arithmetic3A_1623 : i32 to vector<16xi32>
      %shift_right_arithmetic3A_1625 = arith.shrsi %bitcast3A_1622, %shift_right_arithmetic3A_1624 : vector<16xi32>
      %add3A_1626 = arith.addi %sub3A_1613, %shift_right_arithmetic3A_1625 : vector<16xi32>
      %sub3A_1627 = arith.constant 127 : i32
      %sub3A_1628 = vector.broadcast %sub3A_1627 : i32 to vector<16xi32>
      %sub3A_1629 = arith.subi %add3A_1626, %sub3A_1628 : vector<16xi32>
      %and3A_1630 = arith.constant 8388607 : i32
      %and3A_1631 = vector.broadcast %and3A_1630 : i32 to vector<16xi32>
      %and3A_1632 = arith.andi %bitcast3A_1622, %and3A_1631 : vector<16xi32>
      %or3A_1633 = arith.constant 1065353216 : i32
      %or3A_1634 = vector.broadcast %or3A_1633 : i32 to vector<16xi32>
      %or3A_1635 = arith.ori %and3A_1632, %or3A_1634 : vector<16xi32>
      %bitcast3A_1636 = vector.bitcast %or3A_1635 : vector<16xi32> to vector<16xf32>
      %add3A_1637 = arith.addf %scan3A_160, %get3A_200 : vector<16xf32>
      %add3A_1638 = arith.addf %add3A_1637, %get3A_203 : vector<16xf32>
      %add3A_1639 = arith.addf %add3A_1638, %get3A_206 : vector<16xf32>
      %add3A_1640 = arith.addf %add3A_1639, %get3A_209 : vector<16xf32>
      %add3A_1641 = arith.addf %add3A_1640, %get3A_212 : vector<16xf32>
      %add3A_1642 = arith.addf %add3A_1641, %get3A_215 : vector<16xf32>
      %add3A_1643 = arith.addf %add3A_1642, %get3A_218 : vector<16xf32>
      %add3A_1644 = arith.addf %add3A_1643, %get3A_221 : vector<16xf32>
      %add3A_1645 = arith.addf %add3A_1644, %get3A_224 : vector<16xf32>
      %add3A_1646 = arith.addf %add3A_1645, %get3A_227 : vector<16xf32>
      %add3A_1647 = arith.addf %add3A_1646, %get3A_230 : vector<16xf32>
      %add3A_1648 = arith.addf %add3A_1647, %get3A_233 : vector<16xf32>
      %jit3A_1649 = arith.constant 0.000000e+00 : f32
      %broadcast_in_dim3A_1650 = vector.broadcast %jit3A_1649 : f32 to vector<16xf32>
      %select_n3A_1651 = arith.select %ge3A_50, %get3A_239, %broadcast_in_dim3A_1650 : vector<16xi1>, vector<16xf32>
      %add3A_1652 = arith.addf %add3A_1648, %select_n3A_1651 : vector<16xf32>
      %add3A_1653 = arith.addf %scan3A_162, %gather3A_262 : vector<16xf32>
      scf.yield %sub3A_1629, %add3A_1652, %bitcast3A_1636, %add3A_1653 : vector<16xi32>, vector<16xf32>, vector<16xf32>, vector<16xf32>
    }
    %scan3A_84 = arith.constant 64 : i32
    %dma_wait3A_85 = arith.constant 64 : i32
    %dma_wait3A_86 = arith.constant 0 : i32
    %dma_wait3A_87 = tpu.memref_slice %arg5[%dma_wait3A_85, %dma_wait3A_86] : memref<128x200xf32, #tpu.memory_space<vmem>> -> memref<64x200xf32, #tpu.memory_space<vmem>>
    %dma_wait3A_88 = arith.constant 0 : i32
    %dma_wait3A_89 = tpu.memref_slice %arg2[%add3A_23, %dma_wait3A_88] : memref<4096x200xf32, #tpu.memory_space<hbm>> -> memref<64x200xf32, #tpu.memory_space<hbm>>
    %dma_wait3A_90 = arith.constant 64 : i32
    %dma_wait3A_91 = arith.constant 0 : i32
    %dma_wait3A_92 = tpu.memref_slice %arg5[%dma_wait3A_90, %dma_wait3A_91] : memref<128x200xf32, #tpu.memory_space<vmem>> -> memref<64x200xf32, #tpu.memory_space<vmem>>
    %dma_wait3A_93 = arith.constant 0 : i32
    %dma_wait3A_94 = tpu.memref_slice %arg2[%add3A_23, %dma_wait3A_93] : memref<4096x200xf32, #tpu.memory_space<hbm>> -> memref<64x200xf32, #tpu.memory_space<hbm>>
    tpu.wait_dma2 semaphore(%arg10 : memref<!tpu.dma_semaphore, #tpu.memory_space<semaphore_mem>>) src(%dma_wait3A_94 : memref<64x200xf32, #tpu.memory_space<hbm>>) dst(%dma_wait3A_92 : memref<64x200xf32, #tpu.memory_space<vmem>>)
    %dma_wait3A_95 = arith.constant 64 : i32
    %dma_wait3A_96 = arith.constant 0 : i32
    %dma_wait3A_97 = tpu.memref_slice %arg6[%dma_wait3A_95, %dma_wait3A_96] : memref<128x200xf32, #tpu.memory_space<vmem>> -> memref<64x200xf32, #tpu.memory_space<vmem>>
    %dma_wait3A_98 = arith.constant 0 : i32
    %dma_wait3A_99 = tpu.memref_slice %arg3[%add3A_35, %dma_wait3A_98] : memref<4096x200xf32, #tpu.memory_space<hbm>> -> memref<64x200xf32, #tpu.memory_space<hbm>>
    %dma_wait3A_100 = arith.constant 64 : i32
    %dma_wait3A_101 = arith.constant 0 : i32
    %dma_wait3A_102 = tpu.memref_slice %arg6[%dma_wait3A_100, %dma_wait3A_101] : memref<128x200xf32, #tpu.memory_space<vmem>> -> memref<64x200xf32, #tpu.memory_space<vmem>>
    %dma_wait3A_103 = arith.constant 0 : i32
    %dma_wait3A_104 = tpu.memref_slice %arg3[%add3A_35, %dma_wait3A_103] : memref<4096x200xf32, #tpu.memory_space<hbm>> -> memref<64x200xf32, #tpu.memory_space<hbm>>
    tpu.wait_dma2 semaphore(%arg11 : memref<!tpu.dma_semaphore, #tpu.memory_space<semaphore_mem>>) src(%dma_wait3A_104 : memref<64x200xf32, #tpu.memory_space<hbm>>) dst(%dma_wait3A_102 : memref<64x200xf32, #tpu.memory_space<vmem>>)
    %scan3A_105 = arith.constant 64 : i32
    %scan3A_106 = arith.constant 64 : i32
    %scan3A_107 = arith.addi %scan3A_105, %scan3A_106 : i32
    %scan3A_108 = arith.constant 1 : i32
    %scan3A_109:4 = scf.for %scan3A_158 = %scan3A_105 to %scan3A_107 step %scan3A_108 iter_args(%scan3A_159 = %scan3A_83#0, %scan3A_160 = %scan3A_83#1, %scan3A_161 = %scan3A_83#2, %scan3A_162 = %scan3A_83#3) -> (vector<16xi32>, vector<16xf32>, vector<16xf32>, vector<16xf32>)  : i32 {
      %get3A = arith.index_cast %scan3A_158 : i32 to index
      %get3A_163 = arith.constant 0 : index
      %get3A_164 = tpu.vector_load %arg5[%get3A, %get3A_163] {strides = array<i32>} : memref<128x200xf32, #tpu.memory_space<vmem>>, vector<16xf32>,
      %get3A_165 = arith.index_cast %scan3A_158 : i32 to index
      %get3A_166 = arith.constant 16 : index
      %get3A_167 = tpu.vector_load %arg5[%get3A_165, %get3A_166] {strides = array<i32>} : memref<128x200xf32, #tpu.memory_space<vmem>>, vector<16xf32>,
      %get3A_168 = arith.index_cast %scan3A_158 : i32 to index
      %get3A_169 = arith.constant 32 : index
      %get3A_170 = tpu.vector_load %arg5[%get3A_168, %get3A_169] {strides = array<i32>} : memref<128x200xf32, #tpu.memory_space<vmem>>, vector<16xf32>,
      %get3A_171 = arith.index_cast %scan3A_158 : i32 to index
      %get3A_172 = arith.constant 48 : index
      %get3A_173 = tpu.vector_load %arg5[%get3A_171, %get3A_172] {strides = array<i32>} : memref<128x200xf32, #tpu.memory_space<vmem>>, vector<16xf32>,
      %get3A_174 = arith.index_cast %scan3A_158 : i32 to index
      %get3A_175 = arith.constant 64 : index
      %get3A_176 = tpu.vector_load %arg5[%get3A_174, %get3A_175] {strides = array<i32>} : memref<128x200xf32, #tpu.memory_space<vmem>>, vector<16xf32>,
      %get3A_177 = arith.index_cast %scan3A_158 : i32 to index
      %get3A_178 = arith.constant 80 : index
      %get3A_179 = tpu.vector_load %arg5[%get3A_177, %get3A_178] {strides = array<i32>} : memref<128x200xf32, #tpu.memory_space<vmem>>, vector<16xf32>,
      %get3A_180 = arith.index_cast %scan3A_158 : i32 to index
      %get3A_181 = arith.constant 96 : index
      %get3A_182 = tpu.vector_load %arg5[%get3A_180, %get3A_181] {strides = array<i32>} : memref<128x200xf32, #tpu.memory_space<vmem>>, vector<16xf32>,
      %get3A_183 = arith.index_cast %scan3A_158 : i32 to index
      %get3A_184 = arith.constant 112 : index
      %get3A_185 = tpu.vector_load %arg5[%get3A_183, %get3A_184] {strides = array<i32>} : memref<128x200xf32, #tpu.memory_space<vmem>>, vector<16xf32>,
      %get3A_186 = arith.index_cast %scan3A_158 : i32 to index
      %get3A_187 = arith.constant 128 : index
      %get3A_188 = tpu.vector_load %arg5[%get3A_186, %get3A_187] {strides = array<i32>} : memref<128x200xf32, #tpu.memory_space<vmem>>, vector<16xf32>,
      %get3A_189 = arith.index_cast %scan3A_158 : i32 to index
      %get3A_190 = arith.constant 144 : index
      %get3A_191 = tpu.vector_load %arg5[%get3A_189, %get3A_190] {strides = array<i32>} : memref<128x200xf32, #tpu.memory_space<vmem>>, vector<16xf32>,
      %get3A_192 = arith.index_cast %scan3A_158 : i32 to index
      %get3A_193 = arith.constant 160 : index
      %get3A_194 = tpu.vector_load %arg5[%get3A_192, %get3A_193] {strides = array<i32>} : memref<128x200xf32, #tpu.memory_space<vmem>>, vector<16xf32>,
      %get3A_195 = arith.index_cast %scan3A_158 : i32 to index
      %get3A_196 = arith.constant 176 : index
      %get3A_197 = tpu.vector_load %arg5[%get3A_195, %get3A_196] {strides = array<i32>} : memref<128x200xf32, #tpu.memory_space<vmem>>, vector<16xf32>,
      %get3A_198 = arith.index_cast %scan3A_158 : i32 to index
      %get3A_199 = arith.constant 0 : index
      %get3A_200 = tpu.vector_load %arg6[%get3A_198, %get3A_199] {strides = array<i32>} : memref<128x200xf32, #tpu.memory_space<vmem>>, vector<16xf32>,
      %get3A_201 = arith.index_cast %scan3A_158 : i32 to index
      %get3A_202 = arith.constant 16 : index
      %get3A_203 = tpu.vector_load %arg6[%get3A_201, %get3A_202] {strides = array<i32>} : memref<128x200xf32, #tpu.memory_space<vmem>>, vector<16xf32>,
      %get3A_204 = arith.index_cast %scan3A_158 : i32 to index
      %get3A_205 = arith.constant 32 : index
      %get3A_206 = tpu.vector_load %arg6[%get3A_204, %get3A_205] {strides = array<i32>} : memref<128x200xf32, #tpu.memory_space<vmem>>, vector<16xf32>,
      %get3A_207 = arith.index_cast %scan3A_158 : i32 to index
      %get3A_208 = arith.constant 48 : index
      %get3A_209 = tpu.vector_load %arg6[%get3A_207, %get3A_208] {strides = array<i32>} : memref<128x200xf32, #tpu.memory_space<vmem>>, vector<16xf32>,
      %get3A_210 = arith.index_cast %scan3A_158 : i32 to index
      %get3A_211 = arith.constant 64 : index
      %get3A_212 = tpu.vector_load %arg6[%get3A_210, %get3A_211] {strides = array<i32>} : memref<128x200xf32, #tpu.memory_space<vmem>>, vector<16xf32>,
      %get3A_213 = arith.index_cast %scan3A_158 : i32 to index
      %get3A_214 = arith.constant 80 : index
      %get3A_215 = tpu.vector_load %arg6[%get3A_213, %get3A_214] {strides = array<i32>} : memref<128x200xf32, #tpu.memory_space<vmem>>, vector<16xf32>,
      %get3A_216 = arith.index_cast %scan3A_158 : i32 to index
      %get3A_217 = arith.constant 96 : index
      %get3A_218 = tpu.vector_load %arg6[%get3A_216, %get3A_217] {strides = array<i32>} : memref<128x200xf32, #tpu.memory_space<vmem>>, vector<16xf32>,
      %get3A_219 = arith.index_cast %scan3A_158 : i32 to index
      %get3A_220 = arith.constant 112 : index
      %get3A_221 = tpu.vector_load %arg6[%get3A_219, %get3A_220] {strides = array<i32>} : memref<128x200xf32, #tpu.memory_space<vmem>>, vector<16xf32>,
      %get3A_222 = arith.index_cast %scan3A_158 : i32 to index
      %get3A_223 = arith.constant 128 : index
      %get3A_224 = tpu.vector_load %arg6[%get3A_222, %get3A_223] {strides = array<i32>} : memref<128x200xf32, #tpu.memory_space<vmem>>, vector<16xf32>,
      %get3A_225 = arith.index_cast %scan3A_158 : i32 to index
      %get3A_226 = arith.constant 144 : index
      %get3A_227 = tpu.vector_load %arg6[%get3A_225, %get3A_226] {strides = array<i32>} : memref<128x200xf32, #tpu.memory_space<vmem>>, vector<16xf32>,
      %get3A_228 = arith.index_cast %scan3A_158 : i32 to index
      %get3A_229 = arith.constant 160 : index
      %get3A_230 = tpu.vector_load %arg6[%get3A_228, %get3A_229] {strides = array<i32>} : memref<128x200xf32, #tpu.memory_space<vmem>>, vector<16xf32>,
      %get3A_231 = arith.index_cast %scan3A_158 : i32 to index
      %get3A_232 = arith.constant 176 : index
      %get3A_233 = tpu.vector_load %arg6[%get3A_231, %get3A_232] {strides = array<i32>} : memref<128x200xf32, #tpu.memory_space<vmem>>, vector<16xf32>,
      %get3A_234 = arith.index_cast %scan3A_158 : i32 to index
      %get3A_235 = arith.constant 184 : index
      %get3A_236 = tpu.vector_load %arg5[%get3A_234, %get3A_235] {strides = array<i32>} : memref<128x200xf32, #tpu.memory_space<vmem>>, vector<16xf32>,
      %get3A_237 = arith.index_cast %scan3A_158 : i32 to index
      %get3A_238 = arith.constant 184 : index
      %get3A_239 = tpu.vector_load %arg6[%get3A_237, %get3A_238] {strides = array<i32>} : memref<128x200xf32, #tpu.memory_space<vmem>>, vector<16xf32>,
      %jit3A_240 = arith.constant -1.000000e+30 : f32
      %broadcast_in_dim3A_241 = vector.broadcast %jit3A_240 : f32 to vector<16xf32>
      %select_n3A_242 = arith.select %ge3A_50, %get3A_239, %broadcast_in_dim3A_241 : vector<16xi1>, vector<16xf32>
      %max3A = arith.maximumf %get3A_200, %get3A_203 : vector<16xf32>
      %max3A_243 = arith.maximumf %max3A, %get3A_206 : vector<16xf32>
      %max3A_244 = arith.maximumf %max3A_243, %get3A_209 : vector<16xf32>
      %max3A_245 = arith.maximumf %max3A_244, %get3A_212 : vector<16xf32>
      %max3A_246 = arith.maximumf %max3A_245, %get3A_215 : vector<16xf32>
      %max3A_247 = arith.maximumf %max3A_246, %get3A_218 : vector<16xf32>
      %max3A_248 = arith.maximumf %max3A_247, %get3A_221 : vector<16xf32>
      %max3A_249 = arith.maximumf %max3A_248, %get3A_224 : vector<16xf32>
      %max3A_250 = arith.maximumf %max3A_249, %get3A_227 : vector<16xf32>
      %max3A_251 = arith.maximumf %max3A_250, %get3A_230 : vector<16xf32>
      %max3A_252 = arith.maximumf %max3A_251, %get3A_233 : vector<16xf32>
      %max3A_253 = arith.maximumf %max3A_252, %select_n3A_242 : vector<16xf32>
      %broadcast_in_dim3A_254 = arith.constant true
      %broadcast_in_dim3A_255 = vector.broadcast %broadcast_in_dim3A_254 : i1 to vector<16xi1>
      %masked_cummax3A = tpu.scan <max>, %max3A_253 masked %broadcast_in_dim3A_255 : vector<16xf32>, vector<16xi1> -> vector<16xf32>
      %lt3A = arith.constant 0 : i32
      %lt3A_256 = vector.broadcast %lt3A : i32 to vector<16xi32>
      %lt3A_257 = arith.cmpi slt, %broadcast_in_dim3A_48, %lt3A_256 : vector<16xi32>
      %add3A_258 = arith.constant 16 : i32
      %add3A_259 = vector.broadcast %add3A_258 : i32 to vector<16xi32>
      %add3A_260 = arith.addi %broadcast_in_dim3A_48, %add3A_259 : vector<16xi32>
      %select_n3A_261 = arith.select %lt3A_257, %add3A_260, %broadcast_in_dim3A_48 : vector<16xi1>, vector<16xi32>
      %reshape3A = vector.shape_cast %select_n3A_261 : vector<16xi32> to vector<16x1xi32>
      %gather3A = vector.shape_cast %reshape3A : vector<16x1xi32> to vector<16xi32>
      %gather3A_262 = tpu.dynamic_gather %masked_cummax3A[%gather3A] in [0] : vector<16xf32>, vector<16xi32> -> vector<16xf32>
      %sub3A_263 = arith.subf %get3A_200, %gather3A_262 : vector<16xf32>
      %exp3A = math.exp %sub3A_263 : vector<16xf32>
      %sub3A_264 = arith.subf %get3A_203, %gather3A_262 : vector<16xf32>
      %exp3A_265 = math.exp %sub3A_264 : vector<16xf32>
      %sub3A_266 = arith.subf %get3A_206, %gather3A_262 : vector<16xf32>
      %exp3A_267 = math.exp %sub3A_266 : vector<16xf32>
      %sub3A_268 = arith.subf %get3A_209, %gather3A_262 : vector<16xf32>
      %exp3A_269 = math.exp %sub3A_268 : vector<16xf32>
      %sub3A_270 = arith.subf %get3A_212, %gather3A_262 : vector<16xf32>
      %exp3A_271 = math.exp %sub3A_270 : vector<16xf32>
      %sub3A_272 = arith.subf %get3A_215, %gather3A_262 : vector<16xf32>
      %exp3A_273 = math.exp %sub3A_272 : vector<16xf32>
      %sub3A_274 = arith.subf %get3A_218, %gather3A_262 : vector<16xf32>
      %exp3A_275 = math.exp %sub3A_274 : vector<16xf32>
      %sub3A_276 = arith.subf %get3A_221, %gather3A_262 : vector<16xf32>
      %exp3A_277 = math.exp %sub3A_276 : vector<16xf32>
      %sub3A_278 = arith.subf %get3A_224, %gather3A_262 : vector<16xf32>
      %exp3A_279 = math.exp %sub3A_278 : vector<16xf32>
      %sub3A_280 = arith.subf %get3A_227, %gather3A_262 : vector<16xf32>
      %exp3A_281 = math.exp %sub3A_280 : vector<16xf32>
      %sub3A_282 = arith.subf %get3A_230, %gather3A_262 : vector<16xf32>
      %exp3A_283 = math.exp %sub3A_282 : vector<16xf32>
      %sub3A_284 = arith.subf %get3A_233, %gather3A_262 : vector<16xf32>
      %exp3A_285 = math.exp %sub3A_284 : vector<16xf32>
      %sub3A_286 = arith.subf %get3A_239, %gather3A_262 : vector<16xf32>
      %exp3A_287 = math.exp %sub3A_286 : vector<16xf32>
      %jit3A_288 = arith.constant 0.000000e+00 : f32
      %broadcast_in_dim3A_289 = vector.broadcast %jit3A_288 : f32 to vector<16xf32>
      %select_n3A_290 = arith.select %ge3A_50, %exp3A_287, %broadcast_in_dim3A_289 : vector<16xi1>, vector<16xf32>
      %jit3A_291 = arith.constant -1.000000e+00 : f32
      %broadcast_in_dim3A_292 = vector.broadcast %jit3A_291 : f32 to vector<16xf32>
      %select_n3A_293 = arith.select %ge3A_50, %get3A_236, %broadcast_in_dim3A_292 : vector<16xi1>, vector<16xf32>
      %masked_sort3A = arith.constant dense<true> : vector<16xi1>
      %masked_sort3A_294, %masked_sort3A_295, %masked_sort3A_296 = tpu.sort %get3A_164, %exp3A masked %masked_sort3A {descending = true} : (vector<16xf32>, vector<16xf32>, vector<16xi1>) -> (vector<16xi1>, vector<16xf32>, vector<16xf32>)
      %masked_sort3A_297 = arith.constant dense<true> : vector<16xi1>
      %masked_sort3A_298, %masked_sort3A_299, %masked_sort3A_300 = tpu.sort %get3A_167, %exp3A_265 masked %masked_sort3A_297 {descending = true} : (vector<16xf32>, vector<16xf32>, vector<16xi1>) -> (vector<16xi1>, vector<16xf32>, vector<16xf32>)
      %masked_sort3A_301 = arith.constant dense<true> : vector<16xi1>
      %masked_sort3A_302, %masked_sort3A_303, %masked_sort3A_304 = tpu.sort %get3A_170, %exp3A_267 masked %masked_sort3A_301 {descending = true} : (vector<16xf32>, vector<16xf32>, vector<16xi1>) -> (vector<16xi1>, vector<16xf32>, vector<16xf32>)
      %masked_sort3A_305 = arith.constant dense<true> : vector<16xi1>
      %masked_sort3A_306, %masked_sort3A_307, %masked_sort3A_308 = tpu.sort %get3A_173, %exp3A_269 masked %masked_sort3A_305 {descending = true} : (vector<16xf32>, vector<16xf32>, vector<16xi1>) -> (vector<16xi1>, vector<16xf32>, vector<16xf32>)
      %masked_sort3A_309 = arith.constant dense<true> : vector<16xi1>
      %masked_sort3A_310, %masked_sort3A_311, %masked_sort3A_312 = tpu.sort %get3A_176, %exp3A_271 masked %masked_sort3A_309 {descending = true} : (vector<16xf32>, vector<16xf32>, vector<16xi1>) -> (vector<16xi1>, vector<16xf32>, vector<16xf32>)
      %masked_sort3A_313 = arith.constant dense<true> : vector<16xi1>
      %masked_sort3A_314, %masked_sort3A_315, %masked_sort3A_316 = tpu.sort %get3A_179, %exp3A_273 masked %masked_sort3A_313 {descending = true} : (vector<16xf32>, vector<16xf32>, vector<16xi1>) -> (vector<16xi1>, vector<16xf32>, vector<16xf32>)
      %masked_sort3A_317 = arith.constant dense<true> : vector<16xi1>
      %masked_sort3A_318, %masked_sort3A_319, %masked_sort3A_320 = tpu.sort %get3A_182, %exp3A_275 masked %masked_sort3A_317 {descending = true} : (vector<16xf32>, vector<16xf32>, vector<16xi1>) -> (vector<16xi1>, vector<16xf32>, vector<16xf32>)
      %masked_sort3A_321 = arith.constant dense<true> : vector<16xi1>
      %masked_sort3A_322, %masked_sort3A_323, %masked_sort3A_324 = tpu.sort %get3A_185, %exp3A_277 masked %masked_sort3A_321 {descending = true} : (vector<16xf32>, vector<16xf32>, vector<16xi1>) -> (vector<16xi1>, vector<16xf32>, vector<16xf32>)
      %masked_sort3A_325 = arith.constant dense<true> : vector<16xi1>
      %masked_sort3A_326, %masked_sort3A_327, %masked_sort3A_328 = tpu.sort %get3A_188, %exp3A_279 masked %masked_sort3A_325 {descending = true} : (vector<16xf32>, vector<16xf32>, vector<16xi1>) -> (vector<16xi1>, vector<16xf32>, vector<16xf32>)
      %masked_sort3A_329 = arith.constant dense<true> : vector<16xi1>
      %masked_sort3A_330, %masked_sort3A_331, %masked_sort3A_332 = tpu.sort %get3A_191, %exp3A_281 masked %masked_sort3A_329 {descending = true} : (vector<16xf32>, vector<16xf32>, vector<16xi1>) -> (vector<16xi1>, vector<16xf32>, vector<16xf32>)
      %masked_sort3A_333 = arith.constant dense<true> : vector<16xi1>
      %masked_sort3A_334, %masked_sort3A_335, %masked_sort3A_336 = tpu.sort %get3A_194, %exp3A_283 masked %masked_sort3A_333 {descending = true} : (vector<16xf32>, vector<16xf32>, vector<16xi1>) -> (vector<16xi1>, vector<16xf32>, vector<16xf32>)
      %masked_sort3A_337 = arith.constant dense<true> : vector<16xi1>
      %masked_sort3A_338, %masked_sort3A_339, %masked_sort3A_340 = tpu.sort %get3A_197, %exp3A_285 masked %masked_sort3A_337 {descending = true} : (vector<16xf32>, vector<16xf32>, vector<16xi1>) -> (vector<16xi1>, vector<16xf32>, vector<16xf32>)
      %masked_sort3A_341 = arith.constant dense<true> : vector<16xi1>
      %masked_sort3A_342, %masked_sort3A_343, %masked_sort3A_344 = tpu.sort %select_n3A_293, %select_n3A_290 masked %masked_sort3A_341 {descending = true} : (vector<16xf32>, vector<16xf32>, vector<16xi1>) -> (vector<16xi1>, vector<16xf32>, vector<16xf32>)
      %rev3A = arith.constant 15 : i32
      %rev3A_345 = vector.broadcast %rev3A : i32 to vector<16xi32>
      %rev3A_346 = tpu.iota {dimensions = array<i32: 0>} : vector<16xi32>
      %rev3A_347 = arith.subi %rev3A_345, %rev3A_346 : vector<16xi32>
      %rev3A_348 = tpu.dynamic_gather %masked_sort3A_299[%rev3A_347] in [0] : vector<16xf32>, vector<16xi32> -> vector<16xf32>
      %rev3A_349 = arith.constant 15 : i32
      %rev3A_350 = vector.broadcast %rev3A_349 : i32 to vector<16xi32>
      %rev3A_351 = tpu.iota {dimensions = array<i32: 0>} : vector<16xi32>
      %rev3A_352 = arith.subi %rev3A_350, %rev3A_351 : vector<16xi32>
      %rev3A_353 = tpu.dynamic_gather %masked_sort3A_300[%rev3A_352] in [0] : vector<16xf32>, vector<16xi32> -> vector<16xf32>
      %ge3A_354 = arith.cmpf oge, %masked_sort3A_295, %rev3A_348 : vector<16xf32>
      %select_n3A_355 = arith.select %ge3A_354, %masked_sort3A_295, %rev3A_348 : vector<16xi1>, vector<16xf32>
      %select_n3A_356 = arith.select %ge3A_354, %rev3A_348, %masked_sort3A_295 : vector<16xi1>, vector<16xf32>
      %select_n3A_357 = arith.select %ge3A_354, %masked_sort3A_296, %rev3A_353 : vector<16xi1>, vector<16xf32>
      %select_n3A_358 = arith.select %ge3A_354, %rev3A_353, %masked_sort3A_296 : vector<16xi1>, vector<16xf32>
      %masked_sort3A_359 = arith.constant dense<true> : vector<16xi1>
      %masked_sort3A_360, %masked_sort3A_361, %masked_sort3A_362 = tpu.sort %select_n3A_355, %select_n3A_357 masked %masked_sort3A_359 {descending = true} : (vector<16xf32>, vector<16xf32>, vector<16xi1>) -> (vector<16xi1>, vector<16xf32>, vector<16xf32>)
      %masked_sort3A_363 = arith.constant dense<true> : vector<16xi1>
      %masked_sort3A_364, %masked_sort3A_365, %masked_sort3A_366 = tpu.sort %select_n3A_356, %select_n3A_358 masked %masked_sort3A_363 {descending = true} : (vector<16xf32>, vector<16xf32>, vector<16xi1>) -> (vector<16xi1>, vector<16xf32>, vector<16xf32>)
      %rev3A_367 = arith.constant 15 : i32
      %rev3A_368 = vector.broadcast %rev3A_367 : i32 to vector<16xi32>
      %rev3A_369 = tpu.iota {dimensions = array<i32: 0>} : vector<16xi32>
      %rev3A_370 = arith.subi %rev3A_368, %rev3A_369 : vector<16xi32>
      %rev3A_371 = tpu.dynamic_gather %masked_sort3A_307[%rev3A_370] in [0] : vector<16xf32>, vector<16xi32> -> vector<16xf32>
      %rev3A_372 = arith.constant 15 : i32
      %rev3A_373 = vector.broadcast %rev3A_372 : i32 to vector<16xi32>
      %rev3A_374 = tpu.iota {dimensions = array<i32: 0>} : vector<16xi32>
      %rev3A_375 = arith.subi %rev3A_373, %rev3A_374 : vector<16xi32>
      %rev3A_376 = tpu.dynamic_gather %masked_sort3A_308[%rev3A_375] in [0] : vector<16xf32>, vector<16xi32> -> vector<16xf32>
      %ge3A_377 = arith.cmpf oge, %masked_sort3A_303, %rev3A_371 : vector<16xf32>
      %select_n3A_378 = arith.select %ge3A_377, %masked_sort3A_303, %rev3A_371 : vector<16xi1>, vector<16xf32>
      %select_n3A_379 = arith.select %ge3A_377, %rev3A_371, %masked_sort3A_303 : vector<16xi1>, vector<16xf32>
      %select_n3A_380 = arith.select %ge3A_377, %masked_sort3A_304, %rev3A_376 : vector<16xi1>, vector<16xf32>
      %select_n3A_381 = arith.select %ge3A_377, %rev3A_376, %masked_sort3A_304 : vector<16xi1>, vector<16xf32>
      %masked_sort3A_382 = arith.constant dense<true> : vector<16xi1>
      %masked_sort3A_383, %masked_sort3A_384, %masked_sort3A_385 = tpu.sort %select_n3A_378, %select_n3A_380 masked %masked_sort3A_382 {descending = true} : (vector<16xf32>, vector<16xf32>, vector<16xi1>) -> (vector<16xi1>, vector<16xf32>, vector<16xf32>)
      %masked_sort3A_386 = arith.constant dense<true> : vector<16xi1>
      %masked_sort3A_387, %masked_sort3A_388, %masked_sort3A_389 = tpu.sort %select_n3A_379, %select_n3A_381 masked %masked_sort3A_386 {descending = true} : (vector<16xf32>, vector<16xf32>, vector<16xi1>) -> (vector<16xi1>, vector<16xf32>, vector<16xf32>)
      %rev3A_390 = arith.constant 15 : i32
      %rev3A_391 = vector.broadcast %rev3A_390 : i32 to vector<16xi32>
      %rev3A_392 = tpu.iota {dimensions = array<i32: 0>} : vector<16xi32>
      %rev3A_393 = arith.subi %rev3A_391, %rev3A_392 : vector<16xi32>
      %rev3A_394 = tpu.dynamic_gather %masked_sort3A_315[%rev3A_393] in [0] : vector<16xf32>, vector<16xi32> -> vector<16xf32>
      %rev3A_395 = arith.constant 15 : i32
      %rev3A_396 = vector.broadcast %rev3A_395 : i32 to vector<16xi32>
      %rev3A_397 = tpu.iota {dimensions = array<i32: 0>} : vector<16xi32>
      %rev3A_398 = arith.subi %rev3A_396, %rev3A_397 : vector<16xi32>
      %rev3A_399 = tpu.dynamic_gather %masked_sort3A_316[%rev3A_398] in [0] : vector<16xf32>, vector<16xi32> -> vector<16xf32>
      %ge3A_400 = arith.cmpf oge, %masked_sort3A_311, %rev3A_394 : vector<16xf32>
      %select_n3A_401 = arith.select %ge3A_400, %masked_sort3A_311, %rev3A_394 : vector<16xi1>, vector<16xf32>
      %select_n3A_402 = arith.select %ge3A_400, %rev3A_394, %masked_sort3A_311 : vector<16xi1>, vector<16xf32>
      %select_n3A_403 = arith.select %ge3A_400, %masked_sort3A_312, %rev3A_399 : vector<16xi1>, vector<16xf32>
      %select_n3A_404 = arith.select %ge3A_400, %rev3A_399, %masked_sort3A_312 : vector<16xi1>, vector<16xf32>
      %masked_sort3A_405 = arith.constant dense<true> : vector<16xi1>
      %masked_sort3A_406, %masked_sort3A_407, %masked_sort3A_408 = tpu.sort %select_n3A_401, %select_n3A_403 masked %masked_sort3A_405 {descending = true} : (vector<16xf32>, vector<16xf32>, vector<16xi1>) -> (vector<16xi1>, vector<16xf32>, vector<16xf32>)
      %masked_sort3A_409 = arith.constant dense<true> : vector<16xi1>
      %masked_sort3A_410, %masked_sort3A_411, %masked_sort3A_412 = tpu.sort %select_n3A_402, %select_n3A_404 masked %masked_sort3A_409 {descending = true} : (vector<16xf32>, vector<16xf32>, vector<16xi1>) -> (vector<16xi1>, vector<16xf32>, vector<16xf32>)
      %rev3A_413 = arith.constant 15 : i32
      %rev3A_414 = vector.broadcast %rev3A_413 : i32 to vector<16xi32>
      %rev3A_415 = tpu.iota {dimensions = array<i32: 0>} : vector<16xi32>
      %rev3A_416 = arith.subi %rev3A_414, %rev3A_415 : vector<16xi32>
      %rev3A_417 = tpu.dynamic_gather %masked_sort3A_323[%rev3A_416] in [0] : vector<16xf32>, vector<16xi32> -> vector<16xf32>
      %rev3A_418 = arith.constant 15 : i32
      %rev3A_419 = vector.broadcast %rev3A_418 : i32 to vector<16xi32>
      %rev3A_420 = tpu.iota {dimensions = array<i32: 0>} : vector<16xi32>
      %rev3A_421 = arith.subi %rev3A_419, %rev3A_420 : vector<16xi32>
      %rev3A_422 = tpu.dynamic_gather %masked_sort3A_324[%rev3A_421] in [0] : vector<16xf32>, vector<16xi32> -> vector<16xf32>
      %ge3A_423 = arith.cmpf oge, %masked_sort3A_319, %rev3A_417 : vector<16xf32>
      %select_n3A_424 = arith.select %ge3A_423, %masked_sort3A_319, %rev3A_417 : vector<16xi1>, vector<16xf32>
      %select_n3A_425 = arith.select %ge3A_423, %rev3A_417, %masked_sort3A_319 : vector<16xi1>, vector<16xf32>
      %select_n3A_426 = arith.select %ge3A_423, %masked_sort3A_320, %rev3A_422 : vector<16xi1>, vector<16xf32>
      %select_n3A_427 = arith.select %ge3A_423, %rev3A_422, %masked_sort3A_320 : vector<16xi1>, vector<16xf32>
      %masked_sort3A_428 = arith.constant dense<true> : vector<16xi1>
      %masked_sort3A_429, %masked_sort3A_430, %masked_sort3A_431 = tpu.sort %select_n3A_424, %select_n3A_426 masked %masked_sort3A_428 {descending = true} : (vector<16xf32>, vector<16xf32>, vector<16xi1>) -> (vector<16xi1>, vector<16xf32>, vector<16xf32>)
      %masked_sort3A_432 = arith.constant dense<true> : vector<16xi1>
      %masked_sort3A_433, %masked_sort3A_434, %masked_sort3A_435 = tpu.sort %select_n3A_425, %select_n3A_427 masked %masked_sort3A_432 {descending = true} : (vector<16xf32>, vector<16xf32>, vector<16xi1>) -> (vector<16xi1>, vector<16xf32>, vector<16xf32>)
      %rev3A_436 = arith.constant 15 : i32
      %rev3A_437 = vector.broadcast %rev3A_436 : i32 to vector<16xi32>
      %rev3A_438 = tpu.iota {dimensions = array<i32: 0>} : vector<16xi32>
      %rev3A_439 = arith.subi %rev3A_437, %rev3A_438 : vector<16xi32>
      %rev3A_440 = tpu.dynamic_gather %masked_sort3A_331[%rev3A_439] in [0] : vector<16xf32>, vector<16xi32> -> vector<16xf32>
      %rev3A_441 = arith.constant 15 : i32
      %rev3A_442 = vector.broadcast %rev3A_441 : i32 to vector<16xi32>
      %rev3A_443 = tpu.iota {dimensions = array<i32: 0>} : vector<16xi32>
      %rev3A_444 = arith.subi %rev3A_442, %rev3A_443 : vector<16xi32>
      %rev3A_445 = tpu.dynamic_gather %masked_sort3A_332[%rev3A_444] in [0] : vector<16xf32>, vector<16xi32> -> vector<16xf32>
      %ge3A_446 = arith.cmpf oge, %masked_sort3A_327, %rev3A_440 : vector<16xf32>
      %select_n3A_447 = arith.select %ge3A_446, %masked_sort3A_327, %rev3A_440 : vector<16xi1>, vector<16xf32>
      %select_n3A_448 = arith.select %ge3A_446, %rev3A_440, %masked_sort3A_327 : vector<16xi1>, vector<16xf32>
      %select_n3A_449 = arith.select %ge3A_446, %masked_sort3A_328, %rev3A_445 : vector<16xi1>, vector<16xf32>
      %select_n3A_450 = arith.select %ge3A_446, %rev3A_445, %masked_sort3A_328 : vector<16xi1>, vector<16xf32>
      %masked_sort3A_451 = arith.constant dense<true> : vector<16xi1>
      %masked_sort3A_452, %masked_sort3A_453, %masked_sort3A_454 = tpu.sort %select_n3A_447, %select_n3A_449 masked %masked_sort3A_451 {descending = true} : (vector<16xf32>, vector<16xf32>, vector<16xi1>) -> (vector<16xi1>, vector<16xf32>, vector<16xf32>)
      %masked_sort3A_455 = arith.constant dense<true> : vector<16xi1>
      %masked_sort3A_456, %masked_sort3A_457, %masked_sort3A_458 = tpu.sort %select_n3A_448, %select_n3A_450 masked %masked_sort3A_455 {descending = true} : (vector<16xf32>, vector<16xf32>, vector<16xi1>) -> (vector<16xi1>, vector<16xf32>, vector<16xf32>)
      %rev3A_459 = arith.constant 15 : i32
      %rev3A_460 = vector.broadcast %rev3A_459 : i32 to vector<16xi32>
      %rev3A_461 = tpu.iota {dimensions = array<i32: 0>} : vector<16xi32>
      %rev3A_462 = arith.subi %rev3A_460, %rev3A_461 : vector<16xi32>
      %rev3A_463 = tpu.dynamic_gather %masked_sort3A_339[%rev3A_462] in [0] : vector<16xf32>, vector<16xi32> -> vector<16xf32>
      %rev3A_464 = arith.constant 15 : i32
      %rev3A_465 = vector.broadcast %rev3A_464 : i32 to vector<16xi32>
      %rev3A_466 = tpu.iota {dimensions = array<i32: 0>} : vector<16xi32>
      %rev3A_467 = arith.subi %rev3A_465, %rev3A_466 : vector<16xi32>
      %rev3A_468 = tpu.dynamic_gather %masked_sort3A_340[%rev3A_467] in [0] : vector<16xf32>, vector<16xi32> -> vector<16xf32>
      %ge3A_469 = arith.cmpf oge, %masked_sort3A_335, %rev3A_463 : vector<16xf32>
      %select_n3A_470 = arith.select %ge3A_469, %masked_sort3A_335, %rev3A_463 : vector<16xi1>, vector<16xf32>
      %select_n3A_471 = arith.select %ge3A_469, %rev3A_463, %masked_sort3A_335 : vector<16xi1>, vector<16xf32>
      %select_n3A_472 = arith.select %ge3A_469, %masked_sort3A_336, %rev3A_468 : vector<16xi1>, vector<16xf32>
      %select_n3A_473 = arith.select %ge3A_469, %rev3A_468, %masked_sort3A_336 : vector<16xi1>, vector<16xf32>
      %masked_sort3A_474 = arith.constant dense<true> : vector<16xi1>
      %masked_sort3A_475, %masked_sort3A_476, %masked_sort3A_477 = tpu.sort %select_n3A_470, %select_n3A_472 masked %masked_sort3A_474 {descending = true} : (vector<16xf32>, vector<16xf32>, vector<16xi1>) -> (vector<16xi1>, vector<16xf32>, vector<16xf32>)
      %masked_sort3A_478 = arith.constant dense<true> : vector<16xi1>
      %masked_sort3A_479, %masked_sort3A_480, %masked_sort3A_481 = tpu.sort %select_n3A_471, %select_n3A_473 masked %masked_sort3A_478 {descending = true} : (vector<16xf32>, vector<16xf32>, vector<16xi1>) -> (vector<16xi1>, vector<16xf32>, vector<16xf32>)
      %rev3A_482 = arith.constant 15 : i32
      %rev3A_483 = vector.broadcast %rev3A_482 : i32 to vector<16xi32>
      %rev3A_484 = tpu.iota {dimensions = array<i32: 0>} : vector<16xi32>
      %rev3A_485 = arith.subi %rev3A_483, %rev3A_484 : vector<16xi32>
      %rev3A_486 = tpu.dynamic_gather %masked_sort3A_388[%rev3A_485] in [0] : vector<16xf32>, vector<16xi32> -> vector<16xf32>
      %rev3A_487 = arith.constant 15 : i32
      %rev3A_488 = vector.broadcast %rev3A_487 : i32 to vector<16xi32>
      %rev3A_489 = tpu.iota {dimensions = array<i32: 0>} : vector<16xi32>
      %rev3A_490 = arith.subi %rev3A_488, %rev3A_489 : vector<16xi32>
      %rev3A_491 = tpu.dynamic_gather %masked_sort3A_384[%rev3A_490] in [0] : vector<16xf32>, vector<16xi32> -> vector<16xf32>
      %rev3A_492 = arith.constant 15 : i32
      %rev3A_493 = vector.broadcast %rev3A_492 : i32 to vector<16xi32>
      %rev3A_494 = tpu.iota {dimensions = array<i32: 0>} : vector<16xi32>
      %rev3A_495 = arith.subi %rev3A_493, %rev3A_494 : vector<16xi32>
      %rev3A_496 = tpu.dynamic_gather %masked_sort3A_389[%rev3A_495] in [0] : vector<16xf32>, vector<16xi32> -> vector<16xf32>
      %rev3A_497 = arith.constant 15 : i32
      %rev3A_498 = vector.broadcast %rev3A_497 : i32 to vector<16xi32>
      %rev3A_499 = tpu.iota {dimensions = array<i32: 0>} : vector<16xi32>
      %rev3A_500 = arith.subi %rev3A_498, %rev3A_499 : vector<16xi32>
      %rev3A_501 = tpu.dynamic_gather %masked_sort3A_385[%rev3A_500] in [0] : vector<16xf32>, vector<16xi32> -> vector<16xf32>
      %ge3A_502 = arith.cmpf oge, %masked_sort3A_361, %rev3A_486 : vector<16xf32>
      %select_n3A_503 = arith.select %ge3A_502, %masked_sort3A_361, %rev3A_486 : vector<16xi1>, vector<16xf32>
      %select_n3A_504 = arith.select %ge3A_502, %rev3A_486, %masked_sort3A_361 : vector<16xi1>, vector<16xf32>
      %select_n3A_505 = arith.select %ge3A_502, %masked_sort3A_362, %rev3A_496 : vector<16xi1>, vector<16xf32>
      %select_n3A_506 = arith.select %ge3A_502, %rev3A_496, %masked_sort3A_362 : vector<16xi1>, vector<16xf32>
      %ge3A_507 = arith.cmpf oge, %masked_sort3A_365, %rev3A_491 : vector<16xf32>
      %select_n3A_508 = arith.select %ge3A_507, %masked_sort3A_365, %rev3A_491 : vector<16xi1>, vector<16xf32>
      %select_n3A_509 = arith.select %ge3A_507, %rev3A_491, %masked_sort3A_365 : vector<16xi1>, vector<16xf32>
      %select_n3A_510 = arith.select %ge3A_507, %masked_sort3A_366, %rev3A_501 : vector<16xi1>, vector<16xf32>
      %select_n3A_511 = arith.select %ge3A_507, %rev3A_501, %masked_sort3A_366 : vector<16xi1>, vector<16xf32>
      %ge3A_512 = arith.cmpf oge, %select_n3A_503, %select_n3A_508 : vector<16xf32>
      %select_n3A_513 = arith.select %ge3A_512, %select_n3A_503, %select_n3A_508 : vector<16xi1>, vector<16xf32>
      %select_n3A_514 = arith.select %ge3A_512, %select_n3A_508, %select_n3A_503 : vector<16xi1>, vector<16xf32>
      %select_n3A_515 = arith.select %ge3A_512, %select_n3A_505, %select_n3A_510 : vector<16xi1>, vector<16xf32>
      %select_n3A_516 = arith.select %ge3A_512, %select_n3A_510, %select_n3A_505 : vector<16xi1>, vector<16xf32>
      %ge3A_517 = arith.cmpf oge, %select_n3A_504, %select_n3A_509 : vector<16xf32>
      %select_n3A_518 = arith.select %ge3A_517, %select_n3A_504, %select_n3A_509 : vector<16xi1>, vector<16xf32>
      %select_n3A_519 = arith.select %ge3A_517, %select_n3A_509, %select_n3A_504 : vector<16xi1>, vector<16xf32>
      %select_n3A_520 = arith.select %ge3A_517, %select_n3A_506, %select_n3A_511 : vector<16xi1>, vector<16xf32>
      %select_n3A_521 = arith.select %ge3A_517, %select_n3A_511, %select_n3A_506 : vector<16xi1>, vector<16xf32>
      %masked_sort3A_522 = arith.constant dense<true> : vector<16xi1>
      %masked_sort3A_523, %masked_sort3A_524, %masked_sort3A_525 = tpu.sort %select_n3A_513, %select_n3A_515 masked %masked_sort3A_522 {descending = true} : (vector<16xf32>, vector<16xf32>, vector<16xi1>) -> (vector<16xi1>, vector<16xf32>, vector<16xf32>)
      %masked_sort3A_526 = arith.constant dense<true> : vector<16xi1>
      %masked_sort3A_527, %masked_sort3A_528, %masked_sort3A_529 = tpu.sort %select_n3A_514, %select_n3A_516 masked %masked_sort3A_526 {descending = true} : (vector<16xf32>, vector<16xf32>, vector<16xi1>) -> (vector<16xi1>, vector<16xf32>, vector<16xf32>)
      %masked_sort3A_530 = arith.constant dense<true> : vector<16xi1>
      %masked_sort3A_531, %masked_sort3A_532, %masked_sort3A_533 = tpu.sort %select_n3A_518, %select_n3A_520 masked %masked_sort3A_530 {descending = true} : (vector<16xf32>, vector<16xf32>, vector<16xi1>) -> (vector<16xi1>, vector<16xf32>, vector<16xf32>)
      %masked_sort3A_534 = arith.constant dense<true> : vector<16xi1>
      %masked_sort3A_535, %masked_sort3A_536, %masked_sort3A_537 = tpu.sort %select_n3A_519, %select_n3A_521 masked %masked_sort3A_534 {descending = true} : (vector<16xf32>, vector<16xf32>, vector<16xi1>) -> (vector<16xi1>, vector<16xf32>, vector<16xf32>)
      %rev3A_538 = arith.constant 15 : i32
      %rev3A_539 = vector.broadcast %rev3A_538 : i32 to vector<16xi32>
      %rev3A_540 = tpu.iota {dimensions = array<i32: 0>} : vector<16xi32>
      %rev3A_541 = arith.subi %rev3A_539, %rev3A_540 : vector<16xi32>
      %rev3A_542 = tpu.dynamic_gather %masked_sort3A_434[%rev3A_541] in [0] : vector<16xf32>, vector<16xi32> -> vector<16xf32>
      %rev3A_543 = arith.constant 15 : i32
      %rev3A_544 = vector.broadcast %rev3A_543 : i32 to vector<16xi32>
      %rev3A_545 = tpu.iota {dimensions = array<i32: 0>} : vector<16xi32>
      %rev3A_546 = arith.subi %rev3A_544, %rev3A_545 : vector<16xi32>
      %rev3A_547 = tpu.dynamic_gather %masked_sort3A_430[%rev3A_546] in [0] : vector<16xf32>, vector<16xi32> -> vector<16xf32>
      %rev3A_548 = arith.constant 15 : i32
      %rev3A_549 = vector.broadcast %rev3A_548 : i32 to vector<16xi32>
      %rev3A_550 = tpu.iota {dimensions = array<i32: 0>} : vector<16xi32>
      %rev3A_551 = arith.subi %rev3A_549, %rev3A_550 : vector<16xi32>
      %rev3A_552 = tpu.dynamic_gather %masked_sort3A_435[%rev3A_551] in [0] : vector<16xf32>, vector<16xi32> -> vector<16xf32>
      %rev3A_553 = arith.constant 15 : i32
      %rev3A_554 = vector.broadcast %rev3A_553 : i32 to vector<16xi32>
      %rev3A_555 = tpu.iota {dimensions = array<i32: 0>} : vector<16xi32>
      %rev3A_556 = arith.subi %rev3A_554, %rev3A_555 : vector<16xi32>
      %rev3A_557 = tpu.dynamic_gather %masked_sort3A_431[%rev3A_556] in [0] : vector<16xf32>, vector<16xi32> -> vector<16xf32>
      %ge3A_558 = arith.cmpf oge, %masked_sort3A_407, %rev3A_542 : vector<16xf32>
      %select_n3A_559 = arith.select %ge3A_558, %masked_sort3A_407, %rev3A_542 : vector<16xi1>, vector<16xf32>
      %select_n3A_560 = arith.select %ge3A_558, %rev3A_542, %masked_sort3A_407 : vector<16xi1>, vector<16xf32>
      %select_n3A_561 = arith.select %ge3A_558, %masked_sort3A_408, %rev3A_552 : vector<16xi1>, vector<16xf32>
      %select_n3A_562 = arith.select %ge3A_558, %rev3A_552, %masked_sort3A_408 : vector<16xi1>, vector<16xf32>
      %ge3A_563 = arith.cmpf oge, %masked_sort3A_411, %rev3A_547 : vector<16xf32>
      %select_n3A_564 = arith.select %ge3A_563, %masked_sort3A_411, %rev3A_547 : vector<16xi1>, vector<16xf32>
      %select_n3A_565 = arith.select %ge3A_563, %rev3A_547, %masked_sort3A_411 : vector<16xi1>, vector<16xf32>
      %select_n3A_566 = arith.select %ge3A_563, %masked_sort3A_412, %rev3A_557 : vector<16xi1>, vector<16xf32>
      %select_n3A_567 = arith.select %ge3A_563, %rev3A_557, %masked_sort3A_412 : vector<16xi1>, vector<16xf32>
      %ge3A_568 = arith.cmpf oge, %select_n3A_559, %select_n3A_564 : vector<16xf32>
      %select_n3A_569 = arith.select %ge3A_568, %select_n3A_559, %select_n3A_564 : vector<16xi1>, vector<16xf32>
      %select_n3A_570 = arith.select %ge3A_568, %select_n3A_564, %select_n3A_559 : vector<16xi1>, vector<16xf32>
      %select_n3A_571 = arith.select %ge3A_568, %select_n3A_561, %select_n3A_566 : vector<16xi1>, vector<16xf32>
      %select_n3A_572 = arith.select %ge3A_568, %select_n3A_566, %select_n3A_561 : vector<16xi1>, vector<16xf32>
      %ge3A_573 = arith.cmpf oge, %select_n3A_560, %select_n3A_565 : vector<16xf32>
      %select_n3A_574 = arith.select %ge3A_573, %select_n3A_560, %select_n3A_565 : vector<16xi1>, vector<16xf32>
      %select_n3A_575 = arith.select %ge3A_573, %select_n3A_565, %select_n3A_560 : vector<16xi1>, vector<16xf32>
      %select_n3A_576 = arith.select %ge3A_573, %select_n3A_562, %select_n3A_567 : vector<16xi1>, vector<16xf32>
      %select_n3A_577 = arith.select %ge3A_573, %select_n3A_567, %select_n3A_562 : vector<16xi1>, vector<16xf32>
      %masked_sort3A_578 = arith.constant dense<true> : vector<16xi1>
      %masked_sort3A_579, %masked_sort3A_580, %masked_sort3A_581 = tpu.sort %select_n3A_569, %select_n3A_571 masked %masked_sort3A_578 {descending = true} : (vector<16xf32>, vector<16xf32>, vector<16xi1>) -> (vector<16xi1>, vector<16xf32>, vector<16xf32>)
      %masked_sort3A_582 = arith.constant dense<true> : vector<16xi1>
      %masked_sort3A_583, %masked_sort3A_584, %masked_sort3A_585 = tpu.sort %select_n3A_570, %select_n3A_572 masked %masked_sort3A_582 {descending = true} : (vector<16xf32>, vector<16xf32>, vector<16xi1>) -> (vector<16xi1>, vector<16xf32>, vector<16xf32>)
      %masked_sort3A_586 = arith.constant dense<true> : vector<16xi1>
      %masked_sort3A_587, %masked_sort3A_588, %masked_sort3A_589 = tpu.sort %select_n3A_574, %select_n3A_576 masked %masked_sort3A_586 {descending = true} : (vector<16xf32>, vector<16xf32>, vector<16xi1>) -> (vector<16xi1>, vector<16xf32>, vector<16xf32>)
      %masked_sort3A_590 = arith.constant dense<true> : vector<16xi1>
      %masked_sort3A_591, %masked_sort3A_592, %masked_sort3A_593 = tpu.sort %select_n3A_575, %select_n3A_577 masked %masked_sort3A_590 {descending = true} : (vector<16xf32>, vector<16xf32>, vector<16xi1>) -> (vector<16xi1>, vector<16xf32>, vector<16xf32>)
      %rev3A_594 = arith.constant 15 : i32
      %rev3A_595 = vector.broadcast %rev3A_594 : i32 to vector<16xi32>
      %rev3A_596 = tpu.iota {dimensions = array<i32: 0>} : vector<16xi32>
      %rev3A_597 = arith.subi %rev3A_595, %rev3A_596 : vector<16xi32>
      %rev3A_598 = tpu.dynamic_gather %masked_sort3A_480[%rev3A_597] in [0] : vector<16xf32>, vector<16xi32> -> vector<16xf32>
      %rev3A_599 = arith.constant 15 : i32
      %rev3A_600 = vector.broadcast %rev3A_599 : i32 to vector<16xi32>
      %rev3A_601 = tpu.iota {dimensions = array<i32: 0>} : vector<16xi32>
      %rev3A_602 = arith.subi %rev3A_600, %rev3A_601 : vector<16xi32>
      %rev3A_603 = tpu.dynamic_gather %masked_sort3A_476[%rev3A_602] in [0] : vector<16xf32>, vector<16xi32> -> vector<16xf32>
      %rev3A_604 = arith.constant 15 : i32
      %rev3A_605 = vector.broadcast %rev3A_604 : i32 to vector<16xi32>
      %rev3A_606 = tpu.iota {dimensions = array<i32: 0>} : vector<16xi32>
      %rev3A_607 = arith.subi %rev3A_605, %rev3A_606 : vector<16xi32>
      %rev3A_608 = tpu.dynamic_gather %masked_sort3A_481[%rev3A_607] in [0] : vector<16xf32>, vector<16xi32> -> vector<16xf32>
      %rev3A_609 = arith.constant 15 : i32
      %rev3A_610 = vector.broadcast %rev3A_609 : i32 to vector<16xi32>
      %rev3A_611 = tpu.iota {dimensions = array<i32: 0>} : vector<16xi32>
      %rev3A_612 = arith.subi %rev3A_610, %rev3A_611 : vector<16xi32>
      %rev3A_613 = tpu.dynamic_gather %masked_sort3A_477[%rev3A_612] in [0] : vector<16xf32>, vector<16xi32> -> vector<16xf32>
      %ge3A_614 = arith.cmpf oge, %masked_sort3A_453, %rev3A_598 : vector<16xf32>
      %select_n3A_615 = arith.select %ge3A_614, %masked_sort3A_453, %rev3A_598 : vector<16xi1>, vector<16xf32>
      %select_n3A_616 = arith.select %ge3A_614, %rev3A_598, %masked_sort3A_453 : vector<16xi1>, vector<16xf32>
      %select_n3A_617 = arith.select %ge3A_614, %masked_sort3A_454, %rev3A_608 : vector<16xi1>, vector<16xf32>
      %select_n3A_618 = arith.select %ge3A_614, %rev3A_608, %masked_sort3A_454 : vector<16xi1>, vector<16xf32>
      %ge3A_619 = arith.cmpf oge, %masked_sort3A_457, %rev3A_603 : vector<16xf32>
      %select_n3A_620 = arith.select %ge3A_619, %masked_sort3A_457, %rev3A_603 : vector<16xi1>, vector<16xf32>
      %select_n3A_621 = arith.select %ge3A_619, %rev3A_603, %masked_sort3A_457 : vector<16xi1>, vector<16xf32>
      %select_n3A_622 = arith.select %ge3A_619, %masked_sort3A_458, %rev3A_613 : vector<16xi1>, vector<16xf32>
      %select_n3A_623 = arith.select %ge3A_619, %rev3A_613, %masked_sort3A_458 : vector<16xi1>, vector<16xf32>
      %ge3A_624 = arith.cmpf oge, %select_n3A_615, %select_n3A_620 : vector<16xf32>
      %select_n3A_625 = arith.select %ge3A_624, %select_n3A_615, %select_n3A_620 : vector<16xi1>, vector<16xf32>
      %select_n3A_626 = arith.select %ge3A_624, %select_n3A_620, %select_n3A_615 : vector<16xi1>, vector<16xf32>
      %select_n3A_627 = arith.select %ge3A_624, %select_n3A_617, %select_n3A_622 : vector<16xi1>, vector<16xf32>
      %select_n3A_628 = arith.select %ge3A_624, %select_n3A_622, %select_n3A_617 : vector<16xi1>, vector<16xf32>
      %ge3A_629 = arith.cmpf oge, %select_n3A_616, %select_n3A_621 : vector<16xf32>
      %select_n3A_630 = arith.select %ge3A_629, %select_n3A_616, %select_n3A_621 : vector<16xi1>, vector<16xf32>
      %select_n3A_631 = arith.select %ge3A_629, %select_n3A_621, %select_n3A_616 : vector<16xi1>, vector<16xf32>
      %select_n3A_632 = arith.select %ge3A_629, %select_n3A_618, %select_n3A_623 : vector<16xi1>, vector<16xf32>
      %select_n3A_633 = arith.select %ge3A_629, %select_n3A_623, %select_n3A_618 : vector<16xi1>, vector<16xf32>
      %masked_sort3A_634 = arith.constant dense<true> : vector<16xi1>
      %masked_sort3A_635, %masked_sort3A_636, %masked_sort3A_637 = tpu.sort %select_n3A_625, %select_n3A_627 masked %masked_sort3A_634 {descending = true} : (vector<16xf32>, vector<16xf32>, vector<16xi1>) -> (vector<16xi1>, vector<16xf32>, vector<16xf32>)
      %masked_sort3A_638 = arith.constant dense<true> : vector<16xi1>
      %masked_sort3A_639, %masked_sort3A_640, %masked_sort3A_641 = tpu.sort %select_n3A_626, %select_n3A_628 masked %masked_sort3A_638 {descending = true} : (vector<16xf32>, vector<16xf32>, vector<16xi1>) -> (vector<16xi1>, vector<16xf32>, vector<16xf32>)
      %masked_sort3A_642 = arith.constant dense<true> : vector<16xi1>
      %masked_sort3A_643, %masked_sort3A_644, %masked_sort3A_645 = tpu.sort %select_n3A_630, %select_n3A_632 masked %masked_sort3A_642 {descending = true} : (vector<16xf32>, vector<16xf32>, vector<16xi1>) -> (vector<16xi1>, vector<16xf32>, vector<16xf32>)
      %masked_sort3A_646 = arith.constant dense<true> : vector<16xi1>
      %masked_sort3A_647, %masked_sort3A_648, %masked_sort3A_649 = tpu.sort %select_n3A_631, %select_n3A_633 masked %masked_sort3A_646 {descending = true} : (vector<16xf32>, vector<16xf32>, vector<16xi1>) -> (vector<16xi1>, vector<16xf32>, vector<16xf32>)
      %rev3A_650 = arith.constant 15 : i32
      %rev3A_651 = vector.broadcast %rev3A_650 : i32 to vector<16xi32>
      %rev3A_652 = tpu.iota {dimensions = array<i32: 0>} : vector<16xi32>
      %rev3A_653 = arith.subi %rev3A_651, %rev3A_652 : vector<16xi32>
      %rev3A_654 = tpu.dynamic_gather %masked_sort3A_592[%rev3A_653] in [0] : vector<16xf32>, vector<16xi32> -> vector<16xf32>
      %rev3A_655 = arith.constant 15 : i32
      %rev3A_656 = vector.broadcast %rev3A_655 : i32 to vector<16xi32>
      %rev3A_657 = tpu.iota {dimensions = array<i32: 0>} : vector<16xi32>
      %rev3A_658 = arith.subi %rev3A_656, %rev3A_657 : vector<16xi32>
      %rev3A_659 = tpu.dynamic_gather %masked_sort3A_588[%rev3A_658] in [0] : vector<16xf32>, vector<16xi32> -> vector<16xf32>
      %rev3A_660 = arith.constant 15 : i32
      %rev3A_661 = vector.broadcast %rev3A_660 : i32 to vector<16xi32>
      %rev3A_662 = tpu.iota {dimensions = array<i32: 0>} : vector<16xi32>
      %rev3A_663 = arith.subi %rev3A_661, %rev3A_662 : vector<16xi32>
      %rev3A_664 = tpu.dynamic_gather %masked_sort3A_584[%rev3A_663] in [0] : vector<16xf32>, vector<16xi32> -> vector<16xf32>
      %rev3A_665 = arith.constant 15 : i32
      %rev3A_666 = vector.broadcast %rev3A_665 : i32 to vector<16xi32>
      %rev3A_667 = tpu.iota {dimensions = array<i32: 0>} : vector<16xi32>
      %rev3A_668 = arith.subi %rev3A_666, %rev3A_667 : vector<16xi32>
      %rev3A_669 = tpu.dynamic_gather %masked_sort3A_580[%rev3A_668] in [0] : vector<16xf32>, vector<16xi32> -> vector<16xf32>
      %rev3A_670 = arith.constant 15 : i32
      %rev3A_671 = vector.broadcast %rev3A_670 : i32 to vector<16xi32>
      %rev3A_672 = tpu.iota {dimensions = array<i32: 0>} : vector<16xi32>
      %rev3A_673 = arith.subi %rev3A_671, %rev3A_672 : vector<16xi32>
      %rev3A_674 = tpu.dynamic_gather %masked_sort3A_593[%rev3A_673] in [0] : vector<16xf32>, vector<16xi32> -> vector<16xf32>
      %rev3A_675 = arith.constant 15 : i32
      %rev3A_676 = vector.broadcast %rev3A_675 : i32 to vector<16xi32>
      %rev3A_677 = tpu.iota {dimensions = array<i32: 0>} : vector<16xi32>
      %rev3A_678 = arith.subi %rev3A_676, %rev3A_677 : vector<16xi32>
      %rev3A_679 = tpu.dynamic_gather %masked_sort3A_589[%rev3A_678] in [0] : vector<16xf32>, vector<16xi32> -> vector<16xf32>
      %rev3A_680 = arith.constant 15 : i32
      %rev3A_681 = vector.broadcast %rev3A_680 : i32 to vector<16xi32>
      %rev3A_682 = tpu.iota {dimensions = array<i32: 0>} : vector<16xi32>
      %rev3A_683 = arith.subi %rev3A_681, %rev3A_682 : vector<16xi32>
      %rev3A_684 = tpu.dynamic_gather %masked_sort3A_585[%rev3A_683] in [0] : vector<16xf32>, vector<16xi32> -> vector<16xf32>
      %rev3A_685 = arith.constant 15 : i32
      %rev3A_686 = vector.broadcast %rev3A_685 : i32 to vector<16xi32>
      %rev3A_687 = tpu.iota {dimensions = array<i32: 0>} : vector<16xi32>
      %rev3A_688 = arith.subi %rev3A_686, %rev3A_687 : vector<16xi32>
      %rev3A_689 = tpu.dynamic_gather %masked_sort3A_581[%rev3A_688] in [0] : vector<16xf32>, vector<16xi32> -> vector<16xf32>
      %ge3A_690 = arith.cmpf oge, %masked_sort3A_524, %rev3A_654 : vector<16xf32>
      %select_n3A_691 = arith.select %ge3A_690, %masked_sort3A_524, %rev3A_654 : vector<16xi1>, vector<16xf32>
      %select_n3A_692 = arith.select %ge3A_690, %rev3A_654, %masked_sort3A_524 : vector<16xi1>, vector<16xf32>
      %select_n3A_693 = arith.select %ge3A_690, %masked_sort3A_525, %rev3A_674 : vector<16xi1>, vector<16xf32>
      %select_n3A_694 = arith.select %ge3A_690, %rev3A_674, %masked_sort3A_525 : vector<16xi1>, vector<16xf32>
      %ge3A_695 = arith.cmpf oge, %masked_sort3A_528, %rev3A_659 : vector<16xf32>
      %select_n3A_696 = arith.select %ge3A_695, %masked_sort3A_528, %rev3A_659 : vector<16xi1>, vector<16xf32>
      %select_n3A_697 = arith.select %ge3A_695, %rev3A_659, %masked_sort3A_528 : vector<16xi1>, vector<16xf32>
      %select_n3A_698 = arith.select %ge3A_695, %masked_sort3A_529, %rev3A_679 : vector<16xi1>, vector<16xf32>
      %select_n3A_699 = arith.select %ge3A_695, %rev3A_679, %masked_sort3A_529 : vector<16xi1>, vector<16xf32>
      %ge3A_700 = arith.cmpf oge, %masked_sort3A_532, %rev3A_664 : vector<16xf32>
      %select_n3A_701 = arith.select %ge3A_700, %masked_sort3A_532, %rev3A_664 : vector<16xi1>, vector<16xf32>
      %select_n3A_702 = arith.select %ge3A_700, %rev3A_664, %masked_sort3A_532 : vector<16xi1>, vector<16xf32>
      %select_n3A_703 = arith.select %ge3A_700, %masked_sort3A_533, %rev3A_684 : vector<16xi1>, vector<16xf32>
      %select_n3A_704 = arith.select %ge3A_700, %rev3A_684, %masked_sort3A_533 : vector<16xi1>, vector<16xf32>
      %ge3A_705 = arith.cmpf oge, %masked_sort3A_536, %rev3A_669 : vector<16xf32>
      %select_n3A_706 = arith.select %ge3A_705, %masked_sort3A_536, %rev3A_669 : vector<16xi1>, vector<16xf32>
      %select_n3A_707 = arith.select %ge3A_705, %rev3A_669, %masked_sort3A_536 : vector<16xi1>, vector<16xf32>
      %select_n3A_708 = arith.select %ge3A_705, %masked_sort3A_537, %rev3A_689 : vector<16xi1>, vector<16xf32>
      %select_n3A_709 = arith.select %ge3A_705, %rev3A_689, %masked_sort3A_537 : vector<16xi1>, vector<16xf32>
      %ge3A_710 = arith.cmpf oge, %select_n3A_691, %select_n3A_701 : vector<16xf32>
      %select_n3A_711 = arith.select %ge3A_710, %select_n3A_691, %select_n3A_701 : vector<16xi1>, vector<16xf32>
      %select_n3A_712 = arith.select %ge3A_710, %select_n3A_701, %select_n3A_691 : vector<16xi1>, vector<16xf32>
      %select_n3A_713 = arith.select %ge3A_710, %select_n3A_693, %select_n3A_703 : vector<16xi1>, vector<16xf32>
      %select_n3A_714 = arith.select %ge3A_710, %select_n3A_703, %select_n3A_693 : vector<16xi1>, vector<16xf32>
      %ge3A_715 = arith.cmpf oge, %select_n3A_696, %select_n3A_706 : vector<16xf32>
      %select_n3A_716 = arith.select %ge3A_715, %select_n3A_696, %select_n3A_706 : vector<16xi1>, vector<16xf32>
      %select_n3A_717 = arith.select %ge3A_715, %select_n3A_706, %select_n3A_696 : vector<16xi1>, vector<16xf32>
      %select_n3A_718 = arith.select %ge3A_715, %select_n3A_698, %select_n3A_708 : vector<16xi1>, vector<16xf32>
      %select_n3A_719 = arith.select %ge3A_715, %select_n3A_708, %select_n3A_698 : vector<16xi1>, vector<16xf32>
      %ge3A_720 = arith.cmpf oge, %select_n3A_692, %select_n3A_702 : vector<16xf32>
      %select_n3A_721 = arith.select %ge3A_720, %select_n3A_692, %select_n3A_702 : vector<16xi1>, vector<16xf32>
      %select_n3A_722 = arith.select %ge3A_720, %select_n3A_702, %select_n3A_692 : vector<16xi1>, vector<16xf32>
      %select_n3A_723 = arith.select %ge3A_720, %select_n3A_694, %select_n3A_704 : vector<16xi1>, vector<16xf32>
      %select_n3A_724 = arith.select %ge3A_720, %select_n3A_704, %select_n3A_694 : vector<16xi1>, vector<16xf32>
      %ge3A_725 = arith.cmpf oge, %select_n3A_697, %select_n3A_707 : vector<16xf32>
      %select_n3A_726 = arith.select %ge3A_725, %select_n3A_697, %select_n3A_707 : vector<16xi1>, vector<16xf32>
      %select_n3A_727 = arith.select %ge3A_725, %select_n3A_707, %select_n3A_697 : vector<16xi1>, vector<16xf32>
      %select_n3A_728 = arith.select %ge3A_725, %select_n3A_699, %select_n3A_709 : vector<16xi1>, vector<16xf32>
      %select_n3A_729 = arith.select %ge3A_725, %select_n3A_709, %select_n3A_699 : vector<16xi1>, vector<16xf32>
      %ge3A_730 = arith.cmpf oge, %select_n3A_711, %select_n3A_716 : vector<16xf32>
      %select_n3A_731 = arith.select %ge3A_730, %select_n3A_711, %select_n3A_716 : vector<16xi1>, vector<16xf32>
      %select_n3A_732 = arith.select %ge3A_730, %select_n3A_716, %select_n3A_711 : vector<16xi1>, vector<16xf32>
      %select_n3A_733 = arith.select %ge3A_730, %select_n3A_713, %select_n3A_718 : vector<16xi1>, vector<16xf32>
      %select_n3A_734 = arith.select %ge3A_730, %select_n3A_718, %select_n3A_713 : vector<16xi1>, vector<16xf32>
      %ge3A_735 = arith.cmpf oge, %select_n3A_712, %select_n3A_717 : vector<16xf32>
      %select_n3A_736 = arith.select %ge3A_735, %select_n3A_712, %select_n3A_717 : vector<16xi1>, vector<16xf32>
      %select_n3A_737 = arith.select %ge3A_735, %select_n3A_717, %select_n3A_712 : vector<16xi1>, vector<16xf32>
      %select_n3A_738 = arith.select %ge3A_735, %select_n3A_714, %select_n3A_719 : vector<16xi1>, vector<16xf32>
      %select_n3A_739 = arith.select %ge3A_735, %select_n3A_719, %select_n3A_714 : vector<16xi1>, vector<16xf32>
      %ge3A_740 = arith.cmpf oge, %select_n3A_721, %select_n3A_726 : vector<16xf32>
      %select_n3A_741 = arith.select %ge3A_740, %select_n3A_721, %select_n3A_726 : vector<16xi1>, vector<16xf32>
      %select_n3A_742 = arith.select %ge3A_740, %select_n3A_726, %select_n3A_721 : vector<16xi1>, vector<16xf32>
      %select_n3A_743 = arith.select %ge3A_740, %select_n3A_723, %select_n3A_728 : vector<16xi1>, vector<16xf32>
      %select_n3A_744 = arith.select %ge3A_740, %select_n3A_728, %select_n3A_723 : vector<16xi1>, vector<16xf32>
      %ge3A_745 = arith.cmpf oge, %select_n3A_722, %select_n3A_727 : vector<16xf32>
      %select_n3A_746 = arith.select %ge3A_745, %select_n3A_722, %select_n3A_727 : vector<16xi1>, vector<16xf32>
      %select_n3A_747 = arith.select %ge3A_745, %select_n3A_727, %select_n3A_722 : vector<16xi1>, vector<16xf32>
      %select_n3A_748 = arith.select %ge3A_745, %select_n3A_724, %select_n3A_729 : vector<16xi1>, vector<16xf32>
      %select_n3A_749 = arith.select %ge3A_745, %select_n3A_729, %select_n3A_724 : vector<16xi1>, vector<16xf32>
      %masked_sort3A_750 = arith.constant dense<true> : vector<16xi1>
      %masked_sort3A_751, %masked_sort3A_752, %masked_sort3A_753 = tpu.sort %select_n3A_731, %select_n3A_733 masked %masked_sort3A_750 {descending = true} : (vector<16xf32>, vector<16xf32>, vector<16xi1>) -> (vector<16xi1>, vector<16xf32>, vector<16xf32>)
      %masked_sort3A_754 = arith.constant dense<true> : vector<16xi1>
      %masked_sort3A_755, %masked_sort3A_756, %masked_sort3A_757 = tpu.sort %select_n3A_732, %select_n3A_734 masked %masked_sort3A_754 {descending = true} : (vector<16xf32>, vector<16xf32>, vector<16xi1>) -> (vector<16xi1>, vector<16xf32>, vector<16xf32>)
      %masked_sort3A_758 = arith.constant dense<true> : vector<16xi1>
      %masked_sort3A_759, %masked_sort3A_760, %masked_sort3A_761 = tpu.sort %select_n3A_736, %select_n3A_738 masked %masked_sort3A_758 {descending = true} : (vector<16xf32>, vector<16xf32>, vector<16xi1>) -> (vector<16xi1>, vector<16xf32>, vector<16xf32>)
      %masked_sort3A_762 = arith.constant dense<true> : vector<16xi1>
      %masked_sort3A_763, %masked_sort3A_764, %masked_sort3A_765 = tpu.sort %select_n3A_737, %select_n3A_739 masked %masked_sort3A_762 {descending = true} : (vector<16xf32>, vector<16xf32>, vector<16xi1>) -> (vector<16xi1>, vector<16xf32>, vector<16xf32>)
      %masked_sort3A_766 = arith.constant dense<true> : vector<16xi1>
      %masked_sort3A_767, %masked_sort3A_768, %masked_sort3A_769 = tpu.sort %select_n3A_741, %select_n3A_743 masked %masked_sort3A_766 {descending = true} : (vector<16xf32>, vector<16xf32>, vector<16xi1>) -> (vector<16xi1>, vector<16xf32>, vector<16xf32>)
      %masked_sort3A_770 = arith.constant dense<true> : vector<16xi1>
      %masked_sort3A_771, %masked_sort3A_772, %masked_sort3A_773 = tpu.sort %select_n3A_742, %select_n3A_744 masked %masked_sort3A_770 {descending = true} : (vector<16xf32>, vector<16xf32>, vector<16xi1>) -> (vector<16xi1>, vector<16xf32>, vector<16xf32>)
      %masked_sort3A_774 = arith.constant dense<true> : vector<16xi1>
      %masked_sort3A_775, %masked_sort3A_776, %masked_sort3A_777 = tpu.sort %select_n3A_746, %select_n3A_748 masked %masked_sort3A_774 {descending = true} : (vector<16xf32>, vector<16xf32>, vector<16xi1>) -> (vector<16xi1>, vector<16xf32>, vector<16xf32>)
      %masked_sort3A_778 = arith.constant dense<true> : vector<16xi1>
      %masked_sort3A_779, %masked_sort3A_780, %masked_sort3A_781 = tpu.sort %select_n3A_747, %select_n3A_749 masked %masked_sort3A_778 {descending = true} : (vector<16xf32>, vector<16xf32>, vector<16xi1>) -> (vector<16xi1>, vector<16xf32>, vector<16xf32>)
      %rev3A_782 = arith.constant 15 : i32
      %rev3A_783 = vector.broadcast %rev3A_782 : i32 to vector<16xi32>
      %rev3A_784 = tpu.iota {dimensions = array<i32: 0>} : vector<16xi32>
      %rev3A_785 = arith.subi %rev3A_783, %rev3A_784 : vector<16xi32>
      %rev3A_786 = tpu.dynamic_gather %masked_sort3A_343[%rev3A_785] in [0] : vector<16xf32>, vector<16xi32> -> vector<16xf32>
      %rev3A_787 = arith.constant 15 : i32
      %rev3A_788 = vector.broadcast %rev3A_787 : i32 to vector<16xi32>
      %rev3A_789 = tpu.iota {dimensions = array<i32: 0>} : vector<16xi32>
      %rev3A_790 = arith.subi %rev3A_788, %rev3A_789 : vector<16xi32>
      %rev3A_791 = tpu.dynamic_gather %masked_sort3A_344[%rev3A_790] in [0] : vector<16xf32>, vector<16xi32> -> vector<16xf32>
      %ge3A_792 = arith.cmpf oge, %masked_sort3A_648, %rev3A_786 : vector<16xf32>
      %select_n3A_793 = arith.select %ge3A_792, %masked_sort3A_648, %rev3A_786 : vector<16xi1>, vector<16xf32>
      %select_n3A_794 = arith.select %ge3A_792, %rev3A_786, %masked_sort3A_648 : vector<16xi1>, vector<16xf32>
      %select_n3A_795 = arith.select %ge3A_792, %masked_sort3A_649, %rev3A_791 : vector<16xi1>, vector<16xf32>
      %select_n3A_796 = arith.select %ge3A_792, %rev3A_791, %masked_sort3A_649 : vector<16xi1>, vector<16xf32>
      %ge3A_797 = arith.cmpf oge, %masked_sort3A_636, %masked_sort3A_644 : vector<16xf32>
      %select_n3A_798 = arith.select %ge3A_797, %masked_sort3A_636, %masked_sort3A_644 : vector<16xi1>, vector<16xf32>
      %select_n3A_799 = arith.select %ge3A_797, %masked_sort3A_644, %masked_sort3A_636 : vector<16xi1>, vector<16xf32>
      %select_n3A_800 = arith.select %ge3A_797, %masked_sort3A_637, %masked_sort3A_645 : vector<16xi1>, vector<16xf32>
      %select_n3A_801 = arith.select %ge3A_797, %masked_sort3A_645, %masked_sort3A_637 : vector<16xi1>, vector<16xf32>
      %ge3A_802 = arith.cmpf oge, %masked_sort3A_640, %select_n3A_793 : vector<16xf32>
      %select_n3A_803 = arith.select %ge3A_802, %masked_sort3A_640, %select_n3A_793 : vector<16xi1>, vector<16xf32>
      %select_n3A_804 = arith.select %ge3A_802, %select_n3A_793, %masked_sort3A_640 : vector<16xi1>, vector<16xf32>
      %select_n3A_805 = arith.select %ge3A_802, %masked_sort3A_641, %select_n3A_795 : vector<16xi1>, vector<16xf32>
      %select_n3A_806 = arith.select %ge3A_802, %select_n3A_795, %masked_sort3A_641 : vector<16xi1>, vector<16xf32>
      %ge3A_807 = arith.cmpf oge, %select_n3A_798, %select_n3A_803 : vector<16xf32>
      %select_n3A_808 = arith.select %ge3A_807, %select_n3A_798, %select_n3A_803 : vector<16xi1>, vector<16xf32>
      %select_n3A_809 = arith.select %ge3A_807, %select_n3A_803, %select_n3A_798 : vector<16xi1>, vector<16xf32>
      %select_n3A_810 = arith.select %ge3A_807, %select_n3A_800, %select_n3A_805 : vector<16xi1>, vector<16xf32>
      %select_n3A_811 = arith.select %ge3A_807, %select_n3A_805, %select_n3A_800 : vector<16xi1>, vector<16xf32>
      %ge3A_812 = arith.cmpf oge, %select_n3A_799, %select_n3A_804 : vector<16xf32>
      %select_n3A_813 = arith.select %ge3A_812, %select_n3A_799, %select_n3A_804 : vector<16xi1>, vector<16xf32>
      %select_n3A_814 = arith.select %ge3A_812, %select_n3A_804, %select_n3A_799 : vector<16xi1>, vector<16xf32>
      %select_n3A_815 = arith.select %ge3A_812, %select_n3A_801, %select_n3A_806 : vector<16xi1>, vector<16xf32>
      %select_n3A_816 = arith.select %ge3A_812, %select_n3A_806, %select_n3A_801 : vector<16xi1>, vector<16xf32>
      %masked_sort3A_817 = arith.constant dense<true> : vector<16xi1>
      %masked_sort3A_818, %masked_sort3A_819, %masked_sort3A_820 = tpu.sort %select_n3A_808, %select_n3A_810 masked %masked_sort3A_817 {descending = true} : (vector<16xf32>, vector<16xf32>, vector<16xi1>) -> (vector<16xi1>, vector<16xf32>, vector<16xf32>)
      %masked_sort3A_821 = arith.constant dense<true> : vector<16xi1>
      %masked_sort3A_822, %masked_sort3A_823, %masked_sort3A_824 = tpu.sort %select_n3A_809, %select_n3A_811 masked %masked_sort3A_821 {descending = true} : (vector<16xf32>, vector<16xf32>, vector<16xi1>) -> (vector<16xi1>, vector<16xf32>, vector<16xf32>)
      %masked_sort3A_825 = arith.constant dense<true> : vector<16xi1>
      %masked_sort3A_826, %masked_sort3A_827, %masked_sort3A_828 = tpu.sort %select_n3A_813, %select_n3A_815 masked %masked_sort3A_825 {descending = true} : (vector<16xf32>, vector<16xf32>, vector<16xi1>) -> (vector<16xi1>, vector<16xf32>, vector<16xf32>)
      %masked_sort3A_829 = arith.constant dense<true> : vector<16xi1>
      %masked_sort3A_830, %masked_sort3A_831, %masked_sort3A_832 = tpu.sort %select_n3A_814, %select_n3A_816 masked %masked_sort3A_829 {descending = true} : (vector<16xf32>, vector<16xf32>, vector<16xi1>) -> (vector<16xi1>, vector<16xf32>, vector<16xf32>)
      %masked_sort3A_833 = arith.constant dense<true> : vector<16xi1>
      %masked_sort3A_834, %masked_sort3A_835, %masked_sort3A_836 = tpu.sort %select_n3A_794, %select_n3A_796 masked %masked_sort3A_833 {descending = true} : (vector<16xf32>, vector<16xf32>, vector<16xi1>) -> (vector<16xi1>, vector<16xf32>, vector<16xf32>)
      %rev3A_837 = arith.constant 15 : i32
      %rev3A_838 = vector.broadcast %rev3A_837 : i32 to vector<16xi32>
      %rev3A_839 = tpu.iota {dimensions = array<i32: 0>} : vector<16xi32>
      %rev3A_840 = arith.subi %rev3A_838, %rev3A_839 : vector<16xi32>
      %rev3A_841 = tpu.dynamic_gather %masked_sort3A_835[%rev3A_840] in [0] : vector<16xf32>, vector<16xi32> -> vector<16xf32>
      %rev3A_842 = arith.constant 15 : i32
      %rev3A_843 = vector.broadcast %rev3A_842 : i32 to vector<16xi32>
      %rev3A_844 = tpu.iota {dimensions = array<i32: 0>} : vector<16xi32>
      %rev3A_845 = arith.subi %rev3A_843, %rev3A_844 : vector<16xi32>
      %rev3A_846 = tpu.dynamic_gather %masked_sort3A_831[%rev3A_845] in [0] : vector<16xf32>, vector<16xi32> -> vector<16xf32>
      %rev3A_847 = arith.constant 15 : i32
      %rev3A_848 = vector.broadcast %rev3A_847 : i32 to vector<16xi32>
      %rev3A_849 = tpu.iota {dimensions = array<i32: 0>} : vector<16xi32>
      %rev3A_850 = arith.subi %rev3A_848, %rev3A_849 : vector<16xi32>
      %rev3A_851 = tpu.dynamic_gather %masked_sort3A_827[%rev3A_850] in [0] : vector<16xf32>, vector<16xi32> -> vector<16xf32>
      %rev3A_852 = arith.constant 15 : i32
      %rev3A_853 = vector.broadcast %rev3A_852 : i32 to vector<16xi32>
      %rev3A_854 = tpu.iota {dimensions = array<i32: 0>} : vector<16xi32>
      %rev3A_855 = arith.subi %rev3A_853, %rev3A_854 : vector<16xi32>
      %rev3A_856 = tpu.dynamic_gather %masked_sort3A_823[%rev3A_855] in [0] : vector<16xf32>, vector<16xi32> -> vector<16xf32>
      %rev3A_857 = arith.constant 15 : i32
      %rev3A_858 = vector.broadcast %rev3A_857 : i32 to vector<16xi32>
      %rev3A_859 = tpu.iota {dimensions = array<i32: 0>} : vector<16xi32>
      %rev3A_860 = arith.subi %rev3A_858, %rev3A_859 : vector<16xi32>
      %rev3A_861 = tpu.dynamic_gather %masked_sort3A_819[%rev3A_860] in [0] : vector<16xf32>, vector<16xi32> -> vector<16xf32>
      %rev3A_862 = arith.constant 15 : i32
      %rev3A_863 = vector.broadcast %rev3A_862 : i32 to vector<16xi32>
      %rev3A_864 = tpu.iota {dimensions = array<i32: 0>} : vector<16xi32>
      %rev3A_865 = arith.subi %rev3A_863, %rev3A_864 : vector<16xi32>
      %rev3A_866 = tpu.dynamic_gather %masked_sort3A_836[%rev3A_865] in [0] : vector<16xf32>, vector<16xi32> -> vector<16xf32>
      %rev3A_867 = arith.constant 15 : i32
      %rev3A_868 = vector.broadcast %rev3A_867 : i32 to vector<16xi32>
      %rev3A_869 = tpu.iota {dimensions = array<i32: 0>} : vector<16xi32>
      %rev3A_870 = arith.subi %rev3A_868, %rev3A_869 : vector<16xi32>
      %rev3A_871 = tpu.dynamic_gather %masked_sort3A_832[%rev3A_870] in [0] : vector<16xf32>, vector<16xi32> -> vector<16xf32>
      %rev3A_872 = arith.constant 15 : i32
      %rev3A_873 = vector.broadcast %rev3A_872 : i32 to vector<16xi32>
      %rev3A_874 = tpu.iota {dimensions = array<i32: 0>} : vector<16xi32>
      %rev3A_875 = arith.subi %rev3A_873, %rev3A_874 : vector<16xi32>
      %rev3A_876 = tpu.dynamic_gather %masked_sort3A_828[%rev3A_875] in [0] : vector<16xf32>, vector<16xi32> -> vector<16xf32>
      %rev3A_877 = arith.constant 15 : i32
      %rev3A_878 = vector.broadcast %rev3A_877 : i32 to vector<16xi32>
      %rev3A_879 = tpu.iota {dimensions = array<i32: 0>} : vector<16xi32>
      %rev3A_880 = arith.subi %rev3A_878, %rev3A_879 : vector<16xi32>
      %rev3A_881 = tpu.dynamic_gather %masked_sort3A_824[%rev3A_880] in [0] : vector<16xf32>, vector<16xi32> -> vector<16xf32>
      %rev3A_882 = arith.constant 15 : i32
      %rev3A_883 = vector.broadcast %rev3A_882 : i32 to vector<16xi32>
      %rev3A_884 = tpu.iota {dimensions = array<i32: 0>} : vector<16xi32>
      %rev3A_885 = arith.subi %rev3A_883, %rev3A_884 : vector<16xi32>
      %rev3A_886 = tpu.dynamic_gather %masked_sort3A_820[%rev3A_885] in [0] : vector<16xf32>, vector<16xi32> -> vector<16xf32>
      %ge3A_887 = arith.cmpf oge, %masked_sort3A_764, %rev3A_841 : vector<16xf32>
      %select_n3A_888 = arith.select %ge3A_887, %masked_sort3A_764, %rev3A_841 : vector<16xi1>, vector<16xf32>
      %select_n3A_889 = arith.select %ge3A_887, %rev3A_841, %masked_sort3A_764 : vector<16xi1>, vector<16xf32>
      %select_n3A_890 = arith.select %ge3A_887, %masked_sort3A_765, %rev3A_866 : vector<16xi1>, vector<16xf32>
      %select_n3A_891 = arith.select %ge3A_887, %rev3A_866, %masked_sort3A_765 : vector<16xi1>, vector<16xf32>
      %ge3A_892 = arith.cmpf oge, %masked_sort3A_768, %rev3A_846 : vector<16xf32>
      %select_n3A_893 = arith.select %ge3A_892, %masked_sort3A_768, %rev3A_846 : vector<16xi1>, vector<16xf32>
      %select_n3A_894 = arith.select %ge3A_892, %rev3A_846, %masked_sort3A_768 : vector<16xi1>, vector<16xf32>
      %select_n3A_895 = arith.select %ge3A_892, %masked_sort3A_769, %rev3A_871 : vector<16xi1>, vector<16xf32>
      %select_n3A_896 = arith.select %ge3A_892, %rev3A_871, %masked_sort3A_769 : vector<16xi1>, vector<16xf32>
      %ge3A_897 = arith.cmpf oge, %masked_sort3A_772, %rev3A_851 : vector<16xf32>
      %select_n3A_898 = arith.select %ge3A_897, %masked_sort3A_772, %rev3A_851 : vector<16xi1>, vector<16xf32>
      %select_n3A_899 = arith.select %ge3A_897, %rev3A_851, %masked_sort3A_772 : vector<16xi1>, vector<16xf32>
      %select_n3A_900 = arith.select %ge3A_897, %masked_sort3A_773, %rev3A_876 : vector<16xi1>, vector<16xf32>
      %select_n3A_901 = arith.select %ge3A_897, %rev3A_876, %masked_sort3A_773 : vector<16xi1>, vector<16xf32>
      %ge3A_902 = arith.cmpf oge, %masked_sort3A_776, %rev3A_856 : vector<16xf32>
      %select_n3A_903 = arith.select %ge3A_902, %masked_sort3A_776, %rev3A_856 : vector<16xi1>, vector<16xf32>
      %select_n3A_904 = arith.select %ge3A_902, %rev3A_856, %masked_sort3A_776 : vector<16xi1>, vector<16xf32>
      %select_n3A_905 = arith.select %ge3A_902, %masked_sort3A_777, %rev3A_881 : vector<16xi1>, vector<16xf32>
      %select_n3A_906 = arith.select %ge3A_902, %rev3A_881, %masked_sort3A_777 : vector<16xi1>, vector<16xf32>
      %ge3A_907 = arith.cmpf oge, %masked_sort3A_780, %rev3A_861 : vector<16xf32>
      %select_n3A_908 = arith.select %ge3A_907, %masked_sort3A_780, %rev3A_861 : vector<16xi1>, vector<16xf32>
      %select_n3A_909 = arith.select %ge3A_907, %rev3A_861, %masked_sort3A_780 : vector<16xi1>, vector<16xf32>
      %select_n3A_910 = arith.select %ge3A_907, %masked_sort3A_781, %rev3A_886 : vector<16xi1>, vector<16xf32>
      %select_n3A_911 = arith.select %ge3A_907, %rev3A_886, %masked_sort3A_781 : vector<16xi1>, vector<16xf32>
      %ge3A_912 = arith.cmpf oge, %masked_sort3A_752, %select_n3A_893 : vector<16xf32>
      %select_n3A_913 = arith.select %ge3A_912, %masked_sort3A_752, %select_n3A_893 : vector<16xi1>, vector<16xf32>
      %select_n3A_914 = arith.select %ge3A_912, %select_n3A_893, %masked_sort3A_752 : vector<16xi1>, vector<16xf32>
      %select_n3A_915 = arith.select %ge3A_912, %masked_sort3A_753, %select_n3A_895 : vector<16xi1>, vector<16xf32>
      %select_n3A_916 = arith.select %ge3A_912, %select_n3A_895, %masked_sort3A_753 : vector<16xi1>, vector<16xf32>
      %ge3A_917 = arith.cmpf oge, %masked_sort3A_756, %select_n3A_898 : vector<16xf32>
      %select_n3A_918 = arith.select %ge3A_917, %masked_sort3A_756, %select_n3A_898 : vector<16xi1>, vector<16xf32>
      %select_n3A_919 = arith.select %ge3A_917, %select_n3A_898, %masked_sort3A_756 : vector<16xi1>, vector<16xf32>
      %select_n3A_920 = arith.select %ge3A_917, %masked_sort3A_757, %select_n3A_900 : vector<16xi1>, vector<16xf32>
      %select_n3A_921 = arith.select %ge3A_917, %select_n3A_900, %masked_sort3A_757 : vector<16xi1>, vector<16xf32>
      %ge3A_922 = arith.cmpf oge, %masked_sort3A_760, %select_n3A_903 : vector<16xf32>
      %select_n3A_923 = arith.select %ge3A_922, %masked_sort3A_760, %select_n3A_903 : vector<16xi1>, vector<16xf32>
      %select_n3A_924 = arith.select %ge3A_922, %select_n3A_903, %masked_sort3A_760 : vector<16xi1>, vector<16xf32>
      %select_n3A_925 = arith.select %ge3A_922, %masked_sort3A_761, %select_n3A_905 : vector<16xi1>, vector<16xf32>
      %select_n3A_926 = arith.select %ge3A_922, %select_n3A_905, %masked_sort3A_761 : vector<16xi1>, vector<16xf32>
      %ge3A_927 = arith.cmpf oge, %select_n3A_888, %select_n3A_908 : vector<16xf32>
      %select_n3A_928 = arith.select %ge3A_927, %select_n3A_888, %select_n3A_908 : vector<16xi1>, vector<16xf32>
      %select_n3A_929 = arith.select %ge3A_927, %select_n3A_908, %select_n3A_888 : vector<16xi1>, vector<16xf32>
      %select_n3A_930 = arith.select %ge3A_927, %select_n3A_890, %select_n3A_910 : vector<16xi1>, vector<16xf32>
      %select_n3A_931 = arith.select %ge3A_927, %select_n3A_910, %select_n3A_890 : vector<16xi1>, vector<16xf32>
      %ge3A_932 = arith.cmpf oge, %select_n3A_889, %select_n3A_909 : vector<16xf32>
      %select_n3A_933 = arith.select %ge3A_932, %select_n3A_889, %select_n3A_909 : vector<16xi1>, vector<16xf32>
      %select_n3A_934 = arith.select %ge3A_932, %select_n3A_909, %select_n3A_889 : vector<16xi1>, vector<16xf32>
      %select_n3A_935 = arith.select %ge3A_932, %select_n3A_891, %select_n3A_911 : vector<16xi1>, vector<16xf32>
      %select_n3A_936 = arith.select %ge3A_932, %select_n3A_911, %select_n3A_891 : vector<16xi1>, vector<16xf32>
      %ge3A_937 = arith.cmpf oge, %select_n3A_913, %select_n3A_923 : vector<16xf32>
      %select_n3A_938 = arith.select %ge3A_937, %select_n3A_913, %select_n3A_923 : vector<16xi1>, vector<16xf32>
      %select_n3A_939 = arith.select %ge3A_937, %select_n3A_923, %select_n3A_913 : vector<16xi1>, vector<16xf32>
      %select_n3A_940 = arith.select %ge3A_937, %select_n3A_915, %select_n3A_925 : vector<16xi1>, vector<16xf32>
      %select_n3A_941 = arith.select %ge3A_937, %select_n3A_925, %select_n3A_915 : vector<16xi1>, vector<16xf32>
      %ge3A_942 = arith.cmpf oge, %select_n3A_918, %select_n3A_928 : vector<16xf32>
      %select_n3A_943 = arith.select %ge3A_942, %select_n3A_918, %select_n3A_928 : vector<16xi1>, vector<16xf32>
      %select_n3A_944 = arith.select %ge3A_942, %select_n3A_928, %select_n3A_918 : vector<16xi1>, vector<16xf32>
      %select_n3A_945 = arith.select %ge3A_942, %select_n3A_920, %select_n3A_930 : vector<16xi1>, vector<16xf32>
      %select_n3A_946 = arith.select %ge3A_942, %select_n3A_930, %select_n3A_920 : vector<16xi1>, vector<16xf32>
      %ge3A_947 = arith.cmpf oge, %select_n3A_914, %select_n3A_924 : vector<16xf32>
      %select_n3A_948 = arith.select %ge3A_947, %select_n3A_914, %select_n3A_924 : vector<16xi1>, vector<16xf32>
      %select_n3A_949 = arith.select %ge3A_947, %select_n3A_924, %select_n3A_914 : vector<16xi1>, vector<16xf32>
      %select_n3A_950 = arith.select %ge3A_947, %select_n3A_916, %select_n3A_926 : vector<16xi1>, vector<16xf32>
      %select_n3A_951 = arith.select %ge3A_947, %select_n3A_926, %select_n3A_916 : vector<16xi1>, vector<16xf32>
      %ge3A_952 = arith.cmpf oge, %select_n3A_919, %select_n3A_929 : vector<16xf32>
      %select_n3A_953 = arith.select %ge3A_952, %select_n3A_919, %select_n3A_929 : vector<16xi1>, vector<16xf32>
      %select_n3A_954 = arith.select %ge3A_952, %select_n3A_929, %select_n3A_919 : vector<16xi1>, vector<16xf32>
      %select_n3A_955 = arith.select %ge3A_952, %select_n3A_921, %select_n3A_931 : vector<16xi1>, vector<16xf32>
      %select_n3A_956 = arith.select %ge3A_952, %select_n3A_931, %select_n3A_921 : vector<16xi1>, vector<16xf32>
      %ge3A_957 = arith.cmpf oge, %select_n3A_894, %select_n3A_904 : vector<16xf32>
      %select_n3A_958 = arith.select %ge3A_957, %select_n3A_894, %select_n3A_904 : vector<16xi1>, vector<16xf32>
      %select_n3A_959 = arith.select %ge3A_957, %select_n3A_904, %select_n3A_894 : vector<16xi1>, vector<16xf32>
      %select_n3A_960 = arith.select %ge3A_957, %select_n3A_896, %select_n3A_906 : vector<16xi1>, vector<16xf32>
      %select_n3A_961 = arith.select %ge3A_957, %select_n3A_906, %select_n3A_896 : vector<16xi1>, vector<16xf32>
      %ge3A_962 = arith.cmpf oge, %select_n3A_899, %select_n3A_933 : vector<16xf32>
      %select_n3A_963 = arith.select %ge3A_962, %select_n3A_899, %select_n3A_933 : vector<16xi1>, vector<16xf32>
      %select_n3A_964 = arith.select %ge3A_962, %select_n3A_933, %select_n3A_899 : vector<16xi1>, vector<16xf32>
      %select_n3A_965 = arith.select %ge3A_962, %select_n3A_901, %select_n3A_935 : vector<16xi1>, vector<16xf32>
      %select_n3A_966 = arith.select %ge3A_962, %select_n3A_935, %select_n3A_901 : vector<16xi1>, vector<16xf32>
      %ge3A_967 = arith.cmpf oge, %select_n3A_938, %select_n3A_943 : vector<16xf32>
      %select_n3A_968 = arith.select %ge3A_967, %select_n3A_938, %select_n3A_943 : vector<16xi1>, vector<16xf32>
      %select_n3A_969 = arith.select %ge3A_967, %select_n3A_943, %select_n3A_938 : vector<16xi1>, vector<16xf32>
      %select_n3A_970 = arith.select %ge3A_967, %select_n3A_940, %select_n3A_945 : vector<16xi1>, vector<16xf32>
      %select_n3A_971 = arith.select %ge3A_967, %select_n3A_945, %select_n3A_940 : vector<16xi1>, vector<16xf32>
      %ge3A_972 = arith.cmpf oge, %select_n3A_939, %select_n3A_944 : vector<16xf32>
      %select_n3A_973 = arith.select %ge3A_972, %select_n3A_939, %select_n3A_944 : vector<16xi1>, vector<16xf32>
      %select_n3A_974 = arith.select %ge3A_972, %select_n3A_944, %select_n3A_939 : vector<16xi1>, vector<16xf32>
      %select_n3A_975 = arith.select %ge3A_972, %select_n3A_941, %select_n3A_946 : vector<16xi1>, vector<16xf32>
      %select_n3A_976 = arith.select %ge3A_972, %select_n3A_946, %select_n3A_941 : vector<16xi1>, vector<16xf32>
      %ge3A_977 = arith.cmpf oge, %select_n3A_948, %select_n3A_953 : vector<16xf32>
      %select_n3A_978 = arith.select %ge3A_977, %select_n3A_948, %select_n3A_953 : vector<16xi1>, vector<16xf32>
      %select_n3A_979 = arith.select %ge3A_977, %select_n3A_953, %select_n3A_948 : vector<16xi1>, vector<16xf32>
      %select_n3A_980 = arith.select %ge3A_977, %select_n3A_950, %select_n3A_955 : vector<16xi1>, vector<16xf32>
      %select_n3A_981 = arith.select %ge3A_977, %select_n3A_955, %select_n3A_950 : vector<16xi1>, vector<16xf32>
      %ge3A_982 = arith.cmpf oge, %select_n3A_949, %select_n3A_954 : vector<16xf32>
      %select_n3A_983 = arith.select %ge3A_982, %select_n3A_949, %select_n3A_954 : vector<16xi1>, vector<16xf32>
      %select_n3A_984 = arith.select %ge3A_982, %select_n3A_954, %select_n3A_949 : vector<16xi1>, vector<16xf32>
      %select_n3A_985 = arith.select %ge3A_982, %select_n3A_951, %select_n3A_956 : vector<16xi1>, vector<16xf32>
      %select_n3A_986 = arith.select %ge3A_982, %select_n3A_956, %select_n3A_951 : vector<16xi1>, vector<16xf32>
      %ge3A_987 = arith.cmpf oge, %select_n3A_958, %select_n3A_963 : vector<16xf32>
      %select_n3A_988 = arith.select %ge3A_987, %select_n3A_958, %select_n3A_963 : vector<16xi1>, vector<16xf32>
      %select_n3A_989 = arith.select %ge3A_987, %select_n3A_963, %select_n3A_958 : vector<16xi1>, vector<16xf32>
      %select_n3A_990 = arith.select %ge3A_987, %select_n3A_960, %select_n3A_965 : vector<16xi1>, vector<16xf32>
      %select_n3A_991 = arith.select %ge3A_987, %select_n3A_965, %select_n3A_960 : vector<16xi1>, vector<16xf32>
      %ge3A_992 = arith.cmpf oge, %select_n3A_959, %select_n3A_964 : vector<16xf32>
      %select_n3A_993 = arith.select %ge3A_992, %select_n3A_959, %select_n3A_964 : vector<16xi1>, vector<16xf32>
      %select_n3A_994 = arith.select %ge3A_992, %select_n3A_964, %select_n3A_959 : vector<16xi1>, vector<16xf32>
      %select_n3A_995 = arith.select %ge3A_992, %select_n3A_961, %select_n3A_966 : vector<16xi1>, vector<16xf32>
      %select_n3A_996 = arith.select %ge3A_992, %select_n3A_966, %select_n3A_961 : vector<16xi1>, vector<16xf32>
      %masked_sort3A_997 = arith.constant dense<true> : vector<16xi1>
      %masked_sort3A_998, %masked_sort3A_999, %masked_sort3A_1000 = tpu.sort %select_n3A_968, %select_n3A_970 masked %masked_sort3A_997 {descending = true} : (vector<16xf32>, vector<16xf32>, vector<16xi1>) -> (vector<16xi1>, vector<16xf32>, vector<16xf32>)
      %masked_sort3A_1001 = arith.constant dense<true> : vector<16xi1>
      %masked_sort3A_1002, %masked_sort3A_1003, %masked_sort3A_1004 = tpu.sort %select_n3A_969, %select_n3A_971 masked %masked_sort3A_1001 {descending = true} : (vector<16xf32>, vector<16xf32>, vector<16xi1>) -> (vector<16xi1>, vector<16xf32>, vector<16xf32>)
      %masked_sort3A_1005 = arith.constant dense<true> : vector<16xi1>
      %masked_sort3A_1006, %masked_sort3A_1007, %masked_sort3A_1008 = tpu.sort %select_n3A_973, %select_n3A_975 masked %masked_sort3A_1005 {descending = true} : (vector<16xf32>, vector<16xf32>, vector<16xi1>) -> (vector<16xi1>, vector<16xf32>, vector<16xf32>)
      %masked_sort3A_1009 = arith.constant dense<true> : vector<16xi1>
      %masked_sort3A_1010, %masked_sort3A_1011, %masked_sort3A_1012 = tpu.sort %select_n3A_974, %select_n3A_976 masked %masked_sort3A_1009 {descending = true} : (vector<16xf32>, vector<16xf32>, vector<16xi1>) -> (vector<16xi1>, vector<16xf32>, vector<16xf32>)
      %masked_sort3A_1013 = arith.constant dense<true> : vector<16xi1>
      %masked_sort3A_1014, %masked_sort3A_1015, %masked_sort3A_1016 = tpu.sort %select_n3A_978, %select_n3A_980 masked %masked_sort3A_1013 {descending = true} : (vector<16xf32>, vector<16xf32>, vector<16xi1>) -> (vector<16xi1>, vector<16xf32>, vector<16xf32>)
      %masked_sort3A_1017 = arith.constant dense<true> : vector<16xi1>
      %masked_sort3A_1018, %masked_sort3A_1019, %masked_sort3A_1020 = tpu.sort %select_n3A_979, %select_n3A_981 masked %masked_sort3A_1017 {descending = true} : (vector<16xf32>, vector<16xf32>, vector<16xi1>) -> (vector<16xi1>, vector<16xf32>, vector<16xf32>)
      %masked_sort3A_1021 = arith.constant dense<true> : vector<16xi1>
      %masked_sort3A_1022, %masked_sort3A_1023, %masked_sort3A_1024 = tpu.sort %select_n3A_983, %select_n3A_985 masked %masked_sort3A_1021 {descending = true} : (vector<16xf32>, vector<16xf32>, vector<16xi1>) -> (vector<16xi1>, vector<16xf32>, vector<16xf32>)
      %masked_sort3A_1025 = arith.constant dense<true> : vector<16xi1>
      %masked_sort3A_1026, %masked_sort3A_1027, %masked_sort3A_1028 = tpu.sort %select_n3A_984, %select_n3A_986 masked %masked_sort3A_1025 {descending = true} : (vector<16xf32>, vector<16xf32>, vector<16xi1>) -> (vector<16xi1>, vector<16xf32>, vector<16xf32>)
      %masked_sort3A_1029 = arith.constant dense<true> : vector<16xi1>
      %masked_sort3A_1030, %masked_sort3A_1031, %masked_sort3A_1032 = tpu.sort %select_n3A_988, %select_n3A_990 masked %masked_sort3A_1029 {descending = true} : (vector<16xf32>, vector<16xf32>, vector<16xi1>) -> (vector<16xi1>, vector<16xf32>, vector<16xf32>)
      %masked_sort3A_1033 = arith.constant dense<true> : vector<16xi1>
      %masked_sort3A_1034, %masked_sort3A_1035, %masked_sort3A_1036 = tpu.sort %select_n3A_989, %select_n3A_991 masked %masked_sort3A_1033 {descending = true} : (vector<16xf32>, vector<16xf32>, vector<16xi1>) -> (vector<16xi1>, vector<16xf32>, vector<16xf32>)
      %masked_sort3A_1037 = arith.constant dense<true> : vector<16xi1>
      %masked_sort3A_1038, %masked_sort3A_1039, %masked_sort3A_1040 = tpu.sort %select_n3A_993, %select_n3A_995 masked %masked_sort3A_1037 {descending = true} : (vector<16xf32>, vector<16xf32>, vector<16xi1>) -> (vector<16xi1>, vector<16xf32>, vector<16xf32>)
      %masked_sort3A_1041 = arith.constant dense<true> : vector<16xi1>
      %masked_sort3A_1042, %masked_sort3A_1043, %masked_sort3A_1044 = tpu.sort %select_n3A_994, %select_n3A_996 masked %masked_sort3A_1041 {descending = true} : (vector<16xf32>, vector<16xf32>, vector<16xi1>) -> (vector<16xi1>, vector<16xf32>, vector<16xf32>)
      %masked_sort3A_1045 = arith.constant dense<true> : vector<16xi1>
      %masked_sort3A_1046, %masked_sort3A_1047, %masked_sort3A_1048 = tpu.sort %select_n3A_934, %select_n3A_936 masked %masked_sort3A_1045 {descending = true} : (vector<16xf32>, vector<16xf32>, vector<16xi1>) -> (vector<16xi1>, vector<16xf32>, vector<16xf32>)
      %rev3A_1049 = arith.constant 15 : i32
      %rev3A_1050 = vector.broadcast %rev3A_1049 : i32 to vector<16xi32>
      %rev3A_1051 = tpu.iota {dimensions = array<i32: 0>} : vector<16xi32>
      %rev3A_1052 = arith.subi %rev3A_1050, %rev3A_1051 : vector<16xi32>
      %rev3A_1053 = tpu.dynamic_gather %masked_sort3A_1048[%rev3A_1052] in [0] : vector<16xf32>, vector<16xi32> -> vector<16xf32>
      %broadcast_in_dim3A_1054 = arith.constant true
      %broadcast_in_dim3A_1055 = vector.broadcast %broadcast_in_dim3A_1054 : i1 to vector<16xi1>
      %masked_cumsum3A = tpu.scan <sum>, %rev3A_1053 masked %broadcast_in_dim3A_1055 : vector<16xf32>, vector<16xi1> -> vector<16xf32>
      %rev3A_1056 = arith.constant 15 : i32
      %rev3A_1057 = vector.broadcast %rev3A_1056 : i32 to vector<16xi32>
      %rev3A_1058 = tpu.iota {dimensions = array<i32: 0>} : vector<16xi32>
      %rev3A_1059 = arith.subi %rev3A_1057, %rev3A_1058 : vector<16xi32>
      %rev3A_1060 = tpu.dynamic_gather %masked_cumsum3A[%rev3A_1059] in [0] : vector<16xf32>, vector<16xi32> -> vector<16xf32>
      %add3A_1061 = arith.addf %rev3A_1060, %broadcast_in_dim3A_52 : vector<16xf32>
      %lt3A_1062 = arith.constant 0 : i32
      %lt3A_1063 = vector.broadcast %lt3A_1062 : i32 to vector<16xi32>
      %lt3A_1064 = arith.cmpi slt, %broadcast_in_dim3A_46, %lt3A_1063 : vector<16xi32>
      %add3A_1065 = arith.constant 16 : i32
      %add3A_1066 = vector.broadcast %add3A_1065 : i32 to vector<16xi32>
      %add3A_1067 = arith.addi %broadcast_in_dim3A_46, %add3A_1066 : vector<16xi32>
      %select_n3A_1068 = arith.select %lt3A_1064, %add3A_1067, %broadcast_in_dim3A_46 : vector<16xi1>, vector<16xi32>
      %reshape3A_1069 = vector.shape_cast %select_n3A_1068 : vector<16xi32> to vector<16x1xi32>
      %gather3A_1070 = vector.shape_cast %reshape3A_1069 : vector<16x1xi32> to vector<16xi32>
      %gather3A_1071 = tpu.dynamic_gather %rev3A_1060[%gather3A_1070] in [0] : vector<16xf32>, vector<16xi32> -> vector<16xf32>
      %add3A_1072 = arith.addf %broadcast_in_dim3A_52, %gather3A_1071 : vector<16xf32>
      %rev3A_1073 = arith.constant 15 : i32
      %rev3A_1074 = vector.broadcast %rev3A_1073 : i32 to vector<16xi32>
      %rev3A_1075 = tpu.iota {dimensions = array<i32: 0>} : vector<16xi32>
      %rev3A_1076 = arith.subi %rev3A_1074, %rev3A_1075 : vector<16xi32>
      %rev3A_1077 = tpu.dynamic_gather %masked_sort3A_1044[%rev3A_1076] in [0] : vector<16xf32>, vector<16xi32> -> vector<16xf32>
      %broadcast_in_dim3A_1078 = arith.constant true
      %broadcast_in_dim3A_1079 = vector.broadcast %broadcast_in_dim3A_1078 : i1 to vector<16xi1>
      %masked_cumsum3A_1080 = tpu.scan <sum>, %rev3A_1077 masked %broadcast_in_dim3A_1079 : vector<16xf32>, vector<16xi1> -> vector<16xf32>
      %rev3A_1081 = arith.constant 15 : i32
      %rev3A_1082 = vector.broadcast %rev3A_1081 : i32 to vector<16xi32>
      %rev3A_1083 = tpu.iota {dimensions = array<i32: 0>} : vector<16xi32>
      %rev3A_1084 = arith.subi %rev3A_1082, %rev3A_1083 : vector<16xi32>
      %rev3A_1085 = tpu.dynamic_gather %masked_cumsum3A_1080[%rev3A_1084] in [0] : vector<16xf32>, vector<16xi32> -> vector<16xf32>
      %add3A_1086 = arith.addf %rev3A_1085, %add3A_1072 : vector<16xf32>
      %lt3A_1087 = arith.constant 0 : i32
      %lt3A_1088 = vector.broadcast %lt3A_1087 : i32 to vector<16xi32>
      %lt3A_1089 = arith.cmpi slt, %broadcast_in_dim3A_46, %lt3A_1088 : vector<16xi32>
      %add3A_1090 = arith.constant 16 : i32
      %add3A_1091 = vector.broadcast %add3A_1090 : i32 to vector<16xi32>
      %add3A_1092 = arith.addi %broadcast_in_dim3A_46, %add3A_1091 : vector<16xi32>
      %select_n3A_1093 = arith.select %lt3A_1089, %add3A_1092, %broadcast_in_dim3A_46 : vector<16xi1>, vector<16xi32>
      %reshape3A_1094 = vector.shape_cast %select_n3A_1093 : vector<16xi32> to vector<16x1xi32>
      %gather3A_1095 = vector.shape_cast %reshape3A_1094 : vector<16x1xi32> to vector<16xi32>
      %gather3A_1096 = tpu.dynamic_gather %rev3A_1085[%gather3A_1095] in [0] : vector<16xf32>, vector<16xi32> -> vector<16xf32>
      %add3A_1097 = arith.addf %add3A_1072, %gather3A_1096 : vector<16xf32>
      %rev3A_1098 = arith.constant 15 : i32
      %rev3A_1099 = vector.broadcast %rev3A_1098 : i32 to vector<16xi32>
      %rev3A_1100 = tpu.iota {dimensions = array<i32: 0>} : vector<16xi32>
      %rev3A_1101 = arith.subi %rev3A_1099, %rev3A_1100 : vector<16xi32>
      %rev3A_1102 = tpu.dynamic_gather %masked_sort3A_1040[%rev3A_1101] in [0] : vector<16xf32>, vector<16xi32> -> vector<16xf32>
      %broadcast_in_dim3A_1103 = arith.constant true
      %broadcast_in_dim3A_1104 = vector.broadcast %broadcast_in_dim3A_1103 : i1 to vector<16xi1>
      %masked_cumsum3A_1105 = tpu.scan <sum>, %rev3A_1102 masked %broadcast_in_dim3A_1104 : vector<16xf32>, vector<16xi1> -> vector<16xf32>
      %rev3A_1106 = arith.constant 15 : i32
      %rev3A_1107 = vector.broadcast %rev3A_1106 : i32 to vector<16xi32>
      %rev3A_1108 = tpu.iota {dimensions = array<i32: 0>} : vector<16xi32>
      %rev3A_1109 = arith.subi %rev3A_1107, %rev3A_1108 : vector<16xi32>
      %rev3A_1110 = tpu.dynamic_gather %masked_cumsum3A_1105[%rev3A_1109] in [0] : vector<16xf32>, vector<16xi32> -> vector<16xf32>
      %add3A_1111 = arith.addf %rev3A_1110, %add3A_1097 : vector<16xf32>
      %lt3A_1112 = arith.constant 0 : i32
      %lt3A_1113 = vector.broadcast %lt3A_1112 : i32 to vector<16xi32>
      %lt3A_1114 = arith.cmpi slt, %broadcast_in_dim3A_46, %lt3A_1113 : vector<16xi32>
      %add3A_1115 = arith.constant 16 : i32
      %add3A_1116 = vector.broadcast %add3A_1115 : i32 to vector<16xi32>
      %add3A_1117 = arith.addi %broadcast_in_dim3A_46, %add3A_1116 : vector<16xi32>
      %select_n3A_1118 = arith.select %lt3A_1114, %add3A_1117, %broadcast_in_dim3A_46 : vector<16xi1>, vector<16xi32>
      %reshape3A_1119 = vector.shape_cast %select_n3A_1118 : vector<16xi32> to vector<16x1xi32>
      %gather3A_1120 = vector.shape_cast %reshape3A_1119 : vector<16x1xi32> to vector<16xi32>
      %gather3A_1121 = tpu.dynamic_gather %rev3A_1110[%gather3A_1120] in [0] : vector<16xf32>, vector<16xi32> -> vector<16xf32>
      %add3A_1122 = arith.addf %add3A_1097, %gather3A_1121 : vector<16xf32>
      %rev3A_1123 = arith.constant 15 : i32
      %rev3A_1124 = vector.broadcast %rev3A_1123 : i32 to vector<16xi32>
      %rev3A_1125 = tpu.iota {dimensions = array<i32: 0>} : vector<16xi32>
      %rev3A_1126 = arith.subi %rev3A_1124, %rev3A_1125 : vector<16xi32>
      %rev3A_1127 = tpu.dynamic_gather %masked_sort3A_1036[%rev3A_1126] in [0] : vector<16xf32>, vector<16xi32> -> vector<16xf32>
      %broadcast_in_dim3A_1128 = arith.constant true
      %broadcast_in_dim3A_1129 = vector.broadcast %broadcast_in_dim3A_1128 : i1 to vector<16xi1>
      %masked_cumsum3A_1130 = tpu.scan <sum>, %rev3A_1127 masked %broadcast_in_dim3A_1129 : vector<16xf32>, vector<16xi1> -> vector<16xf32>
      %rev3A_1131 = arith.constant 15 : i32
      %rev3A_1132 = vector.broadcast %rev3A_1131 : i32 to vector<16xi32>
      %rev3A_1133 = tpu.iota {dimensions = array<i32: 0>} : vector<16xi32>
      %rev3A_1134 = arith.subi %rev3A_1132, %rev3A_1133 : vector<16xi32>
      %rev3A_1135 = tpu.dynamic_gather %masked_cumsum3A_1130[%rev3A_1134] in [0] : vector<16xf32>, vector<16xi32> -> vector<16xf32>
      %add3A_1136 = arith.addf %rev3A_1135, %add3A_1122 : vector<16xf32>
      %lt3A_1137 = arith.constant 0 : i32
      %lt3A_1138 = vector.broadcast %lt3A_1137 : i32 to vector<16xi32>
      %lt3A_1139 = arith.cmpi slt, %broadcast_in_dim3A_46, %lt3A_1138 : vector<16xi32>
      %add3A_1140 = arith.constant 16 : i32
      %add3A_1141 = vector.broadcast %add3A_1140 : i32 to vector<16xi32>
      %add3A_1142 = arith.addi %broadcast_in_dim3A_46, %add3A_1141 : vector<16xi32>
      %select_n3A_1143 = arith.select %lt3A_1139, %add3A_1142, %broadcast_in_dim3A_46 : vector<16xi1>, vector<16xi32>
      %reshape3A_1144 = vector.shape_cast %select_n3A_1143 : vector<16xi32> to vector<16x1xi32>
      %gather3A_1145 = vector.shape_cast %reshape3A_1144 : vector<16x1xi32> to vector<16xi32>
      %gather3A_1146 = tpu.dynamic_gather %rev3A_1135[%gather3A_1145] in [0] : vector<16xf32>, vector<16xi32> -> vector<16xf32>
      %add3A_1147 = arith.addf %add3A_1122, %gather3A_1146 : vector<16xf32>
      %rev3A_1148 = arith.constant 15 : i32
      %rev3A_1149 = vector.broadcast %rev3A_1148 : i32 to vector<16xi32>
      %rev3A_1150 = tpu.iota {dimensions = array<i32: 0>} : vector<16xi32>
      %rev3A_1151 = arith.subi %rev3A_1149, %rev3A_1150 : vector<16xi32>
      %rev3A_1152 = tpu.dynamic_gather %masked_sort3A_1032[%rev3A_1151] in [0] : vector<16xf32>, vector<16xi32> -> vector<16xf32>
      %broadcast_in_dim3A_1153 = arith.constant true
      %broadcast_in_dim3A_1154 = vector.broadcast %broadcast_in_dim3A_1153 : i1 to vector<16xi1>
      %masked_cumsum3A_1155 = tpu.scan <sum>, %rev3A_1152 masked %broadcast_in_dim3A_1154 : vector<16xf32>, vector<16xi1> -> vector<16xf32>
      %rev3A_1156 = arith.constant 15 : i32
      %rev3A_1157 = vector.broadcast %rev3A_1156 : i32 to vector<16xi32>
      %rev3A_1158 = tpu.iota {dimensions = array<i32: 0>} : vector<16xi32>
      %rev3A_1159 = arith.subi %rev3A_1157, %rev3A_1158 : vector<16xi32>
      %rev3A_1160 = tpu.dynamic_gather %masked_cumsum3A_1155[%rev3A_1159] in [0] : vector<16xf32>, vector<16xi32> -> vector<16xf32>
      %add3A_1161 = arith.addf %rev3A_1160, %add3A_1147 : vector<16xf32>
      %lt3A_1162 = arith.constant 0 : i32
      %lt3A_1163 = vector.broadcast %lt3A_1162 : i32 to vector<16xi32>
      %lt3A_1164 = arith.cmpi slt, %broadcast_in_dim3A_46, %lt3A_1163 : vector<16xi32>
      %add3A_1165 = arith.constant 16 : i32
      %add3A_1166 = vector.broadcast %add3A_1165 : i32 to vector<16xi32>
      %add3A_1167 = arith.addi %broadcast_in_dim3A_46, %add3A_1166 : vector<16xi32>
      %select_n3A_1168 = arith.select %lt3A_1164, %add3A_1167, %broadcast_in_dim3A_46 : vector<16xi1>, vector<16xi32>
      %reshape3A_1169 = vector.shape_cast %select_n3A_1168 : vector<16xi32> to vector<16x1xi32>
      %gather3A_1170 = vector.shape_cast %reshape3A_1169 : vector<16x1xi32> to vector<16xi32>
      %gather3A_1171 = tpu.dynamic_gather %rev3A_1160[%gather3A_1170] in [0] : vector<16xf32>, vector<16xi32> -> vector<16xf32>
      %add3A_1172 = arith.addf %add3A_1147, %gather3A_1171 : vector<16xf32>
      %rev3A_1173 = arith.constant 15 : i32
      %rev3A_1174 = vector.broadcast %rev3A_1173 : i32 to vector<16xi32>
      %rev3A_1175 = tpu.iota {dimensions = array<i32: 0>} : vector<16xi32>
      %rev3A_1176 = arith.subi %rev3A_1174, %rev3A_1175 : vector<16xi32>
      %rev3A_1177 = tpu.dynamic_gather %masked_sort3A_1028[%rev3A_1176] in [0] : vector<16xf32>, vector<16xi32> -> vector<16xf32>
      %broadcast_in_dim3A_1178 = arith.constant true
      %broadcast_in_dim3A_1179 = vector.broadcast %broadcast_in_dim3A_1178 : i1 to vector<16xi1>
      %masked_cumsum3A_1180 = tpu.scan <sum>, %rev3A_1177 masked %broadcast_in_dim3A_1179 : vector<16xf32>, vector<16xi1> -> vector<16xf32>
      %rev3A_1181 = arith.constant 15 : i32
      %rev3A_1182 = vector.broadcast %rev3A_1181 : i32 to vector<16xi32>
      %rev3A_1183 = tpu.iota {dimensions = array<i32: 0>} : vector<16xi32>
      %rev3A_1184 = arith.subi %rev3A_1182, %rev3A_1183 : vector<16xi32>
      %rev3A_1185 = tpu.dynamic_gather %masked_cumsum3A_1180[%rev3A_1184] in [0] : vector<16xf32>, vector<16xi32> -> vector<16xf32>
      %add3A_1186 = arith.addf %rev3A_1185, %add3A_1172 : vector<16xf32>
      %lt3A_1187 = arith.constant 0 : i32
      %lt3A_1188 = vector.broadcast %lt3A_1187 : i32 to vector<16xi32>
      %lt3A_1189 = arith.cmpi slt, %broadcast_in_dim3A_46, %lt3A_1188 : vector<16xi32>
      %add3A_1190 = arith.constant 16 : i32
      %add3A_1191 = vector.broadcast %add3A_1190 : i32 to vector<16xi32>
      %add3A_1192 = arith.addi %broadcast_in_dim3A_46, %add3A_1191 : vector<16xi32>
      %select_n3A_1193 = arith.select %lt3A_1189, %add3A_1192, %broadcast_in_dim3A_46 : vector<16xi1>, vector<16xi32>
      %reshape3A_1194 = vector.shape_cast %select_n3A_1193 : vector<16xi32> to vector<16x1xi32>
      %gather3A_1195 = vector.shape_cast %reshape3A_1194 : vector<16x1xi32> to vector<16xi32>
      %gather3A_1196 = tpu.dynamic_gather %rev3A_1185[%gather3A_1195] in [0] : vector<16xf32>, vector<16xi32> -> vector<16xf32>
      %add3A_1197 = arith.addf %add3A_1172, %gather3A_1196 : vector<16xf32>
      %rev3A_1198 = arith.constant 15 : i32
      %rev3A_1199 = vector.broadcast %rev3A_1198 : i32 to vector<16xi32>
      %rev3A_1200 = tpu.iota {dimensions = array<i32: 0>} : vector<16xi32>
      %rev3A_1201 = arith.subi %rev3A_1199, %rev3A_1200 : vector<16xi32>
      %rev3A_1202 = tpu.dynamic_gather %masked_sort3A_1024[%rev3A_1201] in [0] : vector<16xf32>, vector<16xi32> -> vector<16xf32>
      %broadcast_in_dim3A_1203 = arith.constant true
      %broadcast_in_dim3A_1204 = vector.broadcast %broadcast_in_dim3A_1203 : i1 to vector<16xi1>
      %masked_cumsum3A_1205 = tpu.scan <sum>, %rev3A_1202 masked %broadcast_in_dim3A_1204 : vector<16xf32>, vector<16xi1> -> vector<16xf32>
      %rev3A_1206 = arith.constant 15 : i32
      %rev3A_1207 = vector.broadcast %rev3A_1206 : i32 to vector<16xi32>
      %rev3A_1208 = tpu.iota {dimensions = array<i32: 0>} : vector<16xi32>
      %rev3A_1209 = arith.subi %rev3A_1207, %rev3A_1208 : vector<16xi32>
      %rev3A_1210 = tpu.dynamic_gather %masked_cumsum3A_1205[%rev3A_1209] in [0] : vector<16xf32>, vector<16xi32> -> vector<16xf32>
      %add3A_1211 = arith.addf %rev3A_1210, %add3A_1197 : vector<16xf32>
      %lt3A_1212 = arith.constant 0 : i32
      %lt3A_1213 = vector.broadcast %lt3A_1212 : i32 to vector<16xi32>
      %lt3A_1214 = arith.cmpi slt, %broadcast_in_dim3A_46, %lt3A_1213 : vector<16xi32>
      %add3A_1215 = arith.constant 16 : i32
      %add3A_1216 = vector.broadcast %add3A_1215 : i32 to vector<16xi32>
      %add3A_1217 = arith.addi %broadcast_in_dim3A_46, %add3A_1216 : vector<16xi32>
      %select_n3A_1218 = arith.select %lt3A_1214, %add3A_1217, %broadcast_in_dim3A_46 : vector<16xi1>, vector<16xi32>
      %reshape3A_1219 = vector.shape_cast %select_n3A_1218 : vector<16xi32> to vector<16x1xi32>
      %gather3A_1220 = vector.shape_cast %reshape3A_1219 : vector<16x1xi32> to vector<16xi32>
      %gather3A_1221 = tpu.dynamic_gather %rev3A_1210[%gather3A_1220] in [0] : vector<16xf32>, vector<16xi32> -> vector<16xf32>
      %add3A_1222 = arith.addf %add3A_1197, %gather3A_1221 : vector<16xf32>
      %rev3A_1223 = arith.constant 15 : i32
      %rev3A_1224 = vector.broadcast %rev3A_1223 : i32 to vector<16xi32>
      %rev3A_1225 = tpu.iota {dimensions = array<i32: 0>} : vector<16xi32>
      %rev3A_1226 = arith.subi %rev3A_1224, %rev3A_1225 : vector<16xi32>
      %rev3A_1227 = tpu.dynamic_gather %masked_sort3A_1020[%rev3A_1226] in [0] : vector<16xf32>, vector<16xi32> -> vector<16xf32>
      %broadcast_in_dim3A_1228 = arith.constant true
      %broadcast_in_dim3A_1229 = vector.broadcast %broadcast_in_dim3A_1228 : i1 to vector<16xi1>
      %masked_cumsum3A_1230 = tpu.scan <sum>, %rev3A_1227 masked %broadcast_in_dim3A_1229 : vector<16xf32>, vector<16xi1> -> vector<16xf32>
      %rev3A_1231 = arith.constant 15 : i32
      %rev3A_1232 = vector.broadcast %rev3A_1231 : i32 to vector<16xi32>
      %rev3A_1233 = tpu.iota {dimensions = array<i32: 0>} : vector<16xi32>
      %rev3A_1234 = arith.subi %rev3A_1232, %rev3A_1233 : vector<16xi32>
      %rev3A_1235 = tpu.dynamic_gather %masked_cumsum3A_1230[%rev3A_1234] in [0] : vector<16xf32>, vector<16xi32> -> vector<16xf32>
      %add3A_1236 = arith.addf %rev3A_1235, %add3A_1222 : vector<16xf32>
      %lt3A_1237 = arith.constant 0 : i32
      %lt3A_1238 = vector.broadcast %lt3A_1237 : i32 to vector<16xi32>
      %lt3A_1239 = arith.cmpi slt, %broadcast_in_dim3A_46, %lt3A_1238 : vector<16xi32>
      %add3A_1240 = arith.constant 16 : i32
      %add3A_1241 = vector.broadcast %add3A_1240 : i32 to vector<16xi32>
      %add3A_1242 = arith.addi %broadcast_in_dim3A_46, %add3A_1241 : vector<16xi32>
      %select_n3A_1243 = arith.select %lt3A_1239, %add3A_1242, %broadcast_in_dim3A_46 : vector<16xi1>, vector<16xi32>
      %reshape3A_1244 = vector.shape_cast %select_n3A_1243 : vector<16xi32> to vector<16x1xi32>
      %gather3A_1245 = vector.shape_cast %reshape3A_1244 : vector<16x1xi32> to vector<16xi32>
      %gather3A_1246 = tpu.dynamic_gather %rev3A_1235[%gather3A_1245] in [0] : vector<16xf32>, vector<16xi32> -> vector<16xf32>
      %add3A_1247 = arith.addf %add3A_1222, %gather3A_1246 : vector<16xf32>
      %rev3A_1248 = arith.constant 15 : i32
      %rev3A_1249 = vector.broadcast %rev3A_1248 : i32 to vector<16xi32>
      %rev3A_1250 = tpu.iota {dimensions = array<i32: 0>} : vector<16xi32>
      %rev3A_1251 = arith.subi %rev3A_1249, %rev3A_1250 : vector<16xi32>
      %rev3A_1252 = tpu.dynamic_gather %masked_sort3A_1016[%rev3A_1251] in [0] : vector<16xf32>, vector<16xi32> -> vector<16xf32>
      %broadcast_in_dim3A_1253 = arith.constant true
      %broadcast_in_dim3A_1254 = vector.broadcast %broadcast_in_dim3A_1253 : i1 to vector<16xi1>
      %masked_cumsum3A_1255 = tpu.scan <sum>, %rev3A_1252 masked %broadcast_in_dim3A_1254 : vector<16xf32>, vector<16xi1> -> vector<16xf32>
      %rev3A_1256 = arith.constant 15 : i32
      %rev3A_1257 = vector.broadcast %rev3A_1256 : i32 to vector<16xi32>
      %rev3A_1258 = tpu.iota {dimensions = array<i32: 0>} : vector<16xi32>
      %rev3A_1259 = arith.subi %rev3A_1257, %rev3A_1258 : vector<16xi32>
      %rev3A_1260 = tpu.dynamic_gather %masked_cumsum3A_1255[%rev3A_1259] in [0] : vector<16xf32>, vector<16xi32> -> vector<16xf32>
      %add3A_1261 = arith.addf %rev3A_1260, %add3A_1247 : vector<16xf32>
      %lt3A_1262 = arith.constant 0 : i32
      %lt3A_1263 = vector.broadcast %lt3A_1262 : i32 to vector<16xi32>
      %lt3A_1264 = arith.cmpi slt, %broadcast_in_dim3A_46, %lt3A_1263 : vector<16xi32>
      %add3A_1265 = arith.constant 16 : i32
      %add3A_1266 = vector.broadcast %add3A_1265 : i32 to vector<16xi32>
      %add3A_1267 = arith.addi %broadcast_in_dim3A_46, %add3A_1266 : vector<16xi32>
      %select_n3A_1268 = arith.select %lt3A_1264, %add3A_1267, %broadcast_in_dim3A_46 : vector<16xi1>, vector<16xi32>
      %reshape3A_1269 = vector.shape_cast %select_n3A_1268 : vector<16xi32> to vector<16x1xi32>
      %gather3A_1270 = vector.shape_cast %reshape3A_1269 : vector<16x1xi32> to vector<16xi32>
      %gather3A_1271 = tpu.dynamic_gather %rev3A_1260[%gather3A_1270] in [0] : vector<16xf32>, vector<16xi32> -> vector<16xf32>
      %add3A_1272 = arith.addf %add3A_1247, %gather3A_1271 : vector<16xf32>
      %rev3A_1273 = arith.constant 15 : i32
      %rev3A_1274 = vector.broadcast %rev3A_1273 : i32 to vector<16xi32>
      %rev3A_1275 = tpu.iota {dimensions = array<i32: 0>} : vector<16xi32>
      %rev3A_1276 = arith.subi %rev3A_1274, %rev3A_1275 : vector<16xi32>
      %rev3A_1277 = tpu.dynamic_gather %masked_sort3A_1012[%rev3A_1276] in [0] : vector<16xf32>, vector<16xi32> -> vector<16xf32>
      %broadcast_in_dim3A_1278 = arith.constant true
      %broadcast_in_dim3A_1279 = vector.broadcast %broadcast_in_dim3A_1278 : i1 to vector<16xi1>
      %masked_cumsum3A_1280 = tpu.scan <sum>, %rev3A_1277 masked %broadcast_in_dim3A_1279 : vector<16xf32>, vector<16xi1> -> vector<16xf32>
      %rev3A_1281 = arith.constant 15 : i32
      %rev3A_1282 = vector.broadcast %rev3A_1281 : i32 to vector<16xi32>
      %rev3A_1283 = tpu.iota {dimensions = array<i32: 0>} : vector<16xi32>
      %rev3A_1284 = arith.subi %rev3A_1282, %rev3A_1283 : vector<16xi32>
      %rev3A_1285 = tpu.dynamic_gather %masked_cumsum3A_1280[%rev3A_1284] in [0] : vector<16xf32>, vector<16xi32> -> vector<16xf32>
      %add3A_1286 = arith.addf %rev3A_1285, %add3A_1272 : vector<16xf32>
      %lt3A_1287 = arith.constant 0 : i32
      %lt3A_1288 = vector.broadcast %lt3A_1287 : i32 to vector<16xi32>
      %lt3A_1289 = arith.cmpi slt, %broadcast_in_dim3A_46, %lt3A_1288 : vector<16xi32>
      %add3A_1290 = arith.constant 16 : i32
      %add3A_1291 = vector.broadcast %add3A_1290 : i32 to vector<16xi32>
      %add3A_1292 = arith.addi %broadcast_in_dim3A_46, %add3A_1291 : vector<16xi32>
      %select_n3A_1293 = arith.select %lt3A_1289, %add3A_1292, %broadcast_in_dim3A_46 : vector<16xi1>, vector<16xi32>
      %reshape3A_1294 = vector.shape_cast %select_n3A_1293 : vector<16xi32> to vector<16x1xi32>
      %gather3A_1295 = vector.shape_cast %reshape3A_1294 : vector<16x1xi32> to vector<16xi32>
      %gather3A_1296 = tpu.dynamic_gather %rev3A_1285[%gather3A_1295] in [0] : vector<16xf32>, vector<16xi32> -> vector<16xf32>
      %add3A_1297 = arith.addf %add3A_1272, %gather3A_1296 : vector<16xf32>
      %rev3A_1298 = arith.constant 15 : i32
      %rev3A_1299 = vector.broadcast %rev3A_1298 : i32 to vector<16xi32>
      %rev3A_1300 = tpu.iota {dimensions = array<i32: 0>} : vector<16xi32>
      %rev3A_1301 = arith.subi %rev3A_1299, %rev3A_1300 : vector<16xi32>
      %rev3A_1302 = tpu.dynamic_gather %masked_sort3A_1008[%rev3A_1301] in [0] : vector<16xf32>, vector<16xi32> -> vector<16xf32>
      %broadcast_in_dim3A_1303 = arith.constant true
      %broadcast_in_dim3A_1304 = vector.broadcast %broadcast_in_dim3A_1303 : i1 to vector<16xi1>
      %masked_cumsum3A_1305 = tpu.scan <sum>, %rev3A_1302 masked %broadcast_in_dim3A_1304 : vector<16xf32>, vector<16xi1> -> vector<16xf32>
      %rev3A_1306 = arith.constant 15 : i32
      %rev3A_1307 = vector.broadcast %rev3A_1306 : i32 to vector<16xi32>
      %rev3A_1308 = tpu.iota {dimensions = array<i32: 0>} : vector<16xi32>
      %rev3A_1309 = arith.subi %rev3A_1307, %rev3A_1308 : vector<16xi32>
      %rev3A_1310 = tpu.dynamic_gather %masked_cumsum3A_1305[%rev3A_1309] in [0] : vector<16xf32>, vector<16xi32> -> vector<16xf32>
      %add3A_1311 = arith.addf %rev3A_1310, %add3A_1297 : vector<16xf32>
      %lt3A_1312 = arith.constant 0 : i32
      %lt3A_1313 = vector.broadcast %lt3A_1312 : i32 to vector<16xi32>
      %lt3A_1314 = arith.cmpi slt, %broadcast_in_dim3A_46, %lt3A_1313 : vector<16xi32>
      %add3A_1315 = arith.constant 16 : i32
      %add3A_1316 = vector.broadcast %add3A_1315 : i32 to vector<16xi32>
      %add3A_1317 = arith.addi %broadcast_in_dim3A_46, %add3A_1316 : vector<16xi32>
      %select_n3A_1318 = arith.select %lt3A_1314, %add3A_1317, %broadcast_in_dim3A_46 : vector<16xi1>, vector<16xi32>
      %reshape3A_1319 = vector.shape_cast %select_n3A_1318 : vector<16xi32> to vector<16x1xi32>
      %gather3A_1320 = vector.shape_cast %reshape3A_1319 : vector<16x1xi32> to vector<16xi32>
      %gather3A_1321 = tpu.dynamic_gather %rev3A_1310[%gather3A_1320] in [0] : vector<16xf32>, vector<16xi32> -> vector<16xf32>
      %add3A_1322 = arith.addf %add3A_1297, %gather3A_1321 : vector<16xf32>
      %rev3A_1323 = arith.constant 15 : i32
      %rev3A_1324 = vector.broadcast %rev3A_1323 : i32 to vector<16xi32>
      %rev3A_1325 = tpu.iota {dimensions = array<i32: 0>} : vector<16xi32>
      %rev3A_1326 = arith.subi %rev3A_1324, %rev3A_1325 : vector<16xi32>
      %rev3A_1327 = tpu.dynamic_gather %masked_sort3A_1004[%rev3A_1326] in [0] : vector<16xf32>, vector<16xi32> -> vector<16xf32>
      %broadcast_in_dim3A_1328 = arith.constant true
      %broadcast_in_dim3A_1329 = vector.broadcast %broadcast_in_dim3A_1328 : i1 to vector<16xi1>
      %masked_cumsum3A_1330 = tpu.scan <sum>, %rev3A_1327 masked %broadcast_in_dim3A_1329 : vector<16xf32>, vector<16xi1> -> vector<16xf32>
      %rev3A_1331 = arith.constant 15 : i32
      %rev3A_1332 = vector.broadcast %rev3A_1331 : i32 to vector<16xi32>
      %rev3A_1333 = tpu.iota {dimensions = array<i32: 0>} : vector<16xi32>
      %rev3A_1334 = arith.subi %rev3A_1332, %rev3A_1333 : vector<16xi32>
      %rev3A_1335 = tpu.dynamic_gather %masked_cumsum3A_1330[%rev3A_1334] in [0] : vector<16xf32>, vector<16xi32> -> vector<16xf32>
      %add3A_1336 = arith.addf %rev3A_1335, %add3A_1322 : vector<16xf32>
      %lt3A_1337 = arith.constant 0 : i32
      %lt3A_1338 = vector.broadcast %lt3A_1337 : i32 to vector<16xi32>
      %lt3A_1339 = arith.cmpi slt, %broadcast_in_dim3A_46, %lt3A_1338 : vector<16xi32>
      %add3A_1340 = arith.constant 16 : i32
      %add3A_1341 = vector.broadcast %add3A_1340 : i32 to vector<16xi32>
      %add3A_1342 = arith.addi %broadcast_in_dim3A_46, %add3A_1341 : vector<16xi32>
      %select_n3A_1343 = arith.select %lt3A_1339, %add3A_1342, %broadcast_in_dim3A_46 : vector<16xi1>, vector<16xi32>
      %reshape3A_1344 = vector.shape_cast %select_n3A_1343 : vector<16xi32> to vector<16x1xi32>
      %gather3A_1345 = vector.shape_cast %reshape3A_1344 : vector<16x1xi32> to vector<16xi32>
      %gather3A_1346 = tpu.dynamic_gather %rev3A_1335[%gather3A_1345] in [0] : vector<16xf32>, vector<16xi32> -> vector<16xf32>
      %add3A_1347 = arith.addf %add3A_1322, %gather3A_1346 : vector<16xf32>
      %rev3A_1348 = arith.constant 15 : i32
      %rev3A_1349 = vector.broadcast %rev3A_1348 : i32 to vector<16xi32>
      %rev3A_1350 = tpu.iota {dimensions = array<i32: 0>} : vector<16xi32>
      %rev3A_1351 = arith.subi %rev3A_1349, %rev3A_1350 : vector<16xi32>
      %rev3A_1352 = tpu.dynamic_gather %masked_sort3A_1000[%rev3A_1351] in [0] : vector<16xf32>, vector<16xi32> -> vector<16xf32>
      %broadcast_in_dim3A_1353 = arith.constant true
      %broadcast_in_dim3A_1354 = vector.broadcast %broadcast_in_dim3A_1353 : i1 to vector<16xi1>
      %masked_cumsum3A_1355 = tpu.scan <sum>, %rev3A_1352 masked %broadcast_in_dim3A_1354 : vector<16xf32>, vector<16xi1> -> vector<16xf32>
      %rev3A_1356 = arith.constant 15 : i32
      %rev3A_1357 = vector.broadcast %rev3A_1356 : i32 to vector<16xi32>
      %rev3A_1358 = tpu.iota {dimensions = array<i32: 0>} : vector<16xi32>
      %rev3A_1359 = arith.subi %rev3A_1357, %rev3A_1358 : vector<16xi32>
      %rev3A_1360 = tpu.dynamic_gather %masked_cumsum3A_1355[%rev3A_1359] in [0] : vector<16xf32>, vector<16xi32> -> vector<16xf32>
      %add3A_1361 = arith.addf %rev3A_1360, %add3A_1347 : vector<16xf32>
      %lt3A_1362 = arith.constant 0 : i32
      %lt3A_1363 = vector.broadcast %lt3A_1362 : i32 to vector<16xi32>
      %lt3A_1364 = arith.cmpi slt, %broadcast_in_dim3A_46, %lt3A_1363 : vector<16xi32>
      %add3A_1365 = arith.constant 16 : i32
      %add3A_1366 = vector.broadcast %add3A_1365 : i32 to vector<16xi32>
      %add3A_1367 = arith.addi %broadcast_in_dim3A_46, %add3A_1366 : vector<16xi32>
      %select_n3A_1368 = arith.select %lt3A_1364, %add3A_1367, %broadcast_in_dim3A_46 : vector<16xi1>, vector<16xi32>
      %reshape3A_1369 = vector.shape_cast %select_n3A_1368 : vector<16xi32> to vector<16x1xi32>
      %gather3A_1370 = vector.shape_cast %reshape3A_1369 : vector<16x1xi32> to vector<16xi32>
      %gather3A_1371 = tpu.dynamic_gather %rev3A_1360[%gather3A_1370] in [0] : vector<16xf32>, vector<16xi32> -> vector<16xf32>
      %add3A_1372 = arith.addf %add3A_1347, %gather3A_1371 : vector<16xf32>
      %add3A_1373 = arith.constant 1.000000e-10 : f32
      %add3A_1374 = vector.broadcast %add3A_1373 : f32 to vector<16xf32>
      %add3A_1375 = arith.addf %add3A_1361, %add3A_1374 : vector<16xf32>
      %bitcast3A = vector.bitcast %add3A_1375 : vector<16xf32> to vector<16xi32>
      %shift_right_arithmetic3A = arith.constant 23 : i32
      %shift_right_arithmetic3A_1376 = vector.broadcast %shift_right_arithmetic3A : i32 to vector<16xi32>
      %shift_right_arithmetic3A_1377 = arith.shrsi %bitcast3A, %shift_right_arithmetic3A_1376 : vector<16xi32>
      %add3A_1378 = arith.addi %scan3A_159, %shift_right_arithmetic3A_1377 : vector<16xi32>
      %sub3A_1379 = arith.constant 127 : i32
      %sub3A_1380 = vector.broadcast %sub3A_1379 : i32 to vector<16xi32>
      %sub3A_1381 = arith.subi %add3A_1378, %sub3A_1380 : vector<16xi32>
      %and3A = arith.constant 8388607 : i32
      %and3A_1382 = vector.broadcast %and3A : i32 to vector<16xi32>
      %and3A_1383 = arith.andi %bitcast3A, %and3A_1382 : vector<16xi32>
      %or3A = arith.constant 1065353216 : i32
      %or3A_1384 = vector.broadcast %or3A : i32 to vector<16xi32>
      %or3A_1385 = arith.ori %and3A_1383, %or3A_1384 : vector<16xi32>
      %bitcast3A_1386 = vector.bitcast %or3A_1385 : vector<16xi32> to vector<16xf32>
      %mul3A_1387 = arith.mulf %scan3A_161, %bitcast3A_1386 : vector<16xf32>
      %add3A_1388 = arith.constant 1.000000e-10 : f32
      %add3A_1389 = vector.broadcast %add3A_1388 : f32 to vector<16xf32>
      %add3A_1390 = arith.addf %add3A_1336, %add3A_1389 : vector<16xf32>
      %bitcast3A_1391 = vector.bitcast %add3A_1390 : vector<16xf32> to vector<16xi32>
      %shift_right_arithmetic3A_1392 = arith.constant 23 : i32
      %shift_right_arithmetic3A_1393 = vector.broadcast %shift_right_arithmetic3A_1392 : i32 to vector<16xi32>
      %shift_right_arithmetic3A_1394 = arith.shrsi %bitcast3A_1391, %shift_right_arithmetic3A_1393 : vector<16xi32>
      %add3A_1395 = arith.addi %sub3A_1381, %shift_right_arithmetic3A_1394 : vector<16xi32>
      %sub3A_1396 = arith.constant 127 : i32
      %sub3A_1397 = vector.broadcast %sub3A_1396 : i32 to vector<16xi32>
      %sub3A_1398 = arith.subi %add3A_1395, %sub3A_1397 : vector<16xi32>
      %and3A_1399 = arith.constant 8388607 : i32
      %and3A_1400 = vector.broadcast %and3A_1399 : i32 to vector<16xi32>
      %and3A_1401 = arith.andi %bitcast3A_1391, %and3A_1400 : vector<16xi32>
      %or3A_1402 = arith.constant 1065353216 : i32
      %or3A_1403 = vector.broadcast %or3A_1402 : i32 to vector<16xi32>
      %or3A_1404 = arith.ori %and3A_1401, %or3A_1403 : vector<16xi32>
      %bitcast3A_1405 = vector.bitcast %or3A_1404 : vector<16xi32> to vector<16xf32>
      %mul3A_1406 = arith.mulf %mul3A_1387, %bitcast3A_1405 : vector<16xf32>
      %add3A_1407 = arith.constant 1.000000e-10 : f32
      %add3A_1408 = vector.broadcast %add3A_1407 : f32 to vector<16xf32>
      %add3A_1409 = arith.addf %add3A_1311, %add3A_1408 : vector<16xf32>
      %bitcast3A_1410 = vector.bitcast %add3A_1409 : vector<16xf32> to vector<16xi32>
      %shift_right_arithmetic3A_1411 = arith.constant 23 : i32
      %shift_right_arithmetic3A_1412 = vector.broadcast %shift_right_arithmetic3A_1411 : i32 to vector<16xi32>
      %shift_right_arithmetic3A_1413 = arith.shrsi %bitcast3A_1410, %shift_right_arithmetic3A_1412 : vector<16xi32>
      %add3A_1414 = arith.addi %sub3A_1398, %shift_right_arithmetic3A_1413 : vector<16xi32>
      %sub3A_1415 = arith.constant 127 : i32
      %sub3A_1416 = vector.broadcast %sub3A_1415 : i32 to vector<16xi32>
      %sub3A_1417 = arith.subi %add3A_1414, %sub3A_1416 : vector<16xi32>
      %and3A_1418 = arith.constant 8388607 : i32
      %and3A_1419 = vector.broadcast %and3A_1418 : i32 to vector<16xi32>
      %and3A_1420 = arith.andi %bitcast3A_1410, %and3A_1419 : vector<16xi32>
      %or3A_1421 = arith.constant 1065353216 : i32
      %or3A_1422 = vector.broadcast %or3A_1421 : i32 to vector<16xi32>
      %or3A_1423 = arith.ori %and3A_1420, %or3A_1422 : vector<16xi32>
      %bitcast3A_1424 = vector.bitcast %or3A_1423 : vector<16xi32> to vector<16xf32>
      %mul3A_1425 = arith.mulf %mul3A_1406, %bitcast3A_1424 : vector<16xf32>
      %add3A_1426 = arith.constant 1.000000e-10 : f32
      %add3A_1427 = vector.broadcast %add3A_1426 : f32 to vector<16xf32>
      %add3A_1428 = arith.addf %add3A_1286, %add3A_1427 : vector<16xf32>
      %bitcast3A_1429 = vector.bitcast %add3A_1428 : vector<16xf32> to vector<16xi32>
      %shift_right_arithmetic3A_1430 = arith.constant 23 : i32
      %shift_right_arithmetic3A_1431 = vector.broadcast %shift_right_arithmetic3A_1430 : i32 to vector<16xi32>
      %shift_right_arithmetic3A_1432 = arith.shrsi %bitcast3A_1429, %shift_right_arithmetic3A_1431 : vector<16xi32>
      %add3A_1433 = arith.addi %sub3A_1417, %shift_right_arithmetic3A_1432 : vector<16xi32>
      %sub3A_1434 = arith.constant 127 : i32
      %sub3A_1435 = vector.broadcast %sub3A_1434 : i32 to vector<16xi32>
      %sub3A_1436 = arith.subi %add3A_1433, %sub3A_1435 : vector<16xi32>
      %and3A_1437 = arith.constant 8388607 : i32
      %and3A_1438 = vector.broadcast %and3A_1437 : i32 to vector<16xi32>
      %and3A_1439 = arith.andi %bitcast3A_1429, %and3A_1438 : vector<16xi32>
      %or3A_1440 = arith.constant 1065353216 : i32
      %or3A_1441 = vector.broadcast %or3A_1440 : i32 to vector<16xi32>
      %or3A_1442 = arith.ori %and3A_1439, %or3A_1441 : vector<16xi32>
      %bitcast3A_1443 = vector.bitcast %or3A_1442 : vector<16xi32> to vector<16xf32>
      %mul3A_1444 = arith.mulf %mul3A_1425, %bitcast3A_1443 : vector<16xf32>
      %add3A_1445 = arith.constant 1.000000e-10 : f32
      %add3A_1446 = vector.broadcast %add3A_1445 : f32 to vector<16xf32>
      %add3A_1447 = arith.addf %add3A_1261, %add3A_1446 : vector<16xf32>
      %bitcast3A_1448 = vector.bitcast %add3A_1447 : vector<16xf32> to vector<16xi32>
      %shift_right_arithmetic3A_1449 = arith.constant 23 : i32
      %shift_right_arithmetic3A_1450 = vector.broadcast %shift_right_arithmetic3A_1449 : i32 to vector<16xi32>
      %shift_right_arithmetic3A_1451 = arith.shrsi %bitcast3A_1448, %shift_right_arithmetic3A_1450 : vector<16xi32>
      %add3A_1452 = arith.addi %sub3A_1436, %shift_right_arithmetic3A_1451 : vector<16xi32>
      %sub3A_1453 = arith.constant 127 : i32
      %sub3A_1454 = vector.broadcast %sub3A_1453 : i32 to vector<16xi32>
      %sub3A_1455 = arith.subi %add3A_1452, %sub3A_1454 : vector<16xi32>
      %and3A_1456 = arith.constant 8388607 : i32
      %and3A_1457 = vector.broadcast %and3A_1456 : i32 to vector<16xi32>
      %and3A_1458 = arith.andi %bitcast3A_1448, %and3A_1457 : vector<16xi32>
      %or3A_1459 = arith.constant 1065353216 : i32
      %or3A_1460 = vector.broadcast %or3A_1459 : i32 to vector<16xi32>
      %or3A_1461 = arith.ori %and3A_1458, %or3A_1460 : vector<16xi32>
      %bitcast3A_1462 = vector.bitcast %or3A_1461 : vector<16xi32> to vector<16xf32>
      %mul3A_1463 = arith.mulf %mul3A_1444, %bitcast3A_1462 : vector<16xf32>
      %add3A_1464 = arith.constant 1.000000e-10 : f32
      %add3A_1465 = vector.broadcast %add3A_1464 : f32 to vector<16xf32>
      %add3A_1466 = arith.addf %add3A_1236, %add3A_1465 : vector<16xf32>
      %bitcast3A_1467 = vector.bitcast %add3A_1466 : vector<16xf32> to vector<16xi32>
      %shift_right_arithmetic3A_1468 = arith.constant 23 : i32
      %shift_right_arithmetic3A_1469 = vector.broadcast %shift_right_arithmetic3A_1468 : i32 to vector<16xi32>
      %shift_right_arithmetic3A_1470 = arith.shrsi %bitcast3A_1467, %shift_right_arithmetic3A_1469 : vector<16xi32>
      %add3A_1471 = arith.addi %sub3A_1455, %shift_right_arithmetic3A_1470 : vector<16xi32>
      %sub3A_1472 = arith.constant 127 : i32
      %sub3A_1473 = vector.broadcast %sub3A_1472 : i32 to vector<16xi32>
      %sub3A_1474 = arith.subi %add3A_1471, %sub3A_1473 : vector<16xi32>
      %and3A_1475 = arith.constant 8388607 : i32
      %and3A_1476 = vector.broadcast %and3A_1475 : i32 to vector<16xi32>
      %and3A_1477 = arith.andi %bitcast3A_1467, %and3A_1476 : vector<16xi32>
      %or3A_1478 = arith.constant 1065353216 : i32
      %or3A_1479 = vector.broadcast %or3A_1478 : i32 to vector<16xi32>
      %or3A_1480 = arith.ori %and3A_1477, %or3A_1479 : vector<16xi32>
      %bitcast3A_1481 = vector.bitcast %or3A_1480 : vector<16xi32> to vector<16xf32>
      %mul3A_1482 = arith.mulf %mul3A_1463, %bitcast3A_1481 : vector<16xf32>
      %add3A_1483 = arith.constant 1.000000e-10 : f32
      %add3A_1484 = vector.broadcast %add3A_1483 : f32 to vector<16xf32>
      %add3A_1485 = arith.addf %add3A_1211, %add3A_1484 : vector<16xf32>
      %bitcast3A_1486 = vector.bitcast %add3A_1485 : vector<16xf32> to vector<16xi32>
      %shift_right_arithmetic3A_1487 = arith.constant 23 : i32
      %shift_right_arithmetic3A_1488 = vector.broadcast %shift_right_arithmetic3A_1487 : i32 to vector<16xi32>
      %shift_right_arithmetic3A_1489 = arith.shrsi %bitcast3A_1486, %shift_right_arithmetic3A_1488 : vector<16xi32>
      %add3A_1490 = arith.addi %sub3A_1474, %shift_right_arithmetic3A_1489 : vector<16xi32>
      %sub3A_1491 = arith.constant 127 : i32
      %sub3A_1492 = vector.broadcast %sub3A_1491 : i32 to vector<16xi32>
      %sub3A_1493 = arith.subi %add3A_1490, %sub3A_1492 : vector<16xi32>
      %and3A_1494 = arith.constant 8388607 : i32
      %and3A_1495 = vector.broadcast %and3A_1494 : i32 to vector<16xi32>
      %and3A_1496 = arith.andi %bitcast3A_1486, %and3A_1495 : vector<16xi32>
      %or3A_1497 = arith.constant 1065353216 : i32
      %or3A_1498 = vector.broadcast %or3A_1497 : i32 to vector<16xi32>
      %or3A_1499 = arith.ori %and3A_1496, %or3A_1498 : vector<16xi32>
      %bitcast3A_1500 = vector.bitcast %or3A_1499 : vector<16xi32> to vector<16xf32>
      %mul3A_1501 = arith.mulf %mul3A_1482, %bitcast3A_1500 : vector<16xf32>
      %add3A_1502 = arith.constant 1.000000e-10 : f32
      %add3A_1503 = vector.broadcast %add3A_1502 : f32 to vector<16xf32>
      %add3A_1504 = arith.addf %add3A_1186, %add3A_1503 : vector<16xf32>
      %bitcast3A_1505 = vector.bitcast %add3A_1504 : vector<16xf32> to vector<16xi32>
      %shift_right_arithmetic3A_1506 = arith.constant 23 : i32
      %shift_right_arithmetic3A_1507 = vector.broadcast %shift_right_arithmetic3A_1506 : i32 to vector<16xi32>
      %shift_right_arithmetic3A_1508 = arith.shrsi %bitcast3A_1505, %shift_right_arithmetic3A_1507 : vector<16xi32>
      %add3A_1509 = arith.addi %sub3A_1493, %shift_right_arithmetic3A_1508 : vector<16xi32>
      %sub3A_1510 = arith.constant 127 : i32
      %sub3A_1511 = vector.broadcast %sub3A_1510 : i32 to vector<16xi32>
      %sub3A_1512 = arith.subi %add3A_1509, %sub3A_1511 : vector<16xi32>
      %and3A_1513 = arith.constant 8388607 : i32
      %and3A_1514 = vector.broadcast %and3A_1513 : i32 to vector<16xi32>
      %and3A_1515 = arith.andi %bitcast3A_1505, %and3A_1514 : vector<16xi32>
      %or3A_1516 = arith.constant 1065353216 : i32
      %or3A_1517 = vector.broadcast %or3A_1516 : i32 to vector<16xi32>
      %or3A_1518 = arith.ori %and3A_1515, %or3A_1517 : vector<16xi32>
      %bitcast3A_1519 = vector.bitcast %or3A_1518 : vector<16xi32> to vector<16xf32>
      %mul3A_1520 = arith.mulf %mul3A_1501, %bitcast3A_1519 : vector<16xf32>
      %add3A_1521 = arith.constant 1.000000e-10 : f32
      %add3A_1522 = vector.broadcast %add3A_1521 : f32 to vector<16xf32>
      %add3A_1523 = arith.addf %add3A_1161, %add3A_1522 : vector<16xf32>
      %bitcast3A_1524 = vector.bitcast %add3A_1523 : vector<16xf32> to vector<16xi32>
      %shift_right_arithmetic3A_1525 = arith.constant 23 : i32
      %shift_right_arithmetic3A_1526 = vector.broadcast %shift_right_arithmetic3A_1525 : i32 to vector<16xi32>
      %shift_right_arithmetic3A_1527 = arith.shrsi %bitcast3A_1524, %shift_right_arithmetic3A_1526 : vector<16xi32>
      %add3A_1528 = arith.addi %sub3A_1512, %shift_right_arithmetic3A_1527 : vector<16xi32>
      %sub3A_1529 = arith.constant 127 : i32
      %sub3A_1530 = vector.broadcast %sub3A_1529 : i32 to vector<16xi32>
      %sub3A_1531 = arith.subi %add3A_1528, %sub3A_1530 : vector<16xi32>
      %and3A_1532 = arith.constant 8388607 : i32
      %and3A_1533 = vector.broadcast %and3A_1532 : i32 to vector<16xi32>
      %and3A_1534 = arith.andi %bitcast3A_1524, %and3A_1533 : vector<16xi32>
      %or3A_1535 = arith.constant 1065353216 : i32
      %or3A_1536 = vector.broadcast %or3A_1535 : i32 to vector<16xi32>
      %or3A_1537 = arith.ori %and3A_1534, %or3A_1536 : vector<16xi32>
      %bitcast3A_1538 = vector.bitcast %or3A_1537 : vector<16xi32> to vector<16xf32>
      %mul3A_1539 = arith.mulf %mul3A_1520, %bitcast3A_1538 : vector<16xf32>
      %add3A_1540 = arith.constant 1.000000e-10 : f32
      %add3A_1541 = vector.broadcast %add3A_1540 : f32 to vector<16xf32>
      %add3A_1542 = arith.addf %add3A_1136, %add3A_1541 : vector<16xf32>
      %bitcast3A_1543 = vector.bitcast %add3A_1542 : vector<16xf32> to vector<16xi32>
      %shift_right_arithmetic3A_1544 = arith.constant 23 : i32
      %shift_right_arithmetic3A_1545 = vector.broadcast %shift_right_arithmetic3A_1544 : i32 to vector<16xi32>
      %shift_right_arithmetic3A_1546 = arith.shrsi %bitcast3A_1543, %shift_right_arithmetic3A_1545 : vector<16xi32>
      %add3A_1547 = arith.addi %sub3A_1531, %shift_right_arithmetic3A_1546 : vector<16xi32>
      %sub3A_1548 = arith.constant 127 : i32
      %sub3A_1549 = vector.broadcast %sub3A_1548 : i32 to vector<16xi32>
      %sub3A_1550 = arith.subi %add3A_1547, %sub3A_1549 : vector<16xi32>
      %and3A_1551 = arith.constant 8388607 : i32
      %and3A_1552 = vector.broadcast %and3A_1551 : i32 to vector<16xi32>
      %and3A_1553 = arith.andi %bitcast3A_1543, %and3A_1552 : vector<16xi32>
      %or3A_1554 = arith.constant 1065353216 : i32
      %or3A_1555 = vector.broadcast %or3A_1554 : i32 to vector<16xi32>
      %or3A_1556 = arith.ori %and3A_1553, %or3A_1555 : vector<16xi32>
      %bitcast3A_1557 = vector.bitcast %or3A_1556 : vector<16xi32> to vector<16xf32>
      %mul3A_1558 = arith.mulf %mul3A_1539, %bitcast3A_1557 : vector<16xf32>
      %add3A_1559 = arith.constant 1.000000e-10 : f32
      %add3A_1560 = vector.broadcast %add3A_1559 : f32 to vector<16xf32>
      %add3A_1561 = arith.addf %add3A_1111, %add3A_1560 : vector<16xf32>
      %bitcast3A_1562 = vector.bitcast %add3A_1561 : vector<16xf32> to vector<16xi32>
      %shift_right_arithmetic3A_1563 = arith.constant 23 : i32
      %shift_right_arithmetic3A_1564 = vector.broadcast %shift_right_arithmetic3A_1563 : i32 to vector<16xi32>
      %shift_right_arithmetic3A_1565 = arith.shrsi %bitcast3A_1562, %shift_right_arithmetic3A_1564 : vector<16xi32>
      %add3A_1566 = arith.addi %sub3A_1550, %shift_right_arithmetic3A_1565 : vector<16xi32>
      %sub3A_1567 = arith.constant 127 : i32
      %sub3A_1568 = vector.broadcast %sub3A_1567 : i32 to vector<16xi32>
      %sub3A_1569 = arith.subi %add3A_1566, %sub3A_1568 : vector<16xi32>
      %and3A_1570 = arith.constant 8388607 : i32
      %and3A_1571 = vector.broadcast %and3A_1570 : i32 to vector<16xi32>
      %and3A_1572 = arith.andi %bitcast3A_1562, %and3A_1571 : vector<16xi32>
      %or3A_1573 = arith.constant 1065353216 : i32
      %or3A_1574 = vector.broadcast %or3A_1573 : i32 to vector<16xi32>
      %or3A_1575 = arith.ori %and3A_1572, %or3A_1574 : vector<16xi32>
      %bitcast3A_1576 = vector.bitcast %or3A_1575 : vector<16xi32> to vector<16xf32>
      %mul3A_1577 = arith.mulf %mul3A_1558, %bitcast3A_1576 : vector<16xf32>
      %add3A_1578 = arith.constant 1.000000e-10 : f32
      %add3A_1579 = vector.broadcast %add3A_1578 : f32 to vector<16xf32>
      %add3A_1580 = arith.addf %add3A_1086, %add3A_1579 : vector<16xf32>
      %bitcast3A_1581 = vector.bitcast %add3A_1580 : vector<16xf32> to vector<16xi32>
      %shift_right_arithmetic3A_1582 = arith.constant 23 : i32
      %shift_right_arithmetic3A_1583 = vector.broadcast %shift_right_arithmetic3A_1582 : i32 to vector<16xi32>
      %shift_right_arithmetic3A_1584 = arith.shrsi %bitcast3A_1581, %shift_right_arithmetic3A_1583 : vector<16xi32>
      %add3A_1585 = arith.addi %sub3A_1569, %shift_right_arithmetic3A_1584 : vector<16xi32>
      %sub3A_1586 = arith.constant 127 : i32
      %sub3A_1587 = vector.broadcast %sub3A_1586 : i32 to vector<16xi32>
      %sub3A_1588 = arith.subi %add3A_1585, %sub3A_1587 : vector<16xi32>
      %and3A_1589 = arith.constant 8388607 : i32
      %and3A_1590 = vector.broadcast %and3A_1589 : i32 to vector<16xi32>
      %and3A_1591 = arith.andi %bitcast3A_1581, %and3A_1590 : vector<16xi32>
      %or3A_1592 = arith.constant 1065353216 : i32
      %or3A_1593 = vector.broadcast %or3A_1592 : i32 to vector<16xi32>
      %or3A_1594 = arith.ori %and3A_1591, %or3A_1593 : vector<16xi32>
      %bitcast3A_1595 = vector.bitcast %or3A_1594 : vector<16xi32> to vector<16xf32>
      %mul3A_1596 = arith.mulf %mul3A_1577, %bitcast3A_1595 : vector<16xf32>
      %add3A_1597 = arith.constant 1.000000e-10 : f32
      %add3A_1598 = vector.broadcast %add3A_1597 : f32 to vector<16xf32>
      %add3A_1599 = arith.addf %add3A_1061, %add3A_1598 : vector<16xf32>
      %lt3A_1600 = arith.constant 8 : i32
      %lt3A_1601 = vector.broadcast %lt3A_1600 : i32 to vector<16xi32>
      %lt3A_1602 = arith.cmpi slt, %iota3A, %lt3A_1601 : vector<16xi32>
      %jit3A_1603 = arith.constant 1.000000e+00 : f32
      %broadcast_in_dim3A_1604 = vector.broadcast %jit3A_1603 : f32 to vector<16xf32>
      %select_n3A_1605 = arith.select %lt3A_1602, %add3A_1599, %broadcast_in_dim3A_1604 : vector<16xi1>, vector<16xf32>
      %bitcast3A_1606 = vector.bitcast %select_n3A_1605 : vector<16xf32> to vector<16xi32>
      %shift_right_arithmetic3A_1607 = arith.constant 23 : i32
      %shift_right_arithmetic3A_1608 = vector.broadcast %shift_right_arithmetic3A_1607 : i32 to vector<16xi32>
      %shift_right_arithmetic3A_1609 = arith.shrsi %bitcast3A_1606, %shift_right_arithmetic3A_1608 : vector<16xi32>
      %add3A_1610 = arith.addi %sub3A_1588, %shift_right_arithmetic3A_1609 : vector<16xi32>
      %sub3A_1611 = arith.constant 127 : i32
      %sub3A_1612 = vector.broadcast %sub3A_1611 : i32 to vector<16xi32>
      %sub3A_1613 = arith.subi %add3A_1610, %sub3A_1612 : vector<16xi32>
      %and3A_1614 = arith.constant 8388607 : i32
      %and3A_1615 = vector.broadcast %and3A_1614 : i32 to vector<16xi32>
      %and3A_1616 = arith.andi %bitcast3A_1606, %and3A_1615 : vector<16xi32>
      %or3A_1617 = arith.constant 1065353216 : i32
      %or3A_1618 = vector.broadcast %or3A_1617 : i32 to vector<16xi32>
      %or3A_1619 = arith.ori %and3A_1616, %or3A_1618 : vector<16xi32>
      %bitcast3A_1620 = vector.bitcast %or3A_1619 : vector<16xi32> to vector<16xf32>
      %mul3A_1621 = arith.mulf %mul3A_1596, %bitcast3A_1620 : vector<16xf32>
      %bitcast3A_1622 = vector.bitcast %mul3A_1621 : vector<16xf32> to vector<16xi32>
      %shift_right_arithmetic3A_1623 = arith.constant 23 : i32
      %shift_right_arithmetic3A_1624 = vector.broadcast %shift_right_arithmetic3A_1623 : i32 to vector<16xi32>
      %shift_right_arithmetic3A_1625 = arith.shrsi %bitcast3A_1622, %shift_right_arithmetic3A_1624 : vector<16xi32>
      %add3A_1626 = arith.addi %sub3A_1613, %shift_right_arithmetic3A_1625 : vector<16xi32>
      %sub3A_1627 = arith.constant 127 : i32
      %sub3A_1628 = vector.broadcast %sub3A_1627 : i32 to vector<16xi32>
      %sub3A_1629 = arith.subi %add3A_1626, %sub3A_1628 : vector<16xi32>
      %and3A_1630 = arith.constant 8388607 : i32
      %and3A_1631 = vector.broadcast %and3A_1630 : i32 to vector<16xi32>
      %and3A_1632 = arith.andi %bitcast3A_1622, %and3A_1631 : vector<16xi32>
      %or3A_1633 = arith.constant 1065353216 : i32
      %or3A_1634 = vector.broadcast %or3A_1633 : i32 to vector<16xi32>
      %or3A_1635 = arith.ori %and3A_1632, %or3A_1634 : vector<16xi32>
      %bitcast3A_1636 = vector.bitcast %or3A_1635 : vector<16xi32> to vector<16xf32>
      %add3A_1637 = arith.addf %scan3A_160, %get3A_200 : vector<16xf32>
      %add3A_1638 = arith.addf %add3A_1637, %get3A_203 : vector<16xf32>
      %add3A_1639 = arith.addf %add3A_1638, %get3A_206 : vector<16xf32>
      %add3A_1640 = arith.addf %add3A_1639, %get3A_209 : vector<16xf32>
      %add3A_1641 = arith.addf %add3A_1640, %get3A_212 : vector<16xf32>
      %add3A_1642 = arith.addf %add3A_1641, %get3A_215 : vector<16xf32>
      %add3A_1643 = arith.addf %add3A_1642, %get3A_218 : vector<16xf32>
      %add3A_1644 = arith.addf %add3A_1643, %get3A_221 : vector<16xf32>
      %add3A_1645 = arith.addf %add3A_1644, %get3A_224 : vector<16xf32>
      %add3A_1646 = arith.addf %add3A_1645, %get3A_227 : vector<16xf32>
      %add3A_1647 = arith.addf %add3A_1646, %get3A_230 : vector<16xf32>
      %add3A_1648 = arith.addf %add3A_1647, %get3A_233 : vector<16xf32>
      %jit3A_1649 = arith.constant 0.000000e+00 : f32
      %broadcast_in_dim3A_1650 = vector.broadcast %jit3A_1649 : f32 to vector<16xf32>
      %select_n3A_1651 = arith.select %ge3A_50, %get3A_239, %broadcast_in_dim3A_1650 : vector<16xi1>, vector<16xf32>
      %add3A_1652 = arith.addf %add3A_1648, %select_n3A_1651 : vector<16xf32>
      %add3A_1653 = arith.addf %scan3A_162, %gather3A_262 : vector<16xf32>
      scf.yield %sub3A_1629, %add3A_1652, %bitcast3A_1636, %add3A_1653 : vector<16xi32>, vector<16xf32>, vector<16xf32>, vector<16xf32>
    }
    %scan3A_110 = arith.constant 64 : i32
    %gt3A = arith.constant 1.41421354 : f32
    %gt3A_111 = vector.broadcast %gt3A : f32 to vector<16xf32>
    %gt3A_112 = arith.cmpf ogt, %scan3A_109#2, %gt3A_111 : vector<16xf32>
    %jit3A = arith.constant 1 : i32
    %jit3A_113 = arith.constant 0 : i32
    %broadcast_in_dim3A_114 = vector.broadcast %jit3A : i32 to vector<16xi32>
    %broadcast_in_dim3A_115 = vector.broadcast %jit3A_113 : i32 to vector<16xi32>
    %select_n3A = arith.select %gt3A_112, %broadcast_in_dim3A_114, %broadcast_in_dim3A_115 : vector<16xi1>, vector<16xi32>
    %add3A_116 = arith.addi %scan3A_109#0, %select_n3A : vector<16xi32>
    %mul3A_117 = arith.constant 5.000000e-01 : f32
    %mul3A_118 = vector.broadcast %mul3A_117 : f32 to vector<16xf32>
    %mul3A_119 = arith.mulf %scan3A_109#2, %mul3A_118 : vector<16xf32>
    %select_n3A_120 = arith.select %gt3A_112, %mul3A_119, %scan3A_109#2 : vector<16xi1>, vector<16xf32>
    %sub3A = arith.constant 1.000000e+00 : f32
    %sub3A_121 = vector.broadcast %sub3A : f32 to vector<16xf32>
    %sub3A_122 = arith.subf %select_n3A_120, %sub3A_121 : vector<16xf32>
    %add3A_123 = arith.constant 1.000000e+00 : f32
    %add3A_124 = vector.broadcast %add3A_123 : f32 to vector<16xf32>
    %add3A_125 = arith.addf %select_n3A_120, %add3A_124 : vector<16xf32>
    %div3A = arith.divf %sub3A_122, %add3A_125 : vector<16xf32>
    %mul3A_126 = arith.mulf %div3A, %div3A : vector<16xf32>
    %mul3A_127 = arith.constant 2.000000e+00 : f32
    %mul3A_128 = vector.broadcast %mul3A_127 : f32 to vector<16xf32>
    %mul3A_129 = arith.mulf %mul3A_128, %div3A : vector<16xf32>
    %mul3A_130 = arith.constant 0.142857149 : f32
    %mul3A_131 = vector.broadcast %mul3A_130 : f32 to vector<16xf32>
    %mul3A_132 = arith.mulf %mul3A_126, %mul3A_131 : vector<16xf32>
    %add3A_133 = arith.constant 2.000000e-01 : f32
    %add3A_134 = vector.broadcast %add3A_133 : f32 to vector<16xf32>
    %add3A_135 = arith.addf %add3A_134, %mul3A_132 : vector<16xf32>
    %mul3A_136 = arith.mulf %mul3A_126, %add3A_135 : vector<16xf32>
    %add3A_137 = arith.constant 0.333333343 : f32
    %add3A_138 = vector.broadcast %add3A_137 : f32 to vector<16xf32>
    %add3A_139 = arith.addf %add3A_138, %mul3A_136 : vector<16xf32>
    %mul3A_140 = arith.mulf %mul3A_126, %add3A_139 : vector<16xf32>
    %add3A_141 = arith.constant 1.000000e+00 : f32
    %add3A_142 = vector.broadcast %add3A_141 : f32 to vector<16xf32>
    %add3A_143 = arith.addf %add3A_142, %mul3A_140 : vector<16xf32>
    %mul3A_144 = arith.mulf %mul3A_129, %add3A_143 : vector<16xf32>
    %convert_element_type3A = arith.sitofp %add3A_116 : vector<16xi32> to vector<16xf32>
    %mul3A_145 = arith.constant 0.693147182 : f32
    %mul3A_146 = vector.broadcast %mul3A_145 : f32 to vector<16xf32>
    %mul3A_147 = arith.mulf %mul3A_146, %convert_element_type3A : vector<16xf32>
    %add3A_148 = arith.addf %mul3A_147, %mul3A_144 : vector<16xf32>
    %sub3A_149 = arith.subf %add3A_148, %scan3A_109#1 : vector<16xf32>
    %mul3A_150 = arith.constant 2.000000e+02 : f32
    %mul3A_151 = vector.broadcast %mul3A_150 : f32 to vector<16xf32>
    %mul3A_152 = arith.mulf %mul3A_151, %scan3A_109#3 : vector<16xf32>
    %div3A_153 = arith.constant 1.600000e+01 : f32
    %div3A_154 = vector.broadcast %div3A_153 : f32 to vector<16xf32>
    %div3A_155 = arith.divf %mul3A_152, %div3A_154 : vector<16xf32>
    %add3A_156 = arith.addf %sub3A_149, %div3A_155 : vector<16xf32>
    %swap3A = arith.constant 0 : index
    %swap3A_157 = tpu.vector_load %arg7[%swap3A] {strides = array<i32>} : memref<16xf32, #tpu.memory_space<vmem>>, vector<16xf32>,
    tpu.vector_store %arg7[%swap3A], %add3A_156 {strides = array<i32>} : memref<16xf32, #tpu.memory_space<vmem>>, vector<16xf32>,
    "tpu.region"() ({
      %run_scoped3A = tpu.sem_alloc : memref<!tpu.dma_semaphore, #tpu.memory_space<semaphore_mem>>
      %dma_start3A_158 = arith.constant 0 : i32
      %dma_start3A_159 = tpu.memref_slice %arg4[%add3A, %dma_start3A_158] : memref<32x16xf32, #tpu.memory_space<hbm>> -> memref<1x16xf32, #tpu.memory_space<hbm>>
      %dma_start3A_160 = tpu.memref_squeeze %dma_start3A_159 : memref<1x16xf32, #tpu.memory_space<hbm>> -> memref<16xf32, #tpu.memory_space<hbm>>
      %dma_start3A_161 = arith.constant 0 : i32
      %dma_start3A_162 = tpu.memref_slice %arg4[%add3A, %dma_start3A_161] : memref<32x16xf32, #tpu.memory_space<hbm>> -> memref<1x16xf32, #tpu.memory_space<hbm>>
      %dma_start3A_163 = tpu.memref_squeeze %dma_start3A_162 : memref<1x16xf32, #tpu.memory_space<hbm>> -> memref<16xf32, #tpu.memory_space<hbm>>
      tpu.enqueue_dma source(%arg7 : memref<16xf32, #tpu.memory_space<vmem>>) target(%dma_start3A_163 : memref<16xf32, #tpu.memory_space<hbm>>) target_semaphore(%run_scoped3A : memref<!tpu.dma_semaphore, #tpu.memory_space<semaphore_mem>>)
      %dma_wait3A_164 = arith.constant 0 : i32
      %dma_wait3A_165 = tpu.memref_slice %arg4[%add3A, %dma_wait3A_164] : memref<32x16xf32, #tpu.memory_space<hbm>> -> memref<1x16xf32, #tpu.memory_space<hbm>>
      %dma_wait3A_166 = tpu.memref_squeeze %dma_wait3A_165 : memref<1x16xf32, #tpu.memory_space<hbm>> -> memref<16xf32, #tpu.memory_space<hbm>>
      %dma_wait3A_167 = arith.constant 0 : i32
      %dma_wait3A_168 = tpu.memref_slice %arg4[%add3A, %dma_wait3A_167] : memref<32x16xf32, #tpu.memory_space<hbm>> -> memref<1x16xf32, #tpu.memory_space<hbm>>
      %dma_wait3A_169 = tpu.memref_squeeze %dma_wait3A_168 : memref<1x16xf32, #tpu.memory_space<hbm>> -> memref<16xf32, #tpu.memory_space<hbm>>
      tpu.wait_dma2 semaphore(%run_scoped3A : memref<!tpu.dma_semaphore, #tpu.memory_space<semaphore_mem>>) src(%arg7 : memref<16xf32, #tpu.memory_space<vmem>>) dst(%dma_wait3A_169 : memref<16xf32, #tpu.memory_space<hbm>>)
      tpu.yield
    }) : () -> ()
    return
  }
}

</mosaic_0001>

<sc_bundles>
// kernel: kernel.3.cloned.1.call-start
scs
__scs_entry_jumppad:
0x0: {  	(pc) =	sbr.rel $0x88, $3  }
0x1: {  	(tag) =	ssettag $0x0;
	lr =	simm.s32 $0x1  }
0x2: {  	[smem:$0x3F9F] =	sst lr;
	_ =	strace $0xD0000000  }
0x3: {  	_ = 	snop  }
0x4: {  	_ = 	snop  }
0x5: {  	_ = 	snop  }
0x6: {  	_ = 	snop  }
0x7: {  	_ = 	snop  }
__scs_overlays_trampoline_lowered:
0x8: {  	[smem:$0x3FAE] =	sst s0  }
0x9: {  	[smem:$0x3FAF] =	sst s1  }
0xa: {  	[smem:$0x3FB0] =	sst s2  }
0xb: {  	[smem:$0x3FB1] =	sst s3  }
0xc: {  	[smem:$0x3FB2] =	sst s4  }
0xd: {  	[smem:$0x3FB3] =	sst s5  }
0xe: {  	[smem:$0x3FB4] =	sst s6  }
0xf: {  	[smem:$0x3FB5] =	sst s7  }
0x10: {  	[smem:$0x3FB6] =	sst s8  }
0x11: {  	[smem:$0x3FB7] =	sst s9;
	s0 =	simm.s32 @!p0 $0x0  }
0x12: {  	s1 =	sld [smem:$0x3F9D];
	s0 =	simm.s32 @p0 $0x1  }
0x13: {  	[smem:$0x3FB8] =	sst s0;
	s0 =	simm.s32 @!p1 $0x0  }
0x14: {  	s2 =	sld [smem:$0x3F9C];
	s0 =	simm.s32 @p1 $0x1  }
0x15: {  	[smem:$0x3FB9] =	sst s0;
	s0 =	simm.s32 @!p2 $0x0  }
0x16: {  	s3 =	sld [smem:$0x3FDB];
	s0 =	simm.s32 @p2 $0x1  }
0x17: {  	s4 =	simm.s32 $0x1BF5;
	[smem:$0x3FBB] =	sst s0  }
0x18: {  	s0 =	sld [smem:$0x3F9E];
	_ =	swait.ge [sflag:s4], $0x0  }
0x19: {  	s7 =	sld [smem:$0x3F9F]  }
0x1a: {  	s8 =	sadd.s32 $0xFFFFE003, lr  }
0x1b: {  	s9 =	sadd.s32 $0xFFFFFEF7, lr;
	s5 =	simm.s32 $0xFFFFFFFF;
	p2 =	slt.u32 s8, $0xFFFFF086  }
0x1c: {  	p1 =	slt.u32 s9, $0xF7A;
	s5 =	simm.s32 @!p2 $0x0  }
0x1d: {  	s5 =	simm.s32 @p1 $0x1;
	p0 =	seq.s32 s7, s2  }
0x1e: {  	s7 =	smul.u32 @!p0 $0xF7A, s2;
	p2 =	seq.s32 @!p0 s5, $0x0  }
0x1f: {  	s9 =	smul.u32 $0xF7A, s1;
	s8 =	simm.s32 @!p0 $0x1BF5;
	p2 =	por !p2, p0  }
0x20: {  	[sflag:s8] =	ssyncset.s32 @!p0 $0xFFFFF086;
	s6 =	sadd.s32 @!p0 s3, s7;
	s7 =	simm.s32 @!p0 $0x108  }
0x21: {  	s3 =	sadd.s32 s3, s9;
	s6 =	sadd.s32 @!p0 $0x88, s6;
	s7 =	simm.s32 @p2 $0x1082  }
0x22: {  	[simem:s7], [sflag:s8] =	dma.local @!p0 [hbm:s6], $0xF7A  }
0x23: {  	s9 =	sor.u32 $0xD0000000, s2;
	s6 =	simm.s32 $0x108;
	_ =	swait.ge @!p0 [sflag:s8], $0x0  }
0x24: {  	s3 =	sadd.s32 $0x88, s3;
	s6 =	simm.s32 @!p1 $0x1082;
	[sflag:s4] =	ssyncset.s32 $0xFFFFF086  }
0x25: {  	[simem:s6], [sflag:s4] =	dma.local [hbm:s3], $0xF7A  }
0x26: {  	[smem:$0x3F9F] =	sst s1;
	(tag) =	ssettag s2;
	_ =	strace s9  }
0x27: {  	s1 =	sld [smem:$0x3FAF]  }
0x28: {  	s2 =	sld [smem:$0x3FB0]  }
0x29: {  	s4 =	sld [smem:$0x3FB2]  }
0x2a: {  	p0 =	seq.s32 s5, $0x0;
	s5 =	sld [smem:$0x3FB3]  }
0x2b: {  	s6 =	sld [smem:$0x3FB4]  }
0x2c: {  	s7 =	sld [smem:$0x3FB5]  }
0x2d: {  	s3 =	simm.s32 $0x108;
	s8 =	sld [smem:$0x3FB6]  }
0x2e: {  	s3 =	simm.s32 @!p0 $0x1082;
	s9 =	sld [smem:$0x3FB7]  }
0x2f: {  	lr =	sadd.s32 s0, s3;
	s0 =	sld [smem:$0x3FAE]  }
0x30: {  	s3 =	sld [smem:$0x3FB1]  }
0x31: {  	[smem:$0x3FBA] =	sst s10  }
0x32: {  	s10 =	sld [smem:$0x3FB8];
	_ =	sdelay $0x3  }
0x33: {  	p0 =	seq.s32 s10, $0x1;
	s10 =	sld [smem:$0x3FBA];
	_ =	sdelay $0x3  }
0x34: {  	[smem:$0x3FBA] =	sst s10  }
0x35: {  	s10 =	sld [smem:$0x3FB9];
	_ =	sdelay $0x3  }
0x36: {  	p1 =	seq.s32 s10, $0x1;
	s10 =	sld [smem:$0x3FBA];
	_ =	sdelay $0x3  }
0x37: {  	[smem:$0x3FBA] =	sst s10  }
0x38: {  	s10 =	sld [smem:$0x3FBB]  }
0x39: {  	_ = 	snop;
	(pc) =	sbr.ind lr, $3  }
0x3a: {  	_ = 	snop  }
0x3b: {  	_ = 	snop  }
0x3c: {  	p2 =	seq.s32 s10, $0x1;
	s10 =	sld [smem:$0x3FBA]  }
0x3d: {  	_ =	shalt  }
0x3e: {  	_ =	shalt  }
0x3f: {  	_ =	shalt  }
0x40: {  	_ =	shalt  }
0x41: {  	_ =	shalt  }
0x42: {  	_ =	shalt  }
0x43: {  	_ =	shalt  }
0x44: {  	_ =	shalt  }
0x45: {  	_ =	shalt  }
0x46: {  	_ =	shalt  }
0x47: {  	_ =	shalt  }
0x48: {  	_ =	shalt  }
0x49: {  	_ =	shalt  }
0x4a: {  	_ =	shalt  }
0x4b: {  	_ =	shalt  }
0x4c: {  	_ =	shalt  }
0x4d: {  	_ =	shalt  }
0x4e: {  	_ =	shalt  }
0x4f: {  	_ =	shalt  }
0x50: {  	_ =	shalt  }
0x51: {  	_ =	shalt  }
0x52: {  	_ =	shalt  }
0x53: {  	_ =	shalt  }
0x54: {  	_ =	shalt  }
0x55: {  	_ =	shalt  }
0x56: {  	_ =	shalt  }
0x57: {  	_ =	shalt  }
0x58: {  	_ =	shalt  }
0x59: {  	_ =	shalt  }
0x5a: {  	_ =	shalt  }
0x5b: {  	_ =	shalt  }
0x5c: {  	_ =	shalt  }
0x5d: {  	_ =	shalt  }
0x5e: {  	_ =	shalt  }
0x5f: {  	_ =	shalt  }
0x60: {  	_ =	shalt  }
0x61: {  	_ =	shalt  }
0x62: {  	_ =	shalt  }
0x63: {  	_ =	shalt  }
0x64: {  	_ =	shalt  }
0x65: {  	_ =	shalt  }
0x66: {  	_ =	shalt  }
0x67: {  	_ =	shalt  }
0x68: {  	_ =	shalt  }
0x69: {  	_ =	shalt  }
0x6a: {  	_ =	shalt  }
0x6b: {  	_ =	shalt  }
0x6c: {  	_ =	shalt  }
0x6d: {  	_ =	shalt  }
0x6e: {  	_ =	shalt  }
0x6f: {  	_ =	shalt  }
0x70: {  	_ =	shalt  }
0x71: {  	_ =	shalt  }
0x72: {  	_ =	shalt  }
0x73: {  	_ =	shalt  }
0x74: {  	_ =	shalt  }
0x75: {  	_ =	shalt  }
0x76: {  	_ =	shalt  }
0x77: {  	_ =	shalt  }
0x78: {  	_ =	shalt  }
0x79: {  	_ =	shalt  }
0x7a: {  	_ =	shalt  }
0x7b: {  	_ =	shalt  }
0x7c: {  	_ =	shalt  }
0x7d: {  	_ =	shalt  }
0x7e: {  	_ =	shalt  }
0x7f: {  	_ =	shalt  }
0x80: {  	_ =	shalt  }
0x81: {  	_ =	shalt  }
0x82: {  	_ =	shalt  }
0x83: {  	_ =	shalt  }
0x84: {  	_ =	shalt  }
0x85: {  	_ =	shalt  }
0x86: {  	_ =	shalt  }
0x87: {  	_ =	shalt  }
.Lfunc_end0:
.L_simem_size_0:
called_computation_lowered:
.L_overlay_start_0:
0x88: {  	s2 =	sld [smem:$0x3FD9]  }
0x89: {  	s3 =	sld [smem:$0x3FFE];
	_ =	sdelay $0x1  }
0x8a: {  	s1 =	srdreg.scid  }
0x8b: {  	s0 =	sand.u32 $0x1, s1  }
0x8c: {  	s16 =	sshll.u32 s0, $0xA;
	s2 =	sadd.s32 s3, s2  }
0x8d: {  	s2 =	sadd.s32 s2, s16  }
0x8e: {  	[smem:$0x3FC6] =	sst s2  }
0x8f: {  	_ = 	snop  }
0x90: {  	(tm) =	ssettm $0x1  }
0x91: {  	s17 =	sld [smem:$0x3FFB];
	_ =	sdelay $0x3  }
0x92: {  	_ =	strace s17  }
0x93: {  	s2 =	sld [smem:$0x3FFC];
	_ =	sdelay $0x3  }
0x94: {  	_ =	strace s2  }
0x95: {  	s2 =	sld [smem:$0x3FFD];
	_ =	sdelay $0x3  }
0x96: {  	_ =	strace s2  }
0x97: {  	_ =	strace $0x8FFFFFFF  }
0x98: {  	s18 =	sld [smem:$0x3FDB];
	_ =	sdelay $0x1  }
0x99: {  	s19 =	simm.s32 $_scs_section_size  }
0x9a: {  	s4 =	simm.s32 $_size__tile_overlayer_lowered;
	s5 =	simm.s32 $_tile_overlayer_lowered  }
0x9b: {  	s22 =	simm.s32 $0x1BFF;
	s21 =	sshll.u32 s5, $0x1;
	s2 =	sadd.s32 s19, s18  }
0x9c: {  	s6 =	simm.s32 $0x0;
	s20 =	sshll.u32 s4, $0x1;
	s4 =	sadd.s32 s21, s2  }
0x9d: {  	[timem:s6], [sflag:s22] =	dma.local [hbm:s4], s20  }
0x9e: {  	_ =	swait.ge [sflag:s22], s20  }
0x9f: {  	s3 =	ssub.s32 $0x0, s20;
	[sflag:s22] =	ssyncset.done $0x0  }
0xa0: {  	[sflag:s22] =	ssyncadd.s32 s3;
	_ =	sdelay $0x1  }
0xa1: {  	s23 =	simm.s32 $0x1B8B  }
0xa2: {  	_ =	swait.ge [sflag:s23], $0x1  }
0xa3: {  	[sflag:s23] =	ssyncset.done $0x0  }
0xa4: {  	s25 =	simm.s32 $0x1B8E;
	s24 =	sld [smem:$0x3FFE];
	[sflag:s23] =	ssyncadd.s32 $0xFFFFFFFF  }
0xa5: {  	s26 =	simm.s32 $execute0_lowered;
	[smem:$0x3FD2] =	sst s25  }
0xa6: {  	s4 =	sshll.u32 s26, $0x1;
	_ =	strace $0x80000046;
	[dreg:$0x1] =	wrdreg $0xFFFFFFFF  }
0xa7: {  	s28 =	simm.s32 $_size_execute0_lowered;
	s2 =	sadd.s32 s2, s4;
	[dreg:$0x0] =	wrdreg $0x0  }
0xa8: {  	s4 =	sshll.u32 s28, $0x1;
	[dreg:$0x2] =	wrdreg s2  }
0xa9: {  	[dreg:$0x3] =	wrdreg s4  }
0xaa: {  	[dreg:$0x4] =	wrdreg $0xC0  }
0xab: {  	_ =	task [dreg:s6], $0x5FFFF  }
0xac: {  	[dreg:$0x1] =	wrdreg $0xFFFFFFFF  }
0xad: {  	[dreg:$0x0] =	wrdreg $0x60  }
0xae: {  	[dreg:$0x2] =	wrdreg s24  }
0xaf: {  	[dreg:$0x3] =	wrdreg $0x9  }
0xb0: {  	_ =	task.clear_ibuf [dreg:s6], $0x4FFFF;
	_ =	strace $0x90000046  }
0xb1: {  	s29 =	simm.s32 $0x9;
	_ =	strace $0x80000048  }
0xb2: {  	_ =	swait.ge [sflag:s29], $0x1  }
0xb3: {  	[sflag:s29] =	ssyncadd.s32 $0xFFFFFFFF  }
0xb4: {  	_ =	strace $0x90000048  }
0xb5: {  	_ =	sfence  }
0xb6: {  	s30 =	sld [smem:$0x0];
	_ =	sdelay $0x2  }
0xb7: {  	s31 =	sshll.u32 s1, $0xD;
	s1 =	sshrl.u32 s1, $0x2  }
0xb8: {  	s3 =	sand.u32 $0x4000, s31;
	s1 =	sadd.s32 s1, s30  }
0xb9: {  	s0 =	sor.u32 s3, s0;
	s1 =	sshll.u32 s1, $0x11  }
0xba: {  	s0 =	sor.u32 s1, s0  }
0xbb: {  	s0 =	sadd.s32 $0x8F2B, s0  }
0xbc: {  	[sflag:s0] =	ssyncadd.remote.s32 $0x1  }
0xbd: {  	_ =	sfence.sel $0xFFFF  }
0xbe: {  	[dreg:$0x0] =	wrdreg $0xFFFFFFFF;
	(pc) =	sbr.abs _section_cstart, $3  }
0xbf: {  	[dreg:$0x1] =	wrdreg $0xFFFFFFFF  }
0xc0: {  	_ =	task.clear_ibuf [dreg:s6], $0x2FFFF;
	_ =	strace $0x9FFFFFFF  }
0xc1: {  	(tm) =	ssettm $0x7FFFFFFF  }
tec
execute0_lowered:
.L_overlay_start_1:
0x0: {  	(tag) =	ssettag $0x1  }
0x1: {  	s3 =	rddreg [dreg:$0x0];
	s2 =	simm.s32 $0x0  }
0x2: {  	[smem:$0x7FF] =	sst s2  }
0x3: {  	s0 =	rddreg [dreg:$0x1];
	v0 =	vimm.f32 $1.600000000e+01;
	_ =	strace $0x80000047  }
0x4: {  	s4 =	srdreg.scid;
	s1 =	stileid.u32;
	s11 =	simm.s32 $0xC000;
	(erf) = vrcp.f32 v0  }
0x5: {  	s12 =	simm.s32 $0x1;
	s13 =	simm.s32 $0x2;
	s14 =	simm.s32 $0x3  }
0x6: {  	s15 =	simm.s32 $0x4;
	s16 =	simm.s32 $0x10000;
	s17 =	simm.s32 $0x5  }
0x7: {  	s18 =	simm.s32 $0x0;
	s4 =	sand.u32 $0x1, s4;
	s5 =	sshll.u32 s1, $0x1  }
0x8: {  	s6 =	sadd.s32 $0x20200, s3;
	s5 =	sor.u32 s4, s5;
	s4 =	ssub.s32 $0x2, s4  }
0x9: {  	s7 =	sadd.s32 $0x200, s3;
	s8 =	sshll.u32 s5, $0x4;
	s31 =	sshrl.u32 s4, $0x1  }
0xa: {  	s5 =	sshll.u32 s5, $0xC;
	v0 =	vlaneseq.u32;
	s8 =	sadd.s32 s8, s3;
	s9 =	ssub.s32 s4, s31  }
0xb: {  	s3 =	sadd.s32 s6, s5;
	s10 =	sor.u32 $0x800, s5;
	s4 =	sadd.s32 s7, s5;
	v2 =	vmul.u32 $0xFFFFFFFF, v0  }
0xc: {  	vm0 =	vmmov $0xff;
	s5 =	sadd.s32 s6, s10;
	s6 =	sadd.s32 s7, s10;
	s7 =	sadd.s32 $0x40200, s8  }
0xd: {  	v1 =	vimm.s32 $0xF;
	v3 =	vimm.s32 $0x0;
	s8 =	smax.u32 s9, $0x1;
	s9 =	simm.s32 $0x8000;
	s10 =	simm.s32 $0x4000;
	v2 =	vadd.s32 $0xF, v2;
	v0 =	vpop (erf)  }
.LBB2_1:
0xe: {  	[tilespmem:s2], [sflag:$0x1] =	stream.linear.gather [hbm4b:s3+s2], $0x4000, $0x38;
	[tilespmem:$0x10080] =	vst v63  }
0xf: {  	_ = 	snop  }
0x10: {  	[tilespmem:s9], [sflag:$0x2] =	stream.linear.gather [hbm4b:s4+s2], $0x4000, $0x38;
	[tilespmem:$0x10080] =	vst v63  }
0x11: {  	_ = 	snop  }
0x12: {  	[tilespmem:s10], [sflag:$0x3] =	stream.linear.gather [hbm4b:s5+s2], $0x4000, $0x38;
	[tilespmem:$0x10080] =	vst v63  }
0x13: {  	_ = 	snop  }
0x14: {  	[tilespmem:s11], [sflag:$0x4] =	stream.linear.gather [hbm4b:s6+s2], $0x4000, $0x38;
	[tilespmem:$0x10080] =	vst v63  }
0x15: {  	_ =	swait.ge [sflag:s12], $0x4000  }
0x16: {  	[sflag:s12] =	ssyncset.done $0x0  }
0x17: {  	[sflag:s12] =	ssyncadd.s32 $0xFFFFC000  }
0x18: {  	_ =	swait.ge [sflag:s13], $0x4000  }
0x19: {  	v7 =	vimm.f32 $1.000000000e+00;
	[sflag:s13] =	ssyncset.done $0x0  }
0x1a: {  	v4 =	vimm.f32 $0.0e+00;
	s19 =	simm.s32 $0x0;
	s20 =	simm.s32 $0x0;
	v6 =	vimm.f32 $0.0e+00;
	v5 =	vimm.s32 $0x0;
	[sflag:s13] =	ssyncadd.s32 $0xFFFFC000  }
.LBB2_2:
0x1b: {  	s21 =	sand.u32 $0x3800, s20;
	s22 =	sand.u32 $0x380, s19  }
0x1c: {  	s21 =	sor.u32 s22, s21  }
0x1d: {  	v21 =	vld [tilespmem:s21+$0x8000]  }
0x1e: {  	v20 =	vld [tilespmem:s21+$0x8010]  }
0x1f: {  	v19 =	vld [tilespmem:s21+$0x8020]  }
0x20: {  	v18 =	vld [tilespmem:s21+$0x8030]  }
0x21: {  	v17 =	vld [tilespmem:s21+$0x8040]  }
0x22: {  	v16 =	vld [tilespmem:s21+$0x8050]  }
0x23: {  	v15 =	vld [tilespmem:s21+$0x8060]  }
0x24: {  	v14 =	vld [tilespmem:s21+$0x8070];
	v8 =	vmax.f32 v21, v20  }
0x25: {  	v13 =	vld [tilespmem:s21+$0x8400];
	v8 =	vmax.f32 v8, v19  }
0x26: {  	v11 =	vld [tilespmem:s21+$0x8410];
	v8 =	vmax.f32 v8, v18  }
0x27: {  	v10 =	vld [tilespmem:s21+$0x8420];
	v8 =	vmax.f32 v8, v17  }
0x28: {  	v9 =	vld [tilespmem:s21+$0x8430];
	v12 =	vmax.f32 v8, v16  }
0x29: {  	v8 =	vld [tilespmem:s21+$0x8438];
	v12 =	vmax.f32 v12, v15  }
0x2a: {  	v12 =	vmax.f32 v12, v14  }
0x2b: {  	v12 =	vmax.f32 v12, v13  }
0x2c: {  	v12 =	vmax.f32 v12, v11  }
0x2d: {  	v12 =	vmax.f32 v12, v10  }
0x2e: {  	v22 =	vsel vm0, $0xF149F2CA, v8;
	v12 =	vmax.f32 v12, v9  }
0x2f: {  	v12 =	vmax.f32 v12, v22  }
0x30: {  	(xrf0) =	vmax.scan.msk.f32 $0xffff, v12;
	_ =	sdelay $0x5  }
0x31: {  	v12, _, _ =	vpop (xrf0)  }
0x32: {  	v12 =	vperm.xlane v12, v1;
	_ =	sdelay $0x1  }
0x33: {  	v56 =	vsub.f32 v21, v12  }
0x34: {  	v23 =	vsub.f32 v20, v12  }
0x35: {  	v22 =	vmul.f32 $1.442695020e+00, v56  }
0x36: {  	v24 =	vsub.f32 v19, v12;
	v23 =	vmul.f32 $1.442695020e+00, v23  }
0x37: {  	v57 =	vsub.f32 v18, v12;
	(erf) = vpow2.f32 v22  }
0x38: {  	v58 =	vmul.f32 $1.442695020e+00, v24;
	(erf) = vpow2.f32 v23  }
0x39: {  	v59 =	vsub.f32 v17, v12;
	v22 =	vmul.f32 $1.442695020e+00, v57  }
0x3a: {  	v60 =	vsub.f32 v16, v12;
	(erf) = vpow2.f32 v58  }
0x3b: {  	v23 =	vmul.f32 $1.442695020e+00, v59;
	(erf) = vpow2.f32 v22  }
0x3c: {  	v61 =	vld [tilespmem:s21+$0x0];
	v25 =	vsub.f32 v15, v12;
	v22 =	vmul.f32 $1.442695020e+00, v60  }
0x3d: {  	v27 =	vsub.f32 v14, v12;
	(erf) = vpow2.f32 v23  }
0x3e: {  	v26 =	vld [tilespmem:s21+$0x10];
	v63 =	vsub.f32 v13, v12;
	v62 =	vmul.f32 $1.442695020e+00, v25;
	(erf) = vpow2.f32 v22  }
0x3f: {  	v34 =	vsub.f32 v11, v12;
	v33 =	vmul.f32 $1.442695020e+00, v27  }
0x40: {  	v28 =	vld [tilespmem:s21+$0x20];
	v36 =	vsub.f32 v10, v12;
	v35 =	vmul.f32 $1.442695020e+00, v63;
	v30 =	vpop (erf);
	(erf) = vpow2.f32 v62  }
0x41: {  	v29 =	vld [tilespmem:s21+$0x30];
	v38 =	vsub.f32 v9, v12;
	v37 =	vmul.f32 $1.442695020e+00, v34;
	v31 =	vpop (erf);
	(erf) = vpow2.f32 v33;
	(xrf1) =	vsort.dscd.msk.f32 $0xffff, v61, v30  }
0x42: {  	v42 =	vld [tilespmem:s21+$0x40];
	v39 =	vmul.f32 $1.442695020e+00, v36;
	(erf) = vpow2.f32 v35  }
0x43: {  	v45 =	vld [tilespmem:s21+$0x50];
	v44 =	vsub.f32 v8, v12;
	v41 =	vmul.f32 $1.442695020e+00, v38;
	(xrf1) =	vsort.dscd.msk.f32 $0xffff, v26, v31;
	v40 =	vpop (erf);
	(erf) = vpow2.f32 v37  }
0x44: {  	v43 =	vpop (erf);
	(erf) = vpow2.f32 v39  }
0x45: {  	v46 =	vmul.f32 $1.442695020e+00, v44;
	(xrf1) =	vsort.dscd.msk.f32 $0xffff, v28, v40;
	(erf) = vpow2.f32 v41  }
0x46: {  	(xrf1) =	vsort.dscd.msk.f32 $0xffff, v29, v43;
	v47 =	vpop (erf)  }
0x47: {  	v49 =	vpop (erf);
	(xrf1) =	vsort.dscd.msk.f32 $0xffff, v42, v47;
	(erf) = vpow2.f32 v46  }
0x48: {  	v48 =	vld [tilespmem:s21+$0x60];
	(xrf1) =	vsort.dscd.msk.f32 $0xffff, v45, v49  }
0x49: {  	v51 =	vld [tilespmem:s21+$0x70];
	v50 =	vpop (erf)  }
0x4a: {  	v53 =	vld [tilespmem:s21+$0x400];
	v52 =	vpop (erf)  }
0x4b: {  	v55 =	vld [tilespmem:s21+$0x410];
	v54 =	vpop (erf)  }
0x4c: {  	v32 =	vld [tilespmem:s21+$0x430];
	v56 =	vpop (erf)  }
0x4d: {  	v57 =	vld [tilespmem:s21+$0x420];
	(xrf1) =	vsort.dscd.msk.f32 $0xffff, v48, v50;
	v58 =	vpop (erf)  }
0x4e: {  	v60 =	vld [tilespmem:s21+$0x438];
	(xrf1) =	vsort.dscd.msk.f32 $0xffff, v51, v52;
	v59 =	vpop (erf)  }
0x4f: {  	v23, v28, _ =	vpop (xrf1)  }
0x50: {  	(xrf1) =	vsort.dscd.msk.f32 $0xffff, v53, v54;
	v61 =	vpop (erf)  }
0x51: {  	v33, v34, _ =	vpop (xrf1);
	(xrf1) =	vsort.dscd.msk.f32 $0xffff, v55, v56  }
0x52: {  	v24 =	vsel vm0, $0x0, v61;
	v62 =	vperm.xlane v33, v2;
	(xrf1) =	vsort.dscd.msk.f32 $0xffff, v57, v58  }
0x53: {  	v26 =	vsel vm0, $0xBF800000, v60;
	v27, v29, _ =	vpop (xrf1);
	(xrf1) =	vsort.dscd.msk.f32 $0xffff, v32, v59  }
0x54: {  	v63 =	vperm.xlane v34, v2;
	v30, v31, _ =	vpop (xrf1);
	vm1 =	vge.f32 v23, v62;
	(xrf1) =	vsort.dscd.msk.f32 $0xffff, v26, v24  }
0x55: {  	v34 =	vperm.xlane v30, v2;
	v36 =	vperm.xlane v31, v2;
	v24, v25, _ =	vpop (xrf1);
	v33 =	vsel vm1, v23, v62  }
0x56: {  	v23 =	vsel vm1, v62, v23;
	v35 =	vsel vm1, v28, v63;
	v22 =	vsel vm1, v63, v28;
	v40, v39, _ =	vpop (xrf1)  }
0x57: {  	(xrf1) =	vsort.dscd.msk.f32 $0xffff, v33, v35;
	vm1 =	vge.f32 v27, v34;
	v42 =	vperm.xlane v40, v2  }
0x58: {  	(xrf1) =	vsort.dscd.msk.f32 $0xffff, v23, v22;
	v37 =	vsel vm1, v27, v34;
	v38 =	vsel vm1, v29, v36  }
0x59: {  	v26 =	vsel vm1, v34, v27;
	v41 =	vsel vm1, v36, v29;
	(xrf1) =	vsort.dscd.msk.f32 $0xffff, v37, v38  }
0x5a: {  	v45 =	vperm.xlane v39, v2;
	(xrf1) =	vsort.dscd.msk.f32 $0xffff, v26, v41  }
0x5b: {  	vm1 =	vge.f32 v24, v42;
	v43, v44, _ =	vpop (xrf1)  }
0x5c: {  	v49 =	vsel vm1, v25, v45;
	v25 =	vsel vm1, v45, v25;
	v47, v46, _ =	vpop (xrf1)  }
0x5d: {  	v22 =	vsel vm1, v42, v24;
	v28 =	vperm.xlane v47, v2  }
0x5e: {  	v48 =	vsel vm1, v24, v42  }
0x5f: {  	(xrf1) =	vsort.dscd.msk.f32 $0xffff, v48, v49;
	v50 =	vperm.xlane v46, v2;
	vm1 =	vge.f32 v43, v28;
	v51, v52, _ =	vpop (xrf1)  }
0x60: {  	(xrf1) =	vsort.dscd.msk.f32 $0xffff, v22, v25;
	v53 =	vsel vm1, v43, v28;
	v22, v25, _ =	vpop (xrf1)  }
0x61: {  	v23 =	vsel vm1, v28, v43;
	v54 =	vsel vm1, v44, v50;
	v56, v55, _ =	vpop (xrf1);
	v57 =	vperm.xlane v22, v2  }
0x62: {  	v24 =	vsel vm1, v50, v44;
	(xrf1) =	vsort.dscd.msk.f32 $0xffff, v53, v54;
	v58 =	vperm.xlane v25, v2;
	v28, v30, _ =	vpop (xrf1)  }
0x63: {  	(xrf1) =	vsort.dscd.msk.f32 $0xffff, v23, v24;
	vm1 =	vge.f32 v51, v57;
	v28 =	vperm.xlane v28, v2  }
0x64: {  	v23, v22, _ =	vpop (xrf1);
	v39 =	vperm.xlane v30, v2;
	v61 =	vsel vm1, v51, v57;
	v62 =	vsel vm1, v52, v58  }
0x65: {  	v26 =	vsel vm1, v57, v51;
	v24 =	vsel vm1, v58, v52;
	v60, v59, _ =	vpop (xrf1);
	(xrf1) =	vsort.dscd.msk.f32 $0xffff, v61, v62  }
0x66: {  	vm1 =	vge.f32 v56, v28;
	v35, v36, _ =	vpop (xrf1);
	(xrf1) =	vsort.dscd.msk.f32 $0xffff, v26, v24  }
0x67: {  	v42 =	vsel vm1, v56, v28;
	v43 =	vsel vm1, v28, v56;
	v44 =	vsel vm1, v55, v39;
	v63, v37, _ =	vpop (xrf1)  }
0x68: {  	v27 =	vsel vm1, v39, v55;
	(xrf1) =	vsort.dscd.msk.f32 $0xffff, v42, v44;
	v41, v40, _ =	vpop (xrf1);
	v45 =	vperm.xlane v63, v2  }
0x69: {  	(xrf1) =	vsort.dscd.msk.f32 $0xffff, v43, v27;
	v30 =	vperm.xlane v41, v2  }
0x6a: {  	v47 =	vperm.xlane v37, v2;
	v46 =	vperm.xlane v40, v2;
	vm2 =	vge.f32 v35, v45  }
0x6b: {  	vm1 =	vge.f32 v60, v30;
	v50 =	vsel vm2, v35, v45;
	v24 =	vsel vm2, v45, v35  }
0x6c: {  	v55 =	vsel vm2, v36, v47;
	v48 =	vsel vm1, v60, v30;
	v25 =	vsel vm1, v30, v60  }
0x6d: {  	v49 =	vsel vm1, v59, v46;
	v26 =	vsel vm1, v46, v59;
	vm1 =	vge.f32 v48, v50  }
0x6e: {  	v51, v52, _ =	vpop (xrf1);
	v27 =	vsel vm2, v47, v36;
	vm2 =	vge.f32 v25, v24;
	v56 =	vsel vm1, v48, v50  }
0x6f: {  	v54, v53, _ =	vpop (xrf1);
	v28 =	vsel vm1, v50, v48;
	v58 =	vsel vm1, v49, v55;
	v29 =	vsel vm1, v55, v49  }
0x70: {  	v59 =	vsel vm2, v25, v24;
	v60 =	vsel vm2, v26, v27;
	v24 =	vsel vm2, v24, v25;
	v57, v38, _ =	vpop (xrf1)  }
0x71: {  	v62 =	vsel vm2, v27, v26;
	(xrf1) =	vsort.dscd.msk.f32 $0xffff, v56, v58;
	v39, v40, _ =	vpop (xrf1);
	v63 =	vperm.xlane v57, v2  }
0x72: {  	(xrf1) =	vsort.dscd.msk.f32 $0xffff, v28, v29;
	v36 =	vperm.xlane v38, v2;
	v61 =	vperm.xlane v39, v2  }
0x73: {  	(xrf1) =	vsort.dscd.msk.f32 $0xffff, v59, v60;
	v35 =	vperm.xlane v40, v2;
	vm2 =	vge.f32 v54, v63  }
0x74: {  	(xrf1) =	vsort.dscd.msk.f32 $0xffff, v24, v62;
	vm1 =	vge.f32 v51, v61;
	v39 =	vsel vm2, v54, v63  }
0x75: {  	v26 =	vsel vm2, v63, v54;
	v37 =	vsel vm1, v51, v61;
	v28 =	vsel vm1, v61, v51  }
0x76: {  	v38 =	vsel vm1, v52, v35;
	v27 =	vsel vm1, v35, v52;
	vm1 =	vge.f32 v37, v39  }
0x77: {  	v40 =	vsel vm2, v53, v36;
	v41 =	vsel vm1, v37, v39;
	v25 =	vsel vm1, v39, v37  }
0x78: {  	v42 =	vsel vm1, v38, v40;
	v29 =	vsel vm1, v40, v38;
	vm1 =	vge.f32 v28, v26  }
0x79: {  	v24 =	vsel vm2, v36, v53;
	(xrf1) =	vsort.dscd.msk.f32 $0xffff, v41, v42;
	v43 =	vsel vm1, v28, v26  }
0x7a: {  	v44 =	vsel vm1, v27, v24;
	v24 =	vsel vm1, v24, v27;
	(xrf1) =	vsort.dscd.msk.f32 $0xffff, v25, v29  }
0x7b: {  	v45 =	vsel vm1, v26, v28;
	(xrf1) =	vsort.dscd.msk.f32 $0xffff, v43, v44  }
0x7c: {  	(xrf1) =	vsort.dscd.msk.f32 $0xffff, v45, v24  }
0x7d: {  	v24, v25, _ =	vpop (xrf1)  }
0x7e: {  	v46, v47, _ =	vpop (xrf1)  }
0x7f: {  	v49, v48, _ =	vpop (xrf1)  }
0x80: {  	v23 =	vperm.xlane v23, v2;
	v30, v31, _ =	vpop (xrf1);
	v28 =	vperm.xlane v49, v2  }
0x81: {  	v22 =	vperm.xlane v22, v2;
	v30 =	vperm.xlane v30, v2  }
0x82: {  	v29 =	vperm.xlane v48, v2;
	v31 =	vperm.xlane v31, v2;
	vm2 =	vge.f32 v46, v28  }
0x83: {  	v32, v33, _ =	vpop (xrf1);
	vm1 =	vge.f32 v24, v30;
	v54 =	vsel vm2, v46, v28;
	v26 =	vsel vm2, v28, v46  }
0x84: {  	v34, v35, _ =	vpop (xrf1);
	v42 =	vsel vm2, v47, v29;
	v50 =	vsel vm1, v24, v30;
	v24 =	vsel vm1, v30, v24  }
0x85: {  	v37, v38, _ =	vpop (xrf1);
	v51 =	vsel vm1, v25, v31;
	v25 =	vsel vm1, v31, v25;
	vm1 =	vge.f32 v50, v54  }
0x86: {  	v27 =	vsel vm2, v29, v47;
	v52, v53, _ =	vpop (xrf1);
	vm2 =	vge.f32 v24, v26;
	v44 =	vsel vm1, v50, v54  }
0x87: {  	v31 =	vsel vm1, v54, v50;
	v46 =	vsel vm1, v51, v42;
	v30 =	vsel vm1, v42, v51;
	v55, v41, _ =	vpop (xrf1)  }
0x88: {  	v58 =	vsel vm2, v24, v26;
	v24 =	vsel vm2, v26, v24;
	v59 =	vsel vm2, v25, v27;
	v56, v43, _ =	vpop (xrf1)  }
0x89: {  	v25 =	vsel vm2, v27, v25;
	(xrf1) =	vsort.dscd.msk.f32 $0xffff, v44, v46;
	v62 =	vperm.xlane v55, v2;
	v57, v45, _ =	vpop (xrf1)  }
0x8a: {  	(xrf1) =	vsort.dscd.msk.f32 $0xffff, v31, v30;
	v44 =	vperm.xlane v41, v2;
	v29 =	vperm.xlane v56, v2;
	v47, v48, _ =	vpop (xrf1)  }
0x8b: {  	v43 =	vperm.xlane v43, v2;
	(xrf1) =	vsort.dscd.msk.f32 $0xffff, v58, v59;
	v60 =	vperm.xlane v47, v2  }
0x8c: {  	v61 =	vperm.xlane v57, v2;
	v42 =	vperm.xlane v45, v2;
	(xrf1) =	vsort.dscd.msk.f32 $0xffff, v24, v25  }
0x8d: {  	v63 =	vperm.xlane v48, v2;
	vm2 =	vge.f32 v37, v29;
	vm1 =	vge.f32 v32, v60  }
0x8e: {  	v49 =	vsel vm2, v37, v29;
	v45 =	vsel vm1, v32, v60;
	v27 =	vsel vm1, v60, v32  }
0x8f: {  	v46 =	vsel vm1, v33, v63;
	v25 =	vsel vm1, v63, v33;
	vm1 =	vge.f32 v34, v61  }
0x90: {  	v29 =	vsel vm2, v29, v37;
	v47 =	vsel vm1, v34, v61;
	v26 =	vsel vm1, v61, v34  }
0x91: {  	v48 =	vsel vm1, v35, v42;
	v28 =	vsel vm1, v42, v35;
	vm1 =	vge.f32 v52, v62  }
0x92: {  	v50 =	vsel vm2, v38, v43;
	v51 =	vsel vm1, v52, v62;
	v24 =	vsel vm1, v62, v52  }
0x93: {  	v52 =	vsel vm1, v53, v44;
	v31 =	vsel vm1, v44, v53;
	vm1 =	vge.f32 v45, v49  }
0x94: {  	v30 =	vsel vm2, v43, v38;
	v53 =	vsel vm1, v45, v49;
	v35 =	vsel vm1, v49, v45  }
0x95: {  	vm2 =	vge.f32 v47, v51;
	v54 =	vsel vm1, v46, v50;
	v32 =	vsel vm1, v50, v46  }
0x96: {  	vm1 =	vge.f32 v27, v29;
	v55 =	vsel vm2, v47, v51;
	v33 =	vsel vm2, v51, v47  }
0x97: {  	v56 =	vsel vm2, v48, v52;
	v57 =	vsel vm1, v27, v29;
	v27 =	vsel vm1, v29, v27  }
0x98: {  	v58 =	vsel vm1, v25, v30;
	v25 =	vsel vm1, v30, v25;
	vm1 =	vge.f32 v26, v24  }
0x99: {  	v34 =	vsel vm2, v52, v48;
	v59 =	vsel vm1, v26, v24;
	v24 =	vsel vm1, v24, v26  }
0x9a: {  	vm2 =	vge.f32 v53, v55;
	v60 =	vsel vm1, v28, v31;
	v28 =	vsel vm1, v31, v28  }
0x9b: {  	vm1 =	vge.f32 v35, v33;
	v61 =	vsel vm2, v53, v55;
	v37 =	vsel vm2, v55, v53  }
0x9c: {  	v62 =	vsel vm2, v54, v56;
	v36 =	vsel vm2, v56, v54;
	v63 =	vsel vm1, v35, v33  }
0x9d: {  	v33 =	vsel vm1, v33, v35;
	v41 =	vsel vm1, v32, v34;
	vm2 =	vge.f32 v57, v59  }
0x9e: {  	v42 =	vsel vm1, v34, v32;
	vm1 =	vge.f32 v27, v24;
	(xrf1) =	vsort.dscd.msk.f32 $0xffff, v61, v62  }
0x9f: {  	v43 =	vsel vm2, v57, v59;
	v30 =	vsel vm2, v59, v57;
	v46, v45, _ =	vpop (xrf1);
	(xrf1) =	vsort.dscd.msk.f32 $0xffff, v37, v36  }
0xa0: {  	v44 =	vsel vm2, v58, v60;
	v26 =	vsel vm2, v60, v58;
	v47, v48, _ =	vpop (xrf1);
	(xrf1) =	vsort.dscd.msk.f32 $0xffff, v63, v41  }
0xa1: {  	v49 =	vsel vm1, v27, v24;
	v24 =	vsel vm1, v24, v27;
	(xrf1) =	vsort.dscd.msk.f32 $0xffff, v33, v42;
	v50, v51, _ =	vpop (xrf1)  }
0xa2: {  	v52 =	vsel vm1, v25, v28;
	(xrf1) =	vsort.dscd.msk.f32 $0xffff, v43, v44;
	vm2 =	vge.f32 v46, v50  }
0xa3: {  	v25 =	vsel vm1, v28, v25;
	(xrf1) =	vsort.dscd.msk.f32 $0xffff, v30, v26;
	v26, v30, _ =	vpop (xrf1);
	v55 =	vsel vm2, v46, v50  }
0xa4: {  	v27 =	vsel vm2, v50, v46;
	v56 =	vsel vm2, v45, v51;
	vm1 =	vge.f32 v26, v23  }
0xa5: {  	v32 =	vsel vm2, v51, v45;
	(xrf1) =	vsort.dscd.msk.f32 $0xffff, v49, v52;
	v53 =	vsel vm1, v26, v23  }
0xa6: {  	(xrf1) =	vsort.dscd.msk.f32 $0xffff, v24, v25;
	v54 =	vsel vm1, v30, v22;
	vm3 =	vge.f32 v47, v53  }
0xa7: {  	v23 =	vsel vm1, v23, v26;
	v57 =	vsel vm3, v47, v53;
	v24 =	vsel vm3, v53, v47  }
0xa8: {  	v58 =	vsel vm3, v48, v54;
	v25 =	vsel vm3, v54, v48;
	vm2 =	vge.f32 v55, v57  }
0xa9: {  	v59 =	vsel vm2, v55, v57;
	v28 =	vsel vm2, v57, v55;
	v60 =	vsel vm2, v56, v58  }
0xaa: {  	v29 =	vsel vm2, v58, v56;
	vm2 =	vge.f32 v27, v24;
	(xrf1) =	vsort.dscd.msk.f32 $0xffff, v59, v60  }
0xab: {  	v61 =	vsel vm2, v27, v24;
	v62 =	vsel vm2, v32, v25;
	(xrf1) =	vsort.dscd.msk.f32 $0xffff, v28, v29  }
0xac: {  	v24 =	vsel vm2, v24, v27;
	v25 =	vsel vm2, v25, v32;
	(xrf1) =	vsort.dscd.msk.f32 $0xffff, v61, v62  }
0xad: {  	v22 =	vsel vm1, v22, v30;
	(xrf1) =	vsort.dscd.msk.f32 $0xffff, v24, v25  }
0xae: {  	(xrf1) =	vsort.dscd.msk.f32 $0xffff, v23, v22;
	_ =	sdelay $0x1  }
0xaf: {  	v22, v23, _ =	vpop (xrf1)  }
0xb0: {  	v24, v25, _ =	vpop (xrf1)  }
0xb1: {  	v26, v27, _ =	vpop (xrf1)  }
0xb2: {  	v28, v29, _ =	vpop (xrf1)  }
0xb3: {  	v63, v31, _ =	vpop (xrf1)  }
0xb4: {  	v32, v33, _ =	vpop (xrf1)  }
0xb5: {  	v34, v35, _ =	vpop (xrf1)  }
0xb6: {  	v36, v37, _ =	vpop (xrf1)  }
0xb7: {  	v53, v52, _ =	vpop (xrf1)  }
0xb8: {  	v55, v54, _ =	vpop (xrf1)  }
0xb9: {  	v38 =	vperm.xlane v53, v2;
	v56, v57, _ =	vpop (xrf1)  }
0xba: {  	v39 =	vperm.xlane v52, v2;
	v40 =	vperm.xlane v55, v2;
	v58, v59, _ =	vpop (xrf1)  }
0xbb: {  	v41 =	vperm.xlane v54, v2;
	v42 =	vperm.xlane v56, v2;
	v60, v61, _ =	vpop (xrf1)  }
0xbc: {  	v44 =	vperm.xlane v58, v2;
	v46 =	vperm.xlane v60, v2  }
0xbd: {  	v43 =	vperm.xlane v57, v2;
	v45 =	vperm.xlane v59, v2  }
0xbe: {  	v47 =	vperm.xlane v61, v2;
	vm2 =	vge.f32 v63, v44;
	vm1 =	vge.f32 v28, v46  }
0xbf: {  	v62 =	vsel vm2, v63, v44;
	v30 =	vsel vm2, v44, v63;
	v63 =	vsel vm2, v31, v45  }
0xc0: {  	v31 =	vsel vm2, v45, v31;
	vm2 =	vge.f32 v34, v40;
	v48 =	vsel vm1, v28, v46  }
0xc1: {  	v28 =	vsel vm1, v46, v28;
	v46 =	vsel vm1, v29, v47;
	v29 =	vsel vm1, v47, v29  }
0xc2: {  	vm1 =	vge.f32 v32, v42;
	v51 =	vsel vm2, v34, v40;
	v34 =	vsel vm2, v40, v34  }
0xc3: {  	v52 =	vsel vm2, v35, v41;
	v49 =	vsel vm1, v32, v42;
	v32 =	vsel vm1, v42, v32  }
0xc4: {  	v50 =	vsel vm1, v33, v43;
	v33 =	vsel vm1, v43, v33;
	vm1 =	vge.f32 v36, v38  }
0xc5: {  	v35 =	vsel vm2, v41, v35;
	v53 =	vsel vm1, v36, v38;
	v36 =	vsel vm1, v38, v36  }
0xc6: {  	v54 =	vsel vm1, v37, v39;
	v37 =	vsel vm1, v39, v37;
	vm1 =	vge.f32 v22, v62  }
0xc7: {  	vm2 =	vge.f32 v24, v49;
	v55 =	vsel vm1, v22, v62;
	v22 =	vsel vm1, v62, v22  }
0xc8: {  	v56 =	vsel vm1, v23, v63;
	v23 =	vsel vm1, v63, v23;
	v57 =	vsel vm2, v24, v49  }
0xc9: {  	v24 =	vsel vm2, v49, v24;
	v58 =	vsel vm2, v25, v50;
	vm1 =	vge.f32 v26, v51  }
0xca: {  	v25 =	vsel vm2, v50, v25;
	v59 =	vsel vm1, v26, v51;
	v26 =	vsel vm1, v51, v26  }
0xcb: {  	v60 =	vsel vm1, v27, v52;
	v27 =	vsel vm1, v52, v27;
	vm1 =	vge.f32 v48, v53  }
0xcc: {  	v61 =	vsel vm1, v48, v53;
	v41 =	vsel vm1, v53, v48;
	v62 =	vsel vm1, v46, v54  }
0xcd: {  	v38 =	vsel vm1, v54, v46;
	vm1 =	vge.f32 v28, v36;
	vm2 =	vge.f32 v55, v59  }
0xce: {  	vm3 =	vge.f32 v22, v26;
	v63 =	vsel vm1, v28, v36;
	v49 =	vsel vm2, v55, v59  }
0xcf: {  	v39 =	vsel vm2, v59, v55;
	v42 =	vsel vm2, v56, v60;
	v43 =	vsel vm2, v60, v56  }
0xd0: {  	vm2 =	vge.f32 v57, v61;
	v56 =	vsel vm3, v22, v26;
	v22 =	vsel vm3, v26, v22  }
0xd1: {  	v54 =	vsel vm2, v57, v61;
	v40 =	vsel vm2, v61, v57;
	v55 =	vsel vm2, v58, v62  }
0xd2: {  	v45 =	vsel vm2, v62, v58;
	v57 =	vsel vm3, v23, v27;
	vm2 =	vge.f32 v24, v41  }
0xd3: {  	v23 =	vsel vm3, v27, v23;
	v58 =	vsel vm2, v24, v41;
	v24 =	vsel vm2, v41, v24  }
0xd4: {  	v59 =	vsel vm2, v25, v38;
	v25 =	vsel vm2, v38, v25;
	vm2 =	vge.f32 v30, v34  }
0xd5: {  	v61 =	vsel vm1, v29, v37;
	vm3 =	vge.f32 v49, v54;
	v60 =	vsel vm2, v30, v34  }
0xd6: {  	v30 =	vsel vm2, v34, v30;
	v34 =	vsel vm2, v31, v35;
	v50 =	vsel vm3, v49, v54  }
0xd7: {  	v51 =	vsel vm3, v42, v55;
	v31 =	vsel vm2, v35, v31;
	vm2 =	vge.f32 v32, v63  }
0xd8: {  	v42 =	vsel vm3, v55, v42;
	(xrf1) =	vsort.dscd.msk.f32 $0xffff, v50, v51;
	v62 =	vsel vm2, v32, v63  }
0xd9: {  	v32 =	vsel vm2, v63, v32;
	v63 =	vsel vm2, v33, v61;
	v33 =	vsel vm2, v61, v33  }
0xda: {  	vm2 =	vge.f32 v39, v40;
	v51 =	vsel vm3, v54, v49;
	vm3 =	vge.f32 v56, v58  }
0xdb: {  	v52 =	vsel vm2, v39, v40;
	v39 =	vsel vm2, v40, v39;
	v53 =	vsel vm2, v43, v45  }
0xdc: {  	v43 =	vsel vm2, v45, v43;
	(xrf1) =	vsort.dscd.msk.f32 $0xffff, v51, v42;
	v54 =	vsel vm3, v56, v58  }
0xdd: {  	v27 =	vsel vm3, v58, v56;
	v55 =	vsel vm3, v57, v59;
	(xrf1) =	vsort.dscd.msk.f32 $0xffff, v52, v53  }
0xde: {  	v26 =	vsel vm3, v59, v57;
	vm2 =	vge.f32 v22, v24;
	(xrf1) =	vsort.dscd.msk.f32 $0xffff, v39, v43  }
0xdf: {  	vm3 =	vge.f32 v60, v62;
	v56 =	vsel vm2, v22, v24;
	(xrf1) =	vsort.dscd.msk.f32 $0xffff, v54, v55  }
0xe0: {  	v22 =	vsel vm2, v24, v22;
	v57 =	vsel vm2, v23, v25;
	(xrf1) =	vsort.dscd.msk.f32 $0xffff, v27, v26  }
0xe1: {  	v23 =	vsel vm2, v25, v23;
	v58 =	vsel vm3, v60, v62;
	(xrf1) =	vsort.dscd.msk.f32 $0xffff, v56, v57  }
0xe2: {  	v59 =	vsel vm3, v62, v60;
	v60 =	vsel vm3, v34, v63;
	(xrf1) =	vsort.dscd.msk.f32 $0xffff, v22, v23  }
0xe3: {  	v61 =	vsel vm3, v63, v34;
	vm2 =	vge.f32 v30, v32;
	(xrf1) =	vsort.dscd.msk.f32 $0xffff, v58, v60  }
0xe4: {  	v62 =	vsel vm2, v30, v32;
	v63 =	vsel vm2, v31, v33;
	(xrf1) =	vsort.dscd.msk.f32 $0xffff, v59, v61  }
0xe5: {  	v34 =	vsel vm2, v32, v30;
	v35 =	vsel vm2, v33, v31;
	(xrf1) =	vsort.dscd.msk.f32 $0xffff, v62, v63  }
0xe6: {  	v38 =	vsel vm1, v36, v28;
	v39 =	vsel vm1, v37, v29;
	(xrf1) =	vsort.dscd.msk.f32 $0xffff, v34, v35  }
0xe7: {  	(xrf1) =	vsort.dscd.msk.f32 $0xffff, v38, v39;
	_ =	sdelay $0x1  }
0xe8: {  	_, v40, _ =	vpop (xrf1)  }
0xe9: {  	_, v43, _ =	vpop (xrf1)  }
0xea: {  	_, v44, _ =	vpop (xrf1)  }
0xeb: {  	_, v45, _ =	vpop (xrf1)  }
0xec: {  	_, v46, _ =	vpop (xrf1)  }
0xed: {  	_, v27, _ =	vpop (xrf1)  }
0xee: {  	_, v47, _ =	vpop (xrf1)  }
0xef: {  	_, v48, _ =	vpop (xrf1)  }
0xf0: {  	_, v49, _ =	vpop (xrf1)  }
0xf1: {  	_, v50, _ =	vpop (xrf1)  }
0xf2: {  	_, v51, _ =	vpop (xrf1)  }
0xf3: {  	_, v52, _ =	vpop (xrf1)  }
0xf4: {  	_, v53, _ =	vpop (xrf1)  }
0xf5: {  	v34 =	vperm.xlane v53, v2;
	_ =	sdelay $0x1  }
0xf6: {  	v33 =	vperm.xlane v52, v2;
	(xrf2) =	vadd.scan.msk.f32 $0xffff, v34;
	_ =	sdelay $0x1  }
0xf7: {  	v32 =	vperm.xlane v51, v2;
	(xrf2) =	vadd.scan.msk.f32 $0xffff, v33;
	_ =	sdelay $0x1  }
0xf8: {  	v31 =	vperm.xlane v50, v2;
	(xrf2) =	vadd.scan.msk.f32 $0xffff, v32;
	_ =	sdelay $0x1  }
0xf9: {  	v30 =	vperm.xlane v49, v2;
	(xrf2) =	vadd.scan.msk.f32 $0xffff, v31;
	_ =	sdelay $0x1  }
0xfa: {  	v29 =	vperm.xlane v48, v2;
	(xrf2) =	vadd.scan.msk.f32 $0xffff, v30;
	_ =	sdelay $0x1  }
0xfb: {  	v28 =	vperm.xlane v47, v2;
	v54, _, _ =	vpop (xrf2);
	(xrf2) =	vadd.scan.msk.f32 $0xffff, v29  }
0xfc: {  	v29 =	vperm.xlane v54, v2  }
0xfd: {  	v27 =	vperm.xlane v27, v2;
	v55, _, _ =	vpop (xrf2);
	(xrf2) =	vadd.scan.msk.f32 $0xffff, v28  }
0xfe: {  	v30 =	vperm.xlane v55, v2;
	v56 =	vperm.xlane v29, v3  }
0xff: {  	v26 =	vperm.xlane v46, v2;
	v57, _, _ =	vpop (xrf2);
	(xrf2) =	vadd.scan.msk.f32 $0xffff, v27  }
0x100: {  	v31 =	vperm.xlane v57, v2;
	v58 =	vperm.xlane v30, v3;
	v27 =	vadd.f32 $0.0e+00, v56  }
0x101: {  	v25 =	vperm.xlane v45, v2;
	v59, _, _ =	vpop (xrf2);
	(xrf2) =	vadd.scan.msk.f32 $0xffff, v26  }
0x102: {  	v32 =	vperm.xlane v59, v2;
	v61 =	vperm.xlane v31, v3;
	v60 =	vadd.f32 v58, v27  }
0x103: {  	v6 =	vadd.f32 v21, v6;
	v24 =	vperm.xlane v44, v2;
	v62, _, _ =	vpop (xrf2);
	(xrf2) =	vadd.scan.msk.f32 $0xffff, v25  }
0x104: {  	v33 =	vperm.xlane v62, v2;
	v41 =	vperm.xlane v32, v3;
	v63 =	vadd.f32 v61, v60  }
0x105: {  	v6 =	vadd.f32 v20, v6;
	v23 =	vperm.xlane v43, v2;
	v42, _, _ =	vpop (xrf2);
	(xrf2) =	vadd.scan.msk.f32 $0xffff, v24  }
0x106: {  	v43 =	vperm.xlane v33, v3;
	v24 =	vadd.f32 v41, v63;
	v34 =	vperm.xlane v42, v2  }
0x107: {  	v6 =	vadd.f32 v19, v6;
	v44, _, _ =	vpop (xrf2);
	(xrf2) =	vadd.scan.msk.f32 $0xffff, v23  }
0x108: {  	v35 =	vperm.xlane v44, v2;
	v23 =	vadd.f32 v43, v24;
	v45 =	vperm.xlane v34, v3  }
0x109: {  	v6 =	vadd.f32 v18, v6;
	v22 =	vperm.xlane v40, v2;
	v46, _, _ =	vpop (xrf2)  }
0x10a: {  	v36 =	vperm.xlane v46, v2;
	v47 =	vperm.xlane v35, v3;
	v28 =	vadd.f32 v45, v23  }
0x10b: {  	v6 =	vadd.f32 v17, v6;
	(xrf2) =	vadd.scan.msk.f32 $0xffff, v22;
	v48, _, _ =	vpop (xrf2)  }
0x10c: {  	v38 =	vperm.xlane v48, v2;
	v50 =	vperm.xlane v36, v3;
	v49 =	vadd.f32 v47, v28  }
0x10d: {  	v6 =	vadd.f32 v16, v6;
	v51, _, _ =	vpop (xrf2)  }
0x10e: {  	v39 =	vperm.xlane v51, v2;
	v52 =	vperm.xlane v38, v3;
	v37 =	vadd.f32 v50, v49  }
0x10f: {  	v6 =	vadd.f32 v15, v6;
	v53, _, _ =	vpop (xrf2)  }
0x110: {  	v54 =	vperm.xlane v39, v3;
	v40 =	vadd.f32 v52, v37;
	v41 =	vperm.xlane v53, v2  }
0x111: {  	v6 =	vadd.f32 v14, v6;
	v55, _, _ =	vpop (xrf2)  }
0x112: {  	v43 =	vperm.xlane v55, v2;
	v42 =	vadd.f32 v54, v40;
	v56 =	vperm.xlane v41, v3  }
0x113: {  	v6 =	vadd.f32 v13, v6  }
0x114: {  	v57 =	vperm.xlane v43, v3;
	v44 =	vadd.f32 v56, v42  }
0x115: {  	v6 =	vadd.f32 v11, v6;
	v58, _, _ =	vpop (xrf2)  }
0x116: {  	v46 =	vperm.xlane v58, v2;
	v45 =	vadd.f32 v57, v44  }
0x117: {  	v6 =	vadd.f32 v10, v6  }
0x118: {  	v29 =	vadd.f32 $0.0e+00, v29;
	v45 =	vadd.f32 v46, v45  }
0x119: {  	v27 =	vadd.f32 v30, v27;
	v26 =	vadd.f32 v31, v60  }
0x11a: {  	v43 =	vadd.f32 v43, v44;
	v44 =	vadd.f32 $1.000000010e-10, v45  }
0x11b: {  	v25 =	vadd.f32 v32, v63;
	v24 =	vadd.f32 v33, v24  }
0x11c: {  	v59 =	vadd.f32 v41, v42;
	v61 =	vadd.f32 $1.000000010e-10, v43;
	v60 =	vand.u32 $0x7FFFFF, v44  }
0x11d: {  	v23 =	vadd.f32 v34, v23;
	v62 =	vadd.f32 v39, v40;
	v31 =	vor.u32 $0x3F800000, v60  }
0x11e: {  	v30 =	vadd.f32 $1.000000010e-10, v59;
	v63 =	vand.u32 $0x7FFFFF, v61;
	v7 =	vmul.f32 v31, v7  }
0x11f: {  	v28 =	vadd.f32 v35, v28;
	v38 =	vadd.f32 v38, v37;
	v31 =	vor.u32 $0x3F800000, v63  }
0x120: {  	v32 =	vadd.f32 $1.000000010e-10, v62;
	v39 =	vand.u32 $0x7FFFFF, v30;
	v7 =	vmul.f32 v31, v7  }
0x121: {  	v23 =	vadd.f32 $1.000000010e-10, v23;
	v22 =	vadd.f32 v36, v49;
	v31 =	vor.u32 $0x3F800000, v39  }
0x122: {  	v33 =	vadd.f32 $1.000000010e-10, v38;
	v40 =	vand.u32 $0x7FFFFF, v32;
	v7 =	vmul.f32 v31, v7  }
0x123: {  	v47 =	vadd.f32 $1.000000010e-10, v24;
	v28 =	vadd.f32 $1.000000010e-10, v28;
	v31 =	vor.u32 $0x3F800000, v40  }
0x124: {  	v22 =	vadd.f32 $1.000000010e-10, v22;
	v42 =	vand.u32 $0x7FFFFF, v33;
	v7 =	vmul.f32 v31, v7  }
0x125: {  	v48 =	vand.u32 $0x7FFFFF, v47;
	v49 =	vadd.f32 $1.000000010e-10, v29;
	v31 =	vor.u32 $0x3F800000, v42  }
0x126: {  	v50 =	vadd.f32 $1.000000010e-10, v27;
	v43 =	vand.u32 $0x7FFFFF, v22;
	v7 =	vmul.f32 v31, v7  }
0x127: {  	v19 =	vor.u32 $0x3F800000, v48;
	v51 =	vnsel vm0, $0x3F800000, v49;
	v31 =	vor.u32 $0x3F800000, v43  }
0x128: {  	v52 =	vadd.f32 $1.000000010e-10, v26;
	v45 =	vand.u32 $0x7FFFFF, v28;
	v7 =	vmul.f32 v31, v7  }
0x129: {  	v53 =	vshra.s32 v51, $0x17;
	v55 =	vshra.s32 v50, $0x17;
	v21 =	vor.u32 $0x3F800000, v45  }
0x12a: {  	v54 =	vadd.f32 $1.000000010e-10, v25;
	v46 =	vand.u32 $0x7FFFFF, v23;
	v7 =	vmul.f32 v21, v7  }
0x12b: {  	v5 =	vadd.s32 v53, v5;
	v58 =	vand.u32 $0x7FFFFF, v52;
	v20 =	vor.u32 $0x3F800000, v46  }
0x12c: {  	v5 =	vadd.s32 v55, v5;
	v15 =	vor.u32 $0x3F800000, v58;
	v7 =	vmul.f32 v20, v7  }
0x12d: {  	v33 =	vshra.s32 v33, $0x17;
	v56 =	vshra.s32 v52, $0x17;
	v17 =	vand.u32 $0x7FFFFF, v54  }
0x12e: {  	v5 =	vadd.s32 v56, v5;
	v57 =	vshra.s32 v54, $0x17;
	v7 =	vmul.f32 v19, v7  }
0x12f: {  	v17 =	vor.u32 $0x3F800000, v17;
	v5 =	vadd.s32 v57, v5;
	v21 =	vshra.s32 v47, $0x17  }
0x130: {  	v23 =	vshra.s32 v23, $0x17;
	v5 =	vadd.s32 v21, v5;
	v7 =	vmul.f32 v17, v7  }
0x131: {  	v59 =	vand.u32 $0x7FFFFF, v50;
	v28 =	vshra.s32 v28, $0x17;
	v5 =	vadd.s32 v23, v5  }
0x132: {  	v22 =	vshra.s32 v22, $0x17;
	v5 =	vadd.s32 v28, v5;
	v7 =	vmul.f32 v15, v7  }
0x133: {  	v32 =	vshra.s32 v32, $0x17;
	v14 =	vor.u32 $0x3F800000, v59;
	v5 =	vadd.s32 v22, v5  }
0x134: {  	v60 =	vand.u32 $0x7FFFFF, v51;
	v5 =	vadd.s32 v33, v5;
	v7 =	vmul.f32 v14, v7  }
0x135: {  	p0 =	sne.s32 s20, $0x3F00;
	v30 =	vshra.s32 v30, $0x17;
	v13 =	vor.u32 $0x3F800000, v60;
	v5 =	vadd.s32 v32, v5  }
.Ltmp0:
0x136: {  	v61 =	vshra.s32 v61, $0x17;
	v5 =	vadd.s32 v30, v5;
	v7 =	vmul.f32 v13, v7;
	(pc) =	sbr.rel @p0 .LBB2_2-.Ltmp0, $4  }
0x137: {  	v8 =	vsel vm0, $0x0, v8;
	v62 =	vshra.s32 v44, $0x17;
	v5 =	vadd.s32 v61, v5  }
0x138: {  	v6 =	vadd.f32 v9, v6;
	v5 =	vadd.s32 v62, v5;
	v63 =	vshra.s32 v7, $0x17  }
0x139: {  	v4 =	vadd.f32 v12, v4;
	v7 =	vand.u32 $0x7FFFFF, v7;
	v5 =	vadd.s32 v63, v5  }
0x13a: {  	s19 =	sadd.s32 $0x80, s19;
	s20 =	sadd.s32 $0x100, s20;
	v6 =	vadd.f32 v8, v6;
	v7 =	vor.u32 $0x3F800000, v7;
	v5 =	vadd.s32 $0xFFFFF90E, v5  }
0x13b: {  	_ =	swait.ge [sflag:s14], $0x4000  }
0x13c: {  	[sflag:s14] =	ssyncset.done $0x0  }
0x13d: {  	[sflag:s14] =	ssyncadd.s32 $0xFFFFC000  }
0x13e: {  	_ =	swait.ge [sflag:s15], $0x4000  }
0x13f: {  	[sflag:s15] =	ssyncset.done $0x0  }
0x140: {  	s19 =	simm.s32 $0x4000;
	s20 =	simm.s32 $0x2000;
	[sflag:s15] =	ssyncadd.s32 $0xFFFFC000  }
.LBB2_4:
0x141: {  	s21 =	sand.u32 $0x7800, s19;
	s22 =	sand.u32 $0x380, s20  }
0x142: {  	s21 =	sor.u32 s22, s21  }
0x143: {  	v21 =	vld [tilespmem:s21+$0x8000]  }
0x144: {  	v20 =	vld [tilespmem:s21+$0x8010]  }
0x145: {  	v19 =	vld [tilespmem:s21+$0x8020]  }
0x146: {  	v18 =	vld [tilespmem:s21+$0x8030]  }
0x147: {  	v17 =	vld [tilespmem:s21+$0x8040]  }
0x148: {  	v16 =	vld [tilespmem:s21+$0x8050]  }
0x149: {  	v15 =	vld [tilespmem:s21+$0x8060]  }
0x14a: {  	v14 =	vld [tilespmem:s21+$0x8070];
	v8 =	vmax.f32 v21, v20  }
0x14b: {  	v13 =	vld [tilespmem:s21+$0x8400];
	v8 =	vmax.f32 v8, v19  }
0x14c: {  	v11 =	vld [tilespmem:s21+$0x8410];
	v8 =	vmax.f32 v8, v18  }
0x14d: {  	v10 =	vld [tilespmem:s21+$0x8420];
	v8 =	vmax.f32 v8, v17  }
0x14e: {  	v9 =	vld [tilespmem:s21+$0x8430];
	v12 =	vmax.f32 v8, v16  }
0x14f: {  	v8 =	vld [tilespmem:s21+$0x8438];
	v12 =	vmax.f32 v12, v15  }
0x150: {  	v12 =	vmax.f32 v12, v14  }
0x151: {  	v12 =	vmax.f32 v12, v13  }
0x152: {  	v12 =	vmax.f32 v12, v11  }
0x153: {  	v12 =	vmax.f32 v12, v10  }
0x154: {  	v22 =	vsel vm0, $0xF149F2CA, v8;
	v12 =	vmax.f32 v12, v9  }
0x155: {  	v12 =	vmax.f32 v12, v22  }
0x156: {  	(xrf0) =	vmax.scan.msk.f32 $0xffff, v12;
	_ =	sdelay $0x5  }
0x157: {  	v12, _, _ =	vpop (xrf0)  }
0x158: {  	v12 =	vperm.xlane v12, v1;
	_ =	sdelay $0x1  }
0x159: {  	v56 =	vsub.f32 v21, v12  }
0x15a: {  	v23 =	vsub.f32 v20, v12  }
0x15b: {  	v22 =	vmul.f32 $1.442695020e+00, v56  }
0x15c: {  	v24 =	vsub.f32 v19, v12;
	v23 =	vmul.f32 $1.442695020e+00, v23  }
0x15d: {  	v57 =	vsub.f32 v18, v12;
	(erf) = vpow2.f32 v22  }
0x15e: {  	v58 =	vmul.f32 $1.442695020e+00, v24;
	(erf) = vpow2.f32 v23  }
0x15f: {  	v59 =	vsub.f32 v17, v12;
	v22 =	vmul.f32 $1.442695020e+00, v57  }
0x160: {  	v60 =	vsub.f32 v16, v12;
	(erf) = vpow2.f32 v58  }
0x161: {  	v23 =	vmul.f32 $1.442695020e+00, v59;
	(erf) = vpow2.f32 v22  }
0x162: {  	v61 =	vld [tilespmem:s21+$0x0];
	v25 =	vsub.f32 v15, v12;
	v22 =	vmul.f32 $1.442695020e+00, v60  }
0x163: {  	v27 =	vsub.f32 v14, v12;
	(erf) = vpow2.f32 v23  }
0x164: {  	v26 =	vld [tilespmem:s21+$0x10];
	v63 =	vsub.f32 v13, v12;
	v62 =	vmul.f32 $1.442695020e+00, v25;
	(erf) = vpow2.f32 v22  }
0x165: {  	v34 =	vsub.f32 v11, v12;
	v33 =	vmul.f32 $1.442695020e+00, v27  }
0x166: {  	v28 =	vld [tilespmem:s21+$0x20];
	v36 =	vsub.f32 v10, v12;
	v35 =	vmul.f32 $1.442695020e+00, v63;
	v30 =	vpop (erf);
	(erf) = vpow2.f32 v62  }
0x167: {  	v29 =	vld [tilespmem:s21+$0x30];
	v38 =	vsub.f32 v9, v12;
	v37 =	vmul.f32 $1.442695020e+00, v34;
	v31 =	vpop (erf);
	(erf) = vpow2.f32 v33;
	(xrf1) =	vsort.dscd.msk.f32 $0xffff, v61, v30  }
0x168: {  	v42 =	vld [tilespmem:s21+$0x40];
	v39 =	vmul.f32 $1.442695020e+00, v36;
	(erf) = vpow2.f32 v35  }
0x169: {  	v45 =	vld [tilespmem:s21+$0x50];
	v44 =	vsub.f32 v8, v12;
	v41 =	vmul.f32 $1.442695020e+00, v38;
	(xrf1) =	vsort.dscd.msk.f32 $0xffff, v26, v31;
	v40 =	vpop (erf);
	(erf) = vpow2.f32 v37  }
0x16a: {  	v43 =	vpop (erf);
	(erf) = vpow2.f32 v39  }
0x16b: {  	v46 =	vmul.f32 $1.442695020e+00, v44;
	(xrf1) =	vsort.dscd.msk.f32 $0xffff, v28, v40;
	(erf) = vpow2.f32 v41  }
0x16c: {  	(xrf1) =	vsort.dscd.msk.f32 $0xffff, v29, v43;
	v47 =	vpop (erf)  }
0x16d: {  	v49 =	vpop (erf);
	(xrf1) =	vsort.dscd.msk.f32 $0xffff, v42, v47;
	(erf) = vpow2.f32 v46  }
0x16e: {  	v48 =	vld [tilespmem:s21+$0x60];
	(xrf1) =	vsort.dscd.msk.f32 $0xffff, v45, v49  }
0x16f: {  	v51 =	vld [tilespmem:s21+$0x70];
	v50 =	vpop (erf)  }
0x170: {  	v53 =	vld [tilespmem:s21+$0x400];
	v52 =	vpop (erf)  }
0x171: {  	v55 =	vld [tilespmem:s21+$0x410];
	v54 =	vpop (erf)  }
0x172: {  	v32 =	vld [tilespmem:s21+$0x430];
	v56 =	vpop (erf)  }
0x173: {  	v57 =	vld [tilespmem:s21+$0x420];
	(xrf1) =	vsort.dscd.msk.f32 $0xffff, v48, v50;
	v58 =	vpop (erf)  }
0x174: {  	v60 =	vld [tilespmem:s21+$0x438];
	(xrf1) =	vsort.dscd.msk.f32 $0xffff, v51, v52;
	v59 =	vpop (erf)  }
0x175: {  	v23, v28, _ =	vpop (xrf1)  }
0x176: {  	(xrf1) =	vsort.dscd.msk.f32 $0xffff, v53, v54;
	v61 =	vpop (erf)  }
0x177: {  	v33, v34, _ =	vpop (xrf1);
	(xrf1) =	vsort.dscd.msk.f32 $0xffff, v55, v56  }
0x178: {  	v24 =	vsel vm0, $0x0, v61;
	v62 =	vperm.xlane v33, v2;
	(xrf1) =	vsort.dscd.msk.f32 $0xffff, v57, v58  }
0x179: {  	v26 =	vsel vm0, $0xBF800000, v60;
	v27, v29, _ =	vpop (xrf1);
	(xrf1) =	vsort.dscd.msk.f32 $0xffff, v32, v59  }
0x17a: {  	v63 =	vperm.xlane v34, v2;
	v30, v31, _ =	vpop (xrf1);
	vm1 =	vge.f32 v23, v62;
	(xrf1) =	vsort.dscd.msk.f32 $0xffff, v26, v24  }
0x17b: {  	v34 =	vperm.xlane v30, v2;
	v36 =	vperm.xlane v31, v2;
	v24, v25, _ =	vpop (xrf1);
	v33 =	vsel vm1, v23, v62  }
0x17c: {  	v23 =	vsel vm1, v62, v23;
	v35 =	vsel vm1, v28, v63;
	v22 =	vsel vm1, v63, v28;
	v40, v39, _ =	vpop (xrf1)  }
0x17d: {  	(xrf1) =	vsort.dscd.msk.f32 $0xffff, v33, v35;
	vm1 =	vge.f32 v27, v34;
	v42 =	vperm.xlane v40, v2  }
0x17e: {  	(xrf1) =	vsort.dscd.msk.f32 $0xffff, v23, v22;
	v37 =	vsel vm1, v27, v34;
	v38 =	vsel vm1, v29, v36  }
0x17f: {  	v26 =	vsel vm1, v34, v27;
	v41 =	vsel vm1, v36, v29;
	(xrf1) =	vsort.dscd.msk.f32 $0xffff, v37, v38  }
0x180: {  	v45 =	vperm.xlane v39, v2;
	(xrf1) =	vsort.dscd.msk.f32 $0xffff, v26, v41  }
0x181: {  	vm1 =	vge.f32 v24, v42;
	v43, v44, _ =	vpop (xrf1)  }
0x182: {  	v49 =	vsel vm1, v25, v45;
	v25 =	vsel vm1, v45, v25;
	v47, v46, _ =	vpop (xrf1)  }
0x183: {  	v22 =	vsel vm1, v42, v24;
	v28 =	vperm.xlane v47, v2  }
0x184: {  	v48 =	vsel vm1, v24, v42  }
0x185: {  	(xrf1) =	vsort.dscd.msk.f32 $0xffff, v48, v49;
	v50 =	vperm.xlane v46, v2;
	vm1 =	vge.f32 v43, v28;
	v51, v52, _ =	vpop (xrf1)  }
0x186: {  	(xrf1) =	vsort.dscd.msk.f32 $0xffff, v22, v25;
	v53 =	vsel vm1, v43, v28;
	v22, v25, _ =	vpop (xrf1)  }
0x187: {  	v23 =	vsel vm1, v28, v43;
	v54 =	vsel vm1, v44, v50;
	v56, v55, _ =	vpop (xrf1);
	v57 =	vperm.xlane v22, v2  }
0x188: {  	v24 =	vsel vm1, v50, v44;
	(xrf1) =	vsort.dscd.msk.f32 $0xffff, v53, v54;
	v58 =	vperm.xlane v25, v2;
	v28, v30, _ =	vpop (xrf1)  }
0x189: {  	(xrf1) =	vsort.dscd.msk.f32 $0xffff, v23, v24;
	vm1 =	vge.f32 v51, v57;
	v28 =	vperm.xlane v28, v2  }
0x18a: {  	v23, v22, _ =	vpop (xrf1);
	v39 =	vperm.xlane v30, v2;
	v61 =	vsel vm1, v51, v57;
	v62 =	vsel vm1, v52, v58  }
0x18b: {  	v26 =	vsel vm1, v57, v51;
	v24 =	vsel vm1, v58, v52;
	v60, v59, _ =	vpop (xrf1);
	(xrf1) =	vsort.dscd.msk.f32 $0xffff, v61, v62  }
0x18c: {  	vm1 =	vge.f32 v56, v28;
	v35, v36, _ =	vpop (xrf1);
	(xrf1) =	vsort.dscd.msk.f32 $0xffff, v26, v24  }
0x18d: {  	v42 =	vsel vm1, v56, v28;
	v43 =	vsel vm1, v28, v56;
	v44 =	vsel vm1, v55, v39;
	v63, v37, _ =	vpop (xrf1)  }
0x18e: {  	v27 =	vsel vm1, v39, v55;
	(xrf1) =	vsort.dscd.msk.f32 $0xffff, v42, v44;
	v41, v40, _ =	vpop (xrf1);
	v45 =	vperm.xlane v63, v2  }
0x18f: {  	(xrf1) =	vsort.dscd.msk.f32 $0xffff, v43, v27;
	v30 =	vperm.xlane v41, v2  }
0x190: {  	v47 =	vperm.xlane v37, v2;
	v46 =	vperm.xlane v40, v2;
	vm2 =	vge.f32 v35, v45  }
0x191: {  	vm1 =	vge.f32 v60, v30;
	v50 =	vsel vm2, v35, v45;
	v24 =	vsel vm2, v45, v35  }
0x192: {  	v55 =	vsel vm2, v36, v47;
	v48 =	vsel vm1, v60, v30;
	v25 =	vsel vm1, v30, v60  }
0x193: {  	v49 =	vsel vm1, v59, v46;
	v26 =	vsel vm1, v46, v59;
	vm1 =	vge.f32 v48, v50  }
0x194: {  	v51, v52, _ =	vpop (xrf1);
	v27 =	vsel vm2, v47, v36;
	vm2 =	vge.f32 v25, v24;
	v56 =	vsel vm1, v48, v50  }
0x195: {  	v54, v53, _ =	vpop (xrf1);
	v28 =	vsel vm1, v50, v48;
	v58 =	vsel vm1, v49, v55;
	v29 =	vsel vm1, v55, v49  }
0x196: {  	v59 =	vsel vm2, v25, v24;
	v60 =	vsel vm2, v26, v27;
	v24 =	vsel vm2, v24, v25;
	v57, v38, _ =	vpop (xrf1)  }
0x197: {  	v62 =	vsel vm2, v27, v26;
	(xrf1) =	vsort.dscd.msk.f32 $0xffff, v56, v58;
	v39, v40, _ =	vpop (xrf1);
	v63 =	vperm.xlane v57, v2  }
0x198: {  	(xrf1) =	vsort.dscd.msk.f32 $0xffff, v28, v29;
	v36 =	vperm.xlane v38, v2;
	v61 =	vperm.xlane v39, v2  }
0x199: {  	(xrf1) =	vsort.dscd.msk.f32 $0xffff, v59, v60;
	v35 =	vperm.xlane v40, v2;
	vm2 =	vge.f32 v54, v63  }
0x19a: {  	(xrf1) =	vsort.dscd.msk.f32 $0xffff, v24, v62;
	vm1 =	vge.f32 v51, v61;
	v39 =	vsel vm2, v54, v63  }
0x19b: {  	v26 =	vsel vm2, v63, v54;
	v37 =	vsel vm1, v51, v61;
	v28 =	vsel vm1, v61, v51  }
0x19c: {  	v38 =	vsel vm1, v52, v35;
	v27 =	vsel vm1, v35, v52;
	vm1 =	vge.f32 v37, v39  }
0x19d: {  	v40 =	vsel vm2, v53, v36;
	v41 =	vsel vm1, v37, v39;
	v25 =	vsel vm1, v39, v37  }
0x19e: {  	v42 =	vsel vm1, v38, v40;
	v29 =	vsel vm1, v40, v38;
	vm1 =	vge.f32 v28, v26  }
0x19f: {  	v24 =	vsel vm2, v36, v53;
	(xrf1) =	vsort.dscd.msk.f32 $0xffff, v41, v42;
	v43 =	vsel vm1, v28, v26  }
0x1a0: {  	v44 =	vsel vm1, v27, v24;
	v24 =	vsel vm1, v24, v27;
	(xrf1) =	vsort.dscd.msk.f32 $0xffff, v25, v29  }
0x1a1: {  	v45 =	vsel vm1, v26, v28;
	(xrf1) =	vsort.dscd.msk.f32 $0xffff, v43, v44  }
0x1a2: {  	(xrf1) =	vsort.dscd.msk.f32 $0xffff, v45, v24  }
0x1a3: {  	v24, v25, _ =	vpop (xrf1)  }
0x1a4: {  	v46, v47, _ =	vpop (xrf1)  }
0x1a5: {  	v49, v48, _ =	vpop (xrf1)  }
0x1a6: {  	v23 =	vperm.xlane v23, v2;
	v30, v31, _ =	vpop (xrf1);
	v28 =	vperm.xlane v49, v2  }
0x1a7: {  	v22 =	vperm.xlane v22, v2;
	v30 =	vperm.xlane v30, v2  }
0x1a8: {  	v29 =	vperm.xlane v48, v2;
	v31 =	vperm.xlane v31, v2;
	vm2 =	vge.f32 v46, v28  }
0x1a9: {  	v32, v33, _ =	vpop (xrf1);
	vm1 =	vge.f32 v24, v30;
	v54 =	vsel vm2, v46, v28;
	v26 =	vsel vm2, v28, v46  }
0x1aa: {  	v34, v35, _ =	vpop (xrf1);
	v42 =	vsel vm2, v47, v29;
	v50 =	vsel vm1, v24, v30;
	v24 =	vsel vm1, v30, v24  }
0x1ab: {  	v37, v38, _ =	vpop (xrf1);
	v51 =	vsel vm1, v25, v31;
	v25 =	vsel vm1, v31, v25;
	vm1 =	vge.f32 v50, v54  }
0x1ac: {  	v27 =	vsel vm2, v29, v47;
	v52, v53, _ =	vpop (xrf1);
	vm2 =	vge.f32 v24, v26;
	v44 =	vsel vm1, v50, v54  }
0x1ad: {  	v31 =	vsel vm1, v54, v50;
	v46 =	vsel vm1, v51, v42;
	v30 =	vsel vm1, v42, v51;
	v55, v41, _ =	vpop (xrf1)  }
0x1ae: {  	v58 =	vsel vm2, v24, v26;
	v24 =	vsel vm2, v26, v24;
	v59 =	vsel vm2, v25, v27;
	v56, v43, _ =	vpop (xrf1)  }
0x1af: {  	v25 =	vsel vm2, v27, v25;
	(xrf1) =	vsort.dscd.msk.f32 $0xffff, v44, v46;
	v62 =	vperm.xlane v55, v2;
	v57, v45, _ =	vpop (xrf1)  }
0x1b0: {  	(xrf1) =	vsort.dscd.msk.f32 $0xffff, v31, v30;
	v44 =	vperm.xlane v41, v2;
	v29 =	vperm.xlane v56, v2;
	v47, v48, _ =	vpop (xrf1)  }
0x1b1: {  	v43 =	vperm.xlane v43, v2;
	(xrf1) =	vsort.dscd.msk.f32 $0xffff, v58, v59;
	v60 =	vperm.xlane v47, v2  }
0x1b2: {  	v61 =	vperm.xlane v57, v2;
	v42 =	vperm.xlane v45, v2;
	(xrf1) =	vsort.dscd.msk.f32 $0xffff, v24, v25  }
0x1b3: {  	v63 =	vperm.xlane v48, v2;
	vm2 =	vge.f32 v37, v29;
	vm1 =	vge.f32 v32, v60  }
0x1b4: {  	v49 =	vsel vm2, v37, v29;
	v45 =	vsel vm1, v32, v60;
	v27 =	vsel vm1, v60, v32  }
0x1b5: {  	v46 =	vsel vm1, v33, v63;
	v25 =	vsel vm1, v63, v33;
	vm1 =	vge.f32 v34, v61  }
0x1b6: {  	v29 =	vsel vm2, v29, v37;
	v47 =	vsel vm1, v34, v61;
	v26 =	vsel vm1, v61, v34  }
0x1b7: {  	v48 =	vsel vm1, v35, v42;
	v28 =	vsel vm1, v42, v35;
	vm1 =	vge.f32 v52, v62  }
0x1b8: {  	v50 =	vsel vm2, v38, v43;
	v51 =	vsel vm1, v52, v62;
	v24 =	vsel vm1, v62, v52  }
0x1b9: {  	v52 =	vsel vm1, v53, v44;
	v31 =	vsel vm1, v44, v53;
	vm1 =	vge.f32 v45, v49  }
0x1ba: {  	v30 =	vsel vm2, v43, v38;
	v53 =	vsel vm1, v45, v49;
	v35 =	vsel vm1, v49, v45  }
0x1bb: {  	vm2 =	vge.f32 v47, v51;
	v54 =	vsel vm1, v46, v50;
	v32 =	vsel vm1, v50, v46  }
0x1bc: {  	vm1 =	vge.f32 v27, v29;
	v55 =	vsel vm2, v47, v51;
	v33 =	vsel vm2, v51, v47  }
0x1bd: {  	v56 =	vsel vm2, v48, v52;
	v57 =	vsel vm1, v27, v29;
	v27 =	vsel vm1, v29, v27  }
0x1be: {  	v58 =	vsel vm1, v25, v30;
	v25 =	vsel vm1, v30, v25;
	vm1 =	vge.f32 v26, v24  }
0x1bf: {  	v34 =	vsel vm2, v52, v48;
	v59 =	vsel vm1, v26, v24;
	v24 =	vsel vm1, v24, v26  }
0x1c0: {  	vm2 =	vge.f32 v53, v55;
	v60 =	vsel vm1, v28, v31;
	v28 =	vsel vm1, v31, v28  }
0x1c1: {  	vm1 =	vge.f32 v35, v33;
	v61 =	vsel vm2, v53, v55;
	v37 =	vsel vm2, v55, v53  }
0x1c2: {  	v62 =	vsel vm2, v54, v56;
	v36 =	vsel vm2, v56, v54;
	v63 =	vsel vm1, v35, v33  }
0x1c3: {  	v33 =	vsel vm1, v33, v35;
	v41 =	vsel vm1, v32, v34;
	vm2 =	vge.f32 v57, v59  }
0x1c4: {  	v42 =	vsel vm1, v34, v32;
	vm1 =	vge.f32 v27, v24;
	(xrf1) =	vsort.dscd.msk.f32 $0xffff, v61, v62  }
0x1c5: {  	v43 =	vsel vm2, v57, v59;
	v30 =	vsel vm2, v59, v57;
	v46, v45, _ =	vpop (xrf1);
	(xrf1) =	vsort.dscd.msk.f32 $0xffff, v37, v36  }
0x1c6: {  	v44 =	vsel vm2, v58, v60;
	v26 =	vsel vm2, v60, v58;
	v47, v48, _ =	vpop (xrf1);
	(xrf1) =	vsort.dscd.msk.f32 $0xffff, v63, v41  }
0x1c7: {  	v49 =	vsel vm1, v27, v24;
	v24 =	vsel vm1, v24, v27;
	(xrf1) =	vsort.dscd.msk.f32 $0xffff, v33, v42;
	v50, v51, _ =	vpop (xrf1)  }
0x1c8: {  	v52 =	vsel vm1, v25, v28;
	(xrf1) =	vsort.dscd.msk.f32 $0xffff, v43, v44;
	vm2 =	vge.f32 v46, v50  }
0x1c9: {  	v25 =	vsel vm1, v28, v25;
	(xrf1) =	vsort.dscd.msk.f32 $0xffff, v30, v26;
	v26, v30, _ =	vpop (xrf1);
	v55 =	vsel vm2, v46, v50  }
0x1ca: {  	v27 =	vsel vm2, v50, v46;
	v56 =	vsel vm2, v45, v51;
	vm1 =	vge.f32 v26, v23  }
0x1cb: {  	v32 =	vsel vm2, v51, v45;
	(xrf1) =	vsort.dscd.msk.f32 $0xffff, v49, v52;
	v53 =	vsel vm1, v26, v23  }
0x1cc: {  	(xrf1) =	vsort.dscd.msk.f32 $0xffff, v24, v25;
	v54 =	vsel vm1, v30, v22;
	vm3 =	vge.f32 v47, v53  }
0x1cd: {  	v23 =	vsel vm1, v23, v26;
	v57 =	vsel vm3, v47, v53;
	v24 =	vsel vm3, v53, v47  }
0x1ce: {  	v58 =	vsel vm3, v48, v54;
	v25 =	vsel vm3, v54, v48;
	vm2 =	vge.f32 v55, v57  }
0x1cf: {  	v59 =	vsel vm2, v55, v57;
	v28 =	vsel vm2, v57, v55;
	v60 =	vsel vm2, v56, v58  }
0x1d0: {  	v29 =	vsel vm2, v58, v56;
	vm2 =	vge.f32 v27, v24;
	(xrf1) =	vsort.dscd.msk.f32 $0xffff, v59, v60  }
0x1d1: {  	v61 =	vsel vm2, v27, v24;
	v62 =	vsel vm2, v32, v25;
	(xrf1) =	vsort.dscd.msk.f32 $0xffff, v28, v29  }
0x1d2: {  	v24 =	vsel vm2, v24, v27;
	v25 =	vsel vm2, v25, v32;
	(xrf1) =	vsort.dscd.msk.f32 $0xffff, v61, v62  }
0x1d3: {  	v22 =	vsel vm1, v22, v30;
	(xrf1) =	vsort.dscd.msk.f32 $0xffff, v24, v25  }
0x1d4: {  	(xrf1) =	vsort.dscd.msk.f32 $0xffff, v23, v22;
	_ =	sdelay $0x1  }
0x1d5: {  	v22, v23, _ =	vpop (xrf1)  }
0x1d6: {  	v24, v25, _ =	vpop (xrf1)  }
0x1d7: {  	v26, v27, _ =	vpop (xrf1)  }
0x1d8: {  	v28, v29, _ =	vpop (xrf1)  }
0x1d9: {  	v63, v31, _ =	vpop (xrf1)  }
0x1da: {  	v32, v33, _ =	vpop (xrf1)  }
0x1db: {  	v34, v35, _ =	vpop (xrf1)  }
0x1dc: {  	v36, v37, _ =	vpop (xrf1)  }
0x1dd: {  	v53, v52, _ =	vpop (xrf1)  }
0x1de: {  	v55, v54, _ =	vpop (xrf1)  }
0x1df: {  	v38 =	vperm.xlane v53, v2;
	v56, v57, _ =	vpop (xrf1)  }
0x1e0: {  	v39 =	vperm.xlane v52, v2;
	v40 =	vperm.xlane v55, v2;
	v58, v59, _ =	vpop (xrf1)  }
0x1e1: {  	v41 =	vperm.xlane v54, v2;
	v42 =	vperm.xlane v56, v2;
	v60, v61, _ =	vpop (xrf1)  }
0x1e2: {  	v44 =	vperm.xlane v58, v2;
	v46 =	vperm.xlane v60, v2  }
0x1e3: {  	v43 =	vperm.xlane v57, v2;
	v45 =	vperm.xlane v59, v2  }
0x1e4: {  	v47 =	vperm.xlane v61, v2;
	vm2 =	vge.f32 v63, v44;
	vm1 =	vge.f32 v28, v46  }
0x1e5: {  	v62 =	vsel vm2, v63, v44;
	v30 =	vsel vm2, v44, v63;
	v63 =	vsel vm2, v31, v45  }
0x1e6: {  	v31 =	vsel vm2, v45, v31;
	vm2 =	vge.f32 v34, v40;
	v48 =	vsel vm1, v28, v46  }
0x1e7: {  	v28 =	vsel vm1, v46, v28;
	v46 =	vsel vm1, v29, v47;
	v29 =	vsel vm1, v47, v29  }
0x1e8: {  	vm1 =	vge.f32 v32, v42;
	v51 =	vsel vm2, v34, v40;
	v34 =	vsel vm2, v40, v34  }
0x1e9: {  	v52 =	vsel vm2, v35, v41;
	v49 =	vsel vm1, v32, v42;
	v32 =	vsel vm1, v42, v32  }
0x1ea: {  	v50 =	vsel vm1, v33, v43;
	v33 =	vsel vm1, v43, v33;
	vm1 =	vge.f32 v36, v38  }
0x1eb: {  	v35 =	vsel vm2, v41, v35;
	v53 =	vsel vm1, v36, v38;
	v36 =	vsel vm1, v38, v36  }
0x1ec: {  	v54 =	vsel vm1, v37, v39;
	v37 =	vsel vm1, v39, v37;
	vm1 =	vge.f32 v22, v62  }
0x1ed: {  	vm2 =	vge.f32 v24, v49;
	v55 =	vsel vm1, v22, v62;
	v22 =	vsel vm1, v62, v22  }
0x1ee: {  	v56 =	vsel vm1, v23, v63;
	v23 =	vsel vm1, v63, v23;
	v57 =	vsel vm2, v24, v49  }
0x1ef: {  	v24 =	vsel vm2, v49, v24;
	v58 =	vsel vm2, v25, v50;
	vm1 =	vge.f32 v26, v51  }
0x1f0: {  	v25 =	vsel vm2, v50, v25;
	v59 =	vsel vm1, v26, v51;
	v26 =	vsel vm1, v51, v26  }
0x1f1: {  	v60 =	vsel vm1, v27, v52;
	v27 =	vsel vm1, v52, v27;
	vm1 =	vge.f32 v48, v53  }
0x1f2: {  	v61 =	vsel vm1, v48, v53;
	v41 =	vsel vm1, v53, v48;
	v62 =	vsel vm1, v46, v54  }
0x1f3: {  	v38 =	vsel vm1, v54, v46;
	vm1 =	vge.f32 v28, v36;
	vm2 =	vge.f32 v55, v59  }
0x1f4: {  	vm3 =	vge.f32 v22, v26;
	v63 =	vsel vm1, v28, v36;
	v49 =	vsel vm2, v55, v59  }
0x1f5: {  	v39 =	vsel vm2, v59, v55;
	v42 =	vsel vm2, v56, v60;
	v43 =	vsel vm2, v60, v56  }
0x1f6: {  	vm2 =	vge.f32 v57, v61;
	v56 =	vsel vm3, v22, v26;
	v22 =	vsel vm3, v26, v22  }
0x1f7: {  	v54 =	vsel vm2, v57, v61;
	v40 =	vsel vm2, v61, v57;
	v55 =	vsel vm2, v58, v62  }
0x1f8: {  	v45 =	vsel vm2, v62, v58;
	v57 =	vsel vm3, v23, v27;
	vm2 =	vge.f32 v24, v41  }
0x1f9: {  	v23 =	vsel vm3, v27, v23;
	v58 =	vsel vm2, v24, v41;
	v24 =	vsel vm2, v41, v24  }
0x1fa: {  	v59 =	vsel vm2, v25, v38;
	v25 =	vsel vm2, v38, v25;
	vm2 =	vge.f32 v30, v34  }
0x1fb: {  	v61 =	vsel vm1, v29, v37;
	vm3 =	vge.f32 v49, v54;
	v60 =	vsel vm2, v30, v34  }
0x1fc: {  	v30 =	vsel vm2, v34, v30;
	v34 =	vsel vm2, v31, v35;
	v50 =	vsel vm3, v49, v54  }
0x1fd: {  	v51 =	vsel vm3, v42, v55;
	v31 =	vsel vm2, v35, v31;
	vm2 =	vge.f32 v32, v63  }
0x1fe: {  	v42 =	vsel vm3, v55, v42;
	(xrf1) =	vsort.dscd.msk.f32 $0xffff, v50, v51;
	v62 =	vsel vm2, v32, v63  }
0x1ff: {  	v32 =	vsel vm2, v63, v32;
	v63 =	vsel vm2, v33, v61;
	v33 =	vsel vm2, v61, v33  }
0x200: {  	vm2 =	vge.f32 v39, v40;
	v51 =	vsel vm3, v54, v49;
	vm3 =	vge.f32 v56, v58  }
0x201: {  	v52 =	vsel vm2, v39, v40;
	v39 =	vsel vm2, v40, v39;
	v53 =	vsel vm2, v43, v45  }
0x202: {  	v43 =	vsel vm2, v45, v43;
	(xrf1) =	vsort.dscd.msk.f32 $0xffff, v51, v42;
	v54 =	vsel vm3, v56, v58  }
0x203: {  	v27 =	vsel vm3, v58, v56;
	v55 =	vsel vm3, v57, v59;
	(xrf1) =	vsort.dscd.msk.f32 $0xffff, v52, v53  }
0x204: {  	v26 =	vsel vm3, v59, v57;
	vm2 =	vge.f32 v22, v24;
	(xrf1) =	vsort.dscd.msk.f32 $0xffff, v39, v43  }
0x205: {  	vm3 =	vge.f32 v60, v62;
	v56 =	vsel vm2, v22, v24;
	(xrf1) =	vsort.dscd.msk.f32 $0xffff, v54, v55  }
0x206: {  	v22 =	vsel vm2, v24, v22;
	v57 =	vsel vm2, v23, v25;
	(xrf1) =	vsort.dscd.msk.f32 $0xffff, v27, v26  }
0x207: {  	v23 =	vsel vm2, v25, v23;
	v58 =	vsel vm3, v60, v62;
	(xrf1) =	vsort.dscd.msk.f32 $0xffff, v56, v57  }
0x208: {  	v59 =	vsel vm3, v62, v60;
	v60 =	vsel vm3, v34, v63;
	(xrf1) =	vsort.dscd.msk.f32 $0xffff, v22, v23  }
0x209: {  	v61 =	vsel vm3, v63, v34;
	vm2 =	vge.f32 v30, v32;
	(xrf1) =	vsort.dscd.msk.f32 $0xffff, v58, v60  }
0x20a: {  	v62 =	vsel vm2, v30, v32;
	v63 =	vsel vm2, v31, v33;
	(xrf1) =	vsort.dscd.msk.f32 $0xffff, v59, v61  }
0x20b: {  	v34 =	vsel vm2, v32, v30;
	v35 =	vsel vm2, v33, v31;
	(xrf1) =	vsort.dscd.msk.f32 $0xffff, v62, v63  }
0x20c: {  	v38 =	vsel vm1, v36, v28;
	v39 =	vsel vm1, v37, v29;
	(xrf1) =	vsort.dscd.msk.f32 $0xffff, v34, v35  }
0x20d: {  	(xrf1) =	vsort.dscd.msk.f32 $0xffff, v38, v39;
	_ =	sdelay $0x1  }
0x20e: {  	_, v40, _ =	vpop (xrf1)  }
0x20f: {  	_, v43, _ =	vpop (xrf1)  }
0x210: {  	_, v44, _ =	vpop (xrf1)  }
0x211: {  	_, v45, _ =	vpop (xrf1)  }
0x212: {  	_, v46, _ =	vpop (xrf1)  }
0x213: {  	_, v27, _ =	vpop (xrf1)  }
0x214: {  	_, v47, _ =	vpop (xrf1)  }
0x215: {  	_, v48, _ =	vpop (xrf1)  }
0x216: {  	_, v49, _ =	vpop (xrf1)  }
0x217: {  	_, v50, _ =	vpop (xrf1)  }
0x218: {  	_, v51, _ =	vpop (xrf1)  }
0x219: {  	_, v52, _ =	vpop (xrf1)  }
0x21a: {  	_, v53, _ =	vpop (xrf1)  }
0x21b: {  	v34 =	vperm.xlane v53, v2;
	_ =	sdelay $0x1  }
0x21c: {  	v33 =	vperm.xlane v52, v2;
	(xrf2) =	vadd.scan.msk.f32 $0xffff, v34;
	_ =	sdelay $0x1  }
0x21d: {  	v32 =	vperm.xlane v51, v2;
	(xrf2) =	vadd.scan.msk.f32 $0xffff, v33;
	_ =	sdelay $0x1  }
0x21e: {  	v31 =	vperm.xlane v50, v2;
	(xrf2) =	vadd.scan.msk.f32 $0xffff, v32;
	_ =	sdelay $0x1  }
0x21f: {  	v30 =	vperm.xlane v49, v2;
	(xrf2) =	vadd.scan.msk.f32 $0xffff, v31;
	_ =	sdelay $0x1  }
0x220: {  	v29 =	vperm.xlane v48, v2;
	(xrf2) =	vadd.scan.msk.f32 $0xffff, v30;
	_ =	sdelay $0x1  }
0x221: {  	v28 =	vperm.xlane v47, v2;
	v54, _, _ =	vpop (xrf2);
	(xrf2) =	vadd.scan.msk.f32 $0xffff, v29  }
0x222: {  	v29 =	vperm.xlane v54, v2  }
0x223: {  	v27 =	vperm.xlane v27, v2;
	v55, _, _ =	vpop (xrf2);
	(xrf2) =	vadd.scan.msk.f32 $0xffff, v28  }
0x224: {  	v30 =	vperm.xlane v55, v2;
	v56 =	vperm.xlane v29, v3  }
0x225: {  	v26 =	vperm.xlane v46, v2;
	v57, _, _ =	vpop (xrf2);
	(xrf2) =	vadd.scan.msk.f32 $0xffff, v27  }
0x226: {  	v31 =	vperm.xlane v57, v2;
	v58 =	vperm.xlane v30, v3;
	v27 =	vadd.f32 $0.0e+00, v56  }
0x227: {  	v25 =	vperm.xlane v45, v2;
	v59, _, _ =	vpop (xrf2);
	(xrf2) =	vadd.scan.msk.f32 $0xffff, v26  }
0x228: {  	v32 =	vperm.xlane v59, v2;
	v61 =	vperm.xlane v31, v3;
	v60 =	vadd.f32 v58, v27  }
0x229: {  	v6 =	vadd.f32 v21, v6;
	v24 =	vperm.xlane v44, v2;
	v62, _, _ =	vpop (xrf2);
	(xrf2) =	vadd.scan.msk.f32 $0xffff, v25  }
0x22a: {  	v33 =	vperm.xlane v62, v2;
	v41 =	vperm.xlane v32, v3;
	v63 =	vadd.f32 v61, v60  }
0x22b: {  	v6 =	vadd.f32 v20, v6;
	v23 =	vperm.xlane v43, v2;
	v42, _, _ =	vpop (xrf2);
	(xrf2) =	vadd.scan.msk.f32 $0xffff, v24  }
0x22c: {  	v43 =	vperm.xlane v33, v3;
	v24 =	vadd.f32 v41, v63;
	v34 =	vperm.xlane v42, v2  }
0x22d: {  	v6 =	vadd.f32 v19, v6;
	v44, _, _ =	vpop (xrf2);
	(xrf2) =	vadd.scan.msk.f32 $0xffff, v23  }
0x22e: {  	v35 =	vperm.xlane v44, v2;
	v23 =	vadd.f32 v43, v24;
	v45 =	vperm.xlane v34, v3  }
0x22f: {  	v6 =	vadd.f32 v18, v6;
	v22 =	vperm.xlane v40, v2;
	v46, _, _ =	vpop (xrf2)  }
0x230: {  	v36 =	vperm.xlane v46, v2;
	v47 =	vperm.xlane v35, v3;
	v28 =	vadd.f32 v45, v23  }
0x231: {  	v6 =	vadd.f32 v17, v6;
	(xrf2) =	vadd.scan.msk.f32 $0xffff, v22;
	v48, _, _ =	vpop (xrf2)  }
0x232: {  	v38 =	vperm.xlane v48, v2;
	v50 =	vperm.xlane v36, v3;
	v49 =	vadd.f32 v47, v28  }
0x233: {  	v6 =	vadd.f32 v16, v6;
	v51, _, _ =	vpop (xrf2)  }
0x234: {  	v39 =	vperm.xlane v51, v2;
	v52 =	vperm.xlane v38, v3;
	v37 =	vadd.f32 v50, v49  }
0x235: {  	v6 =	vadd.f32 v15, v6;
	v53, _, _ =	vpop (xrf2)  }
0x236: {  	v54 =	vperm.xlane v39, v3;
	v40 =	vadd.f32 v52, v37;
	v41 =	vperm.xlane v53, v2  }
0x237: {  	v6 =	vadd.f32 v14, v6;
	v55, _, _ =	vpop (xrf2)  }
0x238: {  	v43 =	vperm.xlane v55, v2;
	v42 =	vadd.f32 v54, v40;
	v56 =	vperm.xlane v41, v3  }
0x239: {  	v6 =	vadd.f32 v13, v6  }
0x23a: {  	v57 =	vperm.xlane v43, v3;
	v44 =	vadd.f32 v56, v42  }
0x23b: {  	v6 =	vadd.f32 v11, v6;
	v58, _, _ =	vpop (xrf2)  }
0x23c: {  	v46 =	vperm.xlane v58, v2;
	v45 =	vadd.f32 v57, v44  }
0x23d: {  	v6 =	vadd.f32 v10, v6  }
0x23e: {  	v29 =	vadd.f32 $0.0e+00, v29;
	v45 =	vadd.f32 v46, v45  }
0x23f: {  	v27 =	vadd.f32 v30, v27;
	v26 =	vadd.f32 v31, v60  }
0x240: {  	v43 =	vadd.f32 v43, v44;
	v44 =	vadd.f32 $1.000000010e-10, v45  }
0x241: {  	v25 =	vadd.f32 v32, v63;
	v24 =	vadd.f32 v33, v24  }
0x242: {  	v59 =	vadd.f32 v41, v42;
	v61 =	vadd.f32 $1.000000010e-10, v43;
	v60 =	vand.u32 $0x7FFFFF, v44  }
0x243: {  	v23 =	vadd.f32 v34, v23;
	v62 =	vadd.f32 v39, v40;
	v31 =	vor.u32 $0x3F800000, v60  }
0x244: {  	v30 =	vadd.f32 $1.000000010e-10, v59;
	v63 =	vand.u32 $0x7FFFFF, v61;
	v7 =	vmul.f32 v31, v7  }
0x245: {  	v28 =	vadd.f32 v35, v28;
	v38 =	vadd.f32 v38, v37;
	v31 =	vor.u32 $0x3F800000, v63  }
0x246: {  	v32 =	vadd.f32 $1.000000010e-10, v62;
	v39 =	vand.u32 $0x7FFFFF, v30;
	v7 =	vmul.f32 v31, v7  }
0x247: {  	v23 =	vadd.f32 $1.000000010e-10, v23;
	v22 =	vadd.f32 v36, v49;
	v31 =	vor.u32 $0x3F800000, v39  }
0x248: {  	v33 =	vadd.f32 $1.000000010e-10, v38;
	v40 =	vand.u32 $0x7FFFFF, v32;
	v7 =	vmul.f32 v31, v7  }
0x249: {  	v47 =	vadd.f32 $1.000000010e-10, v24;
	v28 =	vadd.f32 $1.000000010e-10, v28;
	v31 =	vor.u32 $0x3F800000, v40  }
0x24a: {  	v22 =	vadd.f32 $1.000000010e-10, v22;
	v42 =	vand.u32 $0x7FFFFF, v33;
	v7 =	vmul.f32 v31, v7  }
0x24b: {  	v48 =	vand.u32 $0x7FFFFF, v47;
	v49 =	vadd.f32 $1.000000010e-10, v29;
	v31 =	vor.u32 $0x3F800000, v42  }
0x24c: {  	v50 =	vadd.f32 $1.000000010e-10, v27;
	v43 =	vand.u32 $0x7FFFFF, v22;
	v7 =	vmul.f32 v31, v7  }
0x24d: {  	v19 =	vor.u32 $0x3F800000, v48;
	v51 =	vnsel vm0, $0x3F800000, v49;
	v31 =	vor.u32 $0x3F800000, v43  }
0x24e: {  	v52 =	vadd.f32 $1.000000010e-10, v26;
	v45 =	vand.u32 $0x7FFFFF, v28;
	v7 =	vmul.f32 v31, v7  }
0x24f: {  	v53 =	vshra.s32 v51, $0x17;
	v55 =	vshra.s32 v50, $0x17;
	v21 =	vor.u32 $0x3F800000, v45  }
0x250: {  	v54 =	vadd.f32 $1.000000010e-10, v25;
	v46 =	vand.u32 $0x7FFFFF, v23;
	v7 =	vmul.f32 v21, v7  }
0x251: {  	v5 =	vadd.s32 v53, v5;
	v58 =	vand.u32 $0x7FFFFF, v52;
	v20 =	vor.u32 $0x3F800000, v46  }
0x252: {  	v5 =	vadd.s32 v55, v5;
	v15 =	vor.u32 $0x3F800000, v58;
	v7 =	vmul.f32 v20, v7  }
0x253: {  	v33 =	vshra.s32 v33, $0x17;
	v56 =	vshra.s32 v52, $0x17;
	v17 =	vand.u32 $0x7FFFFF, v54  }
0x254: {  	v5 =	vadd.s32 v56, v5;
	v57 =	vshra.s32 v54, $0x17;
	v7 =	vmul.f32 v19, v7  }
0x255: {  	v17 =	vor.u32 $0x3F800000, v17;
	v5 =	vadd.s32 v57, v5;
	v21 =	vshra.s32 v47, $0x17  }
0x256: {  	v23 =	vshra.s32 v23, $0x17;
	v5 =	vadd.s32 v21, v5;
	v7 =	vmul.f32 v17, v7  }
0x257: {  	v59 =	vand.u32 $0x7FFFFF, v50;
	v28 =	vshra.s32 v28, $0x17;
	v5 =	vadd.s32 v23, v5  }
0x258: {  	v22 =	vshra.s32 v22, $0x17;
	v5 =	vadd.s32 v28, v5;
	v7 =	vmul.f32 v15, v7  }
0x259: {  	v32 =	vshra.s32 v32, $0x17;
	v14 =	vor.u32 $0x3F800000, v59;
	v5 =	vadd.s32 v22, v5  }
0x25a: {  	v60 =	vand.u32 $0x7FFFFF, v51;
	v5 =	vadd.s32 v33, v5;
	v7 =	vmul.f32 v14, v7  }
0x25b: {  	p0 =	sne.s32 s19, $0x7F00;
	v30 =	vshra.s32 v30, $0x17;
	v13 =	vor.u32 $0x3F800000, v60;
	v5 =	vadd.s32 v32, v5  }
.Ltmp1:
0x25c: {  	v61 =	vshra.s32 v61, $0x17;
	v5 =	vadd.s32 v30, v5;
	v7 =	vmul.f32 v13, v7;
	(pc) =	sbr.rel @p0 .LBB2_4-.Ltmp1, $4  }
0x25d: {  	v8 =	vsel vm0, $0x0, v8;
	v62 =	vshra.s32 v44, $0x17;
	v5 =	vadd.s32 v61, v5  }
0x25e: {  	v6 =	vadd.f32 v9, v6;
	v5 =	vadd.s32 v62, v5;
	v63 =	vshra.s32 v7, $0x17  }
0x25f: {  	v4 =	vadd.f32 v12, v4;
	v7 =	vand.u32 $0x7FFFFF, v7;
	v5 =	vadd.s32 v63, v5  }
0x260: {  	s20 =	sadd.s32 $0x80, s20;
	s19 =	sadd.s32 $0x100, s19;
	v6 =	vadd.f32 v8, v6;
	v7 =	vor.u32 $0x3F800000, v7;
	v5 =	vadd.s32 $0xFFFFF90E, v5  }
0x261: {  	v8 =	vmul.f32 $5.000000000e-01, v7  }
0x262: {  	vm1 =	vgt.f32 v7, $1.414213540e+00  }
0x263: {  	v7 =	vsel vm1, v8, v7  }
0x264: {  	v8 =	vadd.f32 $1.000000000e+00, v7;
	_ =	sdelay $0x1  }
0x265: {  	(erf) = vrcp.f32 v8;
	_ =	sdelay $0x7  }
0x266: {  	v7 =	vadd.f32 $-1.000000000e+00, v7  }
0x267: {  	v8 =	vpop (erf)  }
0x268: {  	v7 =	vmul.f32 v8, v7;
	_ =	sdelay $0x1  }
0x269: {  	v8 =	vmul.f32 v7, v7;
	_ =	sdelay $0x1  }
0x26a: {  	v9 =	vmul.f32 $1.428571490e-01, v8;
	_ =	sdelay $0x1  }
0x26b: {  	v9 =	vadd.f32 $2.000000030e-01, v9;
	_ =	sdelay $0x1  }
0x26c: {  	v9 =	vmul.f32 v9, v8;
	_ =	sdelay $0x1  }
0x26d: {  	v9 =	vadd.f32 $3.333333430e-01, v9;
	_ =	sdelay $0x1  }
0x26e: {  	v63 =	vsel vm1, $0x1, v3;
	v8 =	vmul.f32 v9, v8  }
0x26f: {  	v5 =	vadd.s32 v63, v5  }
0x270: {  	v5 =	vcvt.s32.f32 v5;
	v7 =	vadd.f32 v7, v7;
	v8 =	vadd.f32 $1.000000000e+00, v8;
	_ =	sdelay $0x1  }
0x271: {  	v5 =	vmul.f32 $6.931471820e-01, v5;
	v7 =	vmul.f32 v8, v7;
	_ =	sdelay $0x1  }
0x272: {  	v4 =	vmul.f32 $2.000000000e+02, v4;
	v5 =	vadd.f32 v7, v5;
	_ =	sdelay $0x1  }
0x273: {  	v4 =	vmul.f32 v4, v0;
	v5 =	vsub.f32 v5, v6;
	_ =	sdelay $0x1  }
0x274: {  	s18 =	sadd.s32 $0x1, s18;
	v4 =	vadd.f32 v5, v4  }
0x275: {  	p0 =	sne.s32 s18, s8  }
.Ltmp2:
0x276: {  	[tilespmem:$0x10000] =	vst v4;
	(pc) =	sbr.rel @p0 .LBB2_1-.Ltmp2, $4  }
0x277: {  	[hbm4b:s7+s2] =	stream.linear.scatter [tilespmem:s16], [sflag:$0x5], $0x80, $0x38;
	[tilespmem:$0x10080] =	vst v63  }
0x278: {  	_ =	swait.ge [sflag:s17], $0x80  }
0x279: {  	[sflag:s17] =	ssyncset.done $0x0  }
0x27a: {  	[sflag:s17] =	ssyncadd.s32 $0xFFFFFF80  }
0x27b: {  	_ =	sfence.sel $0x180000  }
0x27c: {  	[bflag:$0x0] =	sbarrier.arrive $0xFFFF  }
0x27d: {  	p0 =	sne.s32 s1, $0x0;
	_ =	strace $0x90000047  }
0x27e: {  	s0 =	sadd.s32 @!p0 $0x100000, s0;
	[bflag:$0x2] =	sbarrier.arrive $0xFFFF  }
0x27f: {  	[sflag:s0] =	ssyncadd.tile.s32 @!p0 $0x1;
	_ =	shalt  }
.Lfunc_end2:
_tile_overlayer_lowered:
.L_overlay_start_2:
0x280: {  	(tag) =	ssettag $0x2  }
0x281: {  	s0 =	rddreg [dreg:$0x0];
	s2 =	stileid.u32  }
0x282: {  	s1 =	rddreg [dreg:$0x1];
	p0 =	sne.s32 s2, $0x0  }
0x283: {  	s3 =	rddreg [dreg:$0x2];
	[bflag:$0x3] =	sbarrier.arrive $0xFFFF;
	s2 =	simm.s32 @!p0 $0x1C05  }
0x284: {  	[timem:s3], [sflag:s2] =	dma.local @!p0 [hbm:s0], s1  }
0x285: {  	s0 =	simm.s32 @!p0 $0x5  }
0x286: {  	_ =	swait.ge @!p0 [sflag:s0], s1  }
0x287: {  	s1 =	ssub.s32 @!p0 $0x0, s1;
	[sflag:s0] =	ssyncset.done @!p0 $0x0  }
0x288: {  	[sflag:s0] =	ssyncadd.s32 @!p0 s1  }
0x289: {  	[bflag:$0x3] =	sbarrier.arrive $0xFFFF  }
0x28a: {  	_ =	shalt  }

</sc_bundles>
